<compile_context>
chip_gen: v7x
topology: tpu7x:2x2x1
jax: 0.10.2.dev20260603
libtpu: 0.0.44.dev20260713+nightly
codegen_flags: <defaults>
</compile_context>

<pallas_src>
import functools

import jax
import jax.numpy as jnp
from jax import lax
from jax.experimental import pallas as pl
from jax.experimental.pallas import tpu as pltpu
from jax.experimental.pallas import tpu_sc as plsc

NC = 2
NS = 16
NW = NC * NS
K = 80
NBUF = 2


def _mesh():
    return plsc.VectorSubcoreMesh(
        core_axis_name="c", subcore_axis_name="s", num_cores=NC, num_subcores=NS
    )


@functools.cache
def _make_deg_kernel(n, ew, eoff):
    rpt = (n // NS) & ~7
    tail = n - NS * rpt
    kd = 128
    nch = ew // kd
    kt = ew - nch * kd

    def body(edges_hbm, ones_hbm, zeros_hbm, out_hbm,
             si0, si1, di0, di1, si_t, di_t, ones_v, ones_t, stage,
             ssem0, ssem1, dsem0, dsem1,
             sa0, sa1, sb0, sb1, deg_o, deg_i):
        si = (si0, si1)
        di = (di0, di1)
        ssem = (ssem0, ssem1)
        dsem = (dsem0, dsem1)
        sa = (sa0, sa1)
        sb = (sb0, sb1)
        c = lax.axis_index("c")
        s = lax.axis_index("s")
        wid = c * NS + s
        base = pl.multiple_of(wid * ew, 8)
        pltpu.sync_copy(ones_hbm, ones_v)

        def load(j, b):
            off = base + pl.multiple_of(j * kd, 8)
            pltpu.async_copy(edges_hbm.at[pl.ds(off, kd)], si[b], ssem[b])
            pltpu.async_copy(edges_hbm.at[pl.ds(eoff + off, kd)], di[b], dsem[b])

        def wait_load(j, b):
            off = base + pl.multiple_of(j * kd, 8)
            pltpu.make_async_copy(edges_hbm.at[pl.ds(off, kd)], si[b], ssem[b]).wait()
            pltpu.make_async_copy(edges_hbm.at[pl.ds(eoff + off, kd)], di[b], dsem[b]).wait()

        def fire_scat(b):
            pltpu.async_copy(ones_v, deg_o.at[si[b]], sa[b], add=True)
            pltpu.async_copy(ones_v, deg_i.at[di[b]], sb[b], add=True)

        def drain_scat(b):
            pltpu.make_async_copy(ones_v, deg_o.at[si[b]], sa[b]).wait()
            pltpu.make_async_copy(ones_v, deg_i.at[di[b]], sb[b]).wait()

        load(0, 0)
        pltpu.sync_copy(zeros_hbm, stage)
        pltpu.sync_copy(stage.at[pl.ds(0, rpt)], deg_o.at[pl.ds(s * rpt, rpt)])
        pltpu.sync_copy(stage.at[pl.ds(0, rpt)], deg_i.at[pl.ds(s * rpt, rpt)])

        @pl.when(s == NS - 1)
        def _():
            pltpu.sync_copy(stage.at[pl.ds(0, tail)],
                            deg_o.at[pl.ds(NS * rpt, tail)])
            pltpu.sync_copy(stage.at[pl.ds(0, tail)],
                            deg_i.at[pl.ds(NS * rpt, tail)])

        plsc.subcore_barrier()
        wait_load(0, 0)
        fire_scat(0)
        load(1, 1)

        main = ((nch - 2) // 2) * 2
        if main >= 2:
            @pl.loop(1, main + 1, step=2)
            def _(jo):
                for uo in range(2):
                    j = jo + uo
                    u = (1 + uo) % 2
                    wait_load(j, u)
                    fire_scat(u)
                    drain_scat(1 - u)
                    load(j + 1, 1 - u)

        for j in range(main + 1, nch):
            u = j % 2
            wait_load(j, u)
            fire_scat(u)
            drain_scat(1 - u)
            if j + 1 < nch:
                load(j + 1, 1 - u)

        drain_scat((nch - 1) % 2)

        if kt:
            toff = base + pl.multiple_of(nch * kd, 8)
            pltpu.sync_copy(edges_hbm.at[pl.ds(toff, kt)], si_t)
            pltpu.sync_copy(edges_hbm.at[pl.ds(eoff + toff, kt)], di_t)
            pltpu.sync_copy(ones_hbm.at[pl.ds(0, kt)], ones_t)
            pltpu.sync_copy(ones_t, deg_o.at[si_t], add=True)
            pltpu.sync_copy(ones_t, deg_i.at[di_t], add=True)

        plsc.subcore_barrier()

        for t, ref in ((0, deg_o), (1, deg_i)):
            obase = pl.multiple_of((c * 2 + t) * n, 8)
            pltpu.sync_copy(ref.at[pl.ds(s * rpt, rpt)], stage.at[pl.ds(0, rpt)])
            pltpu.sync_copy(stage.at[pl.ds(0, rpt)],
                            out_hbm.at[pl.ds(obase + s * rpt, rpt)])

            @pl.when(s == NS - 1)
            def _():
                pltpu.sync_copy(ref.at[pl.ds(NS * rpt, tail)],
                                stage.at[pl.ds(rpt, tail)])
                pltpu.sync_copy(stage.at[pl.ds(rpt, tail)],
                                out_hbm.at[pl.ds(obase + NS * rpt, tail)])

    return pl.kernel(
        body,
        out_type=jax.ShapeDtypeStruct((NC * 2 * n,), jnp.float32),
        mesh=_mesh(),
        scratch_types=[
            pltpu.VMEM((kd,), jnp.int32),
            pltpu.VMEM((kd,), jnp.int32),
            pltpu.VMEM((kd,), jnp.int32),
            pltpu.VMEM((kd,), jnp.int32),
            pltpu.VMEM((max(kt, 8),), jnp.int32),
            pltpu.VMEM((max(kt, 8),), jnp.int32),
            pltpu.VMEM((kd,), jnp.float32),
            pltpu.VMEM((max(kt, 8),), jnp.float32),
            pltpu.VMEM((rpt + tail,), jnp.float32),
            pltpu.SemaphoreType.DMA,
            pltpu.SemaphoreType.DMA,
            pltpu.SemaphoreType.DMA,
            pltpu.SemaphoreType.DMA,
            pltpu.SemaphoreType.DMA,
            pltpu.SemaphoreType.DMA,
            pltpu.SemaphoreType.DMA,
            pltpu.SemaphoreType.DMA,
            pltpu.VMEM_SHARED((n,), jnp.float32),
            pltpu.VMEM_SHARED((n,), jnp.float32),
        ],
        name="gcn_degrees_sc",
    )


@functools.cache
def _make_agg_kernel(n, d, ew, eoff, with_deg=False):
    rpt = (n // NS) & ~7
    tailr = n - NS * rpt
    nch = ew // K

    nb = 3

    def body(y_hbm, edges_hbm, zeros_hbm, *rest):
        if with_deg:
            (ones_hbm, zeros1_hbm, out_hbm, dego_hbm,
             si0, si1, si2, di0, di1, di2, rows,
             ss0, ss1, ss2, ds0, ds1, ds2, gs0, gs1, gs2,
             cs0, cs1, cs2, es0, es1, es2, ones_v, stage, acc, deg_i) = rest
            esem = (es0, es1, es2)
        else:
            (out_hbm,
             si0, si1, si2, di0, di1, di2, rows,
             ss0, ss1, ss2, ds0, ds1, ds2, gs0, gs1, gs2,
             cs0, cs1, cs2, acc) = rest
        si = (si0, si1, si2)
        di = (di0, di1, di2)
        ssem = (ss0, ss1, ss2)
        dsem = (ds0, ds1, ds2)
        gsem = (gs0, gs1, gs2)
        csem = (cs0, cs1, cs2)
        c = lax.axis_index("c")
        s = lax.axis_index("s")
        wid = c * NS + s
        base = pl.multiple_of(wid * ew, 8)

        def load(j, b):
            off = base + pl.multiple_of(j * K, K)
            pltpu.async_copy(edges_hbm.at[pl.ds(off, K)], si[b], ssem[b])
            pltpu.async_copy(edges_hbm.at[pl.ds(eoff + off, K)], di[b], dsem[b])

        def gather(j, b):
            off = base + pl.multiple_of(j * K, K)
            pltpu.make_async_copy(edges_hbm.at[pl.ds(off, K)], si[b], ssem[b]).wait()
            pltpu.async_copy(y_hbm.at[si[b]], rows.at[b], gsem[b])

        def fire_scat(j, b):
            off = base + pl.multiple_of(j * K, K)
            pltpu.make_async_copy(y_hbm.at[si[b]], rows.at[b], gsem[b]).wait()
            pltpu.make_async_copy(edges_hbm.at[pl.ds(eoff + off, K)], di[b], dsem[b]).wait()
            pltpu.async_copy(rows.at[b], acc.at[di[b]], csem[b], add=True)
            if with_deg:
                pltpu.async_copy(ones_v, deg_i.at[di[b]], esem[b], add=True)

        def drain_scat(b):
            pltpu.make_async_copy(rows.at[b], acc.at[di[b]], csem[b]).wait()
            if with_deg:
                pltpu.make_async_copy(ones_v, deg_i.at[di[b]], esem[b]).wait()

        load(0, 0)
        load(1, 1)
        gather(0, 0)
        pltpu.sync_copy(zeros_hbm.at[pl.ds(0, rpt)], acc.at[pl.ds(s * rpt, rpt)])
        if with_deg:
            pltpu.sync_copy(ones_hbm.at[pl.ds(0, K)], ones_v)
            pltpu.sync_copy(zeros1_hbm, stage)
            pltpu.sync_copy(stage.at[pl.ds(0, rpt)], deg_i.at[pl.ds(s * rpt, rpt)])

        @pl.when(s == NS - 1)
        def _():
            pltpu.sync_copy(zeros_hbm.at[pl.ds(0, tailr)],
                            acc.at[pl.ds(NS * rpt, tailr)])
            if with_deg:
                pltpu.sync_copy(stage.at[pl.ds(0, tailr)],
                                deg_i.at[pl.ds(NS * rpt, tailr)])

        plsc.subcore_barrier()

        load(2, 2)
        gather(1, 1)
        fire_scat(0, 0)

        ntrip = max((nch - 3) // nb, 0)
        if ntrip > 0:
            @pl.loop(1, 1 + ntrip * nb, step=nb)
            def _(jo):
                for uo in range(nb):
                    j = jo + uo
                    u = (1 + uo) % nb
                    drain_scat((u + 2) % nb)
                    load(j + 2, (u + 2) % nb)
                    gather(j + 1, (u + 1) % nb)
                    fire_scat(j, u)

        for j in range(1 + ntrip * nb, nch):
            u = j % nb
            drain_scat((u + 2) % nb)
            if j + 2 < nch:
                load(j + 2, (u + 2) % nb)
            if j + 1 < nch:
                gather(j + 1, (u + 1) % nb)
            fire_scat(j, u)

        drain_scat((nch - 1) % nb)
        plsc.subcore_barrier()
        pltpu.sync_copy(acc.at[pl.ds(s * rpt, rpt)],
                        out_hbm.at[c, pl.ds(s * rpt, rpt)])
        if with_deg:
            obase = pl.multiple_of(c * n, 8)
            pltpu.sync_copy(deg_i.at[pl.ds(s * rpt, rpt)], stage.at[pl.ds(0, rpt)])
            pltpu.sync_copy(stage.at[pl.ds(0, rpt)],
                            dego_hbm.at[pl.ds(obase + s * rpt, rpt)])

        @pl.when(s == NS - 1)
        def _():
            pltpu.sync_copy(acc.at[pl.ds(NS * rpt, tailr)],
                            out_hbm.at[c, pl.ds(NS * rpt, tailr)])
            if with_deg:
                obase2 = pl.multiple_of(c * n, 8)
                pltpu.sync_copy(deg_i.at[pl.ds(NS * rpt, tailr)],
                                stage.at[pl.ds(rpt, tailr)])
                pltpu.sync_copy(stage.at[pl.ds(rpt, tailr)],
                                dego_hbm.at[pl.ds(obase2 + NS * rpt, tailr)])

    out_types = [jax.ShapeDtypeStruct((NC, n, d), jnp.float32)]
    scratch = [
        pltpu.VMEM((K,), jnp.int32),
        pltpu.VMEM((K,), jnp.int32),
        pltpu.VMEM((K,), jnp.int32),
        pltpu.VMEM((K,), jnp.int32),
        pltpu.VMEM((K,), jnp.int32),
        pltpu.VMEM((K,), jnp.int32),
        pltpu.VMEM((nb, K, d), jnp.float32),
    ] + [pltpu.SemaphoreType.DMA] * 12
    if with_deg:
        out_types.append(jax.ShapeDtypeStruct((NC * n,), jnp.float32))
        scratch += [pltpu.SemaphoreType.DMA] * 3
        scratch += [pltpu.VMEM((K,), jnp.float32),
                    pltpu.VMEM((rpt + tailr,), jnp.float32)]
    scratch.append(pltpu.VMEM_SHARED((n, d), jnp.float32))
    if with_deg:
        scratch.append(pltpu.VMEM_SHARED((n,), jnp.float32))
    return pl.kernel(
        body,
        out_type=out_types if with_deg else out_types[0],
        mesh=_mesh(),
        scratch_types=scratch,
        name="gcn_edge_agg_deg_sc" if with_deg else "gcn_edge_agg_sc",
    )


def _scale_body(deg_ref, x_ref, y_ref, rso_ref, rsi_ref):
    d = deg_ref[...]
    rso = lax.rsqrt(jnp.maximum(d[:, 0:1] + d[:, 2:3], 1.0))
    rsi = lax.rsqrt(jnp.maximum(d[:, 1:2] + d[:, 3:4], 1.0))
    rso_ref[...] = rso
    rsi_ref[...] = rsi
    y_ref[...] = x_ref[...] * rso


@functools.cache
def _make_scale_call(n, d, r):
    return pl.pallas_call(
        _scale_body,
        grid=(n // r,),
        in_specs=[
            pl.BlockSpec((r, 4), lambda i: (i, 0)),
            pl.BlockSpec((r, d), lambda i: (i, 0)),
        ],
        out_specs=[
            pl.BlockSpec((r, d), lambda i: (i, 0)),
            pl.BlockSpec((r, 1), lambda i: (i, 0)),
            pl.BlockSpec((r, 1), lambda i: (i, 0)),
        ],
        out_shape=[
            jax.ShapeDtypeStruct((n, d), jnp.float32),
            jax.ShapeDtypeStruct((n, 1), jnp.float32),
            jax.ShapeDtypeStruct((n, 1), jnp.float32),
        ],
        name="gcn_scale_tc",
    )


def _mid_body(p_ref, rsi_ref, rso_ref, w1_ref, b1_ref, w2_ref, y2_ref):
    agg = (p_ref[0] + p_ref[1]) * rsi_ref[...]
    h1 = jnp.dot(agg, w1_ref[...], preferred_element_type=jnp.float32,
                 precision=lax.Precision.DEFAULT) + b1_ref[...]
    h1 = jnp.maximum(h1, 0.0)
    y2_ref[...] = jnp.dot(h1 * rso_ref[...], w2_ref[...],
                          preferred_element_type=jnp.float32,
                          precision=lax.Precision.DEFAULT)


@functools.cache
def _make_mid_call(n, d, dh, do, r):
    return pl.pallas_call(
        _mid_body,
        grid=(n // r,),
        in_specs=[
            pl.BlockSpec((NC, r, d), lambda i: (0, i, 0)),
            pl.BlockSpec((r, 1), lambda i: (i, 0)),
            pl.BlockSpec((r, 1), lambda i: (i, 0)),
            pl.BlockSpec((d, dh), lambda i: (0, 0)),
            pl.BlockSpec((1, dh), lambda i: (0, 0)),
            pl.BlockSpec((dh, do), lambda i: (0, 0)),
        ],
        out_specs=pl.BlockSpec((r, do), lambda i: (i, 0)),
        out_shape=jax.ShapeDtypeStruct((n, do), jnp.float32),
        name="gcn_mid_tc",
    )


def _final_body(p_ref, rsi_ref, b2_ref, h2_ref):
    h2_ref[...] = jnp.maximum((p_ref[0] + p_ref[1]) * rsi_ref[...] + b2_ref[...], 0.0)


@functools.cache
def _make_final_call(n, do, r):
    return pl.pallas_call(
        _final_body,
        grid=(n // r,),
        in_specs=[
            pl.BlockSpec((NC, r, do), lambda i: (0, i, 0)),
            pl.BlockSpec((r, 1), lambda i: (i, 0)),
            pl.BlockSpec((1, do), lambda i: (0, 0)),
        ],
        out_specs=pl.BlockSpec((r, do), lambda i: (i, 0)),
        out_shape=jax.ShapeDtypeStruct((n, do), jnp.float32),
        name="gcn_final_tc",
    )


def kernel(x, edge_index, W1, b1, W2, b2):
    n, d_in = x.shape
    e = edge_index.shape[1]
    d_hid = W1.shape[1]
    d_out = W2.shape[1]
    ew = e // NW
    nch = ew // K
    r = 1000

    ones1 = jnp.ones((128,), jnp.float32)
    rpt8 = (n // NS) & ~7
    nzr = rpt8 + (n - NS * rpt8)
    zeros1 = jnp.zeros((nzr,), jnp.float32)
    zeros_d = jnp.zeros((nzr, d_in), jnp.float32)

    edges = edge_index.reshape(-1)
    deg = _make_deg_kernel(n, ew, e)(edges, ones1, zeros1)
    deg4 = deg.reshape(NC * 2, n).T
    y1, rso, rsi = _make_scale_call(n, d_in, r)(deg4, x)
    p1 = _make_agg_kernel(n, d_in, ew, e)(y1, edges, zeros_d)
    y2 = _make_mid_call(n, d_in, d_hid, d_out, r)(
        p1, rsi, rso, W1, b1.reshape(1, -1), W2)
    p2 = _make_agg_kernel(n, d_out, ew, e)(y2, edges, zeros_d)
    h2 = _make_final_call(n, d_out, r)(p2, rsi, b2.reshape(1, -1))
    return h2

# --- scband reference (transcript-rebuilt; emitter-appended) ---
"""Pipeline reference for scband-gcnencoder-12043088298540 (READ-ONLY COPY).

The authoritative reference and input builder live on the scoring server;
editing this copy changes nothing except your own understanding.
"""

import jax, jax.numpy as jnp
import numpy as np

N = 10000
E = 320000
D_IN = 128
D_OUT = 128
D_HID = 2 * D_OUT


def setup_inputs(seed: int = 0) -> dict:
    key = jax.random.key(seed)
    k1, k2, k3, k4, k5, k6 = jax.random.split(key, 6)
    x = jax.random.normal(k1, (N, D_IN), dtype=jnp.float32)
    edge_index = jax.random.randint(k2, (2, E), 0, N, dtype=jnp.int32)
    # GraphConv layer 1: in_features -> 2*out_features
    W1 = jax.random.normal(k3, (D_IN, D_HID), dtype=jnp.float32) / np.sqrt(D_IN)
    b1 = jnp.zeros((D_HID,), dtype=jnp.float32)
    # GraphConv layer 2: 2*out_features -> out_features
    W2 = jax.random.normal(k4, (D_HID, D_OUT), dtype=jnp.float32) / np.sqrt(D_HID)
    b2 = jnp.zeros((D_OUT,), dtype=jnp.float32)
    return {"x": x, "edge_index": edge_index, "W1": W1, "b1": b1, "W2": W2, "b2": b2}


def _graph_conv(h, W, b, src, dst):
    # DGL GraphConv with norm='both':
    # h_i = (sum_{j->i} h_j / sqrt(deg_out_j)) / sqrt(deg_in_i) @ W + b
    deg_out = jnp.clip(jnp.bincount(src, length=N), 1).astype(h.dtype)
    deg_in = jnp.clip(jnp.bincount(dst, length=N), 1).astype(h.dtype)
    h = h * (deg_out ** -0.5)[:, None]
    msgs = jnp.take(h, src, axis=0)
    agg = jax.ops.segment_sum(msgs, dst, num_segments=N)
    agg = agg * (deg_in ** -0.5)[:, None]
    return agg @ W + b


def reference(x, edge_index, W1, b1, W2, b2):
    src = edge_index[0]
    dst = edge_index[1]
    h = jax.nn.relu(_graph_conv(x, W1, b1, src, dst))
    h = jax.nn.relu(_graph_conv(h, W2, b2, src, dst))
    return h

if __name__ == "__main__":
    import jax
    _d = setup_inputs()
    print(jax.jit(kernel)(*tuple(_d.values())))

</pallas_src>

<mosaic_0001>
#map = affine_map<(d0, d1) -> (0, 0)>
#map1 = affine_map<(d0, d1) -> (0)>
#map2 = affine_map<(d0, d1) -> (0, 0, 0)>
module attributes {stable_mosaic.version = 14 : i64} {
  func.func @gcn_edge_agg_sc(%arg0: i32, %arg1: i32, %arg2: memref<10000x128xf32, #tpu.memory_space<hbm>>, %arg3: memref<640000xi32, #tpu.memory_space<hbm>>, %arg4: memref<640x128xf32, #tpu.memory_space<hbm>>, %arg5: memref<2x10000x128xf32, #tpu.memory_space<hbm>>, %arg6: memref<80xi32, #tpu.memory_space<vmem>>, %arg7: memref<80xi32, #tpu.memory_space<vmem>>, %arg8: memref<80xi32, #tpu.memory_space<vmem>>, %arg9: memref<80xi32, #tpu.memory_space<vmem>>, %arg10: memref<80xi32, #tpu.memory_space<vmem>>, %arg11: memref<80xi32, #tpu.memory_space<vmem>>, %arg12: memref<3x80x128xf32, #tpu.memory_space<vmem>>, %arg13: memref<!tpu.dma_semaphore, #tpu.memory_space<semaphore_mem>>, %arg14: memref<!tpu.dma_semaphore, #tpu.memory_space<semaphore_mem>>, %arg15: memref<!tpu.dma_semaphore, #tpu.memory_space<semaphore_mem>>, %arg16: memref<!tpu.dma_semaphore, #tpu.memory_space<semaphore_mem>>, %arg17: memref<!tpu.dma_semaphore, #tpu.memory_space<semaphore_mem>>, %arg18: memref<!tpu.dma_semaphore, #tpu.memory_space<semaphore_mem>>, %arg19: memref<!tpu.dma_semaphore, #tpu.memory_space<semaphore_mem>>, %arg20: memref<!tpu.dma_semaphore, #tpu.memory_space<semaphore_mem>>, %arg21: memref<!tpu.dma_semaphore, #tpu.memory_space<semaphore_mem>>, %arg22: memref<!tpu.dma_semaphore, #tpu.memory_space<semaphore_mem>>, %arg23: memref<!tpu.dma_semaphore, #tpu.memory_space<semaphore_mem>>, %arg24: memref<!tpu.dma_semaphore, #tpu.memory_space<semaphore_mem>>, %arg25: memref<10000x128xf32, #tpu.memory_space<vmem_shared>>) attributes {dimension_semantics = [#tpu.dimension_semantics<core_parallel>, #tpu.dimension_semantics<subcore_parallel>], iteration_bounds = array<i64: 2, 16>, scalar_prefetch = 0 : i64, scratch_operands = 20 : i64, tpu.core_type = #tpu.core_type<sc_vector_subcore>, window_params = [{transform_indices = #map}, {transform_indices = #map1}, {transform_indices = #map}, {transform_indices = #map2}]} {
    %mul3A = arith.constant 16 : i32
    %mul3A_0 = arith.muli %arg0, %mul3A : i32
    %add3A = arith.addi %mul3A_0, %arg1 : i32
    %mul3A_1 = arith.constant 10000 : i32
    %mul3A_2 = arith.muli %add3A, %mul3A_1 : i32
    %multiple_of3A = tpu.assume_multiple %mul3A_2, 8 : i32
    %multiple_of3A_3 = arith.constant 0 : i32
    %multiple_of3A_4 = tpu.assume_multiple %multiple_of3A_3, 80 : i32
    %add3A_5 = arith.addi %multiple_of3A, %multiple_of3A_4 : i32
    %dma_start3A = tpu.memref_slice %arg3[%add3A_5] : memref<640000xi32, #tpu.memory_space<hbm>> -> memref<80xi32, #tpu.memory_space<hbm>>
    %dma_start3A_6 = tpu.memref_slice %arg3[%add3A_5] : memref<640000xi32, #tpu.memory_space<hbm>> -> memref<80xi32, #tpu.memory_space<hbm>>
    tpu.enqueue_dma source(%dma_start3A_6 : memref<80xi32, #tpu.memory_space<hbm>>) target(%arg6 : memref<80xi32, #tpu.memory_space<vmem>>) target_semaphore(%arg13 : memref<!tpu.dma_semaphore, #tpu.memory_space<semaphore_mem>>)
    %add3A_7 = arith.constant 320000 : i32
    %add3A_8 = arith.addi %add3A_7, %add3A_5 : i32
    %dma_start3A_9 = tpu.memref_slice %arg3[%add3A_8] : memref<640000xi32, #tpu.memory_space<hbm>> -> memref<80xi32, #tpu.memory_space<hbm>>
    %dma_start3A_10 = tpu.memref_slice %arg3[%add3A_8] : memref<640000xi32, #tpu.memory_space<hbm>> -> memref<80xi32, #tpu.memory_space<hbm>>
    tpu.enqueue_dma source(%dma_start3A_10 : memref<80xi32, #tpu.memory_space<hbm>>) target(%arg9 : memref<80xi32, #tpu.memory_space<vmem>>) target_semaphore(%arg16 : memref<!tpu.dma_semaphore, #tpu.memory_space<semaphore_mem>>)
    %multiple_of3A_11 = arith.constant 80 : i32
    %multiple_of3A_12 = tpu.assume_multiple %multiple_of3A_11, 80 : i32
    %add3A_13 = arith.addi %multiple_of3A, %multiple_of3A_12 : i32
    %dma_start3A_14 = tpu.memref_slice %arg3[%add3A_13] : memref<640000xi32, #tpu.memory_space<hbm>> -> memref<80xi32, #tpu.memory_space<hbm>>
    %dma_start3A_15 = tpu.memref_slice %arg3[%add3A_13] : memref<640000xi32, #tpu.memory_space<hbm>> -> memref<80xi32, #tpu.memory_space<hbm>>
    tpu.enqueue_dma source(%dma_start3A_15 : memref<80xi32, #tpu.memory_space<hbm>>) target(%arg7 : memref<80xi32, #tpu.memory_space<vmem>>) target_semaphore(%arg14 : memref<!tpu.dma_semaphore, #tpu.memory_space<semaphore_mem>>)
    %add3A_16 = arith.constant 320000 : i32
    %add3A_17 = arith.addi %add3A_16, %add3A_13 : i32
    %dma_start3A_18 = tpu.memref_slice %arg3[%add3A_17] : memref<640000xi32, #tpu.memory_space<hbm>> -> memref<80xi32, #tpu.memory_space<hbm>>
    %dma_start3A_19 = tpu.memref_slice %arg3[%add3A_17] : memref<640000xi32, #tpu.memory_space<hbm>> -> memref<80xi32, #tpu.memory_space<hbm>>
    tpu.enqueue_dma source(%dma_start3A_19 : memref<80xi32, #tpu.memory_space<hbm>>) target(%arg10 : memref<80xi32, #tpu.memory_space<vmem>>) target_semaphore(%arg17 : memref<!tpu.dma_semaphore, #tpu.memory_space<semaphore_mem>>)
    %multiple_of3A_20 = arith.constant 0 : i32
    %multiple_of3A_21 = tpu.assume_multiple %multiple_of3A_20, 80 : i32
    %add3A_22 = arith.addi %multiple_of3A, %multiple_of3A_21 : i32
    %dma_wait3A = tpu.memref_slice %arg3[%add3A_22] : memref<640000xi32, #tpu.memory_space<hbm>> -> memref<80xi32, #tpu.memory_space<hbm>>
    %dma_wait3A_23 = tpu.memref_slice %arg3[%add3A_22] : memref<640000xi32, #tpu.memory_space<hbm>> -> memref<80xi32, #tpu.memory_space<hbm>>
    tpu.wait_dma2 semaphore(%arg13 : memref<!tpu.dma_semaphore, #tpu.memory_space<semaphore_mem>>) src(%dma_wait3A_23 : memref<80xi32, #tpu.memory_space<hbm>>) dst(%arg6 : memref<80xi32, #tpu.memory_space<vmem>>)
    %dma_start3A_24 = arith.constant 0 : i32
    %dma_start3A_25 = arith.constant 0 : i32
    %dma_start3A_26 = arith.constant 0 : i32
    %dma_start3A_27 = tpu.memref_slice %arg12[%dma_start3A_24, %dma_start3A_25, %dma_start3A_26] : memref<3x80x128xf32, #tpu.memory_space<vmem>> -> memref<1x80x128xf32, #tpu.memory_space<vmem>>
    %dma_start3A_28 = tpu.memref_squeeze %dma_start3A_27 : memref<1x80x128xf32, #tpu.memory_space<vmem>> -> memref<80x128xf32, #tpu.memory_space<vmem>>
    %dma_start3A_29 = arith.constant 0 : i32
    %dma_start3A_30 = arith.constant 0 : i32
    %dma_start3A_31 = tpu.memref_slice %arg2[%dma_start3A_29, %dma_start3A_30] : memref<10000x128xf32, #tpu.memory_space<hbm>> -> memref<10000x128xf32, #tpu.memory_space<hbm>>
    tpu.enqueue_indirect_dma source(%dma_start3A_31 : memref<10000x128xf32, #tpu.memory_space<hbm>>) target(%dma_start3A_28 : memref<80x128xf32, #tpu.memory_space<vmem>>) offsets(%arg6 : memref<80xi32, #tpu.memory_space<vmem>>) semaphore(%arg19 : memref<!tpu.dma_semaphore, #tpu.memory_space<semaphore_mem>>)
    %mul3A_32 = arith.constant 624 : i32
    %mul3A_33 = arith.muli %arg1, %mul3A_32 : i32
    "tpu.region"() ({
      %run_scoped3A = tpu.sem_alloc : memref<!tpu.dma_semaphore, #tpu.memory_space<semaphore_mem>>
      %dma_start3A_284 = arith.constant 0 : i32
      %dma_start3A_285 = tpu.memref_slice %arg25[%mul3A_33, %dma_start3A_284] : memref<10000x128xf32, #tpu.memory_space<vmem_shared>> -> memref<624x128xf32, #tpu.memory_space<vmem_shared>>
      %dma_start3A_286 = arith.constant 0 : i32
      %dma_start3A_287 = arith.constant 0 : i32
      %dma_start3A_288 = tpu.memref_slice %arg4[%dma_start3A_286, %dma_start3A_287] : memref<640x128xf32, #tpu.memory_space<hbm>> -> memref<624x128xf32, #tpu.memory_space<hbm>>
      tpu.enqueue_dma source(%dma_start3A_288 : memref<624x128xf32, #tpu.memory_space<hbm>>) target(%dma_start3A_285 : memref<624x128xf32, #tpu.memory_space<vmem_shared>>) target_semaphore(%run_scoped3A : memref<!tpu.dma_semaphore, #tpu.memory_space<semaphore_mem>>)
      %dma_wait3A_289 = arith.constant 0 : i32
      %dma_wait3A_290 = tpu.memref_slice %arg25[%mul3A_33, %dma_wait3A_289] : memref<10000x128xf32, #tpu.memory_space<vmem_shared>> -> memref<624x128xf32, #tpu.memory_space<vmem_shared>>
      %dma_wait3A_291 = arith.constant 0 : i32
      %dma_wait3A_292 = arith.constant 0 : i32
      %dma_wait3A_293 = tpu.memref_slice %arg4[%dma_wait3A_291, %dma_wait3A_292] : memref<640x128xf32, #tpu.memory_space<hbm>> -> memref<624x128xf32, #tpu.memory_space<hbm>>
      tpu.wait_dma2 semaphore(%run_scoped3A : memref<!tpu.dma_semaphore, #tpu.memory_space<semaphore_mem>>) src(%dma_wait3A_293 : memref<624x128xf32, #tpu.memory_space<hbm>>) dst(%dma_wait3A_290 : memref<624x128xf32, #tpu.memory_space<vmem_shared>>)
      tpu.yield
    }) : () -> ()
    %eq3A = arith.constant 15 : i32
    %eq3A_34 = arith.cmpi eq, %arg1, %eq3A : i32
    %convert_element_type3A = arith.extui %eq3A_34 : i1 to i32
    %cond3A = arith.constant 0 : i32
    %cond3A_35 = arith.cmpi ne, %convert_element_type3A, %cond3A : i32
    scf.if %cond3A_35 {
      "tpu.region"() ({
        %run_scoped3A = tpu.sem_alloc : memref<!tpu.dma_semaphore, #tpu.memory_space<semaphore_mem>>
        %dma_start3A_284 = arith.constant 9984 : i32
        %dma_start3A_285 = arith.constant 0 : i32
        %dma_start3A_286 = tpu.memref_slice %arg25[%dma_start3A_284, %dma_start3A_285] : memref<10000x128xf32, #tpu.memory_space<vmem_shared>> -> memref<16x128xf32, #tpu.memory_space<vmem_shared>>
        %dma_start3A_287 = arith.constant 0 : i32
        %dma_start3A_288 = arith.constant 0 : i32
        %dma_start3A_289 = tpu.memref_slice %arg4[%dma_start3A_287, %dma_start3A_288] : memref<640x128xf32, #tpu.memory_space<hbm>> -> memref<16x128xf32, #tpu.memory_space<hbm>>
        tpu.enqueue_dma source(%dma_start3A_289 : memref<16x128xf32, #tpu.memory_space<hbm>>) target(%dma_start3A_286 : memref<16x128xf32, #tpu.memory_space<vmem_shared>>) target_semaphore(%run_scoped3A : memref<!tpu.dma_semaphore, #tpu.memory_space<semaphore_mem>>)
        %dma_wait3A_290 = arith.constant 9984 : i32
        %dma_wait3A_291 = arith.constant 0 : i32
        %dma_wait3A_292 = tpu.memref_slice %arg25[%dma_wait3A_290, %dma_wait3A_291] : memref<10000x128xf32, #tpu.memory_space<vmem_shared>> -> memref<16x128xf32, #tpu.memory_space<vmem_shared>>
        %dma_wait3A_293 = arith.constant 0 : i32
        %dma_wait3A_294 = arith.constant 0 : i32
        %dma_wait3A_295 = tpu.memref_slice %arg4[%dma_wait3A_293, %dma_wait3A_294] : memref<640x128xf32, #tpu.memory_space<hbm>> -> memref<16x128xf32, #tpu.memory_space<hbm>>
        tpu.wait_dma2 semaphore(%run_scoped3A : memref<!tpu.dma_semaphore, #tpu.memory_space<semaphore_mem>>) src(%dma_wait3A_295 : memref<16x128xf32, #tpu.memory_space<hbm>>) dst(%dma_wait3A_292 : memref<16x128xf32, #tpu.memory_space<vmem_shared>>)
        tpu.yield
      }) : () -> ()
    } else {
    }
    %barrier3A = arith.constant 0 : index
    tpu.barrier barrier_id(%barrier3A)
    %multiple_of3A_36 = arith.constant 160 : i32
    %multiple_of3A_37 = tpu.assume_multiple %multiple_of3A_36, 80 : i32
    %add3A_38 = arith.addi %multiple_of3A, %multiple_of3A_37 : i32
    %dma_start3A_39 = tpu.memref_slice %arg3[%add3A_38] : memref<640000xi32, #tpu.memory_space<hbm>> -> memref<80xi32, #tpu.memory_space<hbm>>
    %dma_start3A_40 = tpu.memref_slice %arg3[%add3A_38] : memref<640000xi32, #tpu.memory_space<hbm>> -> memref<80xi32, #tpu.memory_space<hbm>>
    tpu.enqueue_dma source(%dma_start3A_40 : memref<80xi32, #tpu.memory_space<hbm>>) target(%arg8 : memref<80xi32, #tpu.memory_space<vmem>>) target_semaphore(%arg15 : memref<!tpu.dma_semaphore, #tpu.memory_space<semaphore_mem>>)
    %add3A_41 = arith.constant 320000 : i32
    %add3A_42 = arith.addi %add3A_41, %add3A_38 : i32
    %dma_start3A_43 = tpu.memref_slice %arg3[%add3A_42] : memref<640000xi32, #tpu.memory_space<hbm>> -> memref<80xi32, #tpu.memory_space<hbm>>
    %dma_start3A_44 = tpu.memref_slice %arg3[%add3A_42] : memref<640000xi32, #tpu.memory_space<hbm>> -> memref<80xi32, #tpu.memory_space<hbm>>
    tpu.enqueue_dma source(%dma_start3A_44 : memref<80xi32, #tpu.memory_space<hbm>>) target(%arg11 : memref<80xi32, #tpu.memory_space<vmem>>) target_semaphore(%arg18 : memref<!tpu.dma_semaphore, #tpu.memory_space<semaphore_mem>>)
    %multiple_of3A_45 = arith.constant 80 : i32
    %multiple_of3A_46 = tpu.assume_multiple %multiple_of3A_45, 80 : i32
    %add3A_47 = arith.addi %multiple_of3A, %multiple_of3A_46 : i32
    %dma_wait3A_48 = tpu.memref_slice %arg3[%add3A_47] : memref<640000xi32, #tpu.memory_space<hbm>> -> memref<80xi32, #tpu.memory_space<hbm>>
    %dma_wait3A_49 = tpu.memref_slice %arg3[%add3A_47] : memref<640000xi32, #tpu.memory_space<hbm>> -> memref<80xi32, #tpu.memory_space<hbm>>
    tpu.wait_dma2 semaphore(%arg14 : memref<!tpu.dma_semaphore, #tpu.memory_space<semaphore_mem>>) src(%dma_wait3A_49 : memref<80xi32, #tpu.memory_space<hbm>>) dst(%arg7 : memref<80xi32, #tpu.memory_space<vmem>>)
    %dma_start3A_50 = arith.constant 1 : i32
    %dma_start3A_51 = arith.constant 0 : i32
    %dma_start3A_52 = arith.constant 0 : i32
    %dma_start3A_53 = tpu.memref_slice %arg12[%dma_start3A_50, %dma_start3A_51, %dma_start3A_52] : memref<3x80x128xf32, #tpu.memory_space<vmem>> -> memref<1x80x128xf32, #tpu.memory_space<vmem>>
    %dma_start3A_54 = tpu.memref_squeeze %dma_start3A_53 : memref<1x80x128xf32, #tpu.memory_space<vmem>> -> memref<80x128xf32, #tpu.memory_space<vmem>>
    %dma_start3A_55 = arith.constant 0 : i32
    %dma_start3A_56 = arith.constant 0 : i32
    %dma_start3A_57 = tpu.memref_slice %arg2[%dma_start3A_55, %dma_start3A_56] : memref<10000x128xf32, #tpu.memory_space<hbm>> -> memref<10000x128xf32, #tpu.memory_space<hbm>>
    tpu.enqueue_indirect_dma source(%dma_start3A_57 : memref<10000x128xf32, #tpu.memory_space<hbm>>) target(%dma_start3A_54 : memref<80x128xf32, #tpu.memory_space<vmem>>) offsets(%arg7 : memref<80xi32, #tpu.memory_space<vmem>>) semaphore(%arg20 : memref<!tpu.dma_semaphore, #tpu.memory_space<semaphore_mem>>)
    %multiple_of3A_58 = arith.constant 0 : i32
    %multiple_of3A_59 = tpu.assume_multiple %multiple_of3A_58, 80 : i32
    %add3A_60 = arith.addi %multiple_of3A, %multiple_of3A_59 : i32
    %dma_wait3A_61 = arith.constant 0 : i32
    %dma_wait3A_62 = arith.constant 0 : i32
    %dma_wait3A_63 = arith.constant 0 : i32
    %dma_wait3A_64 = tpu.memref_slice %arg12[%dma_wait3A_61, %dma_wait3A_62, %dma_wait3A_63] : memref<3x80x128xf32, #tpu.memory_space<vmem>> -> memref<1x80x128xf32, #tpu.memory_space<vmem>>
    %dma_wait3A_65 = tpu.memref_squeeze %dma_wait3A_64 : memref<1x80x128xf32, #tpu.memory_space<vmem>> -> memref<80x128xf32, #tpu.memory_space<vmem>>
    %dma_wait3A_66 = arith.constant 0 : i32
    %dma_wait3A_67 = arith.constant 0 : i32
    %dma_wait3A_68 = tpu.memref_slice %arg2[%dma_wait3A_66, %dma_wait3A_67] : memref<10000x128xf32, #tpu.memory_space<hbm>> -> memref<10000x128xf32, #tpu.memory_space<hbm>>
    tpu.wait_indirect_dma semaphore(%arg19 : memref<!tpu.dma_semaphore, #tpu.memory_space<semaphore_mem>>) src(%dma_wait3A_68 : memref<10000x128xf32, #tpu.memory_space<hbm>>) dst(%dma_wait3A_65 : memref<80x128xf32, #tpu.memory_space<vmem>>)
    %add3A_69 = arith.constant 320000 : i32
    %add3A_70 = arith.addi %add3A_69, %add3A_60 : i32
    %dma_wait3A_71 = tpu.memref_slice %arg3[%add3A_70] : memref<640000xi32, #tpu.memory_space<hbm>> -> memref<80xi32, #tpu.memory_space<hbm>>
    %dma_wait3A_72 = tpu.memref_slice %arg3[%add3A_70] : memref<640000xi32, #tpu.memory_space<hbm>> -> memref<80xi32, #tpu.memory_space<hbm>>
    tpu.wait_dma2 semaphore(%arg16 : memref<!tpu.dma_semaphore, #tpu.memory_space<semaphore_mem>>) src(%dma_wait3A_72 : memref<80xi32, #tpu.memory_space<hbm>>) dst(%arg9 : memref<80xi32, #tpu.memory_space<vmem>>)
    %dma_start3A_73 = arith.constant 0 : i32
    %dma_start3A_74 = arith.constant 0 : i32
    %dma_start3A_75 = arith.constant 0 : i32
    %dma_start3A_76 = tpu.memref_slice %arg12[%dma_start3A_73, %dma_start3A_74, %dma_start3A_75] : memref<3x80x128xf32, #tpu.memory_space<vmem>> -> memref<1x80x128xf32, #tpu.memory_space<vmem>>
    %dma_start3A_77 = tpu.memref_squeeze %dma_start3A_76 : memref<1x80x128xf32, #tpu.memory_space<vmem>> -> memref<80x128xf32, #tpu.memory_space<vmem>>
    %dma_start3A_78 = arith.constant 0 : i32
    %dma_start3A_79 = arith.constant 0 : i32
    %dma_start3A_80 = tpu.memref_slice %arg25[%dma_start3A_78, %dma_start3A_79] : memref<10000x128xf32, #tpu.memory_space<vmem_shared>> -> memref<10000x128xf32, #tpu.memory_space<vmem_shared>>
    tpu.enqueue_indirect_dma source(%dma_start3A_77 : memref<80x128xf32, #tpu.memory_space<vmem>>) target(%dma_start3A_80 : memref<10000x128xf32, #tpu.memory_space<vmem_shared>>) offsets(%arg9 : memref<80xi32, #tpu.memory_space<vmem>>) semaphore(%arg22 : memref<!tpu.dma_semaphore, #tpu.memory_space<semaphore_mem>>) {add = true}
    %scan3A = arith.constant 0 : i32
    %scan3A_81 = arith.constant 40 : i32
    %scan3A_82 = arith.addi %scan3A, %scan3A_81 : i32
    %scan3A_83 = arith.constant 1 : i32
    scf.for %scan3A_284 = %scan3A to %scan3A_82 step %scan3A_83  : i32 {
      %mul3A_285 = arith.constant 3 : i32
      %mul3A_286 = arith.muli %scan3A_284, %mul3A_285 : i32
      %add3A_287 = arith.constant 1 : i32
      %add3A_288 = arith.addi %add3A_287, %mul3A_286 : i32
      %add3A_289 = arith.constant 0 : i32
      %add3A_290 = arith.addi %add3A_288, %add3A_289 : i32
      %dma_wait3A_291 = arith.constant 0 : i32
      %dma_wait3A_292 = arith.constant 0 : i32
      %dma_wait3A_293 = arith.constant 0 : i32
      %dma_wait3A_294 = tpu.memref_slice %arg12[%dma_wait3A_291, %dma_wait3A_292, %dma_wait3A_293] : memref<3x80x128xf32, #tpu.memory_space<vmem>> -> memref<1x80x128xf32, #tpu.memory_space<vmem>>
      %dma_wait3A_295 = tpu.memref_squeeze %dma_wait3A_294 : memref<1x80x128xf32, #tpu.memory_space<vmem>> -> memref<80x128xf32, #tpu.memory_space<vmem>>
      %dma_wait3A_296 = arith.constant 0 : i32
      %dma_wait3A_297 = arith.constant 0 : i32
      %dma_wait3A_298 = tpu.memref_slice %arg25[%dma_wait3A_296, %dma_wait3A_297] : memref<10000x128xf32, #tpu.memory_space<vmem_shared>> -> memref<10000x128xf32, #tpu.memory_space<vmem_shared>>
      tpu.wait_indirect_dma semaphore(%arg22 : memref<!tpu.dma_semaphore, #tpu.memory_space<semaphore_mem>>) src(%dma_wait3A_295 : memref<80x128xf32, #tpu.memory_space<vmem>>) dst(%dma_wait3A_298 : memref<10000x128xf32, #tpu.memory_space<vmem_shared>>)
      %add3A_299 = arith.constant 2 : i32
      %add3A_300 = arith.addi %add3A_290, %add3A_299 : i32
      %mul3A_301 = arith.constant 80 : i32
      %mul3A_302 = arith.muli %add3A_300, %mul3A_301 : i32
      %multiple_of3A_303 = tpu.assume_multiple %mul3A_302, 80 : i32
      %add3A_304 = arith.addi %multiple_of3A, %multiple_of3A_303 : i32
      %dma_start3A_305 = tpu.memref_slice %arg3[%add3A_304] : memref<640000xi32, #tpu.memory_space<hbm>> -> memref<80xi32, #tpu.memory_space<hbm>>
      %dma_start3A_306 = tpu.memref_slice %arg3[%add3A_304] : memref<640000xi32, #tpu.memory_space<hbm>> -> memref<80xi32, #tpu.memory_space<hbm>>
      tpu.enqueue_dma source(%dma_start3A_306 : memref<80xi32, #tpu.memory_space<hbm>>) target(%arg6 : memref<80xi32, #tpu.memory_space<vmem>>) target_semaphore(%arg13 : memref<!tpu.dma_semaphore, #tpu.memory_space<semaphore_mem>>)
      %add3A_307 = arith.constant 320000 : i32
      %add3A_308 = arith.addi %add3A_307, %add3A_304 : i32
      %dma_start3A_309 = tpu.memref_slice %arg3[%add3A_308] : memref<640000xi32, #tpu.memory_space<hbm>> -> memref<80xi32, #tpu.memory_space<hbm>>
      %dma_start3A_310 = tpu.memref_slice %arg3[%add3A_308] : memref<640000xi32, #tpu.memory_space<hbm>> -> memref<80xi32, #tpu.memory_space<hbm>>
      tpu.enqueue_dma source(%dma_start3A_310 : memref<80xi32, #tpu.memory_space<hbm>>) target(%arg9 : memref<80xi32, #tpu.memory_space<vmem>>) target_semaphore(%arg16 : memref<!tpu.dma_semaphore, #tpu.memory_space<semaphore_mem>>)
      %add3A_311 = arith.constant 1 : i32
      %add3A_312 = arith.addi %add3A_290, %add3A_311 : i32
      %mul3A_313 = arith.constant 80 : i32
      %mul3A_314 = arith.muli %add3A_312, %mul3A_313 : i32
      %multiple_of3A_315 = tpu.assume_multiple %mul3A_314, 80 : i32
      %add3A_316 = arith.addi %multiple_of3A, %multiple_of3A_315 : i32
      %dma_wait3A_317 = tpu.memref_slice %arg3[%add3A_316] : memref<640000xi32, #tpu.memory_space<hbm>> -> memref<80xi32, #tpu.memory_space<hbm>>
      %dma_wait3A_318 = tpu.memref_slice %arg3[%add3A_316] : memref<640000xi32, #tpu.memory_space<hbm>> -> memref<80xi32, #tpu.memory_space<hbm>>
      tpu.wait_dma2 semaphore(%arg15 : memref<!tpu.dma_semaphore, #tpu.memory_space<semaphore_mem>>) src(%dma_wait3A_318 : memref<80xi32, #tpu.memory_space<hbm>>) dst(%arg8 : memref<80xi32, #tpu.memory_space<vmem>>)
      %dma_start3A_319 = arith.constant 2 : i32
      %dma_start3A_320 = arith.constant 0 : i32
      %dma_start3A_321 = arith.constant 0 : i32
      %dma_start3A_322 = tpu.memref_slice %arg12[%dma_start3A_319, %dma_start3A_320, %dma_start3A_321] : memref<3x80x128xf32, #tpu.memory_space<vmem>> -> memref<1x80x128xf32, #tpu.memory_space<vmem>>
      %dma_start3A_323 = tpu.memref_squeeze %dma_start3A_322 : memref<1x80x128xf32, #tpu.memory_space<vmem>> -> memref<80x128xf32, #tpu.memory_space<vmem>>
      %dma_start3A_324 = arith.constant 0 : i32
      %dma_start3A_325 = arith.constant 0 : i32
      %dma_start3A_326 = tpu.memref_slice %arg2[%dma_start3A_324, %dma_start3A_325] : memref<10000x128xf32, #tpu.memory_space<hbm>> -> memref<10000x128xf32, #tpu.memory_space<hbm>>
      tpu.enqueue_indirect_dma source(%dma_start3A_326 : memref<10000x128xf32, #tpu.memory_space<hbm>>) target(%dma_start3A_323 : memref<80x128xf32, #tpu.memory_space<vmem>>) offsets(%arg8 : memref<80xi32, #tpu.memory_space<vmem>>) semaphore(%arg21 : memref<!tpu.dma_semaphore, #tpu.memory_space<semaphore_mem>>)
      %mul3A_327 = arith.constant 80 : i32
      %mul3A_328 = arith.muli %add3A_290, %mul3A_327 : i32
      %multiple_of3A_329 = tpu.assume_multiple %mul3A_328, 80 : i32
      %add3A_330 = arith.addi %multiple_of3A, %multiple_of3A_329 : i32
      %dma_wait3A_331 = arith.constant 1 : i32
      %dma_wait3A_332 = arith.constant 0 : i32
      %dma_wait3A_333 = arith.constant 0 : i32
      %dma_wait3A_334 = tpu.memref_slice %arg12[%dma_wait3A_331, %dma_wait3A_332, %dma_wait3A_333] : memref<3x80x128xf32, #tpu.memory_space<vmem>> -> memref<1x80x128xf32, #tpu.memory_space<vmem>>
      %dma_wait3A_335 = tpu.memref_squeeze %dma_wait3A_334 : memref<1x80x128xf32, #tpu.memory_space<vmem>> -> memref<80x128xf32, #tpu.memory_space<vmem>>
      %dma_wait3A_336 = arith.constant 0 : i32
      %dma_wait3A_337 = arith.constant 0 : i32
      %dma_wait3A_338 = tpu.memref_slice %arg2[%dma_wait3A_336, %dma_wait3A_337] : memref<10000x128xf32, #tpu.memory_space<hbm>> -> memref<10000x128xf32, #tpu.memory_space<hbm>>
      tpu.wait_indirect_dma semaphore(%arg20 : memref<!tpu.dma_semaphore, #tpu.memory_space<semaphore_mem>>) src(%dma_wait3A_338 : memref<10000x128xf32, #tpu.memory_space<hbm>>) dst(%dma_wait3A_335 : memref<80x128xf32, #tpu.memory_space<vmem>>)
      %add3A_339 = arith.constant 320000 : i32
      %add3A_340 = arith.addi %add3A_339, %add3A_330 : i32
      %dma_wait3A_341 = tpu.memref_slice %arg3[%add3A_340] : memref<640000xi32, #tpu.memory_space<hbm>> -> memref<80xi32, #tpu.memory_space<hbm>>
      %dma_wait3A_342 = tpu.memref_slice %arg3[%add3A_340] : memref<640000xi32, #tpu.memory_space<hbm>> -> memref<80xi32, #tpu.memory_space<hbm>>
      tpu.wait_dma2 semaphore(%arg17 : memref<!tpu.dma_semaphore, #tpu.memory_space<semaphore_mem>>) src(%dma_wait3A_342 : memref<80xi32, #tpu.memory_space<hbm>>) dst(%arg10 : memref<80xi32, #tpu.memory_space<vmem>>)
      %dma_start3A_343 = arith.constant 1 : i32
      %dma_start3A_344 = arith.constant 0 : i32
      %dma_start3A_345 = arith.constant 0 : i32
      %dma_start3A_346 = tpu.memref_slice %arg12[%dma_start3A_343, %dma_start3A_344, %dma_start3A_345] : memref<3x80x128xf32, #tpu.memory_space<vmem>> -> memref<1x80x128xf32, #tpu.memory_space<vmem>>
      %dma_start3A_347 = tpu.memref_squeeze %dma_start3A_346 : memref<1x80x128xf32, #tpu.memory_space<vmem>> -> memref<80x128xf32, #tpu.memory_space<vmem>>
      %dma_start3A_348 = arith.constant 0 : i32
      %dma_start3A_349 = arith.constant 0 : i32
      %dma_start3A_350 = tpu.memref_slice %arg25[%dma_start3A_348, %dma_start3A_349] : memref<10000x128xf32, #tpu.memory_space<vmem_shared>> -> memref<10000x128xf32, #tpu.memory_space<vmem_shared>>
      tpu.enqueue_indirect_dma source(%dma_start3A_347 : memref<80x128xf32, #tpu.memory_space<vmem>>) target(%dma_start3A_350 : memref<10000x128xf32, #tpu.memory_space<vmem_shared>>) offsets(%arg10 : memref<80xi32, #tpu.memory_space<vmem>>) semaphore(%arg23 : memref<!tpu.dma_semaphore, #tpu.memory_space<semaphore_mem>>) {add = true}
      %add3A_351 = arith.constant 1 : i32
      %add3A_352 = arith.addi %add3A_288, %add3A_351 : i32
      %dma_wait3A_353 = arith.constant 1 : i32
      %dma_wait3A_354 = arith.constant 0 : i32
      %dma_wait3A_355 = arith.constant 0 : i32
      %dma_wait3A_356 = tpu.memref_slice %arg12[%dma_wait3A_353, %dma_wait3A_354, %dma_wait3A_355] : memref<3x80x128xf32, #tpu.memory_space<vmem>> -> memref<1x80x128xf32, #tpu.memory_space<vmem>>
      %dma_wait3A_357 = tpu.memref_squeeze %dma_wait3A_356 : memref<1x80x128xf32, #tpu.memory_space<vmem>> -> memref<80x128xf32, #tpu.memory_space<vmem>>
      %dma_wait3A_358 = arith.constant 0 : i32
      %dma_wait3A_359 = arith.constant 0 : i32
      %dma_wait3A_360 = tpu.memref_slice %arg25[%dma_wait3A_358, %dma_wait3A_359] : memref<10000x128xf32, #tpu.memory_space<vmem_shared>> -> memref<10000x128xf32, #tpu.memory_space<vmem_shared>>
      tpu.wait_indirect_dma semaphore(%arg23 : memref<!tpu.dma_semaphore, #tpu.memory_space<semaphore_mem>>) src(%dma_wait3A_357 : memref<80x128xf32, #tpu.memory_space<vmem>>) dst(%dma_wait3A_360 : memref<10000x128xf32, #tpu.memory_space<vmem_shared>>)
      %add3A_361 = arith.constant 2 : i32
      %add3A_362 = arith.addi %add3A_352, %add3A_361 : i32
      %mul3A_363 = arith.constant 80 : i32
      %mul3A_364 = arith.muli %add3A_362, %mul3A_363 : i32
      %multiple_of3A_365 = tpu.assume_multiple %mul3A_364, 80 : i32
      %add3A_366 = arith.addi %multiple_of3A, %multiple_of3A_365 : i32
      %dma_start3A_367 = tpu.memref_slice %arg3[%add3A_366] : memref<640000xi32, #tpu.memory_space<hbm>> -> memref<80xi32, #tpu.memory_space<hbm>>
      %dma_start3A_368 = tpu.memref_slice %arg3[%add3A_366] : memref<640000xi32, #tpu.memory_space<hbm>> -> memref<80xi32, #tpu.memory_space<hbm>>
      tpu.enqueue_dma source(%dma_start3A_368 : memref<80xi32, #tpu.memory_space<hbm>>) target(%arg7 : memref<80xi32, #tpu.memory_space<vmem>>) target_semaphore(%arg14 : memref<!tpu.dma_semaphore, #tpu.memory_space<semaphore_mem>>)
      %add3A_369 = arith.constant 320000 : i32
      %add3A_370 = arith.addi %add3A_369, %add3A_366 : i32
      %dma_start3A_371 = tpu.memref_slice %arg3[%add3A_370] : memref<640000xi32, #tpu.memory_space<hbm>> -> memref<80xi32, #tpu.memory_space<hbm>>
      %dma_start3A_372 = tpu.memref_slice %arg3[%add3A_370] : memref<640000xi32, #tpu.memory_space<hbm>> -> memref<80xi32, #tpu.memory_space<hbm>>
      tpu.enqueue_dma source(%dma_start3A_372 : memref<80xi32, #tpu.memory_space<hbm>>) target(%arg10 : memref<80xi32, #tpu.memory_space<vmem>>) target_semaphore(%arg17 : memref<!tpu.dma_semaphore, #tpu.memory_space<semaphore_mem>>)
      %add3A_373 = arith.constant 1 : i32
      %add3A_374 = arith.addi %add3A_352, %add3A_373 : i32
      %mul3A_375 = arith.constant 80 : i32
      %mul3A_376 = arith.muli %add3A_374, %mul3A_375 : i32
      %multiple_of3A_377 = tpu.assume_multiple %mul3A_376, 80 : i32
      %add3A_378 = arith.addi %multiple_of3A, %multiple_of3A_377 : i32
      %dma_wait3A_379 = tpu.memref_slice %arg3[%add3A_378] : memref<640000xi32, #tpu.memory_space<hbm>> -> memref<80xi32, #tpu.memory_space<hbm>>
      %dma_wait3A_380 = tpu.memref_slice %arg3[%add3A_378] : memref<640000xi32, #tpu.memory_space<hbm>> -> memref<80xi32, #tpu.memory_space<hbm>>
      tpu.wait_dma2 semaphore(%arg13 : memref<!tpu.dma_semaphore, #tpu.memory_space<semaphore_mem>>) src(%dma_wait3A_380 : memref<80xi32, #tpu.memory_space<hbm>>) dst(%arg6 : memref<80xi32, #tpu.memory_space<vmem>>)
      %dma_start3A_381 = arith.constant 0 : i32
      %dma_start3A_382 = arith.constant 0 : i32
      %dma_start3A_383 = arith.constant 0 : i32
      %dma_start3A_384 = tpu.memref_slice %arg12[%dma_start3A_381, %dma_start3A_382, %dma_start3A_383] : memref<3x80x128xf32, #tpu.memory_space<vmem>> -> memref<1x80x128xf32, #tpu.memory_space<vmem>>
      %dma_start3A_385 = tpu.memref_squeeze %dma_start3A_384 : memref<1x80x128xf32, #tpu.memory_space<vmem>> -> memref<80x128xf32, #tpu.memory_space<vmem>>
      %dma_start3A_386 = arith.constant 0 : i32
      %dma_start3A_387 = arith.constant 0 : i32
      %dma_start3A_388 = tpu.memref_slice %arg2[%dma_start3A_386, %dma_start3A_387] : memref<10000x128xf32, #tpu.memory_space<hbm>> -> memref<10000x128xf32, #tpu.memory_space<hbm>>
      tpu.enqueue_indirect_dma source(%dma_start3A_388 : memref<10000x128xf32, #tpu.memory_space<hbm>>) target(%dma_start3A_385 : memref<80x128xf32, #tpu.memory_space<vmem>>) offsets(%arg6 : memref<80xi32, #tpu.memory_space<vmem>>) semaphore(%arg19 : memref<!tpu.dma_semaphore, #tpu.memory_space<semaphore_mem>>)
      %mul3A_389 = arith.constant 80 : i32
      %mul3A_390 = arith.muli %add3A_352, %mul3A_389 : i32
      %multiple_of3A_391 = tpu.assume_multiple %mul3A_390, 80 : i32
      %add3A_392 = arith.addi %multiple_of3A, %multiple_of3A_391 : i32
      %dma_wait3A_393 = arith.constant 2 : i32
      %dma_wait3A_394 = arith.constant 0 : i32
      %dma_wait3A_395 = arith.constant 0 : i32
      %dma_wait3A_396 = tpu.memref_slice %arg12[%dma_wait3A_393, %dma_wait3A_394, %dma_wait3A_395] : memref<3x80x128xf32, #tpu.memory_space<vmem>> -> memref<1x80x128xf32, #tpu.memory_space<vmem>>
      %dma_wait3A_397 = tpu.memref_squeeze %dma_wait3A_396 : memref<1x80x128xf32, #tpu.memory_space<vmem>> -> memref<80x128xf32, #tpu.memory_space<vmem>>
      %dma_wait3A_398 = arith.constant 0 : i32
      %dma_wait3A_399 = arith.constant 0 : i32
      %dma_wait3A_400 = tpu.memref_slice %arg2[%dma_wait3A_398, %dma_wait3A_399] : memref<10000x128xf32, #tpu.memory_space<hbm>> -> memref<10000x128xf32, #tpu.memory_space<hbm>>
      tpu.wait_indirect_dma semaphore(%arg21 : memref<!tpu.dma_semaphore, #tpu.memory_space<semaphore_mem>>) src(%dma_wait3A_400 : memref<10000x128xf32, #tpu.memory_space<hbm>>) dst(%dma_wait3A_397 : memref<80x128xf32, #tpu.memory_space<vmem>>)
      %add3A_401 = arith.constant 320000 : i32
      %add3A_402 = arith.addi %add3A_401, %add3A_392 : i32
      %dma_wait3A_403 = tpu.memref_slice %arg3[%add3A_402] : memref<640000xi32, #tpu.memory_space<hbm>> -> memref<80xi32, #tpu.memory_space<hbm>>
      %dma_wait3A_404 = tpu.memref_slice %arg3[%add3A_402] : memref<640000xi32, #tpu.memory_space<hbm>> -> memref<80xi32, #tpu.memory_space<hbm>>
      tpu.wait_dma2 semaphore(%arg18 : memref<!tpu.dma_semaphore, #tpu.memory_space<semaphore_mem>>) src(%dma_wait3A_404 : memref<80xi32, #tpu.memory_space<hbm>>) dst(%arg11 : memref<80xi32, #tpu.memory_space<vmem>>)
      %dma_start3A_405 = arith.constant 2 : i32
      %dma_start3A_406 = arith.constant 0 : i32
      %dma_start3A_407 = arith.constant 0 : i32
      %dma_start3A_408 = tpu.memref_slice %arg12[%dma_start3A_405, %dma_start3A_406, %dma_start3A_407] : memref<3x80x128xf32, #tpu.memory_space<vmem>> -> memref<1x80x128xf32, #tpu.memory_space<vmem>>
      %dma_start3A_409 = tpu.memref_squeeze %dma_start3A_408 : memref<1x80x128xf32, #tpu.memory_space<vmem>> -> memref<80x128xf32, #tpu.memory_space<vmem>>
      %dma_start3A_410 = arith.constant 0 : i32
      %dma_start3A_411 = arith.constant 0 : i32
      %dma_start3A_412 = tpu.memref_slice %arg25[%dma_start3A_410, %dma_start3A_411] : memref<10000x128xf32, #tpu.memory_space<vmem_shared>> -> memref<10000x128xf32, #tpu.memory_space<vmem_shared>>
      tpu.enqueue_indirect_dma source(%dma_start3A_409 : memref<80x128xf32, #tpu.memory_space<vmem>>) target(%dma_start3A_412 : memref<10000x128xf32, #tpu.memory_space<vmem_shared>>) offsets(%arg11 : memref<80xi32, #tpu.memory_space<vmem>>) semaphore(%arg24 : memref<!tpu.dma_semaphore, #tpu.memory_space<semaphore_mem>>) {add = true}
      %add3A_413 = arith.constant 2 : i32
      %add3A_414 = arith.addi %add3A_288, %add3A_413 : i32
      %dma_wait3A_415 = arith.constant 2 : i32
      %dma_wait3A_416 = arith.constant 0 : i32
      %dma_wait3A_417 = arith.constant 0 : i32
      %dma_wait3A_418 = tpu.memref_slice %arg12[%dma_wait3A_415, %dma_wait3A_416, %dma_wait3A_417] : memref<3x80x128xf32, #tpu.memory_space<vmem>> -> memref<1x80x128xf32, #tpu.memory_space<vmem>>
      %dma_wait3A_419 = tpu.memref_squeeze %dma_wait3A_418 : memref<1x80x128xf32, #tpu.memory_space<vmem>> -> memref<80x128xf32, #tpu.memory_space<vmem>>
      %dma_wait3A_420 = arith.constant 0 : i32
      %dma_wait3A_421 = arith.constant 0 : i32
      %dma_wait3A_422 = tpu.memref_slice %arg25[%dma_wait3A_420, %dma_wait3A_421] : memref<10000x128xf32, #tpu.memory_space<vmem_shared>> -> memref<10000x128xf32, #tpu.memory_space<vmem_shared>>
      tpu.wait_indirect_dma semaphore(%arg24 : memref<!tpu.dma_semaphore, #tpu.memory_space<semaphore_mem>>) src(%dma_wait3A_419 : memref<80x128xf32, #tpu.memory_space<vmem>>) dst(%dma_wait3A_422 : memref<10000x128xf32, #tpu.memory_space<vmem_shared>>)
      %add3A_423 = arith.constant 2 : i32
      %add3A_424 = arith.addi %add3A_414, %add3A_423 : i32
      %mul3A_425 = arith.constant 80 : i32
      %mul3A_426 = arith.muli %add3A_424, %mul3A_425 : i32
      %multiple_of3A_427 = tpu.assume_multiple %mul3A_426, 80 : i32
      %add3A_428 = arith.addi %multiple_of3A, %multiple_of3A_427 : i32
      %dma_start3A_429 = tpu.memref_slice %arg3[%add3A_428] : memref<640000xi32, #tpu.memory_space<hbm>> -> memref<80xi32, #tpu.memory_space<hbm>>
      %dma_start3A_430 = tpu.memref_slice %arg3[%add3A_428] : memref<640000xi32, #tpu.memory_space<hbm>> -> memref<80xi32, #tpu.memory_space<hbm>>
      tpu.enqueue_dma source(%dma_start3A_430 : memref<80xi32, #tpu.memory_space<hbm>>) target(%arg8 : memref<80xi32, #tpu.memory_space<vmem>>) target_semaphore(%arg15 : memref<!tpu.dma_semaphore, #tpu.memory_space<semaphore_mem>>)
      %add3A_431 = arith.constant 320000 : i32
      %add3A_432 = arith.addi %add3A_431, %add3A_428 : i32
      %dma_start3A_433 = tpu.memref_slice %arg3[%add3A_432] : memref<640000xi32, #tpu.memory_space<hbm>> -> memref<80xi32, #tpu.memory_space<hbm>>
      %dma_start3A_434 = tpu.memref_slice %arg3[%add3A_432] : memref<640000xi32, #tpu.memory_space<hbm>> -> memref<80xi32, #tpu.memory_space<hbm>>
      tpu.enqueue_dma source(%dma_start3A_434 : memref<80xi32, #tpu.memory_space<hbm>>) target(%arg11 : memref<80xi32, #tpu.memory_space<vmem>>) target_semaphore(%arg18 : memref<!tpu.dma_semaphore, #tpu.memory_space<semaphore_mem>>)
      %add3A_435 = arith.constant 1 : i32
      %add3A_436 = arith.addi %add3A_414, %add3A_435 : i32
      %mul3A_437 = arith.constant 80 : i32
      %mul3A_438 = arith.muli %add3A_436, %mul3A_437 : i32
      %multiple_of3A_439 = tpu.assume_multiple %mul3A_438, 80 : i32
      %add3A_440 = arith.addi %multiple_of3A, %multiple_of3A_439 : i32
      %dma_wait3A_441 = tpu.memref_slice %arg3[%add3A_440] : memref<640000xi32, #tpu.memory_space<hbm>> -> memref<80xi32, #tpu.memory_space<hbm>>
      %dma_wait3A_442 = tpu.memref_slice %arg3[%add3A_440] : memref<640000xi32, #tpu.memory_space<hbm>> -> memref<80xi32, #tpu.memory_space<hbm>>
      tpu.wait_dma2 semaphore(%arg14 : memref<!tpu.dma_semaphore, #tpu.memory_space<semaphore_mem>>) src(%dma_wait3A_442 : memref<80xi32, #tpu.memory_space<hbm>>) dst(%arg7 : memref<80xi32, #tpu.memory_space<vmem>>)
      %dma_start3A_443 = arith.constant 1 : i32
      %dma_start3A_444 = arith.constant 0 : i32
      %dma_start3A_445 = arith.constant 0 : i32
      %dma_start3A_446 = tpu.memref_slice %arg12[%dma_start3A_443, %dma_start3A_444, %dma_start3A_445] : memref<3x80x128xf32, #tpu.memory_space<vmem>> -> memref<1x80x128xf32, #tpu.memory_space<vmem>>
      %dma_start3A_447 = tpu.memref_squeeze %dma_start3A_446 : memref<1x80x128xf32, #tpu.memory_space<vmem>> -> memref<80x128xf32, #tpu.memory_space<vmem>>
      %dma_start3A_448 = arith.constant 0 : i32
      %dma_start3A_449 = arith.constant 0 : i32
      %dma_start3A_450 = tpu.memref_slice %arg2[%dma_start3A_448, %dma_start3A_449] : memref<10000x128xf32, #tpu.memory_space<hbm>> -> memref<10000x128xf32, #tpu.memory_space<hbm>>
      tpu.enqueue_indirect_dma source(%dma_start3A_450 : memref<10000x128xf32, #tpu.memory_space<hbm>>) target(%dma_start3A_447 : memref<80x128xf32, #tpu.memory_space<vmem>>) offsets(%arg7 : memref<80xi32, #tpu.memory_space<vmem>>) semaphore(%arg20 : memref<!tpu.dma_semaphore, #tpu.memory_space<semaphore_mem>>)
      %mul3A_451 = arith.constant 80 : i32
      %mul3A_452 = arith.muli %add3A_414, %mul3A_451 : i32
      %multiple_of3A_453 = tpu.assume_multiple %mul3A_452, 80 : i32
      %add3A_454 = arith.addi %multiple_of3A, %multiple_of3A_453 : i32
      %dma_wait3A_455 = arith.constant 0 : i32
      %dma_wait3A_456 = arith.constant 0 : i32
      %dma_wait3A_457 = arith.constant 0 : i32
      %dma_wait3A_458 = tpu.memref_slice %arg12[%dma_wait3A_455, %dma_wait3A_456, %dma_wait3A_457] : memref<3x80x128xf32, #tpu.memory_space<vmem>> -> memref<1x80x128xf32, #tpu.memory_space<vmem>>
      %dma_wait3A_459 = tpu.memref_squeeze %dma_wait3A_458 : memref<1x80x128xf32, #tpu.memory_space<vmem>> -> memref<80x128xf32, #tpu.memory_space<vmem>>
      %dma_wait3A_460 = arith.constant 0 : i32
      %dma_wait3A_461 = arith.constant 0 : i32
      %dma_wait3A_462 = tpu.memref_slice %arg2[%dma_wait3A_460, %dma_wait3A_461] : memref<10000x128xf32, #tpu.memory_space<hbm>> -> memref<10000x128xf32, #tpu.memory_space<hbm>>
      tpu.wait_indirect_dma semaphore(%arg19 : memref<!tpu.dma_semaphore, #tpu.memory_space<semaphore_mem>>) src(%dma_wait3A_462 : memref<10000x128xf32, #tpu.memory_space<hbm>>) dst(%dma_wait3A_459 : memref<80x128xf32, #tpu.memory_space<vmem>>)
      %add3A_463 = arith.constant 320000 : i32
      %add3A_464 = arith.addi %add3A_463, %add3A_454 : i32
      %dma_wait3A_465 = tpu.memref_slice %arg3[%add3A_464] : memref<640000xi32, #tpu.memory_space<hbm>> -> memref<80xi32, #tpu.memory_space<hbm>>
      %dma_wait3A_466 = tpu.memref_slice %arg3[%add3A_464] : memref<640000xi32, #tpu.memory_space<hbm>> -> memref<80xi32, #tpu.memory_space<hbm>>
      tpu.wait_dma2 semaphore(%arg16 : memref<!tpu.dma_semaphore, #tpu.memory_space<semaphore_mem>>) src(%dma_wait3A_466 : memref<80xi32, #tpu.memory_space<hbm>>) dst(%arg9 : memref<80xi32, #tpu.memory_space<vmem>>)
      %dma_start3A_467 = arith.constant 0 : i32
      %dma_start3A_468 = arith.constant 0 : i32
      %dma_start3A_469 = arith.constant 0 : i32
      %dma_start3A_470 = tpu.memref_slice %arg12[%dma_start3A_467, %dma_start3A_468, %dma_start3A_469] : memref<3x80x128xf32, #tpu.memory_space<vmem>> -> memref<1x80x128xf32, #tpu.memory_space<vmem>>
      %dma_start3A_471 = tpu.memref_squeeze %dma_start3A_470 : memref<1x80x128xf32, #tpu.memory_space<vmem>> -> memref<80x128xf32, #tpu.memory_space<vmem>>
      %dma_start3A_472 = arith.constant 0 : i32
      %dma_start3A_473 = arith.constant 0 : i32
      %dma_start3A_474 = tpu.memref_slice %arg25[%dma_start3A_472, %dma_start3A_473] : memref<10000x128xf32, #tpu.memory_space<vmem_shared>> -> memref<10000x128xf32, #tpu.memory_space<vmem_shared>>
      tpu.enqueue_indirect_dma source(%dma_start3A_471 : memref<80x128xf32, #tpu.memory_space<vmem>>) target(%dma_start3A_474 : memref<10000x128xf32, #tpu.memory_space<vmem_shared>>) offsets(%arg9 : memref<80xi32, #tpu.memory_space<vmem>>) semaphore(%arg22 : memref<!tpu.dma_semaphore, #tpu.memory_space<semaphore_mem>>) {add = true}
    }
    %scan3A_84 = arith.constant 40 : i32
    %dma_wait3A_85 = arith.constant 0 : i32
    %dma_wait3A_86 = arith.constant 0 : i32
    %dma_wait3A_87 = arith.constant 0 : i32
    %dma_wait3A_88 = tpu.memref_slice %arg12[%dma_wait3A_85, %dma_wait3A_86, %dma_wait3A_87] : memref<3x80x128xf32, #tpu.memory_space<vmem>> -> memref<1x80x128xf32, #tpu.memory_space<vmem>>
    %dma_wait3A_89 = tpu.memref_squeeze %dma_wait3A_88 : memref<1x80x128xf32, #tpu.memory_space<vmem>> -> memref<80x128xf32, #tpu.memory_space<vmem>>
    %dma_wait3A_90 = arith.constant 0 : i32
    %dma_wait3A_91 = arith.constant 0 : i32
    %dma_wait3A_92 = tpu.memref_slice %arg25[%dma_wait3A_90, %dma_wait3A_91] : memref<10000x128xf32, #tpu.memory_space<vmem_shared>> -> memref<10000x128xf32, #tpu.memory_space<vmem_shared>>
    tpu.wait_indirect_dma semaphore(%arg22 : memref<!tpu.dma_semaphore, #tpu.memory_space<semaphore_mem>>) src(%dma_wait3A_89 : memref<80x128xf32, #tpu.memory_space<vmem>>) dst(%dma_wait3A_92 : memref<10000x128xf32, #tpu.memory_space<vmem_shared>>)
    %multiple_of3A_93 = arith.constant 9840 : i32
    %multiple_of3A_94 = tpu.assume_multiple %multiple_of3A_93, 80 : i32
    %add3A_95 = arith.addi %multiple_of3A, %multiple_of3A_94 : i32
    %dma_start3A_96 = tpu.memref_slice %arg3[%add3A_95] : memref<640000xi32, #tpu.memory_space<hbm>> -> memref<80xi32, #tpu.memory_space<hbm>>
    %dma_start3A_97 = tpu.memref_slice %arg3[%add3A_95] : memref<640000xi32, #tpu.memory_space<hbm>> -> memref<80xi32, #tpu.memory_space<hbm>>
    tpu.enqueue_dma source(%dma_start3A_97 : memref<80xi32, #tpu.memory_space<hbm>>) target(%arg6 : memref<80xi32, #tpu.memory_space<vmem>>) target_semaphore(%arg13 : memref<!tpu.dma_semaphore, #tpu.memory_space<semaphore_mem>>)
    %add3A_98 = arith.constant 320000 : i32
    %add3A_99 = arith.addi %add3A_98, %add3A_95 : i32
    %dma_start3A_100 = tpu.memref_slice %arg3[%add3A_99] : memref<640000xi32, #tpu.memory_space<hbm>> -> memref<80xi32, #tpu.memory_space<hbm>>
    %dma_start3A_101 = tpu.memref_slice %arg3[%add3A_99] : memref<640000xi32, #tpu.memory_space<hbm>> -> memref<80xi32, #tpu.memory_space<hbm>>
    tpu.enqueue_dma source(%dma_start3A_101 : memref<80xi32, #tpu.memory_space<hbm>>) target(%arg9 : memref<80xi32, #tpu.memory_space<vmem>>) target_semaphore(%arg16 : memref<!tpu.dma_semaphore, #tpu.memory_space<semaphore_mem>>)
    %multiple_of3A_102 = arith.constant 9760 : i32
    %multiple_of3A_103 = tpu.assume_multiple %multiple_of3A_102, 80 : i32
    %add3A_104 = arith.addi %multiple_of3A, %multiple_of3A_103 : i32
    %dma_wait3A_105 = tpu.memref_slice %arg3[%add3A_104] : memref<640000xi32, #tpu.memory_space<hbm>> -> memref<80xi32, #tpu.memory_space<hbm>>
    %dma_wait3A_106 = tpu.memref_slice %arg3[%add3A_104] : memref<640000xi32, #tpu.memory_space<hbm>> -> memref<80xi32, #tpu.memory_space<hbm>>
    tpu.wait_dma2 semaphore(%arg15 : memref<!tpu.dma_semaphore, #tpu.memory_space<semaphore_mem>>) src(%dma_wait3A_106 : memref<80xi32, #tpu.memory_space<hbm>>) dst(%arg8 : memref<80xi32, #tpu.memory_space<vmem>>)
    %dma_start3A_107 = arith.constant 2 : i32
    %dma_start3A_108 = arith.constant 0 : i32
    %dma_start3A_109 = arith.constant 0 : i32
    %dma_start3A_110 = tpu.memref_slice %arg12[%dma_start3A_107, %dma_start3A_108, %dma_start3A_109] : memref<3x80x128xf32, #tpu.memory_space<vmem>> -> memref<1x80x128xf32, #tpu.memory_space<vmem>>
    %dma_start3A_111 = tpu.memref_squeeze %dma_start3A_110 : memref<1x80x128xf32, #tpu.memory_space<vmem>> -> memref<80x128xf32, #tpu.memory_space<vmem>>
    %dma_start3A_112 = arith.constant 0 : i32
    %dma_start3A_113 = arith.constant 0 : i32
    %dma_start3A_114 = tpu.memref_slice %arg2[%dma_start3A_112, %dma_start3A_113] : memref<10000x128xf32, #tpu.memory_space<hbm>> -> memref<10000x128xf32, #tpu.memory_space<hbm>>
    tpu.enqueue_indirect_dma source(%dma_start3A_114 : memref<10000x128xf32, #tpu.memory_space<hbm>>) target(%dma_start3A_111 : memref<80x128xf32, #tpu.memory_space<vmem>>) offsets(%arg8 : memref<80xi32, #tpu.memory_space<vmem>>) semaphore(%arg21 : memref<!tpu.dma_semaphore, #tpu.memory_space<semaphore_mem>>)
    %multiple_of3A_115 = arith.constant 9680 : i32
    %multiple_of3A_116 = tpu.assume_multiple %multiple_of3A_115, 80 : i32
    %add3A_117 = arith.addi %multiple_of3A, %multiple_of3A_116 : i32
    %dma_wait3A_118 = arith.constant 1 : i32
    %dma_wait3A_119 = arith.constant 0 : i32
    %dma_wait3A_120 = arith.constant 0 : i32
    %dma_wait3A_121 = tpu.memref_slice %arg12[%dma_wait3A_118, %dma_wait3A_119, %dma_wait3A_120] : memref<3x80x128xf32, #tpu.memory_space<vmem>> -> memref<1x80x128xf32, #tpu.memory_space<vmem>>
    %dma_wait3A_122 = tpu.memref_squeeze %dma_wait3A_121 : memref<1x80x128xf32, #tpu.memory_space<vmem>> -> memref<80x128xf32, #tpu.memory_space<vmem>>
    %dma_wait3A_123 = arith.constant 0 : i32
    %dma_wait3A_124 = arith.constant 0 : i32
    %dma_wait3A_125 = tpu.memref_slice %arg2[%dma_wait3A_123, %dma_wait3A_124] : memref<10000x128xf32, #tpu.memory_space<hbm>> -> memref<10000x128xf32, #tpu.memory_space<hbm>>
    tpu.wait_indirect_dma semaphore(%arg20 : memref<!tpu.dma_semaphore, #tpu.memory_space<semaphore_mem>>) src(%dma_wait3A_125 : memref<10000x128xf32, #tpu.memory_space<hbm>>) dst(%dma_wait3A_122 : memref<80x128xf32, #tpu.memory_space<vmem>>)
    %add3A_126 = arith.constant 320000 : i32
    %add3A_127 = arith.addi %add3A_126, %add3A_117 : i32
    %dma_wait3A_128 = tpu.memref_slice %arg3[%add3A_127] : memref<640000xi32, #tpu.memory_space<hbm>> -> memref<80xi32, #tpu.memory_space<hbm>>
    %dma_wait3A_129 = tpu.memref_slice %arg3[%add3A_127] : memref<640000xi32, #tpu.memory_space<hbm>> -> memref<80xi32, #tpu.memory_space<hbm>>
    tpu.wait_dma2 semaphore(%arg17 : memref<!tpu.dma_semaphore, #tpu.memory_space<semaphore_mem>>) src(%dma_wait3A_129 : memref<80xi32, #tpu.memory_space<hbm>>) dst(%arg10 : memref<80xi32, #tpu.memory_space<vmem>>)
    %dma_start3A_130 = arith.constant 1 : i32
    %dma_start3A_131 = arith.constant 0 : i32
    %dma_start3A_132 = arith.constant 0 : i32
    %dma_start3A_133 = tpu.memref_slice %arg12[%dma_start3A_130, %dma_start3A_131, %dma_start3A_132] : memref<3x80x128xf32, #tpu.memory_space<vmem>> -> memref<1x80x128xf32, #tpu.memory_space<vmem>>
    %dma_start3A_134 = tpu.memref_squeeze %dma_start3A_133 : memref<1x80x128xf32, #tpu.memory_space<vmem>> -> memref<80x128xf32, #tpu.memory_space<vmem>>
    %dma_start3A_135 = arith.constant 0 : i32
    %dma_start3A_136 = arith.constant 0 : i32
    %dma_start3A_137 = tpu.memref_slice %arg25[%dma_start3A_135, %dma_start3A_136] : memref<10000x128xf32, #tpu.memory_space<vmem_shared>> -> memref<10000x128xf32, #tpu.memory_space<vmem_shared>>
    tpu.enqueue_indirect_dma source(%dma_start3A_134 : memref<80x128xf32, #tpu.memory_space<vmem>>) target(%dma_start3A_137 : memref<10000x128xf32, #tpu.memory_space<vmem_shared>>) offsets(%arg10 : memref<80xi32, #tpu.memory_space<vmem>>) semaphore(%arg23 : memref<!tpu.dma_semaphore, #tpu.memory_space<semaphore_mem>>) {add = true}
    %dma_wait3A_138 = arith.constant 1 : i32
    %dma_wait3A_139 = arith.constant 0 : i32
    %dma_wait3A_140 = arith.constant 0 : i32
    %dma_wait3A_141 = tpu.memref_slice %arg12[%dma_wait3A_138, %dma_wait3A_139, %dma_wait3A_140] : memref<3x80x128xf32, #tpu.memory_space<vmem>> -> memref<1x80x128xf32, #tpu.memory_space<vmem>>
    %dma_wait3A_142 = tpu.memref_squeeze %dma_wait3A_141 : memref<1x80x128xf32, #tpu.memory_space<vmem>> -> memref<80x128xf32, #tpu.memory_space<vmem>>
    %dma_wait3A_143 = arith.constant 0 : i32
    %dma_wait3A_144 = arith.constant 0 : i32
    %dma_wait3A_145 = tpu.memref_slice %arg25[%dma_wait3A_143, %dma_wait3A_144] : memref<10000x128xf32, #tpu.memory_space<vmem_shared>> -> memref<10000x128xf32, #tpu.memory_space<vmem_shared>>
    tpu.wait_indirect_dma semaphore(%arg23 : memref<!tpu.dma_semaphore, #tpu.memory_space<semaphore_mem>>) src(%dma_wait3A_142 : memref<80x128xf32, #tpu.memory_space<vmem>>) dst(%dma_wait3A_145 : memref<10000x128xf32, #tpu.memory_space<vmem_shared>>)
    %multiple_of3A_146 = arith.constant 9920 : i32
    %multiple_of3A_147 = tpu.assume_multiple %multiple_of3A_146, 80 : i32
    %add3A_148 = arith.addi %multiple_of3A, %multiple_of3A_147 : i32
    %dma_start3A_149 = tpu.memref_slice %arg3[%add3A_148] : memref<640000xi32, #tpu.memory_space<hbm>> -> memref<80xi32, #tpu.memory_space<hbm>>
    %dma_start3A_150 = tpu.memref_slice %arg3[%add3A_148] : memref<640000xi32, #tpu.memory_space<hbm>> -> memref<80xi32, #tpu.memory_space<hbm>>
    tpu.enqueue_dma source(%dma_start3A_150 : memref<80xi32, #tpu.memory_space<hbm>>) target(%arg7 : memref<80xi32, #tpu.memory_space<vmem>>) target_semaphore(%arg14 : memref<!tpu.dma_semaphore, #tpu.memory_space<semaphore_mem>>)
    %add3A_151 = arith.constant 320000 : i32
    %add3A_152 = arith.addi %add3A_151, %add3A_148 : i32
    %dma_start3A_153 = tpu.memref_slice %arg3[%add3A_152] : memref<640000xi32, #tpu.memory_space<hbm>> -> memref<80xi32, #tpu.memory_space<hbm>>
    %dma_start3A_154 = tpu.memref_slice %arg3[%add3A_152] : memref<640000xi32, #tpu.memory_space<hbm>> -> memref<80xi32, #tpu.memory_space<hbm>>
    tpu.enqueue_dma source(%dma_start3A_154 : memref<80xi32, #tpu.memory_space<hbm>>) target(%arg10 : memref<80xi32, #tpu.memory_space<vmem>>) target_semaphore(%arg17 : memref<!tpu.dma_semaphore, #tpu.memory_space<semaphore_mem>>)
    %multiple_of3A_155 = arith.constant 9840 : i32
    %multiple_of3A_156 = tpu.assume_multiple %multiple_of3A_155, 80 : i32
    %add3A_157 = arith.addi %multiple_of3A, %multiple_of3A_156 : i32
    %dma_wait3A_158 = tpu.memref_slice %arg3[%add3A_157] : memref<640000xi32, #tpu.memory_space<hbm>> -> memref<80xi32, #tpu.memory_space<hbm>>
    %dma_wait3A_159 = tpu.memref_slice %arg3[%add3A_157] : memref<640000xi32, #tpu.memory_space<hbm>> -> memref<80xi32, #tpu.memory_space<hbm>>
    tpu.wait_dma2 semaphore(%arg13 : memref<!tpu.dma_semaphore, #tpu.memory_space<semaphore_mem>>) src(%dma_wait3A_159 : memref<80xi32, #tpu.memory_space<hbm>>) dst(%arg6 : memref<80xi32, #tpu.memory_space<vmem>>)
    %dma_start3A_160 = arith.constant 0 : i32
    %dma_start3A_161 = arith.constant 0 : i32
    %dma_start3A_162 = arith.constant 0 : i32
    %dma_start3A_163 = tpu.memref_slice %arg12[%dma_start3A_160, %dma_start3A_161, %dma_start3A_162] : memref<3x80x128xf32, #tpu.memory_space<vmem>> -> memref<1x80x128xf32, #tpu.memory_space<vmem>>
    %dma_start3A_164 = tpu.memref_squeeze %dma_start3A_163 : memref<1x80x128xf32, #tpu.memory_space<vmem>> -> memref<80x128xf32, #tpu.memory_space<vmem>>
    %dma_start3A_165 = arith.constant 0 : i32
    %dma_start3A_166 = arith.constant 0 : i32
    %dma_start3A_167 = tpu.memref_slice %arg2[%dma_start3A_165, %dma_start3A_166] : memref<10000x128xf32, #tpu.memory_space<hbm>> -> memref<10000x128xf32, #tpu.memory_space<hbm>>
    tpu.enqueue_indirect_dma source(%dma_start3A_167 : memref<10000x128xf32, #tpu.memory_space<hbm>>) target(%dma_start3A_164 : memref<80x128xf32, #tpu.memory_space<vmem>>) offsets(%arg6 : memref<80xi32, #tpu.memory_space<vmem>>) semaphore(%arg19 : memref<!tpu.dma_semaphore, #tpu.memory_space<semaphore_mem>>)
    %multiple_of3A_168 = arith.constant 9760 : i32
    %multiple_of3A_169 = tpu.assume_multiple %multiple_of3A_168, 80 : i32
    %add3A_170 = arith.addi %multiple_of3A, %multiple_of3A_169 : i32
    %dma_wait3A_171 = arith.constant 2 : i32
    %dma_wait3A_172 = arith.constant 0 : i32
    %dma_wait3A_173 = arith.constant 0 : i32
    %dma_wait3A_174 = tpu.memref_slice %arg12[%dma_wait3A_171, %dma_wait3A_172, %dma_wait3A_173] : memref<3x80x128xf32, #tpu.memory_space<vmem>> -> memref<1x80x128xf32, #tpu.memory_space<vmem>>
    %dma_wait3A_175 = tpu.memref_squeeze %dma_wait3A_174 : memref<1x80x128xf32, #tpu.memory_space<vmem>> -> memref<80x128xf32, #tpu.memory_space<vmem>>
    %dma_wait3A_176 = arith.constant 0 : i32
    %dma_wait3A_177 = arith.constant 0 : i32
    %dma_wait3A_178 = tpu.memref_slice %arg2[%dma_wait3A_176, %dma_wait3A_177] : memref<10000x128xf32, #tpu.memory_space<hbm>> -> memref<10000x128xf32, #tpu.memory_space<hbm>>
    tpu.wait_indirect_dma semaphore(%arg21 : memref<!tpu.dma_semaphore, #tpu.memory_space<semaphore_mem>>) src(%dma_wait3A_178 : memref<10000x128xf32, #tpu.memory_space<hbm>>) dst(%dma_wait3A_175 : memref<80x128xf32, #tpu.memory_space<vmem>>)
    %add3A_179 = arith.constant 320000 : i32
    %add3A_180 = arith.addi %add3A_179, %add3A_170 : i32
    %dma_wait3A_181 = tpu.memref_slice %arg3[%add3A_180] : memref<640000xi32, #tpu.memory_space<hbm>> -> memref<80xi32, #tpu.memory_space<hbm>>
    %dma_wait3A_182 = tpu.memref_slice %arg3[%add3A_180] : memref<640000xi32, #tpu.memory_space<hbm>> -> memref<80xi32, #tpu.memory_space<hbm>>
    tpu.wait_dma2 semaphore(%arg18 : memref<!tpu.dma_semaphore, #tpu.memory_space<semaphore_mem>>) src(%dma_wait3A_182 : memref<80xi32, #tpu.memory_space<hbm>>) dst(%arg11 : memref<80xi32, #tpu.memory_space<vmem>>)
    %dma_start3A_183 = arith.constant 2 : i32
    %dma_start3A_184 = arith.constant 0 : i32
    %dma_start3A_185 = arith.constant 0 : i32
    %dma_start3A_186 = tpu.memref_slice %arg12[%dma_start3A_183, %dma_start3A_184, %dma_start3A_185] : memref<3x80x128xf32, #tpu.memory_space<vmem>> -> memref<1x80x128xf32, #tpu.memory_space<vmem>>
    %dma_start3A_187 = tpu.memref_squeeze %dma_start3A_186 : memref<1x80x128xf32, #tpu.memory_space<vmem>> -> memref<80x128xf32, #tpu.memory_space<vmem>>
    %dma_start3A_188 = arith.constant 0 : i32
    %dma_start3A_189 = arith.constant 0 : i32
    %dma_start3A_190 = tpu.memref_slice %arg25[%dma_start3A_188, %dma_start3A_189] : memref<10000x128xf32, #tpu.memory_space<vmem_shared>> -> memref<10000x128xf32, #tpu.memory_space<vmem_shared>>
    tpu.enqueue_indirect_dma source(%dma_start3A_187 : memref<80x128xf32, #tpu.memory_space<vmem>>) target(%dma_start3A_190 : memref<10000x128xf32, #tpu.memory_space<vmem_shared>>) offsets(%arg11 : memref<80xi32, #tpu.memory_space<vmem>>) semaphore(%arg24 : memref<!tpu.dma_semaphore, #tpu.memory_space<semaphore_mem>>) {add = true}
    %dma_wait3A_191 = arith.constant 2 : i32
    %dma_wait3A_192 = arith.constant 0 : i32
    %dma_wait3A_193 = arith.constant 0 : i32
    %dma_wait3A_194 = tpu.memref_slice %arg12[%dma_wait3A_191, %dma_wait3A_192, %dma_wait3A_193] : memref<3x80x128xf32, #tpu.memory_space<vmem>> -> memref<1x80x128xf32, #tpu.memory_space<vmem>>
    %dma_wait3A_195 = tpu.memref_squeeze %dma_wait3A_194 : memref<1x80x128xf32, #tpu.memory_space<vmem>> -> memref<80x128xf32, #tpu.memory_space<vmem>>
    %dma_wait3A_196 = arith.constant 0 : i32
    %dma_wait3A_197 = arith.constant 0 : i32
    %dma_wait3A_198 = tpu.memref_slice %arg25[%dma_wait3A_196, %dma_wait3A_197] : memref<10000x128xf32, #tpu.memory_space<vmem_shared>> -> memref<10000x128xf32, #tpu.memory_space<vmem_shared>>
    tpu.wait_indirect_dma semaphore(%arg24 : memref<!tpu.dma_semaphore, #tpu.memory_space<semaphore_mem>>) src(%dma_wait3A_195 : memref<80x128xf32, #tpu.memory_space<vmem>>) dst(%dma_wait3A_198 : memref<10000x128xf32, #tpu.memory_space<vmem_shared>>)
    %multiple_of3A_199 = arith.constant 9920 : i32
    %multiple_of3A_200 = tpu.assume_multiple %multiple_of3A_199, 80 : i32
    %add3A_201 = arith.addi %multiple_of3A, %multiple_of3A_200 : i32
    %dma_wait3A_202 = tpu.memref_slice %arg3[%add3A_201] : memref<640000xi32, #tpu.memory_space<hbm>> -> memref<80xi32, #tpu.memory_space<hbm>>
    %dma_wait3A_203 = tpu.memref_slice %arg3[%add3A_201] : memref<640000xi32, #tpu.memory_space<hbm>> -> memref<80xi32, #tpu.memory_space<hbm>>
    tpu.wait_dma2 semaphore(%arg14 : memref<!tpu.dma_semaphore, #tpu.memory_space<semaphore_mem>>) src(%dma_wait3A_203 : memref<80xi32, #tpu.memory_space<hbm>>) dst(%arg7 : memref<80xi32, #tpu.memory_space<vmem>>)
    %dma_start3A_204 = arith.constant 1 : i32
    %dma_start3A_205 = arith.constant 0 : i32
    %dma_start3A_206 = arith.constant 0 : i32
    %dma_start3A_207 = tpu.memref_slice %arg12[%dma_start3A_204, %dma_start3A_205, %dma_start3A_206] : memref<3x80x128xf32, #tpu.memory_space<vmem>> -> memref<1x80x128xf32, #tpu.memory_space<vmem>>
    %dma_start3A_208 = tpu.memref_squeeze %dma_start3A_207 : memref<1x80x128xf32, #tpu.memory_space<vmem>> -> memref<80x128xf32, #tpu.memory_space<vmem>>
    %dma_start3A_209 = arith.constant 0 : i32
    %dma_start3A_210 = arith.constant 0 : i32
    %dma_start3A_211 = tpu.memref_slice %arg2[%dma_start3A_209, %dma_start3A_210] : memref<10000x128xf32, #tpu.memory_space<hbm>> -> memref<10000x128xf32, #tpu.memory_space<hbm>>
    tpu.enqueue_indirect_dma source(%dma_start3A_211 : memref<10000x128xf32, #tpu.memory_space<hbm>>) target(%dma_start3A_208 : memref<80x128xf32, #tpu.memory_space<vmem>>) offsets(%arg7 : memref<80xi32, #tpu.memory_space<vmem>>) semaphore(%arg20 : memref<!tpu.dma_semaphore, #tpu.memory_space<semaphore_mem>>)
    %multiple_of3A_212 = arith.constant 9840 : i32
    %multiple_of3A_213 = tpu.assume_multiple %multiple_of3A_212, 80 : i32
    %add3A_214 = arith.addi %multiple_of3A, %multiple_of3A_213 : i32
    %dma_wait3A_215 = arith.constant 0 : i32
    %dma_wait3A_216 = arith.constant 0 : i32
    %dma_wait3A_217 = arith.constant 0 : i32
    %dma_wait3A_218 = tpu.memref_slice %arg12[%dma_wait3A_215, %dma_wait3A_216, %dma_wait3A_217] : memref<3x80x128xf32, #tpu.memory_space<vmem>> -> memref<1x80x128xf32, #tpu.memory_space<vmem>>
    %dma_wait3A_219 = tpu.memref_squeeze %dma_wait3A_218 : memref<1x80x128xf32, #tpu.memory_space<vmem>> -> memref<80x128xf32, #tpu.memory_space<vmem>>
    %dma_wait3A_220 = arith.constant 0 : i32
    %dma_wait3A_221 = arith.constant 0 : i32
    %dma_wait3A_222 = tpu.memref_slice %arg2[%dma_wait3A_220, %dma_wait3A_221] : memref<10000x128xf32, #tpu.memory_space<hbm>> -> memref<10000x128xf32, #tpu.memory_space<hbm>>
    tpu.wait_indirect_dma semaphore(%arg19 : memref<!tpu.dma_semaphore, #tpu.memory_space<semaphore_mem>>) src(%dma_wait3A_222 : memref<10000x128xf32, #tpu.memory_space<hbm>>) dst(%dma_wait3A_219 : memref<80x128xf32, #tpu.memory_space<vmem>>)
    %add3A_223 = arith.constant 320000 : i32
    %add3A_224 = arith.addi %add3A_223, %add3A_214 : i32
    %dma_wait3A_225 = tpu.memref_slice %arg3[%add3A_224] : memref<640000xi32, #tpu.memory_space<hbm>> -> memref<80xi32, #tpu.memory_space<hbm>>
    %dma_wait3A_226 = tpu.memref_slice %arg3[%add3A_224] : memref<640000xi32, #tpu.memory_space<hbm>> -> memref<80xi32, #tpu.memory_space<hbm>>
    tpu.wait_dma2 semaphore(%arg16 : memref<!tpu.dma_semaphore, #tpu.memory_space<semaphore_mem>>) src(%dma_wait3A_226 : memref<80xi32, #tpu.memory_space<hbm>>) dst(%arg9 : memref<80xi32, #tpu.memory_space<vmem>>)
    %dma_start3A_227 = arith.constant 0 : i32
    %dma_start3A_228 = arith.constant 0 : i32
    %dma_start3A_229 = arith.constant 0 : i32
    %dma_start3A_230 = tpu.memref_slice %arg12[%dma_start3A_227, %dma_start3A_228, %dma_start3A_229] : memref<3x80x128xf32, #tpu.memory_space<vmem>> -> memref<1x80x128xf32, #tpu.memory_space<vmem>>
    %dma_start3A_231 = tpu.memref_squeeze %dma_start3A_230 : memref<1x80x128xf32, #tpu.memory_space<vmem>> -> memref<80x128xf32, #tpu.memory_space<vmem>>
    %dma_start3A_232 = arith.constant 0 : i32
    %dma_start3A_233 = arith.constant 0 : i32
    %dma_start3A_234 = tpu.memref_slice %arg25[%dma_start3A_232, %dma_start3A_233] : memref<10000x128xf32, #tpu.memory_space<vmem_shared>> -> memref<10000x128xf32, #tpu.memory_space<vmem_shared>>
    tpu.enqueue_indirect_dma source(%dma_start3A_231 : memref<80x128xf32, #tpu.memory_space<vmem>>) target(%dma_start3A_234 : memref<10000x128xf32, #tpu.memory_space<vmem_shared>>) offsets(%arg9 : memref<80xi32, #tpu.memory_space<vmem>>) semaphore(%arg22 : memref<!tpu.dma_semaphore, #tpu.memory_space<semaphore_mem>>) {add = true}
    %dma_wait3A_235 = arith.constant 0 : i32
    %dma_wait3A_236 = arith.constant 0 : i32
    %dma_wait3A_237 = arith.constant 0 : i32
    %dma_wait3A_238 = tpu.memref_slice %arg12[%dma_wait3A_235, %dma_wait3A_236, %dma_wait3A_237] : memref<3x80x128xf32, #tpu.memory_space<vmem>> -> memref<1x80x128xf32, #tpu.memory_space<vmem>>
    %dma_wait3A_239 = tpu.memref_squeeze %dma_wait3A_238 : memref<1x80x128xf32, #tpu.memory_space<vmem>> -> memref<80x128xf32, #tpu.memory_space<vmem>>
    %dma_wait3A_240 = arith.constant 0 : i32
    %dma_wait3A_241 = arith.constant 0 : i32
    %dma_wait3A_242 = tpu.memref_slice %arg25[%dma_wait3A_240, %dma_wait3A_241] : memref<10000x128xf32, #tpu.memory_space<vmem_shared>> -> memref<10000x128xf32, #tpu.memory_space<vmem_shared>>
    tpu.wait_indirect_dma semaphore(%arg22 : memref<!tpu.dma_semaphore, #tpu.memory_space<semaphore_mem>>) src(%dma_wait3A_239 : memref<80x128xf32, #tpu.memory_space<vmem>>) dst(%dma_wait3A_242 : memref<10000x128xf32, #tpu.memory_space<vmem_shared>>)
    %multiple_of3A_243 = arith.constant 9920 : i32
    %multiple_of3A_244 = tpu.assume_multiple %multiple_of3A_243, 80 : i32
    %add3A_245 = arith.addi %multiple_of3A, %multiple_of3A_244 : i32
    %dma_wait3A_246 = arith.constant 1 : i32
    %dma_wait3A_247 = arith.constant 0 : i32
    %dma_wait3A_248 = arith.constant 0 : i32
    %dma_wait3A_249 = tpu.memref_slice %arg12[%dma_wait3A_246, %dma_wait3A_247, %dma_wait3A_248] : memref<3x80x128xf32, #tpu.memory_space<vmem>> -> memref<1x80x128xf32, #tpu.memory_space<vmem>>
    %dma_wait3A_250 = tpu.memref_squeeze %dma_wait3A_249 : memref<1x80x128xf32, #tpu.memory_space<vmem>> -> memref<80x128xf32, #tpu.memory_space<vmem>>
    %dma_wait3A_251 = arith.constant 0 : i32
    %dma_wait3A_252 = arith.constant 0 : i32
    %dma_wait3A_253 = tpu.memref_slice %arg2[%dma_wait3A_251, %dma_wait3A_252] : memref<10000x128xf32, #tpu.memory_space<hbm>> -> memref<10000x128xf32, #tpu.memory_space<hbm>>
    tpu.wait_indirect_dma semaphore(%arg20 : memref<!tpu.dma_semaphore, #tpu.memory_space<semaphore_mem>>) src(%dma_wait3A_253 : memref<10000x128xf32, #tpu.memory_space<hbm>>) dst(%dma_wait3A_250 : memref<80x128xf32, #tpu.memory_space<vmem>>)
    %add3A_254 = arith.constant 320000 : i32
    %add3A_255 = arith.addi %add3A_254, %add3A_245 : i32
    %dma_wait3A_256 = tpu.memref_slice %arg3[%add3A_255] : memref<640000xi32, #tpu.memory_space<hbm>> -> memref<80xi32, #tpu.memory_space<hbm>>
    %dma_wait3A_257 = tpu.memref_slice %arg3[%add3A_255] : memref<640000xi32, #tpu.memory_space<hbm>> -> memref<80xi32, #tpu.memory_space<hbm>>
    tpu.wait_dma2 semaphore(%arg17 : memref<!tpu.dma_semaphore, #tpu.memory_space<semaphore_mem>>) src(%dma_wait3A_257 : memref<80xi32, #tpu.memory_space<hbm>>) dst(%arg10 : memref<80xi32, #tpu.memory_space<vmem>>)
    %dma_start3A_258 = arith.constant 1 : i32
    %dma_start3A_259 = arith.constant 0 : i32
    %dma_start3A_260 = arith.constant 0 : i32
    %dma_start3A_261 = tpu.memref_slice %arg12[%dma_start3A_258, %dma_start3A_259, %dma_start3A_260] : memref<3x80x128xf32, #tpu.memory_space<vmem>> -> memref<1x80x128xf32, #tpu.memory_space<vmem>>
    %dma_start3A_262 = tpu.memref_squeeze %dma_start3A_261 : memref<1x80x128xf32, #tpu.memory_space<vmem>> -> memref<80x128xf32, #tpu.memory_space<vmem>>
    %dma_start3A_263 = arith.constant 0 : i32
    %dma_start3A_264 = arith.constant 0 : i32
    %dma_start3A_265 = tpu.memref_slice %arg25[%dma_start3A_263, %dma_start3A_264] : memref<10000x128xf32, #tpu.memory_space<vmem_shared>> -> memref<10000x128xf32, #tpu.memory_space<vmem_shared>>
    tpu.enqueue_indirect_dma source(%dma_start3A_262 : memref<80x128xf32, #tpu.memory_space<vmem>>) target(%dma_start3A_265 : memref<10000x128xf32, #tpu.memory_space<vmem_shared>>) offsets(%arg10 : memref<80xi32, #tpu.memory_space<vmem>>) semaphore(%arg23 : memref<!tpu.dma_semaphore, #tpu.memory_space<semaphore_mem>>) {add = true}
    %dma_wait3A_266 = arith.constant 1 : i32
    %dma_wait3A_267 = arith.constant 0 : i32
    %dma_wait3A_268 = arith.constant 0 : i32
    %dma_wait3A_269 = tpu.memref_slice %arg12[%dma_wait3A_266, %dma_wait3A_267, %dma_wait3A_268] : memref<3x80x128xf32, #tpu.memory_space<vmem>> -> memref<1x80x128xf32, #tpu.memory_space<vmem>>
    %dma_wait3A_270 = tpu.memref_squeeze %dma_wait3A_269 : memref<1x80x128xf32, #tpu.memory_space<vmem>> -> memref<80x128xf32, #tpu.memory_space<vmem>>
    %dma_wait3A_271 = arith.constant 0 : i32
    %dma_wait3A_272 = arith.constant 0 : i32
    %dma_wait3A_273 = tpu.memref_slice %arg25[%dma_wait3A_271, %dma_wait3A_272] : memref<10000x128xf32, #tpu.memory_space<vmem_shared>> -> memref<10000x128xf32, #tpu.memory_space<vmem_shared>>
    tpu.wait_indirect_dma semaphore(%arg23 : memref<!tpu.dma_semaphore, #tpu.memory_space<semaphore_mem>>) src(%dma_wait3A_270 : memref<80x128xf32, #tpu.memory_space<vmem>>) dst(%dma_wait3A_273 : memref<10000x128xf32, #tpu.memory_space<vmem_shared>>)
    %barrier3A_274 = arith.constant 0 : index
    tpu.barrier barrier_id(%barrier3A_274)
    %mul3A_275 = arith.constant 624 : i32
    %mul3A_276 = arith.muli %arg1, %mul3A_275 : i32
    %mul3A_277 = arith.constant 624 : i32
    %mul3A_278 = arith.muli %arg1, %mul3A_277 : i32
    "tpu.region"() ({
      %run_scoped3A = tpu.sem_alloc : memref<!tpu.dma_semaphore, #tpu.memory_space<semaphore_mem>>
      %dma_start3A_284 = arith.constant 0 : i32
      %dma_start3A_285 = tpu.memref_slice %arg5[%arg0, %mul3A_278, %dma_start3A_284] : memref<2x10000x128xf32, #tpu.memory_space<hbm>> -> memref<1x624x128xf32, #tpu.memory_space<hbm>>
      %dma_start3A_286 = tpu.memref_squeeze %dma_start3A_285 : memref<1x624x128xf32, #tpu.memory_space<hbm>> -> memref<624x128xf32, #tpu.memory_space<hbm>>
      %dma_start3A_287 = arith.constant 0 : i32
      %dma_start3A_288 = tpu.memref_slice %arg25[%mul3A_276, %dma_start3A_287] : memref<10000x128xf32, #tpu.memory_space<vmem_shared>> -> memref<624x128xf32, #tpu.memory_space<vmem_shared>>
      tpu.enqueue_dma source(%dma_start3A_288 : memref<624x128xf32, #tpu.memory_space<vmem_shared>>) target(%dma_start3A_286 : memref<624x128xf32, #tpu.memory_space<hbm>>) target_semaphore(%run_scoped3A : memref<!tpu.dma_semaphore, #tpu.memory_space<semaphore_mem>>)
      %dma_wait3A_289 = arith.constant 0 : i32
      %dma_wait3A_290 = tpu.memref_slice %arg5[%arg0, %mul3A_278, %dma_wait3A_289] : memref<2x10000x128xf32, #tpu.memory_space<hbm>> -> memref<1x624x128xf32, #tpu.memory_space<hbm>>
      %dma_wait3A_291 = tpu.memref_squeeze %dma_wait3A_290 : memref<1x624x128xf32, #tpu.memory_space<hbm>> -> memref<624x128xf32, #tpu.memory_space<hbm>>
      %dma_wait3A_292 = arith.constant 0 : i32
      %dma_wait3A_293 = tpu.memref_slice %arg25[%mul3A_276, %dma_wait3A_292] : memref<10000x128xf32, #tpu.memory_space<vmem_shared>> -> memref<624x128xf32, #tpu.memory_space<vmem_shared>>
      tpu.wait_dma2 semaphore(%run_scoped3A : memref<!tpu.dma_semaphore, #tpu.memory_space<semaphore_mem>>) src(%dma_wait3A_293 : memref<624x128xf32, #tpu.memory_space<vmem_shared>>) dst(%dma_wait3A_291 : memref<624x128xf32, #tpu.memory_space<hbm>>)
      tpu.yield
    }) : () -> ()
    %eq3A_279 = arith.constant 15 : i32
    %eq3A_280 = arith.cmpi eq, %arg1, %eq3A_279 : i32
    %convert_element_type3A_281 = arith.extui %eq3A_280 : i1 to i32
    %cond3A_282 = arith.constant 0 : i32
    %cond3A_283 = arith.cmpi ne, %convert_element_type3A_281, %cond3A_282 : i32
    scf.if %cond3A_283 {
      "tpu.region"() ({
        %run_scoped3A = tpu.sem_alloc : memref<!tpu.dma_semaphore, #tpu.memory_space<semaphore_mem>>
        %dma_start3A_284 = arith.constant 9984 : i32
        %dma_start3A_285 = arith.constant 0 : i32
        %dma_start3A_286 = tpu.memref_slice %arg5[%arg0, %dma_start3A_284, %dma_start3A_285] : memref<2x10000x128xf32, #tpu.memory_space<hbm>> -> memref<1x16x128xf32, #tpu.memory_space<hbm>>
        %dma_start3A_287 = tpu.memref_squeeze %dma_start3A_286 : memref<1x16x128xf32, #tpu.memory_space<hbm>> -> memref<16x128xf32, #tpu.memory_space<hbm>>
        %dma_start3A_288 = arith.constant 9984 : i32
        %dma_start3A_289 = arith.constant 0 : i32
        %dma_start3A_290 = tpu.memref_slice %arg25[%dma_start3A_288, %dma_start3A_289] : memref<10000x128xf32, #tpu.memory_space<vmem_shared>> -> memref<16x128xf32, #tpu.memory_space<vmem_shared>>
        tpu.enqueue_dma source(%dma_start3A_290 : memref<16x128xf32, #tpu.memory_space<vmem_shared>>) target(%dma_start3A_287 : memref<16x128xf32, #tpu.memory_space<hbm>>) target_semaphore(%run_scoped3A : memref<!tpu.dma_semaphore, #tpu.memory_space<semaphore_mem>>)
        %dma_wait3A_291 = arith.constant 9984 : i32
        %dma_wait3A_292 = arith.constant 0 : i32
        %dma_wait3A_293 = tpu.memref_slice %arg5[%arg0, %dma_wait3A_291, %dma_wait3A_292] : memref<2x10000x128xf32, #tpu.memory_space<hbm>> -> memref<1x16x128xf32, #tpu.memory_space<hbm>>
        %dma_wait3A_294 = tpu.memref_squeeze %dma_wait3A_293 : memref<1x16x128xf32, #tpu.memory_space<hbm>> -> memref<16x128xf32, #tpu.memory_space<hbm>>
        %dma_wait3A_295 = arith.constant 9984 : i32
        %dma_wait3A_296 = arith.constant 0 : i32
        %dma_wait3A_297 = tpu.memref_slice %arg25[%dma_wait3A_295, %dma_wait3A_296] : memref<10000x128xf32, #tpu.memory_space<vmem_shared>> -> memref<16x128xf32, #tpu.memory_space<vmem_shared>>
        tpu.wait_dma2 semaphore(%run_scoped3A : memref<!tpu.dma_semaphore, #tpu.memory_space<semaphore_mem>>) src(%dma_wait3A_297 : memref<16x128xf32, #tpu.memory_space<vmem_shared>>) dst(%dma_wait3A_294 : memref<16x128xf32, #tpu.memory_space<hbm>>)
        tpu.yield
      }) : () -> ()
    } else {
    }
    return
  }
}

#map = affine_map<(d0, d1) -> (0)>
module attributes {stable_mosaic.version = 14 : i64} {
  func.func @gcn_degrees_sc(%arg0: i32, %arg1: i32, %arg2: memref<640000xi32, #tpu.memory_space<hbm>>, %arg3: memref<128xf32, #tpu.memory_space<hbm>>, %arg4: memref<640xf32, #tpu.memory_space<hbm>>, %arg5: memref<40000xf32, #tpu.memory_space<hbm>>, %arg6: memref<128xi32, #tpu.memory_space<vmem>>, %arg7: memref<128xi32, #tpu.memory_space<vmem>>, %arg8: memref<128xi32, #tpu.memory_space<vmem>>, %arg9: memref<128xi32, #tpu.memory_space<vmem>>, %arg10: memref<16xi32, #tpu.memory_space<vmem>>, %arg11: memref<16xi32, #tpu.memory_space<vmem>>, %arg12: memref<128xf32, #tpu.memory_space<vmem>>, %arg13: memref<16xf32, #tpu.memory_space<vmem>>, %arg14: memref<640xf32, #tpu.memory_space<vmem>>, %arg15: memref<!tpu.dma_semaphore, #tpu.memory_space<semaphore_mem>>, %arg16: memref<!tpu.dma_semaphore, #tpu.memory_space<semaphore_mem>>, %arg17: memref<!tpu.dma_semaphore, #tpu.memory_space<semaphore_mem>>, %arg18: memref<!tpu.dma_semaphore, #tpu.memory_space<semaphore_mem>>, %arg19: memref<!tpu.dma_semaphore, #tpu.memory_space<semaphore_mem>>, %arg20: memref<!tpu.dma_semaphore, #tpu.memory_space<semaphore_mem>>, %arg21: memref<!tpu.dma_semaphore, #tpu.memory_space<semaphore_mem>>, %arg22: memref<!tpu.dma_semaphore, #tpu.memory_space<semaphore_mem>>, %arg23: memref<10000xf32, #tpu.memory_space<vmem_shared>>, %arg24: memref<10000xf32, #tpu.memory_space<vmem_shared>>) attributes {dimension_semantics = [#tpu.dimension_semantics<core_parallel>, #tpu.dimension_semantics<subcore_parallel>], iteration_bounds = array<i64: 2, 16>, scalar_prefetch = 0 : i64, scratch_operands = 19 : i64, tpu.core_type = #tpu.core_type<sc_vector_subcore>, window_params = [{transform_indices = #map}, {transform_indices = #map}, {transform_indices = #map}, {transform_indices = #map}]} {
    %mul3A = arith.constant 16 : i32
    %mul3A_0 = arith.muli %arg0, %mul3A : i32
    %add3A = arith.addi %mul3A_0, %arg1 : i32
    %mul3A_1 = arith.constant 10000 : i32
    %mul3A_2 = arith.muli %add3A, %mul3A_1 : i32
    %multiple_of3A = tpu.assume_multiple %mul3A_2, 8 : i32
    "tpu.region"() ({
      %run_scoped3A = tpu.sem_alloc : memref<!tpu.dma_semaphore, #tpu.memory_space<semaphore_mem>>
      tpu.enqueue_dma source(%arg3 : memref<128xf32, #tpu.memory_space<hbm>>) target(%arg12 : memref<128xf32, #tpu.memory_space<vmem>>) target_semaphore(%run_scoped3A : memref<!tpu.dma_semaphore, #tpu.memory_space<semaphore_mem>>)
      tpu.wait_dma2 semaphore(%run_scoped3A : memref<!tpu.dma_semaphore, #tpu.memory_space<semaphore_mem>>) src(%arg3 : memref<128xf32, #tpu.memory_space<hbm>>) dst(%arg12 : memref<128xf32, #tpu.memory_space<vmem>>)
      tpu.yield
    }) : () -> ()
    %multiple_of3A_3 = arith.constant 0 : i32
    %multiple_of3A_4 = tpu.assume_multiple %multiple_of3A_3, 8 : i32
    %add3A_5 = arith.addi %multiple_of3A, %multiple_of3A_4 : i32
    %dma_start3A = tpu.memref_slice %arg2[%add3A_5] : memref<640000xi32, #tpu.memory_space<hbm>> -> memref<128xi32, #tpu.memory_space<hbm>>
    %dma_start3A_6 = tpu.memref_slice %arg2[%add3A_5] : memref<640000xi32, #tpu.memory_space<hbm>> -> memref<128xi32, #tpu.memory_space<hbm>>
    tpu.enqueue_dma source(%dma_start3A_6 : memref<128xi32, #tpu.memory_space<hbm>>) target(%arg6 : memref<128xi32, #tpu.memory_space<vmem>>) target_semaphore(%arg15 : memref<!tpu.dma_semaphore, #tpu.memory_space<semaphore_mem>>)
    %add3A_7 = arith.constant 320000 : i32
    %add3A_8 = arith.addi %add3A_7, %add3A_5 : i32
    %dma_start3A_9 = tpu.memref_slice %arg2[%add3A_8] : memref<640000xi32, #tpu.memory_space<hbm>> -> memref<128xi32, #tpu.memory_space<hbm>>
    %dma_start3A_10 = tpu.memref_slice %arg2[%add3A_8] : memref<640000xi32, #tpu.memory_space<hbm>> -> memref<128xi32, #tpu.memory_space<hbm>>
    tpu.enqueue_dma source(%dma_start3A_10 : memref<128xi32, #tpu.memory_space<hbm>>) target(%arg8 : memref<128xi32, #tpu.memory_space<vmem>>) target_semaphore(%arg17 : memref<!tpu.dma_semaphore, #tpu.memory_space<semaphore_mem>>)
    "tpu.region"() ({
      %run_scoped3A = tpu.sem_alloc : memref<!tpu.dma_semaphore, #tpu.memory_space<semaphore_mem>>
      tpu.enqueue_dma source(%arg4 : memref<640xf32, #tpu.memory_space<hbm>>) target(%arg14 : memref<640xf32, #tpu.memory_space<vmem>>) target_semaphore(%run_scoped3A : memref<!tpu.dma_semaphore, #tpu.memory_space<semaphore_mem>>)
      tpu.wait_dma2 semaphore(%run_scoped3A : memref<!tpu.dma_semaphore, #tpu.memory_space<semaphore_mem>>) src(%arg4 : memref<640xf32, #tpu.memory_space<hbm>>) dst(%arg14 : memref<640xf32, #tpu.memory_space<vmem>>)
      tpu.yield
    }) : () -> ()
    %mul3A_11 = arith.constant 624 : i32
    %mul3A_12 = arith.muli %arg1, %mul3A_11 : i32
    "tpu.region"() ({
      %run_scoped3A = tpu.sem_alloc : memref<!tpu.dma_semaphore, #tpu.memory_space<semaphore_mem>>
      %dma_start3A_103 = arith.constant 0 : i32
      %dma_start3A_104 = tpu.memref_slice %arg14[%dma_start3A_103] : memref<640xf32, #tpu.memory_space<vmem>> -> memref<624xf32, #tpu.memory_space<vmem>>
      %dma_start3A_105 = tpu.memref_slice %arg23[%mul3A_12] : memref<10000xf32, #tpu.memory_space<vmem_shared>> -> memref<624xf32, #tpu.memory_space<vmem_shared>>
      %dma_start3A_106 = tpu.memref_slice %arg23[%mul3A_12] : memref<10000xf32, #tpu.memory_space<vmem_shared>> -> memref<624xf32, #tpu.memory_space<vmem_shared>>
      %dma_start3A_107 = arith.constant 0 : i32
      %dma_start3A_108 = tpu.memref_slice %arg14[%dma_start3A_107] : memref<640xf32, #tpu.memory_space<vmem>> -> memref<624xf32, #tpu.memory_space<vmem>>
      tpu.enqueue_dma source(%dma_start3A_108 : memref<624xf32, #tpu.memory_space<vmem>>) target(%dma_start3A_106 : memref<624xf32, #tpu.memory_space<vmem_shared>>) target_semaphore(%run_scoped3A : memref<!tpu.dma_semaphore, #tpu.memory_space<semaphore_mem>>)
      %dma_wait3A_109 = arith.constant 0 : i32
      %dma_wait3A_110 = tpu.memref_slice %arg14[%dma_wait3A_109] : memref<640xf32, #tpu.memory_space<vmem>> -> memref<624xf32, #tpu.memory_space<vmem>>
      %dma_wait3A_111 = tpu.memref_slice %arg23[%mul3A_12] : memref<10000xf32, #tpu.memory_space<vmem_shared>> -> memref<624xf32, #tpu.memory_space<vmem_shared>>
      %dma_wait3A_112 = tpu.memref_slice %arg23[%mul3A_12] : memref<10000xf32, #tpu.memory_space<vmem_shared>> -> memref<624xf32, #tpu.memory_space<vmem_shared>>
      %dma_wait3A_113 = arith.constant 0 : i32
      %dma_wait3A_114 = tpu.memref_slice %arg14[%dma_wait3A_113] : memref<640xf32, #tpu.memory_space<vmem>> -> memref<624xf32, #tpu.memory_space<vmem>>
      tpu.wait_dma2 semaphore(%run_scoped3A : memref<!tpu.dma_semaphore, #tpu.memory_space<semaphore_mem>>) src(%dma_wait3A_114 : memref<624xf32, #tpu.memory_space<vmem>>) dst(%dma_wait3A_112 : memref<624xf32, #tpu.memory_space<vmem_shared>>)
      tpu.yield
    }) : () -> ()
    %mul3A_13 = arith.constant 624 : i32
    %mul3A_14 = arith.muli %arg1, %mul3A_13 : i32
    "tpu.region"() ({
      %run_scoped3A = tpu.sem_alloc : memref<!tpu.dma_semaphore, #tpu.memory_space<semaphore_mem>>
      %dma_start3A_103 = arith.constant 0 : i32
      %dma_start3A_104 = tpu.memref_slice %arg14[%dma_start3A_103] : memref<640xf32, #tpu.memory_space<vmem>> -> memref<624xf32, #tpu.memory_space<vmem>>
      %dma_start3A_105 = tpu.memref_slice %arg24[%mul3A_14] : memref<10000xf32, #tpu.memory_space<vmem_shared>> -> memref<624xf32, #tpu.memory_space<vmem_shared>>
      %dma_start3A_106 = tpu.memref_slice %arg24[%mul3A_14] : memref<10000xf32, #tpu.memory_space<vmem_shared>> -> memref<624xf32, #tpu.memory_space<vmem_shared>>
      %dma_start3A_107 = arith.constant 0 : i32
      %dma_start3A_108 = tpu.memref_slice %arg14[%dma_start3A_107] : memref<640xf32, #tpu.memory_space<vmem>> -> memref<624xf32, #tpu.memory_space<vmem>>
      tpu.enqueue_dma source(%dma_start3A_108 : memref<624xf32, #tpu.memory_space<vmem>>) target(%dma_start3A_106 : memref<624xf32, #tpu.memory_space<vmem_shared>>) target_semaphore(%run_scoped3A : memref<!tpu.dma_semaphore, #tpu.memory_space<semaphore_mem>>)
      %dma_wait3A_109 = arith.constant 0 : i32
      %dma_wait3A_110 = tpu.memref_slice %arg14[%dma_wait3A_109] : memref<640xf32, #tpu.memory_space<vmem>> -> memref<624xf32, #tpu.memory_space<vmem>>
      %dma_wait3A_111 = tpu.memref_slice %arg24[%mul3A_14] : memref<10000xf32, #tpu.memory_space<vmem_shared>> -> memref<624xf32, #tpu.memory_space<vmem_shared>>
      %dma_wait3A_112 = tpu.memref_slice %arg24[%mul3A_14] : memref<10000xf32, #tpu.memory_space<vmem_shared>> -> memref<624xf32, #tpu.memory_space<vmem_shared>>
      %dma_wait3A_113 = arith.constant 0 : i32
      %dma_wait3A_114 = tpu.memref_slice %arg14[%dma_wait3A_113] : memref<640xf32, #tpu.memory_space<vmem>> -> memref<624xf32, #tpu.memory_space<vmem>>
      tpu.wait_dma2 semaphore(%run_scoped3A : memref<!tpu.dma_semaphore, #tpu.memory_space<semaphore_mem>>) src(%dma_wait3A_114 : memref<624xf32, #tpu.memory_space<vmem>>) dst(%dma_wait3A_112 : memref<624xf32, #tpu.memory_space<vmem_shared>>)
      tpu.yield
    }) : () -> ()
    %eq3A = arith.constant 15 : i32
    %eq3A_15 = arith.cmpi eq, %arg1, %eq3A : i32
    %convert_element_type3A = arith.extui %eq3A_15 : i1 to i32
    %cond3A = arith.constant 0 : i32
    %cond3A_16 = arith.cmpi ne, %convert_element_type3A, %cond3A : i32
    scf.if %cond3A_16 {
      "tpu.region"() ({
        %run_scoped3A = tpu.sem_alloc : memref<!tpu.dma_semaphore, #tpu.memory_space<semaphore_mem>>
        %dma_start3A_103 = arith.constant 0 : i32
        %dma_start3A_104 = tpu.memref_slice %arg14[%dma_start3A_103] : memref<640xf32, #tpu.memory_space<vmem>> -> memref<16xf32, #tpu.memory_space<vmem>>
        %dma_start3A_105 = arith.constant 9984 : i32
        %dma_start3A_106 = tpu.memref_slice %arg23[%dma_start3A_105] : memref<10000xf32, #tpu.memory_space<vmem_shared>> -> memref<16xf32, #tpu.memory_space<vmem_shared>>
        %dma_start3A_107 = arith.constant 9984 : i32
        %dma_start3A_108 = tpu.memref_slice %arg23[%dma_start3A_107] : memref<10000xf32, #tpu.memory_space<vmem_shared>> -> memref<16xf32, #tpu.memory_space<vmem_shared>>
        %dma_start3A_109 = arith.constant 0 : i32
        %dma_start3A_110 = tpu.memref_slice %arg14[%dma_start3A_109] : memref<640xf32, #tpu.memory_space<vmem>> -> memref<16xf32, #tpu.memory_space<vmem>>
        tpu.enqueue_dma source(%dma_start3A_110 : memref<16xf32, #tpu.memory_space<vmem>>) target(%dma_start3A_108 : memref<16xf32, #tpu.memory_space<vmem_shared>>) target_semaphore(%run_scoped3A : memref<!tpu.dma_semaphore, #tpu.memory_space<semaphore_mem>>)
        %dma_wait3A_111 = arith.constant 0 : i32
        %dma_wait3A_112 = tpu.memref_slice %arg14[%dma_wait3A_111] : memref<640xf32, #tpu.memory_space<vmem>> -> memref<16xf32, #tpu.memory_space<vmem>>
        %dma_wait3A_113 = arith.constant 9984 : i32
        %dma_wait3A_114 = tpu.memref_slice %arg23[%dma_wait3A_113] : memref<10000xf32, #tpu.memory_space<vmem_shared>> -> memref<16xf32, #tpu.memory_space<vmem_shared>>
        %dma_wait3A_115 = arith.constant 9984 : i32
        %dma_wait3A_116 = tpu.memref_slice %arg23[%dma_wait3A_115] : memref<10000xf32, #tpu.memory_space<vmem_shared>> -> memref<16xf32, #tpu.memory_space<vmem_shared>>
        %dma_wait3A_117 = arith.constant 0 : i32
        %dma_wait3A_118 = tpu.memref_slice %arg14[%dma_wait3A_117] : memref<640xf32, #tpu.memory_space<vmem>> -> memref<16xf32, #tpu.memory_space<vmem>>
        tpu.wait_dma2 semaphore(%run_scoped3A : memref<!tpu.dma_semaphore, #tpu.memory_space<semaphore_mem>>) src(%dma_wait3A_118 : memref<16xf32, #tpu.memory_space<vmem>>) dst(%dma_wait3A_116 : memref<16xf32, #tpu.memory_space<vmem_shared>>)
        tpu.yield
      }) : () -> ()
      "tpu.region"() ({
        %run_scoped3A = tpu.sem_alloc : memref<!tpu.dma_semaphore, #tpu.memory_space<semaphore_mem>>
        %dma_start3A_103 = arith.constant 0 : i32
        %dma_start3A_104 = tpu.memref_slice %arg14[%dma_start3A_103] : memref<640xf32, #tpu.memory_space<vmem>> -> memref<16xf32, #tpu.memory_space<vmem>>
        %dma_start3A_105 = arith.constant 9984 : i32
        %dma_start3A_106 = tpu.memref_slice %arg24[%dma_start3A_105] : memref<10000xf32, #tpu.memory_space<vmem_shared>> -> memref<16xf32, #tpu.memory_space<vmem_shared>>
        %dma_start3A_107 = arith.constant 9984 : i32
        %dma_start3A_108 = tpu.memref_slice %arg24[%dma_start3A_107] : memref<10000xf32, #tpu.memory_space<vmem_shared>> -> memref<16xf32, #tpu.memory_space<vmem_shared>>
        %dma_start3A_109 = arith.constant 0 : i32
        %dma_start3A_110 = tpu.memref_slice %arg14[%dma_start3A_109] : memref<640xf32, #tpu.memory_space<vmem>> -> memref<16xf32, #tpu.memory_space<vmem>>
        tpu.enqueue_dma source(%dma_start3A_110 : memref<16xf32, #tpu.memory_space<vmem>>) target(%dma_start3A_108 : memref<16xf32, #tpu.memory_space<vmem_shared>>) target_semaphore(%run_scoped3A : memref<!tpu.dma_semaphore, #tpu.memory_space<semaphore_mem>>)
        %dma_wait3A_111 = arith.constant 0 : i32
        %dma_wait3A_112 = tpu.memref_slice %arg14[%dma_wait3A_111] : memref<640xf32, #tpu.memory_space<vmem>> -> memref<16xf32, #tpu.memory_space<vmem>>
        %dma_wait3A_113 = arith.constant 9984 : i32
        %dma_wait3A_114 = tpu.memref_slice %arg24[%dma_wait3A_113] : memref<10000xf32, #tpu.memory_space<vmem_shared>> -> memref<16xf32, #tpu.memory_space<vmem_shared>>
        %dma_wait3A_115 = arith.constant 9984 : i32
        %dma_wait3A_116 = tpu.memref_slice %arg24[%dma_wait3A_115] : memref<10000xf32, #tpu.memory_space<vmem_shared>> -> memref<16xf32, #tpu.memory_space<vmem_shared>>
        %dma_wait3A_117 = arith.constant 0 : i32
        %dma_wait3A_118 = tpu.memref_slice %arg14[%dma_wait3A_117] : memref<640xf32, #tpu.memory_space<vmem>> -> memref<16xf32, #tpu.memory_space<vmem>>
        tpu.wait_dma2 semaphore(%run_scoped3A : memref<!tpu.dma_semaphore, #tpu.memory_space<semaphore_mem>>) src(%dma_wait3A_118 : memref<16xf32, #tpu.memory_space<vmem>>) dst(%dma_wait3A_116 : memref<16xf32, #tpu.memory_space<vmem_shared>>)
        tpu.yield
      }) : () -> ()
    } else {
    }
    %barrier3A = arith.constant 0 : index
    tpu.barrier barrier_id(%barrier3A)
    %multiple_of3A_17 = arith.constant 0 : i32
    %multiple_of3A_18 = tpu.assume_multiple %multiple_of3A_17, 8 : i32
    %add3A_19 = arith.addi %multiple_of3A, %multiple_of3A_18 : i32
    %dma_wait3A = tpu.memref_slice %arg2[%add3A_19] : memref<640000xi32, #tpu.memory_space<hbm>> -> memref<128xi32, #tpu.memory_space<hbm>>
    %dma_wait3A_20 = tpu.memref_slice %arg2[%add3A_19] : memref<640000xi32, #tpu.memory_space<hbm>> -> memref<128xi32, #tpu.memory_space<hbm>>
    tpu.wait_dma2 semaphore(%arg15 : memref<!tpu.dma_semaphore, #tpu.memory_space<semaphore_mem>>) src(%dma_wait3A_20 : memref<128xi32, #tpu.memory_space<hbm>>) dst(%arg6 : memref<128xi32, #tpu.memory_space<vmem>>)
    %add3A_21 = arith.constant 320000 : i32
    %add3A_22 = arith.addi %add3A_21, %add3A_19 : i32
    %dma_wait3A_23 = tpu.memref_slice %arg2[%add3A_22] : memref<640000xi32, #tpu.memory_space<hbm>> -> memref<128xi32, #tpu.memory_space<hbm>>
    %dma_wait3A_24 = tpu.memref_slice %arg2[%add3A_22] : memref<640000xi32, #tpu.memory_space<hbm>> -> memref<128xi32, #tpu.memory_space<hbm>>
    tpu.wait_dma2 semaphore(%arg17 : memref<!tpu.dma_semaphore, #tpu.memory_space<semaphore_mem>>) src(%dma_wait3A_24 : memref<128xi32, #tpu.memory_space<hbm>>) dst(%arg8 : memref<128xi32, #tpu.memory_space<vmem>>)
    %dma_start3A_25 = arith.constant 0 : i32
    %dma_start3A_26 = tpu.memref_slice %arg23[%dma_start3A_25] : memref<10000xf32, #tpu.memory_space<vmem_shared>> -> memref<10000xf32, #tpu.memory_space<vmem_shared>>
    tpu.enqueue_indirect_dma source(%arg12 : memref<128xf32, #tpu.memory_space<vmem>>) target(%dma_start3A_26 : memref<10000xf32, #tpu.memory_space<vmem_shared>>) offsets(%arg6 : memref<128xi32, #tpu.memory_space<vmem>>) semaphore(%arg19 : memref<!tpu.dma_semaphore, #tpu.memory_space<semaphore_mem>>) {add = true}
    %dma_start3A_27 = arith.constant 0 : i32
    %dma_start3A_28 = tpu.memref_slice %arg24[%dma_start3A_27] : memref<10000xf32, #tpu.memory_space<vmem_shared>> -> memref<10000xf32, #tpu.memory_space<vmem_shared>>
    tpu.enqueue_indirect_dma source(%arg12 : memref<128xf32, #tpu.memory_space<vmem>>) target(%dma_start3A_28 : memref<10000xf32, #tpu.memory_space<vmem_shared>>) offsets(%arg8 : memref<128xi32, #tpu.memory_space<vmem>>) semaphore(%arg21 : memref<!tpu.dma_semaphore, #tpu.memory_space<semaphore_mem>>) {add = true}
    %multiple_of3A_29 = arith.constant 128 : i32
    %multiple_of3A_30 = tpu.assume_multiple %multiple_of3A_29, 8 : i32
    %add3A_31 = arith.addi %multiple_of3A, %multiple_of3A_30 : i32
    %dma_start3A_32 = tpu.memref_slice %arg2[%add3A_31] : memref<640000xi32, #tpu.memory_space<hbm>> -> memref<128xi32, #tpu.memory_space<hbm>>
    %dma_start3A_33 = tpu.memref_slice %arg2[%add3A_31] : memref<640000xi32, #tpu.memory_space<hbm>> -> memref<128xi32, #tpu.memory_space<hbm>>
    tpu.enqueue_dma source(%dma_start3A_33 : memref<128xi32, #tpu.memory_space<hbm>>) target(%arg7 : memref<128xi32, #tpu.memory_space<vmem>>) target_semaphore(%arg16 : memref<!tpu.dma_semaphore, #tpu.memory_space<semaphore_mem>>)
    %add3A_34 = arith.constant 320000 : i32
    %add3A_35 = arith.addi %add3A_34, %add3A_31 : i32
    %dma_start3A_36 = tpu.memref_slice %arg2[%add3A_35] : memref<640000xi32, #tpu.memory_space<hbm>> -> memref<128xi32, #tpu.memory_space<hbm>>
    %dma_start3A_37 = tpu.memref_slice %arg2[%add3A_35] : memref<640000xi32, #tpu.memory_space<hbm>> -> memref<128xi32, #tpu.memory_space<hbm>>
    tpu.enqueue_dma source(%dma_start3A_37 : memref<128xi32, #tpu.memory_space<hbm>>) target(%arg9 : memref<128xi32, #tpu.memory_space<vmem>>) target_semaphore(%arg18 : memref<!tpu.dma_semaphore, #tpu.memory_space<semaphore_mem>>)
    %scan3A = arith.constant 0 : i32
    %scan3A_38 = arith.constant 38 : i32
    %scan3A_39 = arith.addi %scan3A, %scan3A_38 : i32
    %scan3A_40 = arith.constant 1 : i32
    scf.for %scan3A_103 = %scan3A to %scan3A_39 step %scan3A_40  : i32 {
      %mul3A_104 = arith.constant 2 : i32
      %mul3A_105 = arith.muli %scan3A_103, %mul3A_104 : i32
      %add3A_106 = arith.constant 1 : i32
      %add3A_107 = arith.addi %add3A_106, %mul3A_105 : i32
      %add3A_108 = arith.constant 0 : i32
      %add3A_109 = arith.addi %add3A_107, %add3A_108 : i32
      %mul3A_110 = arith.constant 128 : i32
      %mul3A_111 = arith.muli %add3A_109, %mul3A_110 : i32
      %multiple_of3A_112 = tpu.assume_multiple %mul3A_111, 8 : i32
      %add3A_113 = arith.addi %multiple_of3A, %multiple_of3A_112 : i32
      %dma_wait3A_114 = tpu.memref_slice %arg2[%add3A_113] : memref<640000xi32, #tpu.memory_space<hbm>> -> memref<128xi32, #tpu.memory_space<hbm>>
      %dma_wait3A_115 = tpu.memref_slice %arg2[%add3A_113] : memref<640000xi32, #tpu.memory_space<hbm>> -> memref<128xi32, #tpu.memory_space<hbm>>
      tpu.wait_dma2 semaphore(%arg16 : memref<!tpu.dma_semaphore, #tpu.memory_space<semaphore_mem>>) src(%dma_wait3A_115 : memref<128xi32, #tpu.memory_space<hbm>>) dst(%arg7 : memref<128xi32, #tpu.memory_space<vmem>>)
      %add3A_116 = arith.constant 320000 : i32
      %add3A_117 = arith.addi %add3A_116, %add3A_113 : i32
      %dma_wait3A_118 = tpu.memref_slice %arg2[%add3A_117] : memref<640000xi32, #tpu.memory_space<hbm>> -> memref<128xi32, #tpu.memory_space<hbm>>
      %dma_wait3A_119 = tpu.memref_slice %arg2[%add3A_117] : memref<640000xi32, #tpu.memory_space<hbm>> -> memref<128xi32, #tpu.memory_space<hbm>>
      tpu.wait_dma2 semaphore(%arg18 : memref<!tpu.dma_semaphore, #tpu.memory_space<semaphore_mem>>) src(%dma_wait3A_119 : memref<128xi32, #tpu.memory_space<hbm>>) dst(%arg9 : memref<128xi32, #tpu.memory_space<vmem>>)
      %dma_start3A_120 = arith.constant 0 : i32
      %dma_start3A_121 = tpu.memref_slice %arg23[%dma_start3A_120] : memref<10000xf32, #tpu.memory_space<vmem_shared>> -> memref<10000xf32, #tpu.memory_space<vmem_shared>>
      tpu.enqueue_indirect_dma source(%arg12 : memref<128xf32, #tpu.memory_space<vmem>>) target(%dma_start3A_121 : memref<10000xf32, #tpu.memory_space<vmem_shared>>) offsets(%arg7 : memref<128xi32, #tpu.memory_space<vmem>>) semaphore(%arg20 : memref<!tpu.dma_semaphore, #tpu.memory_space<semaphore_mem>>) {add = true}
      %dma_start3A_122 = arith.constant 0 : i32
      %dma_start3A_123 = tpu.memref_slice %arg24[%dma_start3A_122] : memref<10000xf32, #tpu.memory_space<vmem_shared>> -> memref<10000xf32, #tpu.memory_space<vmem_shared>>
      tpu.enqueue_indirect_dma source(%arg12 : memref<128xf32, #tpu.memory_space<vmem>>) target(%dma_start3A_123 : memref<10000xf32, #tpu.memory_space<vmem_shared>>) offsets(%arg9 : memref<128xi32, #tpu.memory_space<vmem>>) semaphore(%arg22 : memref<!tpu.dma_semaphore, #tpu.memory_space<semaphore_mem>>) {add = true}
      %dma_wait3A_124 = arith.constant 0 : i32
      %dma_wait3A_125 = tpu.memref_slice %arg23[%dma_wait3A_124] : memref<10000xf32, #tpu.memory_space<vmem_shared>> -> memref<10000xf32, #tpu.memory_space<vmem_shared>>
      tpu.wait_indirect_dma semaphore(%arg19 : memref<!tpu.dma_semaphore, #tpu.memory_space<semaphore_mem>>) src(%arg12 : memref<128xf32, #tpu.memory_space<vmem>>) dst(%dma_wait3A_125 : memref<10000xf32, #tpu.memory_space<vmem_shared>>)
      %dma_wait3A_126 = arith.constant 0 : i32
      %dma_wait3A_127 = tpu.memref_slice %arg24[%dma_wait3A_126] : memref<10000xf32, #tpu.memory_space<vmem_shared>> -> memref<10000xf32, #tpu.memory_space<vmem_shared>>
      tpu.wait_indirect_dma semaphore(%arg21 : memref<!tpu.dma_semaphore, #tpu.memory_space<semaphore_mem>>) src(%arg12 : memref<128xf32, #tpu.memory_space<vmem>>) dst(%dma_wait3A_127 : memref<10000xf32, #tpu.memory_space<vmem_shared>>)
      %add3A_128 = arith.constant 1 : i32
      %add3A_129 = arith.addi %add3A_109, %add3A_128 : i32
      %mul3A_130 = arith.constant 128 : i32
      %mul3A_131 = arith.muli %add3A_129, %mul3A_130 : i32
      %multiple_of3A_132 = tpu.assume_multiple %mul3A_131, 8 : i32
      %add3A_133 = arith.addi %multiple_of3A, %multiple_of3A_132 : i32
      %dma_start3A_134 = tpu.memref_slice %arg2[%add3A_133] : memref<640000xi32, #tpu.memory_space<hbm>> -> memref<128xi32, #tpu.memory_space<hbm>>
      %dma_start3A_135 = tpu.memref_slice %arg2[%add3A_133] : memref<640000xi32, #tpu.memory_space<hbm>> -> memref<128xi32, #tpu.memory_space<hbm>>
      tpu.enqueue_dma source(%dma_start3A_135 : memref<128xi32, #tpu.memory_space<hbm>>) target(%arg6 : memref<128xi32, #tpu.memory_space<vmem>>) target_semaphore(%arg15 : memref<!tpu.dma_semaphore, #tpu.memory_space<semaphore_mem>>)
      %add3A_136 = arith.constant 320000 : i32
      %add3A_137 = arith.addi %add3A_136, %add3A_133 : i32
      %dma_start3A_138 = tpu.memref_slice %arg2[%add3A_137] : memref<640000xi32, #tpu.memory_space<hbm>> -> memref<128xi32, #tpu.memory_space<hbm>>
      %dma_start3A_139 = tpu.memref_slice %arg2[%add3A_137] : memref<640000xi32, #tpu.memory_space<hbm>> -> memref<128xi32, #tpu.memory_space<hbm>>
      tpu.enqueue_dma source(%dma_start3A_139 : memref<128xi32, #tpu.memory_space<hbm>>) target(%arg8 : memref<128xi32, #tpu.memory_space<vmem>>) target_semaphore(%arg17 : memref<!tpu.dma_semaphore, #tpu.memory_space<semaphore_mem>>)
      %add3A_140 = arith.constant 1 : i32
      %add3A_141 = arith.addi %add3A_107, %add3A_140 : i32
      %mul3A_142 = arith.constant 128 : i32
      %mul3A_143 = arith.muli %add3A_141, %mul3A_142 : i32
      %multiple_of3A_144 = tpu.assume_multiple %mul3A_143, 8 : i32
      %add3A_145 = arith.addi %multiple_of3A, %multiple_of3A_144 : i32
      %dma_wait3A_146 = tpu.memref_slice %arg2[%add3A_145] : memref<640000xi32, #tpu.memory_space<hbm>> -> memref<128xi32, #tpu.memory_space<hbm>>
      %dma_wait3A_147 = tpu.memref_slice %arg2[%add3A_145] : memref<640000xi32, #tpu.memory_space<hbm>> -> memref<128xi32, #tpu.memory_space<hbm>>
      tpu.wait_dma2 semaphore(%arg15 : memref<!tpu.dma_semaphore, #tpu.memory_space<semaphore_mem>>) src(%dma_wait3A_147 : memref<128xi32, #tpu.memory_space<hbm>>) dst(%arg6 : memref<128xi32, #tpu.memory_space<vmem>>)
      %add3A_148 = arith.constant 320000 : i32
      %add3A_149 = arith.addi %add3A_148, %add3A_145 : i32
      %dma_wait3A_150 = tpu.memref_slice %arg2[%add3A_149] : memref<640000xi32, #tpu.memory_space<hbm>> -> memref<128xi32, #tpu.memory_space<hbm>>
      %dma_wait3A_151 = tpu.memref_slice %arg2[%add3A_149] : memref<640000xi32, #tpu.memory_space<hbm>> -> memref<128xi32, #tpu.memory_space<hbm>>
      tpu.wait_dma2 semaphore(%arg17 : memref<!tpu.dma_semaphore, #tpu.memory_space<semaphore_mem>>) src(%dma_wait3A_151 : memref<128xi32, #tpu.memory_space<hbm>>) dst(%arg8 : memref<128xi32, #tpu.memory_space<vmem>>)
      %dma_start3A_152 = arith.constant 0 : i32
      %dma_start3A_153 = tpu.memref_slice %arg23[%dma_start3A_152] : memref<10000xf32, #tpu.memory_space<vmem_shared>> -> memref<10000xf32, #tpu.memory_space<vmem_shared>>
      tpu.enqueue_indirect_dma source(%arg12 : memref<128xf32, #tpu.memory_space<vmem>>) target(%dma_start3A_153 : memref<10000xf32, #tpu.memory_space<vmem_shared>>) offsets(%arg6 : memref<128xi32, #tpu.memory_space<vmem>>) semaphore(%arg19 : memref<!tpu.dma_semaphore, #tpu.memory_space<semaphore_mem>>) {add = true}
      %dma_start3A_154 = arith.constant 0 : i32
      %dma_start3A_155 = tpu.memref_slice %arg24[%dma_start3A_154] : memref<10000xf32, #tpu.memory_space<vmem_shared>> -> memref<10000xf32, #tpu.memory_space<vmem_shared>>
      tpu.enqueue_indirect_dma source(%arg12 : memref<128xf32, #tpu.memory_space<vmem>>) target(%dma_start3A_155 : memref<10000xf32, #tpu.memory_space<vmem_shared>>) offsets(%arg8 : memref<128xi32, #tpu.memory_space<vmem>>) semaphore(%arg21 : memref<!tpu.dma_semaphore, #tpu.memory_space<semaphore_mem>>) {add = true}
      %dma_wait3A_156 = arith.constant 0 : i32
      %dma_wait3A_157 = tpu.memref_slice %arg23[%dma_wait3A_156] : memref<10000xf32, #tpu.memory_space<vmem_shared>> -> memref<10000xf32, #tpu.memory_space<vmem_shared>>
      tpu.wait_indirect_dma semaphore(%arg20 : memref<!tpu.dma_semaphore, #tpu.memory_space<semaphore_mem>>) src(%arg12 : memref<128xf32, #tpu.memory_space<vmem>>) dst(%dma_wait3A_157 : memref<10000xf32, #tpu.memory_space<vmem_shared>>)
      %dma_wait3A_158 = arith.constant 0 : i32
      %dma_wait3A_159 = tpu.memref_slice %arg24[%dma_wait3A_158] : memref<10000xf32, #tpu.memory_space<vmem_shared>> -> memref<10000xf32, #tpu.memory_space<vmem_shared>>
      tpu.wait_indirect_dma semaphore(%arg22 : memref<!tpu.dma_semaphore, #tpu.memory_space<semaphore_mem>>) src(%arg12 : memref<128xf32, #tpu.memory_space<vmem>>) dst(%dma_wait3A_159 : memref<10000xf32, #tpu.memory_space<vmem_shared>>)
      %add3A_160 = arith.constant 1 : i32
      %add3A_161 = arith.addi %add3A_141, %add3A_160 : i32
      %mul3A_162 = arith.constant 128 : i32
      %mul3A_163 = arith.muli %add3A_161, %mul3A_162 : i32
      %multiple_of3A_164 = tpu.assume_multiple %mul3A_163, 8 : i32
      %add3A_165 = arith.addi %multiple_of3A, %multiple_of3A_164 : i32
      %dma_start3A_166 = tpu.memref_slice %arg2[%add3A_165] : memref<640000xi32, #tpu.memory_space<hbm>> -> memref<128xi32, #tpu.memory_space<hbm>>
      %dma_start3A_167 = tpu.memref_slice %arg2[%add3A_165] : memref<640000xi32, #tpu.memory_space<hbm>> -> memref<128xi32, #tpu.memory_space<hbm>>
      tpu.enqueue_dma source(%dma_start3A_167 : memref<128xi32, #tpu.memory_space<hbm>>) target(%arg7 : memref<128xi32, #tpu.memory_space<vmem>>) target_semaphore(%arg16 : memref<!tpu.dma_semaphore, #tpu.memory_space<semaphore_mem>>)
      %add3A_168 = arith.constant 320000 : i32
      %add3A_169 = arith.addi %add3A_168, %add3A_165 : i32
      %dma_start3A_170 = tpu.memref_slice %arg2[%add3A_169] : memref<640000xi32, #tpu.memory_space<hbm>> -> memref<128xi32, #tpu.memory_space<hbm>>
      %dma_start3A_171 = tpu.memref_slice %arg2[%add3A_169] : memref<640000xi32, #tpu.memory_space<hbm>> -> memref<128xi32, #tpu.memory_space<hbm>>
      tpu.enqueue_dma source(%dma_start3A_171 : memref<128xi32, #tpu.memory_space<hbm>>) target(%arg9 : memref<128xi32, #tpu.memory_space<vmem>>) target_semaphore(%arg18 : memref<!tpu.dma_semaphore, #tpu.memory_space<semaphore_mem>>)
    }
    %scan3A_41 = arith.constant 38 : i32
    %multiple_of3A_42 = arith.constant 9856 : i32
    %multiple_of3A_43 = tpu.assume_multiple %multiple_of3A_42, 8 : i32
    %add3A_44 = arith.addi %multiple_of3A, %multiple_of3A_43 : i32
    %dma_wait3A_45 = tpu.memref_slice %arg2[%add3A_44] : memref<640000xi32, #tpu.memory_space<hbm>> -> memref<128xi32, #tpu.memory_space<hbm>>
    %dma_wait3A_46 = tpu.memref_slice %arg2[%add3A_44] : memref<640000xi32, #tpu.memory_space<hbm>> -> memref<128xi32, #tpu.memory_space<hbm>>
    tpu.wait_dma2 semaphore(%arg16 : memref<!tpu.dma_semaphore, #tpu.memory_space<semaphore_mem>>) src(%dma_wait3A_46 : memref<128xi32, #tpu.memory_space<hbm>>) dst(%arg7 : memref<128xi32, #tpu.memory_space<vmem>>)
    %add3A_47 = arith.constant 320000 : i32
    %add3A_48 = arith.addi %add3A_47, %add3A_44 : i32
    %dma_wait3A_49 = tpu.memref_slice %arg2[%add3A_48] : memref<640000xi32, #tpu.memory_space<hbm>> -> memref<128xi32, #tpu.memory_space<hbm>>
    %dma_wait3A_50 = tpu.memref_slice %arg2[%add3A_48] : memref<640000xi32, #tpu.memory_space<hbm>> -> memref<128xi32, #tpu.memory_space<hbm>>
    tpu.wait_dma2 semaphore(%arg18 : memref<!tpu.dma_semaphore, #tpu.memory_space<semaphore_mem>>) src(%dma_wait3A_50 : memref<128xi32, #tpu.memory_space<hbm>>) dst(%arg9 : memref<128xi32, #tpu.memory_space<vmem>>)
    %dma_start3A_51 = arith.constant 0 : i32
    %dma_start3A_52 = tpu.memref_slice %arg23[%dma_start3A_51] : memref<10000xf32, #tpu.memory_space<vmem_shared>> -> memref<10000xf32, #tpu.memory_space<vmem_shared>>
    tpu.enqueue_indirect_dma source(%arg12 : memref<128xf32, #tpu.memory_space<vmem>>) target(%dma_start3A_52 : memref<10000xf32, #tpu.memory_space<vmem_shared>>) offsets(%arg7 : memref<128xi32, #tpu.memory_space<vmem>>) semaphore(%arg20 : memref<!tpu.dma_semaphore, #tpu.memory_space<semaphore_mem>>) {add = true}
    %dma_start3A_53 = arith.constant 0 : i32
    %dma_start3A_54 = tpu.memref_slice %arg24[%dma_start3A_53] : memref<10000xf32, #tpu.memory_space<vmem_shared>> -> memref<10000xf32, #tpu.memory_space<vmem_shared>>
    tpu.enqueue_indirect_dma source(%arg12 : memref<128xf32, #tpu.memory_space<vmem>>) target(%dma_start3A_54 : memref<10000xf32, #tpu.memory_space<vmem_shared>>) offsets(%arg9 : memref<128xi32, #tpu.memory_space<vmem>>) semaphore(%arg22 : memref<!tpu.dma_semaphore, #tpu.memory_space<semaphore_mem>>) {add = true}
    %dma_wait3A_55 = arith.constant 0 : i32
    %dma_wait3A_56 = tpu.memref_slice %arg23[%dma_wait3A_55] : memref<10000xf32, #tpu.memory_space<vmem_shared>> -> memref<10000xf32, #tpu.memory_space<vmem_shared>>
    tpu.wait_indirect_dma semaphore(%arg19 : memref<!tpu.dma_semaphore, #tpu.memory_space<semaphore_mem>>) src(%arg12 : memref<128xf32, #tpu.memory_space<vmem>>) dst(%dma_wait3A_56 : memref<10000xf32, #tpu.memory_space<vmem_shared>>)
    %dma_wait3A_57 = arith.constant 0 : i32
    %dma_wait3A_58 = tpu.memref_slice %arg24[%dma_wait3A_57] : memref<10000xf32, #tpu.memory_space<vmem_shared>> -> memref<10000xf32, #tpu.memory_space<vmem_shared>>
    tpu.wait_indirect_dma semaphore(%arg21 : memref<!tpu.dma_semaphore, #tpu.memory_space<semaphore_mem>>) src(%arg12 : memref<128xf32, #tpu.memory_space<vmem>>) dst(%dma_wait3A_58 : memref<10000xf32, #tpu.memory_space<vmem_shared>>)
    %dma_wait3A_59 = arith.constant 0 : i32
    %dma_wait3A_60 = tpu.memref_slice %arg23[%dma_wait3A_59] : memref<10000xf32, #tpu.memory_space<vmem_shared>> -> memref<10000xf32, #tpu.memory_space<vmem_shared>>
    tpu.wait_indirect_dma semaphore(%arg20 : memref<!tpu.dma_semaphore, #tpu.memory_space<semaphore_mem>>) src(%arg12 : memref<128xf32, #tpu.memory_space<vmem>>) dst(%dma_wait3A_60 : memref<10000xf32, #tpu.memory_space<vmem_shared>>)
    %dma_wait3A_61 = arith.constant 0 : i32
    %dma_wait3A_62 = tpu.memref_slice %arg24[%dma_wait3A_61] : memref<10000xf32, #tpu.memory_space<vmem_shared>> -> memref<10000xf32, #tpu.memory_space<vmem_shared>>
    tpu.wait_indirect_dma semaphore(%arg22 : memref<!tpu.dma_semaphore, #tpu.memory_space<semaphore_mem>>) src(%arg12 : memref<128xf32, #tpu.memory_space<vmem>>) dst(%dma_wait3A_62 : memref<10000xf32, #tpu.memory_space<vmem_shared>>)
    %multiple_of3A_63 = arith.constant 9984 : i32
    %multiple_of3A_64 = tpu.assume_multiple %multiple_of3A_63, 8 : i32
    %add3A_65 = arith.addi %multiple_of3A, %multiple_of3A_64 : i32
    "tpu.region"() ({
      %run_scoped3A = tpu.sem_alloc : memref<!tpu.dma_semaphore, #tpu.memory_space<semaphore_mem>>
      %dma_start3A_103 = tpu.memref_slice %arg2[%add3A_65] : memref<640000xi32, #tpu.memory_space<hbm>> -> memref<16xi32, #tpu.memory_space<hbm>>
      %dma_start3A_104 = tpu.memref_slice %arg2[%add3A_65] : memref<640000xi32, #tpu.memory_space<hbm>> -> memref<16xi32, #tpu.memory_space<hbm>>
      tpu.enqueue_dma source(%dma_start3A_104 : memref<16xi32, #tpu.memory_space<hbm>>) target(%arg10 : memref<16xi32, #tpu.memory_space<vmem>>) target_semaphore(%run_scoped3A : memref<!tpu.dma_semaphore, #tpu.memory_space<semaphore_mem>>)
      %dma_wait3A_105 = tpu.memref_slice %arg2[%add3A_65] : memref<640000xi32, #tpu.memory_space<hbm>> -> memref<16xi32, #tpu.memory_space<hbm>>
      %dma_wait3A_106 = tpu.memref_slice %arg2[%add3A_65] : memref<640000xi32, #tpu.memory_space<hbm>> -> memref<16xi32, #tpu.memory_space<hbm>>
      tpu.wait_dma2 semaphore(%run_scoped3A : memref<!tpu.dma_semaphore, #tpu.memory_space<semaphore_mem>>) src(%dma_wait3A_106 : memref<16xi32, #tpu.memory_space<hbm>>) dst(%arg10 : memref<16xi32, #tpu.memory_space<vmem>>)
      tpu.yield
    }) : () -> ()
    %add3A_66 = arith.constant 320000 : i32
    %add3A_67 = arith.addi %add3A_66, %add3A_65 : i32
    "tpu.region"() ({
      %run_scoped3A = tpu.sem_alloc : memref<!tpu.dma_semaphore, #tpu.memory_space<semaphore_mem>>
      %dma_start3A_103 = tpu.memref_slice %arg2[%add3A_67] : memref<640000xi32, #tpu.memory_space<hbm>> -> memref<16xi32, #tpu.memory_space<hbm>>
      %dma_start3A_104 = tpu.memref_slice %arg2[%add3A_67] : memref<640000xi32, #tpu.memory_space<hbm>> -> memref<16xi32, #tpu.memory_space<hbm>>
      tpu.enqueue_dma source(%dma_start3A_104 : memref<16xi32, #tpu.memory_space<hbm>>) target(%arg11 : memref<16xi32, #tpu.memory_space<vmem>>) target_semaphore(%run_scoped3A : memref<!tpu.dma_semaphore, #tpu.memory_space<semaphore_mem>>)
      %dma_wait3A_105 = tpu.memref_slice %arg2[%add3A_67] : memref<640000xi32, #tpu.memory_space<hbm>> -> memref<16xi32, #tpu.memory_space<hbm>>
      %dma_wait3A_106 = tpu.memref_slice %arg2[%add3A_67] : memref<640000xi32, #tpu.memory_space<hbm>> -> memref<16xi32, #tpu.memory_space<hbm>>
      tpu.wait_dma2 semaphore(%run_scoped3A : memref<!tpu.dma_semaphore, #tpu.memory_space<semaphore_mem>>) src(%dma_wait3A_106 : memref<16xi32, #tpu.memory_space<hbm>>) dst(%arg11 : memref<16xi32, #tpu.memory_space<vmem>>)
      tpu.yield
    }) : () -> ()
    "tpu.region"() ({
      %run_scoped3A = tpu.sem_alloc : memref<!tpu.dma_semaphore, #tpu.memory_space<semaphore_mem>>
      %dma_start3A_103 = arith.constant 0 : i32
      %dma_start3A_104 = tpu.memref_slice %arg3[%dma_start3A_103] : memref<128xf32, #tpu.memory_space<hbm>> -> memref<16xf32, #tpu.memory_space<hbm>>
      %dma_start3A_105 = arith.constant 0 : i32
      %dma_start3A_106 = tpu.memref_slice %arg3[%dma_start3A_105] : memref<128xf32, #tpu.memory_space<hbm>> -> memref<16xf32, #tpu.memory_space<hbm>>
      tpu.enqueue_dma source(%dma_start3A_106 : memref<16xf32, #tpu.memory_space<hbm>>) target(%arg13 : memref<16xf32, #tpu.memory_space<vmem>>) target_semaphore(%run_scoped3A : memref<!tpu.dma_semaphore, #tpu.memory_space<semaphore_mem>>)
      %dma_wait3A_107 = arith.constant 0 : i32
      %dma_wait3A_108 = tpu.memref_slice %arg3[%dma_wait3A_107] : memref<128xf32, #tpu.memory_space<hbm>> -> memref<16xf32, #tpu.memory_space<hbm>>
      %dma_wait3A_109 = arith.constant 0 : i32
      %dma_wait3A_110 = tpu.memref_slice %arg3[%dma_wait3A_109] : memref<128xf32, #tpu.memory_space<hbm>> -> memref<16xf32, #tpu.memory_space<hbm>>
      tpu.wait_dma2 semaphore(%run_scoped3A : memref<!tpu.dma_semaphore, #tpu.memory_space<semaphore_mem>>) src(%dma_wait3A_110 : memref<16xf32, #tpu.memory_space<hbm>>) dst(%arg13 : memref<16xf32, #tpu.memory_space<vmem>>)
      tpu.yield
    }) : () -> ()
    "tpu.region"() ({
      %run_scoped3A = tpu.sem_alloc : memref<!tpu.dma_semaphore, #tpu.memory_space<semaphore_mem>>
      %dma_start3A_103 = arith.constant 0 : i32
      %dma_start3A_104 = tpu.memref_slice %arg23[%dma_start3A_103] : memref<10000xf32, #tpu.memory_space<vmem_shared>> -> memref<10000xf32, #tpu.memory_space<vmem_shared>>
      tpu.enqueue_indirect_dma source(%arg13 : memref<16xf32, #tpu.memory_space<vmem>>) target(%dma_start3A_104 : memref<10000xf32, #tpu.memory_space<vmem_shared>>) offsets(%arg10 : memref<16xi32, #tpu.memory_space<vmem>>) semaphore(%run_scoped3A : memref<!tpu.dma_semaphore, #tpu.memory_space<semaphore_mem>>) {add = true}
      %dma_wait3A_105 = arith.constant 0 : i32
      %dma_wait3A_106 = tpu.memref_slice %arg23[%dma_wait3A_105] : memref<10000xf32, #tpu.memory_space<vmem_shared>> -> memref<10000xf32, #tpu.memory_space<vmem_shared>>
      tpu.wait_indirect_dma semaphore(%run_scoped3A : memref<!tpu.dma_semaphore, #tpu.memory_space<semaphore_mem>>) src(%arg13 : memref<16xf32, #tpu.memory_space<vmem>>) dst(%dma_wait3A_106 : memref<10000xf32, #tpu.memory_space<vmem_shared>>)
      tpu.yield
    }) : () -> ()
    "tpu.region"() ({
      %run_scoped3A = tpu.sem_alloc : memref<!tpu.dma_semaphore, #tpu.memory_space<semaphore_mem>>
      %dma_start3A_103 = arith.constant 0 : i32
      %dma_start3A_104 = tpu.memref_slice %arg24[%dma_start3A_103] : memref<10000xf32, #tpu.memory_space<vmem_shared>> -> memref<10000xf32, #tpu.memory_space<vmem_shared>>
      tpu.enqueue_indirect_dma source(%arg13 : memref<16xf32, #tpu.memory_space<vmem>>) target(%dma_start3A_104 : memref<10000xf32, #tpu.memory_space<vmem_shared>>) offsets(%arg11 : memref<16xi32, #tpu.memory_space<vmem>>) semaphore(%run_scoped3A : memref<!tpu.dma_semaphore, #tpu.memory_space<semaphore_mem>>) {add = true}
      %dma_wait3A_105 = arith.constant 0 : i32
      %dma_wait3A_106 = tpu.memref_slice %arg24[%dma_wait3A_105] : memref<10000xf32, #tpu.memory_space<vmem_shared>> -> memref<10000xf32, #tpu.memory_space<vmem_shared>>
      tpu.wait_indirect_dma semaphore(%run_scoped3A : memref<!tpu.dma_semaphore, #tpu.memory_space<semaphore_mem>>) src(%arg13 : memref<16xf32, #tpu.memory_space<vmem>>) dst(%dma_wait3A_106 : memref<10000xf32, #tpu.memory_space<vmem_shared>>)
      tpu.yield
    }) : () -> ()
    %barrier3A_68 = arith.constant 0 : index
    tpu.barrier barrier_id(%barrier3A_68)
    %mul3A_69 = arith.constant 2 : i32
    %mul3A_70 = arith.muli %arg0, %mul3A_69 : i32
    %add3A_71 = arith.constant 0 : i32
    %add3A_72 = arith.addi %mul3A_70, %add3A_71 : i32
    %mul3A_73 = arith.constant 10000 : i32
    %mul3A_74 = arith.muli %add3A_72, %mul3A_73 : i32
    %multiple_of3A_75 = tpu.assume_multiple %mul3A_74, 8 : i32
    %mul3A_76 = arith.constant 624 : i32
    %mul3A_77 = arith.muli %arg1, %mul3A_76 : i32
    "tpu.region"() ({
      %run_scoped3A = tpu.sem_alloc : memref<!tpu.dma_semaphore, #tpu.memory_space<semaphore_mem>>
      %dma_start3A_103 = arith.constant 0 : i32
      %dma_start3A_104 = tpu.memref_slice %arg14[%dma_start3A_103] : memref<640xf32, #tpu.memory_space<vmem>> -> memref<624xf32, #tpu.memory_space<vmem>>
      %dma_start3A_105 = tpu.memref_slice %arg23[%mul3A_77] : memref<10000xf32, #tpu.memory_space<vmem_shared>> -> memref<624xf32, #tpu.memory_space<vmem_shared>>
      %dma_start3A_106 = arith.constant 0 : i32
      %dma_start3A_107 = tpu.memref_slice %arg14[%dma_start3A_106] : memref<640xf32, #tpu.memory_space<vmem>> -> memref<624xf32, #tpu.memory_space<vmem>>
      %dma_start3A_108 = tpu.memref_slice %arg23[%mul3A_77] : memref<10000xf32, #tpu.memory_space<vmem_shared>> -> memref<624xf32, #tpu.memory_space<vmem_shared>>
      tpu.enqueue_dma source(%dma_start3A_108 : memref<624xf32, #tpu.memory_space<vmem_shared>>) target(%dma_start3A_107 : memref<624xf32, #tpu.memory_space<vmem>>) target_semaphore(%run_scoped3A : memref<!tpu.dma_semaphore, #tpu.memory_space<semaphore_mem>>)
      %dma_wait3A_109 = arith.constant 0 : i32
      %dma_wait3A_110 = tpu.memref_slice %arg14[%dma_wait3A_109] : memref<640xf32, #tpu.memory_space<vmem>> -> memref<624xf32, #tpu.memory_space<vmem>>
      %dma_wait3A_111 = tpu.memref_slice %arg23[%mul3A_77] : memref<10000xf32, #tpu.memory_space<vmem_shared>> -> memref<624xf32, #tpu.memory_space<vmem_shared>>
      %dma_wait3A_112 = arith.constant 0 : i32
      %dma_wait3A_113 = tpu.memref_slice %arg14[%dma_wait3A_112] : memref<640xf32, #tpu.memory_space<vmem>> -> memref<624xf32, #tpu.memory_space<vmem>>
      %dma_wait3A_114 = tpu.memref_slice %arg23[%mul3A_77] : memref<10000xf32, #tpu.memory_space<vmem_shared>> -> memref<624xf32, #tpu.memory_space<vmem_shared>>
      tpu.wait_dma2 semaphore(%run_scoped3A : memref<!tpu.dma_semaphore, #tpu.memory_space<semaphore_mem>>) src(%dma_wait3A_114 : memref<624xf32, #tpu.memory_space<vmem_shared>>) dst(%dma_wait3A_113 : memref<624xf32, #tpu.memory_space<vmem>>)
      tpu.yield
    }) : () -> ()
    %mul3A_78 = arith.constant 624 : i32
    %mul3A_79 = arith.muli %arg1, %mul3A_78 : i32
    %add3A_80 = arith.addi %multiple_of3A_75, %mul3A_79 : i32
    "tpu.region"() ({
      %run_scoped3A = tpu.sem_alloc : memref<!tpu.dma_semaphore, #tpu.memory_space<semaphore_mem>>
      %dma_start3A_103 = arith.constant 0 : i32
      %dma_start3A_104 = tpu.memref_slice %arg14[%dma_start3A_103] : memref<640xf32, #tpu.memory_space<vmem>> -> memref<624xf32, #tpu.memory_space<vmem>>
      %dma_start3A_105 = tpu.memref_slice %arg5[%add3A_80] : memref<40000xf32, #tpu.memory_space<hbm>> -> memref<624xf32, #tpu.memory_space<hbm>>
      %dma_start3A_106 = tpu.memref_slice %arg5[%add3A_80] : memref<40000xf32, #tpu.memory_space<hbm>> -> memref<624xf32, #tpu.memory_space<hbm>>
      %dma_start3A_107 = arith.constant 0 : i32
      %dma_start3A_108 = tpu.memref_slice %arg14[%dma_start3A_107] : memref<640xf32, #tpu.memory_space<vmem>> -> memref<624xf32, #tpu.memory_space<vmem>>
      tpu.enqueue_dma source(%dma_start3A_108 : memref<624xf32, #tpu.memory_space<vmem>>) target(%dma_start3A_106 : memref<624xf32, #tpu.memory_space<hbm>>) target_semaphore(%run_scoped3A : memref<!tpu.dma_semaphore, #tpu.memory_space<semaphore_mem>>)
      %dma_wait3A_109 = arith.constant 0 : i32
      %dma_wait3A_110 = tpu.memref_slice %arg14[%dma_wait3A_109] : memref<640xf32, #tpu.memory_space<vmem>> -> memref<624xf32, #tpu.memory_space<vmem>>
      %dma_wait3A_111 = tpu.memref_slice %arg5[%add3A_80] : memref<40000xf32, #tpu.memory_space<hbm>> -> memref<624xf32, #tpu.memory_space<hbm>>
      %dma_wait3A_112 = tpu.memref_slice %arg5[%add3A_80] : memref<40000xf32, #tpu.memory_space<hbm>> -> memref<624xf32, #tpu.memory_space<hbm>>
      %dma_wait3A_113 = arith.constant 0 : i32
      %dma_wait3A_114 = tpu.memref_slice %arg14[%dma_wait3A_113] : memref<640xf32, #tpu.memory_space<vmem>> -> memref<624xf32, #tpu.memory_space<vmem>>
      tpu.wait_dma2 semaphore(%run_scoped3A : memref<!tpu.dma_semaphore, #tpu.memory_space<semaphore_mem>>) src(%dma_wait3A_114 : memref<624xf32, #tpu.memory_space<vmem>>) dst(%dma_wait3A_112 : memref<624xf32, #tpu.memory_space<hbm>>)
      tpu.yield
    }) : () -> ()
    %eq3A_81 = arith.constant 15 : i32
    %eq3A_82 = arith.cmpi eq, %arg1, %eq3A_81 : i32
    %convert_element_type3A_83 = arith.extui %eq3A_82 : i1 to i32
    %cond3A_84 = arith.constant 0 : i32
    %cond3A_85 = arith.cmpi ne, %convert_element_type3A_83, %cond3A_84 : i32
    scf.if %cond3A_85 {
      "tpu.region"() ({
        %run_scoped3A = tpu.sem_alloc : memref<!tpu.dma_semaphore, #tpu.memory_space<semaphore_mem>>
        %dma_start3A_105 = arith.constant 624 : i32
        %dma_start3A_106 = tpu.memref_slice %arg14[%dma_start3A_105] : memref<640xf32, #tpu.memory_space<vmem>> -> memref<16xf32, #tpu.memory_space<vmem>>
        %dma_start3A_107 = arith.constant 9984 : i32
        %dma_start3A_108 = tpu.memref_slice %arg23[%dma_start3A_107] : memref<10000xf32, #tpu.memory_space<vmem_shared>> -> memref<16xf32, #tpu.memory_space<vmem_shared>>
        %dma_start3A_109 = arith.constant 624 : i32
        %dma_start3A_110 = tpu.memref_slice %arg14[%dma_start3A_109] : memref<640xf32, #tpu.memory_space<vmem>> -> memref<16xf32, #tpu.memory_space<vmem>>
        %dma_start3A_111 = arith.constant 9984 : i32
        %dma_start3A_112 = tpu.memref_slice %arg23[%dma_start3A_111] : memref<10000xf32, #tpu.memory_space<vmem_shared>> -> memref<16xf32, #tpu.memory_space<vmem_shared>>
        tpu.enqueue_dma source(%dma_start3A_112 : memref<16xf32, #tpu.memory_space<vmem_shared>>) target(%dma_start3A_110 : memref<16xf32, #tpu.memory_space<vmem>>) target_semaphore(%run_scoped3A : memref<!tpu.dma_semaphore, #tpu.memory_space<semaphore_mem>>)
        %dma_wait3A_113 = arith.constant 624 : i32
        %dma_wait3A_114 = tpu.memref_slice %arg14[%dma_wait3A_113] : memref<640xf32, #tpu.memory_space<vmem>> -> memref<16xf32, #tpu.memory_space<vmem>>
        %dma_wait3A_115 = arith.constant 9984 : i32
        %dma_wait3A_116 = tpu.memref_slice %arg23[%dma_wait3A_115] : memref<10000xf32, #tpu.memory_space<vmem_shared>> -> memref<16xf32, #tpu.memory_space<vmem_shared>>
        %dma_wait3A_117 = arith.constant 624 : i32
        %dma_wait3A_118 = tpu.memref_slice %arg14[%dma_wait3A_117] : memref<640xf32, #tpu.memory_space<vmem>> -> memref<16xf32, #tpu.memory_space<vmem>>
        %dma_wait3A_119 = arith.constant 9984 : i32
        %dma_wait3A_120 = tpu.memref_slice %arg23[%dma_wait3A_119] : memref<10000xf32, #tpu.memory_space<vmem_shared>> -> memref<16xf32, #tpu.memory_space<vmem_shared>>
        tpu.wait_dma2 semaphore(%run_scoped3A : memref<!tpu.dma_semaphore, #tpu.memory_space<semaphore_mem>>) src(%dma_wait3A_120 : memref<16xf32, #tpu.memory_space<vmem_shared>>) dst(%dma_wait3A_118 : memref<16xf32, #tpu.memory_space<vmem>>)
        tpu.yield
      }) : () -> ()
      %add3A_103 = arith.constant 9984 : i32
      %add3A_104 = arith.addi %multiple_of3A_75, %add3A_103 : i32
      "tpu.region"() ({
        %run_scoped3A = tpu.sem_alloc : memref<!tpu.dma_semaphore, #tpu.memory_space<semaphore_mem>>
        %dma_start3A_105 = arith.constant 624 : i32
        %dma_start3A_106 = tpu.memref_slice %arg14[%dma_start3A_105] : memref<640xf32, #tpu.memory_space<vmem>> -> memref<16xf32, #tpu.memory_space<vmem>>
        %dma_start3A_107 = tpu.memref_slice %arg5[%add3A_104] : memref<40000xf32, #tpu.memory_space<hbm>> -> memref<16xf32, #tpu.memory_space<hbm>>
        %dma_start3A_108 = tpu.memref_slice %arg5[%add3A_104] : memref<40000xf32, #tpu.memory_space<hbm>> -> memref<16xf32, #tpu.memory_space<hbm>>
        %dma_start3A_109 = arith.constant 624 : i32
        %dma_start3A_110 = tpu.memref_slice %arg14[%dma_start3A_109] : memref<640xf32, #tpu.memory_space<vmem>> -> memref<16xf32, #tpu.memory_space<vmem>>
        tpu.enqueue_dma source(%dma_start3A_110 : memref<16xf32, #tpu.memory_space<vmem>>) target(%dma_start3A_108 : memref<16xf32, #tpu.memory_space<hbm>>) target_semaphore(%run_scoped3A : memref<!tpu.dma_semaphore, #tpu.memory_space<semaphore_mem>>)
        %dma_wait3A_111 = arith.constant 624 : i32
        %dma_wait3A_112 = tpu.memref_slice %arg14[%dma_wait3A_111] : memref<640xf32, #tpu.memory_space<vmem>> -> memref<16xf32, #tpu.memory_space<vmem>>
        %dma_wait3A_113 = tpu.memref_slice %arg5[%add3A_104] : memref<40000xf32, #tpu.memory_space<hbm>> -> memref<16xf32, #tpu.memory_space<hbm>>
        %dma_wait3A_114 = tpu.memref_slice %arg5[%add3A_104] : memref<40000xf32, #tpu.memory_space<hbm>> -> memref<16xf32, #tpu.memory_space<hbm>>
        %dma_wait3A_115 = arith.constant 624 : i32
        %dma_wait3A_116 = tpu.memref_slice %arg14[%dma_wait3A_115] : memref<640xf32, #tpu.memory_space<vmem>> -> memref<16xf32, #tpu.memory_space<vmem>>
        tpu.wait_dma2 semaphore(%run_scoped3A : memref<!tpu.dma_semaphore, #tpu.memory_space<semaphore_mem>>) src(%dma_wait3A_116 : memref<16xf32, #tpu.memory_space<vmem>>) dst(%dma_wait3A_114 : memref<16xf32, #tpu.memory_space<hbm>>)
        tpu.yield
      }) : () -> ()
    } else {
    }
    %mul3A_86 = arith.constant 2 : i32
    %mul3A_87 = arith.muli %arg0, %mul3A_86 : i32
    %add3A_88 = arith.constant 1 : i32
    %add3A_89 = arith.addi %mul3A_87, %add3A_88 : i32
    %mul3A_90 = arith.constant 10000 : i32
    %mul3A_91 = arith.muli %add3A_89, %mul3A_90 : i32
    %multiple_of3A_92 = tpu.assume_multiple %mul3A_91, 8 : i32
    %mul3A_93 = arith.constant 624 : i32
    %mul3A_94 = arith.muli %arg1, %mul3A_93 : i32
    "tpu.region"() ({
      %run_scoped3A = tpu.sem_alloc : memref<!tpu.dma_semaphore, #tpu.memory_space<semaphore_mem>>
      %dma_start3A_103 = arith.constant 0 : i32
      %dma_start3A_104 = tpu.memref_slice %arg14[%dma_start3A_103] : memref<640xf32, #tpu.memory_space<vmem>> -> memref<624xf32, #tpu.memory_space<vmem>>
      %dma_start3A_105 = tpu.memref_slice %arg24[%mul3A_94] : memref<10000xf32, #tpu.memory_space<vmem_shared>> -> memref<624xf32, #tpu.memory_space<vmem_shared>>
      %dma_start3A_106 = arith.constant 0 : i32
      %dma_start3A_107 = tpu.memref_slice %arg14[%dma_start3A_106] : memref<640xf32, #tpu.memory_space<vmem>> -> memref<624xf32, #tpu.memory_space<vmem>>
      %dma_start3A_108 = tpu.memref_slice %arg24[%mul3A_94] : memref<10000xf32, #tpu.memory_space<vmem_shared>> -> memref<624xf32, #tpu.memory_space<vmem_shared>>
      tpu.enqueue_dma source(%dma_start3A_108 : memref<624xf32, #tpu.memory_space<vmem_shared>>) target(%dma_start3A_107 : memref<624xf32, #tpu.memory_space<vmem>>) target_semaphore(%run_scoped3A : memref<!tpu.dma_semaphore, #tpu.memory_space<semaphore_mem>>)
      %dma_wait3A_109 = arith.constant 0 : i32
      %dma_wait3A_110 = tpu.memref_slice %arg14[%dma_wait3A_109] : memref<640xf32, #tpu.memory_space<vmem>> -> memref<624xf32, #tpu.memory_space<vmem>>
      %dma_wait3A_111 = tpu.memref_slice %arg24[%mul3A_94] : memref<10000xf32, #tpu.memory_space<vmem_shared>> -> memref<624xf32, #tpu.memory_space<vmem_shared>>
      %dma_wait3A_112 = arith.constant 0 : i32
      %dma_wait3A_113 = tpu.memref_slice %arg14[%dma_wait3A_112] : memref<640xf32, #tpu.memory_space<vmem>> -> memref<624xf32, #tpu.memory_space<vmem>>
      %dma_wait3A_114 = tpu.memref_slice %arg24[%mul3A_94] : memref<10000xf32, #tpu.memory_space<vmem_shared>> -> memref<624xf32, #tpu.memory_space<vmem_shared>>
      tpu.wait_dma2 semaphore(%run_scoped3A : memref<!tpu.dma_semaphore, #tpu.memory_space<semaphore_mem>>) src(%dma_wait3A_114 : memref<624xf32, #tpu.memory_space<vmem_shared>>) dst(%dma_wait3A_113 : memref<624xf32, #tpu.memory_space<vmem>>)
      tpu.yield
    }) : () -> ()
    %mul3A_95 = arith.constant 624 : i32
    %mul3A_96 = arith.muli %arg1, %mul3A_95 : i32
    %add3A_97 = arith.addi %multiple_of3A_92, %mul3A_96 : i32
    "tpu.region"() ({
      %run_scoped3A = tpu.sem_alloc : memref<!tpu.dma_semaphore, #tpu.memory_space<semaphore_mem>>
      %dma_start3A_103 = arith.constant 0 : i32
      %dma_start3A_104 = tpu.memref_slice %arg14[%dma_start3A_103] : memref<640xf32, #tpu.memory_space<vmem>> -> memref<624xf32, #tpu.memory_space<vmem>>
      %dma_start3A_105 = tpu.memref_slice %arg5[%add3A_97] : memref<40000xf32, #tpu.memory_space<hbm>> -> memref<624xf32, #tpu.memory_space<hbm>>
      %dma_start3A_106 = tpu.memref_slice %arg5[%add3A_97] : memref<40000xf32, #tpu.memory_space<hbm>> -> memref<624xf32, #tpu.memory_space<hbm>>
      %dma_start3A_107 = arith.constant 0 : i32
      %dma_start3A_108 = tpu.memref_slice %arg14[%dma_start3A_107] : memref<640xf32, #tpu.memory_space<vmem>> -> memref<624xf32, #tpu.memory_space<vmem>>
      tpu.enqueue_dma source(%dma_start3A_108 : memref<624xf32, #tpu.memory_space<vmem>>) target(%dma_start3A_106 : memref<624xf32, #tpu.memory_space<hbm>>) target_semaphore(%run_scoped3A : memref<!tpu.dma_semaphore, #tpu.memory_space<semaphore_mem>>)
      %dma_wait3A_109 = arith.constant 0 : i32
      %dma_wait3A_110 = tpu.memref_slice %arg14[%dma_wait3A_109] : memref<640xf32, #tpu.memory_space<vmem>> -> memref<624xf32, #tpu.memory_space<vmem>>
      %dma_wait3A_111 = tpu.memref_slice %arg5[%add3A_97] : memref<40000xf32, #tpu.memory_space<hbm>> -> memref<624xf32, #tpu.memory_space<hbm>>
      %dma_wait3A_112 = tpu.memref_slice %arg5[%add3A_97] : memref<40000xf32, #tpu.memory_space<hbm>> -> memref<624xf32, #tpu.memory_space<hbm>>
      %dma_wait3A_113 = arith.constant 0 : i32
      %dma_wait3A_114 = tpu.memref_slice %arg14[%dma_wait3A_113] : memref<640xf32, #tpu.memory_space<vmem>> -> memref<624xf32, #tpu.memory_space<vmem>>
      tpu.wait_dma2 semaphore(%run_scoped3A : memref<!tpu.dma_semaphore, #tpu.memory_space<semaphore_mem>>) src(%dma_wait3A_114 : memref<624xf32, #tpu.memory_space<vmem>>) dst(%dma_wait3A_112 : memref<624xf32, #tpu.memory_space<hbm>>)
      tpu.yield
    }) : () -> ()
    %eq3A_98 = arith.constant 15 : i32
    %eq3A_99 = arith.cmpi eq, %arg1, %eq3A_98 : i32
    %convert_element_type3A_100 = arith.extui %eq3A_99 : i1 to i32
    %cond3A_101 = arith.constant 0 : i32
    %cond3A_102 = arith.cmpi ne, %convert_element_type3A_100, %cond3A_101 : i32
    scf.if %cond3A_102 {
      "tpu.region"() ({
        %run_scoped3A = tpu.sem_alloc : memref<!tpu.dma_semaphore, #tpu.memory_space<semaphore_mem>>
        %dma_start3A_105 = arith.constant 624 : i32
        %dma_start3A_106 = tpu.memref_slice %arg14[%dma_start3A_105] : memref<640xf32, #tpu.memory_space<vmem>> -> memref<16xf32, #tpu.memory_space<vmem>>
        %dma_start3A_107 = arith.constant 9984 : i32
        %dma_start3A_108 = tpu.memref_slice %arg24[%dma_start3A_107] : memref<10000xf32, #tpu.memory_space<vmem_shared>> -> memref<16xf32, #tpu.memory_space<vmem_shared>>
        %dma_start3A_109 = arith.constant 624 : i32
        %dma_start3A_110 = tpu.memref_slice %arg14[%dma_start3A_109] : memref<640xf32, #tpu.memory_space<vmem>> -> memref<16xf32, #tpu.memory_space<vmem>>
        %dma_start3A_111 = arith.constant 9984 : i32
        %dma_start3A_112 = tpu.memref_slice %arg24[%dma_start3A_111] : memref<10000xf32, #tpu.memory_space<vmem_shared>> -> memref<16xf32, #tpu.memory_space<vmem_shared>>
        tpu.enqueue_dma source(%dma_start3A_112 : memref<16xf32, #tpu.memory_space<vmem_shared>>) target(%dma_start3A_110 : memref<16xf32, #tpu.memory_space<vmem>>) target_semaphore(%run_scoped3A : memref<!tpu.dma_semaphore, #tpu.memory_space<semaphore_mem>>)
        %dma_wait3A_113 = arith.constant 624 : i32
        %dma_wait3A_114 = tpu.memref_slice %arg14[%dma_wait3A_113] : memref<640xf32, #tpu.memory_space<vmem>> -> memref<16xf32, #tpu.memory_space<vmem>>
        %dma_wait3A_115 = arith.constant 9984 : i32
        %dma_wait3A_116 = tpu.memref_slice %arg24[%dma_wait3A_115] : memref<10000xf32, #tpu.memory_space<vmem_shared>> -> memref<16xf32, #tpu.memory_space<vmem_shared>>
        %dma_wait3A_117 = arith.constant 624 : i32
        %dma_wait3A_118 = tpu.memref_slice %arg14[%dma_wait3A_117] : memref<640xf32, #tpu.memory_space<vmem>> -> memref<16xf32, #tpu.memory_space<vmem>>
        %dma_wait3A_119 = arith.constant 9984 : i32
        %dma_wait3A_120 = tpu.memref_slice %arg24[%dma_wait3A_119] : memref<10000xf32, #tpu.memory_space<vmem_shared>> -> memref<16xf32, #tpu.memory_space<vmem_shared>>
        tpu.wait_dma2 semaphore(%run_scoped3A : memref<!tpu.dma_semaphore, #tpu.memory_space<semaphore_mem>>) src(%dma_wait3A_120 : memref<16xf32, #tpu.memory_space<vmem_shared>>) dst(%dma_wait3A_118 : memref<16xf32, #tpu.memory_space<vmem>>)
        tpu.yield
      }) : () -> ()
      %add3A_103 = arith.constant 9984 : i32
      %add3A_104 = arith.addi %multiple_of3A_92, %add3A_103 : i32
      "tpu.region"() ({
        %run_scoped3A = tpu.sem_alloc : memref<!tpu.dma_semaphore, #tpu.memory_space<semaphore_mem>>
        %dma_start3A_105 = arith.constant 624 : i32
        %dma_start3A_106 = tpu.memref_slice %arg14[%dma_start3A_105] : memref<640xf32, #tpu.memory_space<vmem>> -> memref<16xf32, #tpu.memory_space<vmem>>
        %dma_start3A_107 = tpu.memref_slice %arg5[%add3A_104] : memref<40000xf32, #tpu.memory_space<hbm>> -> memref<16xf32, #tpu.memory_space<hbm>>
        %dma_start3A_108 = tpu.memref_slice %arg5[%add3A_104] : memref<40000xf32, #tpu.memory_space<hbm>> -> memref<16xf32, #tpu.memory_space<hbm>>
        %dma_start3A_109 = arith.constant 624 : i32
        %dma_start3A_110 = tpu.memref_slice %arg14[%dma_start3A_109] : memref<640xf32, #tpu.memory_space<vmem>> -> memref<16xf32, #tpu.memory_space<vmem>>
        tpu.enqueue_dma source(%dma_start3A_110 : memref<16xf32, #tpu.memory_space<vmem>>) target(%dma_start3A_108 : memref<16xf32, #tpu.memory_space<hbm>>) target_semaphore(%run_scoped3A : memref<!tpu.dma_semaphore, #tpu.memory_space<semaphore_mem>>)
        %dma_wait3A_111 = arith.constant 624 : i32
        %dma_wait3A_112 = tpu.memref_slice %arg14[%dma_wait3A_111] : memref<640xf32, #tpu.memory_space<vmem>> -> memref<16xf32, #tpu.memory_space<vmem>>
        %dma_wait3A_113 = tpu.memref_slice %arg5[%add3A_104] : memref<40000xf32, #tpu.memory_space<hbm>> -> memref<16xf32, #tpu.memory_space<hbm>>
        %dma_wait3A_114 = tpu.memref_slice %arg5[%add3A_104] : memref<40000xf32, #tpu.memory_space<hbm>> -> memref<16xf32, #tpu.memory_space<hbm>>
        %dma_wait3A_115 = arith.constant 624 : i32
        %dma_wait3A_116 = tpu.memref_slice %arg14[%dma_wait3A_115] : memref<640xf32, #tpu.memory_space<vmem>> -> memref<16xf32, #tpu.memory_space<vmem>>
        tpu.wait_dma2 semaphore(%run_scoped3A : memref<!tpu.dma_semaphore, #tpu.memory_space<semaphore_mem>>) src(%dma_wait3A_116 : memref<16xf32, #tpu.memory_space<vmem>>) dst(%dma_wait3A_114 : memref<16xf32, #tpu.memory_space<hbm>>)
        tpu.yield
      }) : () -> ()
    } else {
    }
    return
  }
}

#map = affine_map<(d0, d1) -> (0, 0)>
#map1 = affine_map<(d0, d1) -> (0)>
#map2 = affine_map<(d0, d1) -> (0, 0, 0)>
module attributes {stable_mosaic.version = 14 : i64} {
  func.func @gcn_edge_agg_sc(%arg0: i32, %arg1: i32, %arg2: memref<10000x128xf32, #tpu.memory_space<hbm>>, %arg3: memref<640000xi32, #tpu.memory_space<hbm>>, %arg4: memref<640x128xf32, #tpu.memory_space<hbm>>, %arg5: memref<2x10000x128xf32, #tpu.memory_space<hbm>>, %arg6: memref<80xi32, #tpu.memory_space<vmem>>, %arg7: memref<80xi32, #tpu.memory_space<vmem>>, %arg8: memref<80xi32, #tpu.memory_space<vmem>>, %arg9: memref<80xi32, #tpu.memory_space<vmem>>, %arg10: memref<80xi32, #tpu.memory_space<vmem>>, %arg11: memref<80xi32, #tpu.memory_space<vmem>>, %arg12: memref<3x80x128xf32, #tpu.memory_space<vmem>>, %arg13: memref<!tpu.dma_semaphore, #tpu.memory_space<semaphore_mem>>, %arg14: memref<!tpu.dma_semaphore, #tpu.memory_space<semaphore_mem>>, %arg15: memref<!tpu.dma_semaphore, #tpu.memory_space<semaphore_mem>>, %arg16: memref<!tpu.dma_semaphore, #tpu.memory_space<semaphore_mem>>, %arg17: memref<!tpu.dma_semaphore, #tpu.memory_space<semaphore_mem>>, %arg18: memref<!tpu.dma_semaphore, #tpu.memory_space<semaphore_mem>>, %arg19: memref<!tpu.dma_semaphore, #tpu.memory_space<semaphore_mem>>, %arg20: memref<!tpu.dma_semaphore, #tpu.memory_space<semaphore_mem>>, %arg21: memref<!tpu.dma_semaphore, #tpu.memory_space<semaphore_mem>>, %arg22: memref<!tpu.dma_semaphore, #tpu.memory_space<semaphore_mem>>, %arg23: memref<!tpu.dma_semaphore, #tpu.memory_space<semaphore_mem>>, %arg24: memref<!tpu.dma_semaphore, #tpu.memory_space<semaphore_mem>>, %arg25: memref<10000x128xf32, #tpu.memory_space<vmem_shared>>) attributes {dimension_semantics = [#tpu.dimension_semantics<core_parallel>, #tpu.dimension_semantics<subcore_parallel>], iteration_bounds = array<i64: 2, 16>, scalar_prefetch = 0 : i64, scratch_operands = 20 : i64, tpu.core_type = #tpu.core_type<sc_vector_subcore>, window_params = [{transform_indices = #map}, {transform_indices = #map1}, {transform_indices = #map}, {transform_indices = #map2}]} {
    %mul3A = arith.constant 16 : i32
    %mul3A_0 = arith.muli %arg0, %mul3A : i32
    %add3A = arith.addi %mul3A_0, %arg1 : i32
    %mul3A_1 = arith.constant 10000 : i32
    %mul3A_2 = arith.muli %add3A, %mul3A_1 : i32
    %multiple_of3A = tpu.assume_multiple %mul3A_2, 8 : i32
    %multiple_of3A_3 = arith.constant 0 : i32
    %multiple_of3A_4 = tpu.assume_multiple %multiple_of3A_3, 80 : i32
    %add3A_5 = arith.addi %multiple_of3A, %multiple_of3A_4 : i32
    %dma_start3A = tpu.memref_slice %arg3[%add3A_5] : memref<640000xi32, #tpu.memory_space<hbm>> -> memref<80xi32, #tpu.memory_space<hbm>>
    %dma_start3A_6 = tpu.memref_slice %arg3[%add3A_5] : memref<640000xi32, #tpu.memory_space<hbm>> -> memref<80xi32, #tpu.memory_space<hbm>>
    tpu.enqueue_dma source(%dma_start3A_6 : memref<80xi32, #tpu.memory_space<hbm>>) target(%arg6 : memref<80xi32, #tpu.memory_space<vmem>>) target_semaphore(%arg13 : memref<!tpu.dma_semaphore, #tpu.memory_space<semaphore_mem>>)
    %add3A_7 = arith.constant 320000 : i32
    %add3A_8 = arith.addi %add3A_7, %add3A_5 : i32
    %dma_start3A_9 = tpu.memref_slice %arg3[%add3A_8] : memref<640000xi32, #tpu.memory_space<hbm>> -> memref<80xi32, #tpu.memory_space<hbm>>
    %dma_start3A_10 = tpu.memref_slice %arg3[%add3A_8] : memref<640000xi32, #tpu.memory_space<hbm>> -> memref<80xi32, #tpu.memory_space<hbm>>
    tpu.enqueue_dma source(%dma_start3A_10 : memref<80xi32, #tpu.memory_space<hbm>>) target(%arg9 : memref<80xi32, #tpu.memory_space<vmem>>) target_semaphore(%arg16 : memref<!tpu.dma_semaphore, #tpu.memory_space<semaphore_mem>>)
    %multiple_of3A_11 = arith.constant 80 : i32
    %multiple_of3A_12 = tpu.assume_multiple %multiple_of3A_11, 80 : i32
    %add3A_13 = arith.addi %multiple_of3A, %multiple_of3A_12 : i32
    %dma_start3A_14 = tpu.memref_slice %arg3[%add3A_13] : memref<640000xi32, #tpu.memory_space<hbm>> -> memref<80xi32, #tpu.memory_space<hbm>>
    %dma_start3A_15 = tpu.memref_slice %arg3[%add3A_13] : memref<640000xi32, #tpu.memory_space<hbm>> -> memref<80xi32, #tpu.memory_space<hbm>>
    tpu.enqueue_dma source(%dma_start3A_15 : memref<80xi32, #tpu.memory_space<hbm>>) target(%arg7 : memref<80xi32, #tpu.memory_space<vmem>>) target_semaphore(%arg14 : memref<!tpu.dma_semaphore, #tpu.memory_space<semaphore_mem>>)
    %add3A_16 = arith.constant 320000 : i32
    %add3A_17 = arith.addi %add3A_16, %add3A_13 : i32
    %dma_start3A_18 = tpu.memref_slice %arg3[%add3A_17] : memref<640000xi32, #tpu.memory_space<hbm>> -> memref<80xi32, #tpu.memory_space<hbm>>
    %dma_start3A_19 = tpu.memref_slice %arg3[%add3A_17] : memref<640000xi32, #tpu.memory_space<hbm>> -> memref<80xi32, #tpu.memory_space<hbm>>
    tpu.enqueue_dma source(%dma_start3A_19 : memref<80xi32, #tpu.memory_space<hbm>>) target(%arg10 : memref<80xi32, #tpu.memory_space<vmem>>) target_semaphore(%arg17 : memref<!tpu.dma_semaphore, #tpu.memory_space<semaphore_mem>>)
    %multiple_of3A_20 = arith.constant 0 : i32
    %multiple_of3A_21 = tpu.assume_multiple %multiple_of3A_20, 80 : i32
    %add3A_22 = arith.addi %multiple_of3A, %multiple_of3A_21 : i32
    %dma_wait3A = tpu.memref_slice %arg3[%add3A_22] : memref<640000xi32, #tpu.memory_space<hbm>> -> memref<80xi32, #tpu.memory_space<hbm>>
    %dma_wait3A_23 = tpu.memref_slice %arg3[%add3A_22] : memref<640000xi32, #tpu.memory_space<hbm>> -> memref<80xi32, #tpu.memory_space<hbm>>
    tpu.wait_dma2 semaphore(%arg13 : memref<!tpu.dma_semaphore, #tpu.memory_space<semaphore_mem>>) src(%dma_wait3A_23 : memref<80xi32, #tpu.memory_space<hbm>>) dst(%arg6 : memref<80xi32, #tpu.memory_space<vmem>>)
    %dma_start3A_24 = arith.constant 0 : i32
    %dma_start3A_25 = arith.constant 0 : i32
    %dma_start3A_26 = arith.constant 0 : i32
    %dma_start3A_27 = tpu.memref_slice %arg12[%dma_start3A_24, %dma_start3A_25, %dma_start3A_26] : memref<3x80x128xf32, #tpu.memory_space<vmem>> -> memref<1x80x128xf32, #tpu.memory_space<vmem>>
    %dma_start3A_28 = tpu.memref_squeeze %dma_start3A_27 : memref<1x80x128xf32, #tpu.memory_space<vmem>> -> memref<80x128xf32, #tpu.memory_space<vmem>>
    %dma_start3A_29 = arith.constant 0 : i32
    %dma_start3A_30 = arith.constant 0 : i32
    %dma_start3A_31 = tpu.memref_slice %arg2[%dma_start3A_29, %dma_start3A_30] : memref<10000x128xf32, #tpu.memory_space<hbm>> -> memref<10000x128xf32, #tpu.memory_space<hbm>>
    tpu.enqueue_indirect_dma source(%dma_start3A_31 : memref<10000x128xf32, #tpu.memory_space<hbm>>) target(%dma_start3A_28 : memref<80x128xf32, #tpu.memory_space<vmem>>) offsets(%arg6 : memref<80xi32, #tpu.memory_space<vmem>>) semaphore(%arg19 : memref<!tpu.dma_semaphore, #tpu.memory_space<semaphore_mem>>)
    %mul3A_32 = arith.constant 624 : i32
    %mul3A_33 = arith.muli %arg1, %mul3A_32 : i32
    "tpu.region"() ({
      %run_scoped3A = tpu.sem_alloc : memref<!tpu.dma_semaphore, #tpu.memory_space<semaphore_mem>>
      %dma_start3A_284 = arith.constant 0 : i32
      %dma_start3A_285 = tpu.memref_slice %arg25[%mul3A_33, %dma_start3A_284] : memref<10000x128xf32, #tpu.memory_space<vmem_shared>> -> memref<624x128xf32, #tpu.memory_space<vmem_shared>>
      %dma_start3A_286 = arith.constant 0 : i32
      %dma_start3A_287 = arith.constant 0 : i32
      %dma_start3A_288 = tpu.memref_slice %arg4[%dma_start3A_286, %dma_start3A_287] : memref<640x128xf32, #tpu.memory_space<hbm>> -> memref<624x128xf32, #tpu.memory_space<hbm>>
      tpu.enqueue_dma source(%dma_start3A_288 : memref<624x128xf32, #tpu.memory_space<hbm>>) target(%dma_start3A_285 : memref<624x128xf32, #tpu.memory_space<vmem_shared>>) target_semaphore(%run_scoped3A : memref<!tpu.dma_semaphore, #tpu.memory_space<semaphore_mem>>)
      %dma_wait3A_289 = arith.constant 0 : i32
      %dma_wait3A_290 = tpu.memref_slice %arg25[%mul3A_33, %dma_wait3A_289] : memref<10000x128xf32, #tpu.memory_space<vmem_shared>> -> memref<624x128xf32, #tpu.memory_space<vmem_shared>>
      %dma_wait3A_291 = arith.constant 0 : i32
      %dma_wait3A_292 = arith.constant 0 : i32
      %dma_wait3A_293 = tpu.memref_slice %arg4[%dma_wait3A_291, %dma_wait3A_292] : memref<640x128xf32, #tpu.memory_space<hbm>> -> memref<624x128xf32, #tpu.memory_space<hbm>>
      tpu.wait_dma2 semaphore(%run_scoped3A : memref<!tpu.dma_semaphore, #tpu.memory_space<semaphore_mem>>) src(%dma_wait3A_293 : memref<624x128xf32, #tpu.memory_space<hbm>>) dst(%dma_wait3A_290 : memref<624x128xf32, #tpu.memory_space<vmem_shared>>)
      tpu.yield
    }) : () -> ()
    %eq3A = arith.constant 15 : i32
    %eq3A_34 = arith.cmpi eq, %arg1, %eq3A : i32
    %convert_element_type3A = arith.extui %eq3A_34 : i1 to i32
    %cond3A = arith.constant 0 : i32
    %cond3A_35 = arith.cmpi ne, %convert_element_type3A, %cond3A : i32
    scf.if %cond3A_35 {
      "tpu.region"() ({
        %run_scoped3A = tpu.sem_alloc : memref<!tpu.dma_semaphore, #tpu.memory_space<semaphore_mem>>
        %dma_start3A_284 = arith.constant 9984 : i32
        %dma_start3A_285 = arith.constant 0 : i32
        %dma_start3A_286 = tpu.memref_slice %arg25[%dma_start3A_284, %dma_start3A_285] : memref<10000x128xf32, #tpu.memory_space<vmem_shared>> -> memref<16x128xf32, #tpu.memory_space<vmem_shared>>
        %dma_start3A_287 = arith.constant 0 : i32
        %dma_start3A_288 = arith.constant 0 : i32
        %dma_start3A_289 = tpu.memref_slice %arg4[%dma_start3A_287, %dma_start3A_288] : memref<640x128xf32, #tpu.memory_space<hbm>> -> memref<16x128xf32, #tpu.memory_space<hbm>>
        tpu.enqueue_dma source(%dma_start3A_289 : memref<16x128xf32, #tpu.memory_space<hbm>>) target(%dma_start3A_286 : memref<16x128xf32, #tpu.memory_space<vmem_shared>>) target_semaphore(%run_scoped3A : memref<!tpu.dma_semaphore, #tpu.memory_space<semaphore_mem>>)
        %dma_wait3A_290 = arith.constant 9984 : i32
        %dma_wait3A_291 = arith.constant 0 : i32
        %dma_wait3A_292 = tpu.memref_slice %arg25[%dma_wait3A_290, %dma_wait3A_291] : memref<10000x128xf32, #tpu.memory_space<vmem_shared>> -> memref<16x128xf32, #tpu.memory_space<vmem_shared>>
        %dma_wait3A_293 = arith.constant 0 : i32
        %dma_wait3A_294 = arith.constant 0 : i32
        %dma_wait3A_295 = tpu.memref_slice %arg4[%dma_wait3A_293, %dma_wait3A_294] : memref<640x128xf32, #tpu.memory_space<hbm>> -> memref<16x128xf32, #tpu.memory_space<hbm>>
        tpu.wait_dma2 semaphore(%run_scoped3A : memref<!tpu.dma_semaphore, #tpu.memory_space<semaphore_mem>>) src(%dma_wait3A_295 : memref<16x128xf32, #tpu.memory_space<hbm>>) dst(%dma_wait3A_292 : memref<16x128xf32, #tpu.memory_space<vmem_shared>>)
        tpu.yield
      }) : () -> ()
    } else {
    }
    %barrier3A = arith.constant 0 : index
    tpu.barrier barrier_id(%barrier3A)
    %multiple_of3A_36 = arith.constant 160 : i32
    %multiple_of3A_37 = tpu.assume_multiple %multiple_of3A_36, 80 : i32
    %add3A_38 = arith.addi %multiple_of3A, %multiple_of3A_37 : i32
    %dma_start3A_39 = tpu.memref_slice %arg3[%add3A_38] : memref<640000xi32, #tpu.memory_space<hbm>> -> memref<80xi32, #tpu.memory_space<hbm>>
    %dma_start3A_40 = tpu.memref_slice %arg3[%add3A_38] : memref<640000xi32, #tpu.memory_space<hbm>> -> memref<80xi32, #tpu.memory_space<hbm>>
    tpu.enqueue_dma source(%dma_start3A_40 : memref<80xi32, #tpu.memory_space<hbm>>) target(%arg8 : memref<80xi32, #tpu.memory_space<vmem>>) target_semaphore(%arg15 : memref<!tpu.dma_semaphore, #tpu.memory_space<semaphore_mem>>)
    %add3A_41 = arith.constant 320000 : i32
    %add3A_42 = arith.addi %add3A_41, %add3A_38 : i32
    %dma_start3A_43 = tpu.memref_slice %arg3[%add3A_42] : memref<640000xi32, #tpu.memory_space<hbm>> -> memref<80xi32, #tpu.memory_space<hbm>>
    %dma_start3A_44 = tpu.memref_slice %arg3[%add3A_42] : memref<640000xi32, #tpu.memory_space<hbm>> -> memref<80xi32, #tpu.memory_space<hbm>>
    tpu.enqueue_dma source(%dma_start3A_44 : memref<80xi32, #tpu.memory_space<hbm>>) target(%arg11 : memref<80xi32, #tpu.memory_space<vmem>>) target_semaphore(%arg18 : memref<!tpu.dma_semaphore, #tpu.memory_space<semaphore_mem>>)
    %multiple_of3A_45 = arith.constant 80 : i32
    %multiple_of3A_46 = tpu.assume_multiple %multiple_of3A_45, 80 : i32
    %add3A_47 = arith.addi %multiple_of3A, %multiple_of3A_46 : i32
    %dma_wait3A_48 = tpu.memref_slice %arg3[%add3A_47] : memref<640000xi32, #tpu.memory_space<hbm>> -> memref<80xi32, #tpu.memory_space<hbm>>
    %dma_wait3A_49 = tpu.memref_slice %arg3[%add3A_47] : memref<640000xi32, #tpu.memory_space<hbm>> -> memref<80xi32, #tpu.memory_space<hbm>>
    tpu.wait_dma2 semaphore(%arg14 : memref<!tpu.dma_semaphore, #tpu.memory_space<semaphore_mem>>) src(%dma_wait3A_49 : memref<80xi32, #tpu.memory_space<hbm>>) dst(%arg7 : memref<80xi32, #tpu.memory_space<vmem>>)
    %dma_start3A_50 = arith.constant 1 : i32
    %dma_start3A_51 = arith.constant 0 : i32
    %dma_start3A_52 = arith.constant 0 : i32
    %dma_start3A_53 = tpu.memref_slice %arg12[%dma_start3A_50, %dma_start3A_51, %dma_start3A_52] : memref<3x80x128xf32, #tpu.memory_space<vmem>> -> memref<1x80x128xf32, #tpu.memory_space<vmem>>
    %dma_start3A_54 = tpu.memref_squeeze %dma_start3A_53 : memref<1x80x128xf32, #tpu.memory_space<vmem>> -> memref<80x128xf32, #tpu.memory_space<vmem>>
    %dma_start3A_55 = arith.constant 0 : i32
    %dma_start3A_56 = arith.constant 0 : i32
    %dma_start3A_57 = tpu.memref_slice %arg2[%dma_start3A_55, %dma_start3A_56] : memref<10000x128xf32, #tpu.memory_space<hbm>> -> memref<10000x128xf32, #tpu.memory_space<hbm>>
    tpu.enqueue_indirect_dma source(%dma_start3A_57 : memref<10000x128xf32, #tpu.memory_space<hbm>>) target(%dma_start3A_54 : memref<80x128xf32, #tpu.memory_space<vmem>>) offsets(%arg7 : memref<80xi32, #tpu.memory_space<vmem>>) semaphore(%arg20 : memref<!tpu.dma_semaphore, #tpu.memory_space<semaphore_mem>>)
    %multiple_of3A_58 = arith.constant 0 : i32
    %multiple_of3A_59 = tpu.assume_multiple %multiple_of3A_58, 80 : i32
    %add3A_60 = arith.addi %multiple_of3A, %multiple_of3A_59 : i32
    %dma_wait3A_61 = arith.constant 0 : i32
    %dma_wait3A_62 = arith.constant 0 : i32
    %dma_wait3A_63 = arith.constant 0 : i32
    %dma_wait3A_64 = tpu.memref_slice %arg12[%dma_wait3A_61, %dma_wait3A_62, %dma_wait3A_63] : memref<3x80x128xf32, #tpu.memory_space<vmem>> -> memref<1x80x128xf32, #tpu.memory_space<vmem>>
    %dma_wait3A_65 = tpu.memref_squeeze %dma_wait3A_64 : memref<1x80x128xf32, #tpu.memory_space<vmem>> -> memref<80x128xf32, #tpu.memory_space<vmem>>
    %dma_wait3A_66 = arith.constant 0 : i32
    %dma_wait3A_67 = arith.constant 0 : i32
    %dma_wait3A_68 = tpu.memref_slice %arg2[%dma_wait3A_66, %dma_wait3A_67] : memref<10000x128xf32, #tpu.memory_space<hbm>> -> memref<10000x128xf32, #tpu.memory_space<hbm>>
    tpu.wait_indirect_dma semaphore(%arg19 : memref<!tpu.dma_semaphore, #tpu.memory_space<semaphore_mem>>) src(%dma_wait3A_68 : memref<10000x128xf32, #tpu.memory_space<hbm>>) dst(%dma_wait3A_65 : memref<80x128xf32, #tpu.memory_space<vmem>>)
    %add3A_69 = arith.constant 320000 : i32
    %add3A_70 = arith.addi %add3A_69, %add3A_60 : i32
    %dma_wait3A_71 = tpu.memref_slice %arg3[%add3A_70] : memref<640000xi32, #tpu.memory_space<hbm>> -> memref<80xi32, #tpu.memory_space<hbm>>
    %dma_wait3A_72 = tpu.memref_slice %arg3[%add3A_70] : memref<640000xi32, #tpu.memory_space<hbm>> -> memref<80xi32, #tpu.memory_space<hbm>>
    tpu.wait_dma2 semaphore(%arg16 : memref<!tpu.dma_semaphore, #tpu.memory_space<semaphore_mem>>) src(%dma_wait3A_72 : memref<80xi32, #tpu.memory_space<hbm>>) dst(%arg9 : memref<80xi32, #tpu.memory_space<vmem>>)
    %dma_start3A_73 = arith.constant 0 : i32
    %dma_start3A_74 = arith.constant 0 : i32
    %dma_start3A_75 = arith.constant 0 : i32
    %dma_start3A_76 = tpu.memref_slice %arg12[%dma_start3A_73, %dma_start3A_74, %dma_start3A_75] : memref<3x80x128xf32, #tpu.memory_space<vmem>> -> memref<1x80x128xf32, #tpu.memory_space<vmem>>
    %dma_start3A_77 = tpu.memref_squeeze %dma_start3A_76 : memref<1x80x128xf32, #tpu.memory_space<vmem>> -> memref<80x128xf32, #tpu.memory_space<vmem>>
    %dma_start3A_78 = arith.constant 0 : i32
    %dma_start3A_79 = arith.constant 0 : i32
    %dma_start3A_80 = tpu.memref_slice %arg25[%dma_start3A_78, %dma_start3A_79] : memref<10000x128xf32, #tpu.memory_space<vmem_shared>> -> memref<10000x128xf32, #tpu.memory_space<vmem_shared>>
    tpu.enqueue_indirect_dma source(%dma_start3A_77 : memref<80x128xf32, #tpu.memory_space<vmem>>) target(%dma_start3A_80 : memref<10000x128xf32, #tpu.memory_space<vmem_shared>>) offsets(%arg9 : memref<80xi32, #tpu.memory_space<vmem>>) semaphore(%arg22 : memref<!tpu.dma_semaphore, #tpu.memory_space<semaphore_mem>>) {add = true}
    %scan3A = arith.constant 0 : i32
    %scan3A_81 = arith.constant 40 : i32
    %scan3A_82 = arith.addi %scan3A, %scan3A_81 : i32
    %scan3A_83 = arith.constant 1 : i32
    scf.for %scan3A_284 = %scan3A to %scan3A_82 step %scan3A_83  : i32 {
      %mul3A_285 = arith.constant 3 : i32
      %mul3A_286 = arith.muli %scan3A_284, %mul3A_285 : i32
      %add3A_287 = arith.constant 1 : i32
      %add3A_288 = arith.addi %add3A_287, %mul3A_286 : i32
      %add3A_289 = arith.constant 0 : i32
      %add3A_290 = arith.addi %add3A_288, %add3A_289 : i32
      %dma_wait3A_291 = arith.constant 0 : i32
      %dma_wait3A_292 = arith.constant 0 : i32
      %dma_wait3A_293 = arith.constant 0 : i32
      %dma_wait3A_294 = tpu.memref_slice %arg12[%dma_wait3A_291, %dma_wait3A_292, %dma_wait3A_293] : memref<3x80x128xf32, #tpu.memory_space<vmem>> -> memref<1x80x128xf32, #tpu.memory_space<vmem>>
      %dma_wait3A_295 = tpu.memref_squeeze %dma_wait3A_294 : memref<1x80x128xf32, #tpu.memory_space<vmem>> -> memref<80x128xf32, #tpu.memory_space<vmem>>
      %dma_wait3A_296 = arith.constant 0 : i32
      %dma_wait3A_297 = arith.constant 0 : i32
      %dma_wait3A_298 = tpu.memref_slice %arg25[%dma_wait3A_296, %dma_wait3A_297] : memref<10000x128xf32, #tpu.memory_space<vmem_shared>> -> memref<10000x128xf32, #tpu.memory_space<vmem_shared>>
      tpu.wait_indirect_dma semaphore(%arg22 : memref<!tpu.dma_semaphore, #tpu.memory_space<semaphore_mem>>) src(%dma_wait3A_295 : memref<80x128xf32, #tpu.memory_space<vmem>>) dst(%dma_wait3A_298 : memref<10000x128xf32, #tpu.memory_space<vmem_shared>>)
      %add3A_299 = arith.constant 2 : i32
      %add3A_300 = arith.addi %add3A_290, %add3A_299 : i32
      %mul3A_301 = arith.constant 80 : i32
      %mul3A_302 = arith.muli %add3A_300, %mul3A_301 : i32
      %multiple_of3A_303 = tpu.assume_multiple %mul3A_302, 80 : i32
      %add3A_304 = arith.addi %multiple_of3A, %multiple_of3A_303 : i32
      %dma_start3A_305 = tpu.memref_slice %arg3[%add3A_304] : memref<640000xi32, #tpu.memory_space<hbm>> -> memref<80xi32, #tpu.memory_space<hbm>>
      %dma_start3A_306 = tpu.memref_slice %arg3[%add3A_304] : memref<640000xi32, #tpu.memory_space<hbm>> -> memref<80xi32, #tpu.memory_space<hbm>>
      tpu.enqueue_dma source(%dma_start3A_306 : memref<80xi32, #tpu.memory_space<hbm>>) target(%arg6 : memref<80xi32, #tpu.memory_space<vmem>>) target_semaphore(%arg13 : memref<!tpu.dma_semaphore, #tpu.memory_space<semaphore_mem>>)
      %add3A_307 = arith.constant 320000 : i32
      %add3A_308 = arith.addi %add3A_307, %add3A_304 : i32
      %dma_start3A_309 = tpu.memref_slice %arg3[%add3A_308] : memref<640000xi32, #tpu.memory_space<hbm>> -> memref<80xi32, #tpu.memory_space<hbm>>
      %dma_start3A_310 = tpu.memref_slice %arg3[%add3A_308] : memref<640000xi32, #tpu.memory_space<hbm>> -> memref<80xi32, #tpu.memory_space<hbm>>
      tpu.enqueue_dma source(%dma_start3A_310 : memref<80xi32, #tpu.memory_space<hbm>>) target(%arg9 : memref<80xi32, #tpu.memory_space<vmem>>) target_semaphore(%arg16 : memref<!tpu.dma_semaphore, #tpu.memory_space<semaphore_mem>>)
      %add3A_311 = arith.constant 1 : i32
      %add3A_312 = arith.addi %add3A_290, %add3A_311 : i32
      %mul3A_313 = arith.constant 80 : i32
      %mul3A_314 = arith.muli %add3A_312, %mul3A_313 : i32
      %multiple_of3A_315 = tpu.assume_multiple %mul3A_314, 80 : i32
      %add3A_316 = arith.addi %multiple_of3A, %multiple_of3A_315 : i32
      %dma_wait3A_317 = tpu.memref_slice %arg3[%add3A_316] : memref<640000xi32, #tpu.memory_space<hbm>> -> memref<80xi32, #tpu.memory_space<hbm>>
      %dma_wait3A_318 = tpu.memref_slice %arg3[%add3A_316] : memref<640000xi32, #tpu.memory_space<hbm>> -> memref<80xi32, #tpu.memory_space<hbm>>
      tpu.wait_dma2 semaphore(%arg15 : memref<!tpu.dma_semaphore, #tpu.memory_space<semaphore_mem>>) src(%dma_wait3A_318 : memref<80xi32, #tpu.memory_space<hbm>>) dst(%arg8 : memref<80xi32, #tpu.memory_space<vmem>>)
      %dma_start3A_319 = arith.constant 2 : i32
      %dma_start3A_320 = arith.constant 0 : i32
      %dma_start3A_321 = arith.constant 0 : i32
      %dma_start3A_322 = tpu.memref_slice %arg12[%dma_start3A_319, %dma_start3A_320, %dma_start3A_321] : memref<3x80x128xf32, #tpu.memory_space<vmem>> -> memref<1x80x128xf32, #tpu.memory_space<vmem>>
      %dma_start3A_323 = tpu.memref_squeeze %dma_start3A_322 : memref<1x80x128xf32, #tpu.memory_space<vmem>> -> memref<80x128xf32, #tpu.memory_space<vmem>>
      %dma_start3A_324 = arith.constant 0 : i32
      %dma_start3A_325 = arith.constant 0 : i32
      %dma_start3A_326 = tpu.memref_slice %arg2[%dma_start3A_324, %dma_start3A_325] : memref<10000x128xf32, #tpu.memory_space<hbm>> -> memref<10000x128xf32, #tpu.memory_space<hbm>>
      tpu.enqueue_indirect_dma source(%dma_start3A_326 : memref<10000x128xf32, #tpu.memory_space<hbm>>) target(%dma_start3A_323 : memref<80x128xf32, #tpu.memory_space<vmem>>) offsets(%arg8 : memref<80xi32, #tpu.memory_space<vmem>>) semaphore(%arg21 : memref<!tpu.dma_semaphore, #tpu.memory_space<semaphore_mem>>)
      %mul3A_327 = arith.constant 80 : i32
      %mul3A_328 = arith.muli %add3A_290, %mul3A_327 : i32
      %multiple_of3A_329 = tpu.assume_multiple %mul3A_328, 80 : i32
      %add3A_330 = arith.addi %multiple_of3A, %multiple_of3A_329 : i32
      %dma_wait3A_331 = arith.constant 1 : i32
      %dma_wait3A_332 = arith.constant 0 : i32
      %dma_wait3A_333 = arith.constant 0 : i32
      %dma_wait3A_334 = tpu.memref_slice %arg12[%dma_wait3A_331, %dma_wait3A_332, %dma_wait3A_333] : memref<3x80x128xf32, #tpu.memory_space<vmem>> -> memref<1x80x128xf32, #tpu.memory_space<vmem>>
      %dma_wait3A_335 = tpu.memref_squeeze %dma_wait3A_334 : memref<1x80x128xf32, #tpu.memory_space<vmem>> -> memref<80x128xf32, #tpu.memory_space<vmem>>
      %dma_wait3A_336 = arith.constant 0 : i32
      %dma_wait3A_337 = arith.constant 0 : i32
      %dma_wait3A_338 = tpu.memref_slice %arg2[%dma_wait3A_336, %dma_wait3A_337] : memref<10000x128xf32, #tpu.memory_space<hbm>> -> memref<10000x128xf32, #tpu.memory_space<hbm>>
      tpu.wait_indirect_dma semaphore(%arg20 : memref<!tpu.dma_semaphore, #tpu.memory_space<semaphore_mem>>) src(%dma_wait3A_338 : memref<10000x128xf32, #tpu.memory_space<hbm>>) dst(%dma_wait3A_335 : memref<80x128xf32, #tpu.memory_space<vmem>>)
      %add3A_339 = arith.constant 320000 : i32
      %add3A_340 = arith.addi %add3A_339, %add3A_330 : i32
      %dma_wait3A_341 = tpu.memref_slice %arg3[%add3A_340] : memref<640000xi32, #tpu.memory_space<hbm>> -> memref<80xi32, #tpu.memory_space<hbm>>
      %dma_wait3A_342 = tpu.memref_slice %arg3[%add3A_340] : memref<640000xi32, #tpu.memory_space<hbm>> -> memref<80xi32, #tpu.memory_space<hbm>>
      tpu.wait_dma2 semaphore(%arg17 : memref<!tpu.dma_semaphore, #tpu.memory_space<semaphore_mem>>) src(%dma_wait3A_342 : memref<80xi32, #tpu.memory_space<hbm>>) dst(%arg10 : memref<80xi32, #tpu.memory_space<vmem>>)
      %dma_start3A_343 = arith.constant 1 : i32
      %dma_start3A_344 = arith.constant 0 : i32
      %dma_start3A_345 = arith.constant 0 : i32
      %dma_start3A_346 = tpu.memref_slice %arg12[%dma_start3A_343, %dma_start3A_344, %dma_start3A_345] : memref<3x80x128xf32, #tpu.memory_space<vmem>> -> memref<1x80x128xf32, #tpu.memory_space<vmem>>
      %dma_start3A_347 = tpu.memref_squeeze %dma_start3A_346 : memref<1x80x128xf32, #tpu.memory_space<vmem>> -> memref<80x128xf32, #tpu.memory_space<vmem>>
      %dma_start3A_348 = arith.constant 0 : i32
      %dma_start3A_349 = arith.constant 0 : i32
      %dma_start3A_350 = tpu.memref_slice %arg25[%dma_start3A_348, %dma_start3A_349] : memref<10000x128xf32, #tpu.memory_space<vmem_shared>> -> memref<10000x128xf32, #tpu.memory_space<vmem_shared>>
      tpu.enqueue_indirect_dma source(%dma_start3A_347 : memref<80x128xf32, #tpu.memory_space<vmem>>) target(%dma_start3A_350 : memref<10000x128xf32, #tpu.memory_space<vmem_shared>>) offsets(%arg10 : memref<80xi32, #tpu.memory_space<vmem>>) semaphore(%arg23 : memref<!tpu.dma_semaphore, #tpu.memory_space<semaphore_mem>>) {add = true}
      %add3A_351 = arith.constant 1 : i32
      %add3A_352 = arith.addi %add3A_288, %add3A_351 : i32
      %dma_wait3A_353 = arith.constant 1 : i32
      %dma_wait3A_354 = arith.constant 0 : i32
      %dma_wait3A_355 = arith.constant 0 : i32
      %dma_wait3A_356 = tpu.memref_slice %arg12[%dma_wait3A_353, %dma_wait3A_354, %dma_wait3A_355] : memref<3x80x128xf32, #tpu.memory_space<vmem>> -> memref<1x80x128xf32, #tpu.memory_space<vmem>>
      %dma_wait3A_357 = tpu.memref_squeeze %dma_wait3A_356 : memref<1x80x128xf32, #tpu.memory_space<vmem>> -> memref<80x128xf32, #tpu.memory_space<vmem>>
      %dma_wait3A_358 = arith.constant 0 : i32
      %dma_wait3A_359 = arith.constant 0 : i32
      %dma_wait3A_360 = tpu.memref_slice %arg25[%dma_wait3A_358, %dma_wait3A_359] : memref<10000x128xf32, #tpu.memory_space<vmem_shared>> -> memref<10000x128xf32, #tpu.memory_space<vmem_shared>>
      tpu.wait_indirect_dma semaphore(%arg23 : memref<!tpu.dma_semaphore, #tpu.memory_space<semaphore_mem>>) src(%dma_wait3A_357 : memref<80x128xf32, #tpu.memory_space<vmem>>) dst(%dma_wait3A_360 : memref<10000x128xf32, #tpu.memory_space<vmem_shared>>)
      %add3A_361 = arith.constant 2 : i32
      %add3A_362 = arith.addi %add3A_352, %add3A_361 : i32
      %mul3A_363 = arith.constant 80 : i32
      %mul3A_364 = arith.muli %add3A_362, %mul3A_363 : i32
      %multiple_of3A_365 = tpu.assume_multiple %mul3A_364, 80 : i32
      %add3A_366 = arith.addi %multiple_of3A, %multiple_of3A_365 : i32
      %dma_start3A_367 = tpu.memref_slice %arg3[%add3A_366] : memref<640000xi32, #tpu.memory_space<hbm>> -> memref<80xi32, #tpu.memory_space<hbm>>
      %dma_start3A_368 = tpu.memref_slice %arg3[%add3A_366] : memref<640000xi32, #tpu.memory_space<hbm>> -> memref<80xi32, #tpu.memory_space<hbm>>
      tpu.enqueue_dma source(%dma_start3A_368 : memref<80xi32, #tpu.memory_space<hbm>>) target(%arg7 : memref<80xi32, #tpu.memory_space<vmem>>) target_semaphore(%arg14 : memref<!tpu.dma_semaphore, #tpu.memory_space<semaphore_mem>>)
      %add3A_369 = arith.constant 320000 : i32
      %add3A_370 = arith.addi %add3A_369, %add3A_366 : i32
      %dma_start3A_371 = tpu.memref_slice %arg3[%add3A_370] : memref<640000xi32, #tpu.memory_space<hbm>> -> memref<80xi32, #tpu.memory_space<hbm>>
      %dma_start3A_372 = tpu.memref_slice %arg3[%add3A_370] : memref<640000xi32, #tpu.memory_space<hbm>> -> memref<80xi32, #tpu.memory_space<hbm>>
      tpu.enqueue_dma source(%dma_start3A_372 : memref<80xi32, #tpu.memory_space<hbm>>) target(%arg10 : memref<80xi32, #tpu.memory_space<vmem>>) target_semaphore(%arg17 : memref<!tpu.dma_semaphore, #tpu.memory_space<semaphore_mem>>)
      %add3A_373 = arith.constant 1 : i32
      %add3A_374 = arith.addi %add3A_352, %add3A_373 : i32
      %mul3A_375 = arith.constant 80 : i32
      %mul3A_376 = arith.muli %add3A_374, %mul3A_375 : i32
      %multiple_of3A_377 = tpu.assume_multiple %mul3A_376, 80 : i32
      %add3A_378 = arith.addi %multiple_of3A, %multiple_of3A_377 : i32
      %dma_wait3A_379 = tpu.memref_slice %arg3[%add3A_378] : memref<640000xi32, #tpu.memory_space<hbm>> -> memref<80xi32, #tpu.memory_space<hbm>>
      %dma_wait3A_380 = tpu.memref_slice %arg3[%add3A_378] : memref<640000xi32, #tpu.memory_space<hbm>> -> memref<80xi32, #tpu.memory_space<hbm>>
      tpu.wait_dma2 semaphore(%arg13 : memref<!tpu.dma_semaphore, #tpu.memory_space<semaphore_mem>>) src(%dma_wait3A_380 : memref<80xi32, #tpu.memory_space<hbm>>) dst(%arg6 : memref<80xi32, #tpu.memory_space<vmem>>)
      %dma_start3A_381 = arith.constant 0 : i32
      %dma_start3A_382 = arith.constant 0 : i32
      %dma_start3A_383 = arith.constant 0 : i32
      %dma_start3A_384 = tpu.memref_slice %arg12[%dma_start3A_381, %dma_start3A_382, %dma_start3A_383] : memref<3x80x128xf32, #tpu.memory_space<vmem>> -> memref<1x80x128xf32, #tpu.memory_space<vmem>>
      %dma_start3A_385 = tpu.memref_squeeze %dma_start3A_384 : memref<1x80x128xf32, #tpu.memory_space<vmem>> -> memref<80x128xf32, #tpu.memory_space<vmem>>
      %dma_start3A_386 = arith.constant 0 : i32
      %dma_start3A_387 = arith.constant 0 : i32
      %dma_start3A_388 = tpu.memref_slice %arg2[%dma_start3A_386, %dma_start3A_387] : memref<10000x128xf32, #tpu.memory_space<hbm>> -> memref<10000x128xf32, #tpu.memory_space<hbm>>
      tpu.enqueue_indirect_dma source(%dma_start3A_388 : memref<10000x128xf32, #tpu.memory_space<hbm>>) target(%dma_start3A_385 : memref<80x128xf32, #tpu.memory_space<vmem>>) offsets(%arg6 : memref<80xi32, #tpu.memory_space<vmem>>) semaphore(%arg19 : memref<!tpu.dma_semaphore, #tpu.memory_space<semaphore_mem>>)
      %mul3A_389 = arith.constant 80 : i32
      %mul3A_390 = arith.muli %add3A_352, %mul3A_389 : i32
      %multiple_of3A_391 = tpu.assume_multiple %mul3A_390, 80 : i32
      %add3A_392 = arith.addi %multiple_of3A, %multiple_of3A_391 : i32
      %dma_wait3A_393 = arith.constant 2 : i32
      %dma_wait3A_394 = arith.constant 0 : i32
      %dma_wait3A_395 = arith.constant 0 : i32
      %dma_wait3A_396 = tpu.memref_slice %arg12[%dma_wait3A_393, %dma_wait3A_394, %dma_wait3A_395] : memref<3x80x128xf32, #tpu.memory_space<vmem>> -> memref<1x80x128xf32, #tpu.memory_space<vmem>>
      %dma_wait3A_397 = tpu.memref_squeeze %dma_wait3A_396 : memref<1x80x128xf32, #tpu.memory_space<vmem>> -> memref<80x128xf32, #tpu.memory_space<vmem>>
      %dma_wait3A_398 = arith.constant 0 : i32
      %dma_wait3A_399 = arith.constant 0 : i32
      %dma_wait3A_400 = tpu.memref_slice %arg2[%dma_wait3A_398, %dma_wait3A_399] : memref<10000x128xf32, #tpu.memory_space<hbm>> -> memref<10000x128xf32, #tpu.memory_space<hbm>>
      tpu.wait_indirect_dma semaphore(%arg21 : memref<!tpu.dma_semaphore, #tpu.memory_space<semaphore_mem>>) src(%dma_wait3A_400 : memref<10000x128xf32, #tpu.memory_space<hbm>>) dst(%dma_wait3A_397 : memref<80x128xf32, #tpu.memory_space<vmem>>)
      %add3A_401 = arith.constant 320000 : i32
      %add3A_402 = arith.addi %add3A_401, %add3A_392 : i32
      %dma_wait3A_403 = tpu.memref_slice %arg3[%add3A_402] : memref<640000xi32, #tpu.memory_space<hbm>> -> memref<80xi32, #tpu.memory_space<hbm>>
      %dma_wait3A_404 = tpu.memref_slice %arg3[%add3A_402] : memref<640000xi32, #tpu.memory_space<hbm>> -> memref<80xi32, #tpu.memory_space<hbm>>
      tpu.wait_dma2 semaphore(%arg18 : memref<!tpu.dma_semaphore, #tpu.memory_space<semaphore_mem>>) src(%dma_wait3A_404 : memref<80xi32, #tpu.memory_space<hbm>>) dst(%arg11 : memref<80xi32, #tpu.memory_space<vmem>>)
      %dma_start3A_405 = arith.constant 2 : i32
      %dma_start3A_406 = arith.constant 0 : i32
      %dma_start3A_407 = arith.constant 0 : i32
      %dma_start3A_408 = tpu.memref_slice %arg12[%dma_start3A_405, %dma_start3A_406, %dma_start3A_407] : memref<3x80x128xf32, #tpu.memory_space<vmem>> -> memref<1x80x128xf32, #tpu.memory_space<vmem>>
      %dma_start3A_409 = tpu.memref_squeeze %dma_start3A_408 : memref<1x80x128xf32, #tpu.memory_space<vmem>> -> memref<80x128xf32, #tpu.memory_space<vmem>>
      %dma_start3A_410 = arith.constant 0 : i32
      %dma_start3A_411 = arith.constant 0 : i32
      %dma_start3A_412 = tpu.memref_slice %arg25[%dma_start3A_410, %dma_start3A_411] : memref<10000x128xf32, #tpu.memory_space<vmem_shared>> -> memref<10000x128xf32, #tpu.memory_space<vmem_shared>>
      tpu.enqueue_indirect_dma source(%dma_start3A_409 : memref<80x128xf32, #tpu.memory_space<vmem>>) target(%dma_start3A_412 : memref<10000x128xf32, #tpu.memory_space<vmem_shared>>) offsets(%arg11 : memref<80xi32, #tpu.memory_space<vmem>>) semaphore(%arg24 : memref<!tpu.dma_semaphore, #tpu.memory_space<semaphore_mem>>) {add = true}
      %add3A_413 = arith.constant 2 : i32
      %add3A_414 = arith.addi %add3A_288, %add3A_413 : i32
      %dma_wait3A_415 = arith.constant 2 : i32
      %dma_wait3A_416 = arith.constant 0 : i32
      %dma_wait3A_417 = arith.constant 0 : i32
      %dma_wait3A_418 = tpu.memref_slice %arg12[%dma_wait3A_415, %dma_wait3A_416, %dma_wait3A_417] : memref<3x80x128xf32, #tpu.memory_space<vmem>> -> memref<1x80x128xf32, #tpu.memory_space<vmem>>
      %dma_wait3A_419 = tpu.memref_squeeze %dma_wait3A_418 : memref<1x80x128xf32, #tpu.memory_space<vmem>> -> memref<80x128xf32, #tpu.memory_space<vmem>>
      %dma_wait3A_420 = arith.constant 0 : i32
      %dma_wait3A_421 = arith.constant 0 : i32
      %dma_wait3A_422 = tpu.memref_slice %arg25[%dma_wait3A_420, %dma_wait3A_421] : memref<10000x128xf32, #tpu.memory_space<vmem_shared>> -> memref<10000x128xf32, #tpu.memory_space<vmem_shared>>
      tpu.wait_indirect_dma semaphore(%arg24 : memref<!tpu.dma_semaphore, #tpu.memory_space<semaphore_mem>>) src(%dma_wait3A_419 : memref<80x128xf32, #tpu.memory_space<vmem>>) dst(%dma_wait3A_422 : memref<10000x128xf32, #tpu.memory_space<vmem_shared>>)
      %add3A_423 = arith.constant 2 : i32
      %add3A_424 = arith.addi %add3A_414, %add3A_423 : i32
      %mul3A_425 = arith.constant 80 : i32
      %mul3A_426 = arith.muli %add3A_424, %mul3A_425 : i32
      %multiple_of3A_427 = tpu.assume_multiple %mul3A_426, 80 : i32
      %add3A_428 = arith.addi %multiple_of3A, %multiple_of3A_427 : i32
      %dma_start3A_429 = tpu.memref_slice %arg3[%add3A_428] : memref<640000xi32, #tpu.memory_space<hbm>> -> memref<80xi32, #tpu.memory_space<hbm>>
      %dma_start3A_430 = tpu.memref_slice %arg3[%add3A_428] : memref<640000xi32, #tpu.memory_space<hbm>> -> memref<80xi32, #tpu.memory_space<hbm>>
      tpu.enqueue_dma source(%dma_start3A_430 : memref<80xi32, #tpu.memory_space<hbm>>) target(%arg8 : memref<80xi32, #tpu.memory_space<vmem>>) target_semaphore(%arg15 : memref<!tpu.dma_semaphore, #tpu.memory_space<semaphore_mem>>)
      %add3A_431 = arith.constant 320000 : i32
      %add3A_432 = arith.addi %add3A_431, %add3A_428 : i32
      %dma_start3A_433 = tpu.memref_slice %arg3[%add3A_432] : memref<640000xi32, #tpu.memory_space<hbm>> -> memref<80xi32, #tpu.memory_space<hbm>>
      %dma_start3A_434 = tpu.memref_slice %arg3[%add3A_432] : memref<640000xi32, #tpu.memory_space<hbm>> -> memref<80xi32, #tpu.memory_space<hbm>>
      tpu.enqueue_dma source(%dma_start3A_434 : memref<80xi32, #tpu.memory_space<hbm>>) target(%arg11 : memref<80xi32, #tpu.memory_space<vmem>>) target_semaphore(%arg18 : memref<!tpu.dma_semaphore, #tpu.memory_space<semaphore_mem>>)
      %add3A_435 = arith.constant 1 : i32
      %add3A_436 = arith.addi %add3A_414, %add3A_435 : i32
      %mul3A_437 = arith.constant 80 : i32
      %mul3A_438 = arith.muli %add3A_436, %mul3A_437 : i32
      %multiple_of3A_439 = tpu.assume_multiple %mul3A_438, 80 : i32
      %add3A_440 = arith.addi %multiple_of3A, %multiple_of3A_439 : i32
      %dma_wait3A_441 = tpu.memref_slice %arg3[%add3A_440] : memref<640000xi32, #tpu.memory_space<hbm>> -> memref<80xi32, #tpu.memory_space<hbm>>
      %dma_wait3A_442 = tpu.memref_slice %arg3[%add3A_440] : memref<640000xi32, #tpu.memory_space<hbm>> -> memref<80xi32, #tpu.memory_space<hbm>>
      tpu.wait_dma2 semaphore(%arg14 : memref<!tpu.dma_semaphore, #tpu.memory_space<semaphore_mem>>) src(%dma_wait3A_442 : memref<80xi32, #tpu.memory_space<hbm>>) dst(%arg7 : memref<80xi32, #tpu.memory_space<vmem>>)
      %dma_start3A_443 = arith.constant 1 : i32
      %dma_start3A_444 = arith.constant 0 : i32
      %dma_start3A_445 = arith.constant 0 : i32
      %dma_start3A_446 = tpu.memref_slice %arg12[%dma_start3A_443, %dma_start3A_444, %dma_start3A_445] : memref<3x80x128xf32, #tpu.memory_space<vmem>> -> memref<1x80x128xf32, #tpu.memory_space<vmem>>
      %dma_start3A_447 = tpu.memref_squeeze %dma_start3A_446 : memref<1x80x128xf32, #tpu.memory_space<vmem>> -> memref<80x128xf32, #tpu.memory_space<vmem>>
      %dma_start3A_448 = arith.constant 0 : i32
      %dma_start3A_449 = arith.constant 0 : i32
      %dma_start3A_450 = tpu.memref_slice %arg2[%dma_start3A_448, %dma_start3A_449] : memref<10000x128xf32, #tpu.memory_space<hbm>> -> memref<10000x128xf32, #tpu.memory_space<hbm>>
      tpu.enqueue_indirect_dma source(%dma_start3A_450 : memref<10000x128xf32, #tpu.memory_space<hbm>>) target(%dma_start3A_447 : memref<80x128xf32, #tpu.memory_space<vmem>>) offsets(%arg7 : memref<80xi32, #tpu.memory_space<vmem>>) semaphore(%arg20 : memref<!tpu.dma_semaphore, #tpu.memory_space<semaphore_mem>>)
      %mul3A_451 = arith.constant 80 : i32
      %mul3A_452 = arith.muli %add3A_414, %mul3A_451 : i32
      %multiple_of3A_453 = tpu.assume_multiple %mul3A_452, 80 : i32
      %add3A_454 = arith.addi %multiple_of3A, %multiple_of3A_453 : i32
      %dma_wait3A_455 = arith.constant 0 : i32
      %dma_wait3A_456 = arith.constant 0 : i32
      %dma_wait3A_457 = arith.constant 0 : i32
      %dma_wait3A_458 = tpu.memref_slice %arg12[%dma_wait3A_455, %dma_wait3A_456, %dma_wait3A_457] : memref<3x80x128xf32, #tpu.memory_space<vmem>> -> memref<1x80x128xf32, #tpu.memory_space<vmem>>
      %dma_wait3A_459 = tpu.memref_squeeze %dma_wait3A_458 : memref<1x80x128xf32, #tpu.memory_space<vmem>> -> memref<80x128xf32, #tpu.memory_space<vmem>>
      %dma_wait3A_460 = arith.constant 0 : i32
      %dma_wait3A_461 = arith.constant 0 : i32
      %dma_wait3A_462 = tpu.memref_slice %arg2[%dma_wait3A_460, %dma_wait3A_461] : memref<10000x128xf32, #tpu.memory_space<hbm>> -> memref<10000x128xf32, #tpu.memory_space<hbm>>
      tpu.wait_indirect_dma semaphore(%arg19 : memref<!tpu.dma_semaphore, #tpu.memory_space<semaphore_mem>>) src(%dma_wait3A_462 : memref<10000x128xf32, #tpu.memory_space<hbm>>) dst(%dma_wait3A_459 : memref<80x128xf32, #tpu.memory_space<vmem>>)
      %add3A_463 = arith.constant 320000 : i32
      %add3A_464 = arith.addi %add3A_463, %add3A_454 : i32
      %dma_wait3A_465 = tpu.memref_slice %arg3[%add3A_464] : memref<640000xi32, #tpu.memory_space<hbm>> -> memref<80xi32, #tpu.memory_space<hbm>>
      %dma_wait3A_466 = tpu.memref_slice %arg3[%add3A_464] : memref<640000xi32, #tpu.memory_space<hbm>> -> memref<80xi32, #tpu.memory_space<hbm>>
      tpu.wait_dma2 semaphore(%arg16 : memref<!tpu.dma_semaphore, #tpu.memory_space<semaphore_mem>>) src(%dma_wait3A_466 : memref<80xi32, #tpu.memory_space<hbm>>) dst(%arg9 : memref<80xi32, #tpu.memory_space<vmem>>)
      %dma_start3A_467 = arith.constant 0 : i32
      %dma_start3A_468 = arith.constant 0 : i32
      %dma_start3A_469 = arith.constant 0 : i32
      %dma_start3A_470 = tpu.memref_slice %arg12[%dma_start3A_467, %dma_start3A_468, %dma_start3A_469] : memref<3x80x128xf32, #tpu.memory_space<vmem>> -> memref<1x80x128xf32, #tpu.memory_space<vmem>>
      %dma_start3A_471 = tpu.memref_squeeze %dma_start3A_470 : memref<1x80x128xf32, #tpu.memory_space<vmem>> -> memref<80x128xf32, #tpu.memory_space<vmem>>
      %dma_start3A_472 = arith.constant 0 : i32
      %dma_start3A_473 = arith.constant 0 : i32
      %dma_start3A_474 = tpu.memref_slice %arg25[%dma_start3A_472, %dma_start3A_473] : memref<10000x128xf32, #tpu.memory_space<vmem_shared>> -> memref<10000x128xf32, #tpu.memory_space<vmem_shared>>
      tpu.enqueue_indirect_dma source(%dma_start3A_471 : memref<80x128xf32, #tpu.memory_space<vmem>>) target(%dma_start3A_474 : memref<10000x128xf32, #tpu.memory_space<vmem_shared>>) offsets(%arg9 : memref<80xi32, #tpu.memory_space<vmem>>) semaphore(%arg22 : memref<!tpu.dma_semaphore, #tpu.memory_space<semaphore_mem>>) {add = true}
    }
    %scan3A_84 = arith.constant 40 : i32
    %dma_wait3A_85 = arith.constant 0 : i32
    %dma_wait3A_86 = arith.constant 0 : i32
    %dma_wait3A_87 = arith.constant 0 : i32
    %dma_wait3A_88 = tpu.memref_slice %arg12[%dma_wait3A_85, %dma_wait3A_86, %dma_wait3A_87] : memref<3x80x128xf32, #tpu.memory_space<vmem>> -> memref<1x80x128xf32, #tpu.memory_space<vmem>>
    %dma_wait3A_89 = tpu.memref_squeeze %dma_wait3A_88 : memref<1x80x128xf32, #tpu.memory_space<vmem>> -> memref<80x128xf32, #tpu.memory_space<vmem>>
    %dma_wait3A_90 = arith.constant 0 : i32
    %dma_wait3A_91 = arith.constant 0 : i32
    %dma_wait3A_92 = tpu.memref_slice %arg25[%dma_wait3A_90, %dma_wait3A_91] : memref<10000x128xf32, #tpu.memory_space<vmem_shared>> -> memref<10000x128xf32, #tpu.memory_space<vmem_shared>>
    tpu.wait_indirect_dma semaphore(%arg22 : memref<!tpu.dma_semaphore, #tpu.memory_space<semaphore_mem>>) src(%dma_wait3A_89 : memref<80x128xf32, #tpu.memory_space<vmem>>) dst(%dma_wait3A_92 : memref<10000x128xf32, #tpu.memory_space<vmem_shared>>)
    %multiple_of3A_93 = arith.constant 9840 : i32
    %multiple_of3A_94 = tpu.assume_multiple %multiple_of3A_93, 80 : i32
    %add3A_95 = arith.addi %multiple_of3A, %multiple_of3A_94 : i32
    %dma_start3A_96 = tpu.memref_slice %arg3[%add3A_95] : memref<640000xi32, #tpu.memory_space<hbm>> -> memref<80xi32, #tpu.memory_space<hbm>>
    %dma_start3A_97 = tpu.memref_slice %arg3[%add3A_95] : memref<640000xi32, #tpu.memory_space<hbm>> -> memref<80xi32, #tpu.memory_space<hbm>>
    tpu.enqueue_dma source(%dma_start3A_97 : memref<80xi32, #tpu.memory_space<hbm>>) target(%arg6 : memref<80xi32, #tpu.memory_space<vmem>>) target_semaphore(%arg13 : memref<!tpu.dma_semaphore, #tpu.memory_space<semaphore_mem>>)
    %add3A_98 = arith.constant 320000 : i32
    %add3A_99 = arith.addi %add3A_98, %add3A_95 : i32
    %dma_start3A_100 = tpu.memref_slice %arg3[%add3A_99] : memref<640000xi32, #tpu.memory_space<hbm>> -> memref<80xi32, #tpu.memory_space<hbm>>
    %dma_start3A_101 = tpu.memref_slice %arg3[%add3A_99] : memref<640000xi32, #tpu.memory_space<hbm>> -> memref<80xi32, #tpu.memory_space<hbm>>
    tpu.enqueue_dma source(%dma_start3A_101 : memref<80xi32, #tpu.memory_space<hbm>>) target(%arg9 : memref<80xi32, #tpu.memory_space<vmem>>) target_semaphore(%arg16 : memref<!tpu.dma_semaphore, #tpu.memory_space<semaphore_mem>>)
    %multiple_of3A_102 = arith.constant 9760 : i32
    %multiple_of3A_103 = tpu.assume_multiple %multiple_of3A_102, 80 : i32
    %add3A_104 = arith.addi %multiple_of3A, %multiple_of3A_103 : i32
    %dma_wait3A_105 = tpu.memref_slice %arg3[%add3A_104] : memref<640000xi32, #tpu.memory_space<hbm>> -> memref<80xi32, #tpu.memory_space<hbm>>
    %dma_wait3A_106 = tpu.memref_slice %arg3[%add3A_104] : memref<640000xi32, #tpu.memory_space<hbm>> -> memref<80xi32, #tpu.memory_space<hbm>>
    tpu.wait_dma2 semaphore(%arg15 : memref<!tpu.dma_semaphore, #tpu.memory_space<semaphore_mem>>) src(%dma_wait3A_106 : memref<80xi32, #tpu.memory_space<hbm>>) dst(%arg8 : memref<80xi32, #tpu.memory_space<vmem>>)
    %dma_start3A_107 = arith.constant 2 : i32
    %dma_start3A_108 = arith.constant 0 : i32
    %dma_start3A_109 = arith.constant 0 : i32
    %dma_start3A_110 = tpu.memref_slice %arg12[%dma_start3A_107, %dma_start3A_108, %dma_start3A_109] : memref<3x80x128xf32, #tpu.memory_space<vmem>> -> memref<1x80x128xf32, #tpu.memory_space<vmem>>
    %dma_start3A_111 = tpu.memref_squeeze %dma_start3A_110 : memref<1x80x128xf32, #tpu.memory_space<vmem>> -> memref<80x128xf32, #tpu.memory_space<vmem>>
    %dma_start3A_112 = arith.constant 0 : i32
    %dma_start3A_113 = arith.constant 0 : i32
    %dma_start3A_114 = tpu.memref_slice %arg2[%dma_start3A_112, %dma_start3A_113] : memref<10000x128xf32, #tpu.memory_space<hbm>> -> memref<10000x128xf32, #tpu.memory_space<hbm>>
    tpu.enqueue_indirect_dma source(%dma_start3A_114 : memref<10000x128xf32, #tpu.memory_space<hbm>>) target(%dma_start3A_111 : memref<80x128xf32, #tpu.memory_space<vmem>>) offsets(%arg8 : memref<80xi32, #tpu.memory_space<vmem>>) semaphore(%arg21 : memref<!tpu.dma_semaphore, #tpu.memory_space<semaphore_mem>>)
    %multiple_of3A_115 = arith.constant 9680 : i32
    %multiple_of3A_116 = tpu.assume_multiple %multiple_of3A_115, 80 : i32
    %add3A_117 = arith.addi %multiple_of3A, %multiple_of3A_116 : i32
    %dma_wait3A_118 = arith.constant 1 : i32
    %dma_wait3A_119 = arith.constant 0 : i32
    %dma_wait3A_120 = arith.constant 0 : i32
    %dma_wait3A_121 = tpu.memref_slice %arg12[%dma_wait3A_118, %dma_wait3A_119, %dma_wait3A_120] : memref<3x80x128xf32, #tpu.memory_space<vmem>> -> memref<1x80x128xf32, #tpu.memory_space<vmem>>
    %dma_wait3A_122 = tpu.memref_squeeze %dma_wait3A_121 : memref<1x80x128xf32, #tpu.memory_space<vmem>> -> memref<80x128xf32, #tpu.memory_space<vmem>>
    %dma_wait3A_123 = arith.constant 0 : i32
    %dma_wait3A_124 = arith.constant 0 : i32
    %dma_wait3A_125 = tpu.memref_slice %arg2[%dma_wait3A_123, %dma_wait3A_124] : memref<10000x128xf32, #tpu.memory_space<hbm>> -> memref<10000x128xf32, #tpu.memory_space<hbm>>
    tpu.wait_indirect_dma semaphore(%arg20 : memref<!tpu.dma_semaphore, #tpu.memory_space<semaphore_mem>>) src(%dma_wait3A_125 : memref<10000x128xf32, #tpu.memory_space<hbm>>) dst(%dma_wait3A_122 : memref<80x128xf32, #tpu.memory_space<vmem>>)
    %add3A_126 = arith.constant 320000 : i32
    %add3A_127 = arith.addi %add3A_126, %add3A_117 : i32
    %dma_wait3A_128 = tpu.memref_slice %arg3[%add3A_127] : memref<640000xi32, #tpu.memory_space<hbm>> -> memref<80xi32, #tpu.memory_space<hbm>>
    %dma_wait3A_129 = tpu.memref_slice %arg3[%add3A_127] : memref<640000xi32, #tpu.memory_space<hbm>> -> memref<80xi32, #tpu.memory_space<hbm>>
    tpu.wait_dma2 semaphore(%arg17 : memref<!tpu.dma_semaphore, #tpu.memory_space<semaphore_mem>>) src(%dma_wait3A_129 : memref<80xi32, #tpu.memory_space<hbm>>) dst(%arg10 : memref<80xi32, #tpu.memory_space<vmem>>)
    %dma_start3A_130 = arith.constant 1 : i32
    %dma_start3A_131 = arith.constant 0 : i32
    %dma_start3A_132 = arith.constant 0 : i32
    %dma_start3A_133 = tpu.memref_slice %arg12[%dma_start3A_130, %dma_start3A_131, %dma_start3A_132] : memref<3x80x128xf32, #tpu.memory_space<vmem>> -> memref<1x80x128xf32, #tpu.memory_space<vmem>>
    %dma_start3A_134 = tpu.memref_squeeze %dma_start3A_133 : memref<1x80x128xf32, #tpu.memory_space<vmem>> -> memref<80x128xf32, #tpu.memory_space<vmem>>
    %dma_start3A_135 = arith.constant 0 : i32
    %dma_start3A_136 = arith.constant 0 : i32
    %dma_start3A_137 = tpu.memref_slice %arg25[%dma_start3A_135, %dma_start3A_136] : memref<10000x128xf32, #tpu.memory_space<vmem_shared>> -> memref<10000x128xf32, #tpu.memory_space<vmem_shared>>
    tpu.enqueue_indirect_dma source(%dma_start3A_134 : memref<80x128xf32, #tpu.memory_space<vmem>>) target(%dma_start3A_137 : memref<10000x128xf32, #tpu.memory_space<vmem_shared>>) offsets(%arg10 : memref<80xi32, #tpu.memory_space<vmem>>) semaphore(%arg23 : memref<!tpu.dma_semaphore, #tpu.memory_space<semaphore_mem>>) {add = true}
    %dma_wait3A_138 = arith.constant 1 : i32
    %dma_wait3A_139 = arith.constant 0 : i32
    %dma_wait3A_140 = arith.constant 0 : i32
    %dma_wait3A_141 = tpu.memref_slice %arg12[%dma_wait3A_138, %dma_wait3A_139, %dma_wait3A_140] : memref<3x80x128xf32, #tpu.memory_space<vmem>> -> memref<1x80x128xf32, #tpu.memory_space<vmem>>
    %dma_wait3A_142 = tpu.memref_squeeze %dma_wait3A_141 : memref<1x80x128xf32, #tpu.memory_space<vmem>> -> memref<80x128xf32, #tpu.memory_space<vmem>>
    %dma_wait3A_143 = arith.constant 0 : i32
    %dma_wait3A_144 = arith.constant 0 : i32
    %dma_wait3A_145 = tpu.memref_slice %arg25[%dma_wait3A_143, %dma_wait3A_144] : memref<10000x128xf32, #tpu.memory_space<vmem_shared>> -> memref<10000x128xf32, #tpu.memory_space<vmem_shared>>
    tpu.wait_indirect_dma semaphore(%arg23 : memref<!tpu.dma_semaphore, #tpu.memory_space<semaphore_mem>>) src(%dma_wait3A_142 : memref<80x128xf32, #tpu.memory_space<vmem>>) dst(%dma_wait3A_145 : memref<10000x128xf32, #tpu.memory_space<vmem_shared>>)
    %multiple_of3A_146 = arith.constant 9920 : i32
    %multiple_of3A_147 = tpu.assume_multiple %multiple_of3A_146, 80 : i32
    %add3A_148 = arith.addi %multiple_of3A, %multiple_of3A_147 : i32
    %dma_start3A_149 = tpu.memref_slice %arg3[%add3A_148] : memref<640000xi32, #tpu.memory_space<hbm>> -> memref<80xi32, #tpu.memory_space<hbm>>
    %dma_start3A_150 = tpu.memref_slice %arg3[%add3A_148] : memref<640000xi32, #tpu.memory_space<hbm>> -> memref<80xi32, #tpu.memory_space<hbm>>
    tpu.enqueue_dma source(%dma_start3A_150 : memref<80xi32, #tpu.memory_space<hbm>>) target(%arg7 : memref<80xi32, #tpu.memory_space<vmem>>) target_semaphore(%arg14 : memref<!tpu.dma_semaphore, #tpu.memory_space<semaphore_mem>>)
    %add3A_151 = arith.constant 320000 : i32
    %add3A_152 = arith.addi %add3A_151, %add3A_148 : i32
    %dma_start3A_153 = tpu.memref_slice %arg3[%add3A_152] : memref<640000xi32, #tpu.memory_space<hbm>> -> memref<80xi32, #tpu.memory_space<hbm>>
    %dma_start3A_154 = tpu.memref_slice %arg3[%add3A_152] : memref<640000xi32, #tpu.memory_space<hbm>> -> memref<80xi32, #tpu.memory_space<hbm>>
    tpu.enqueue_dma source(%dma_start3A_154 : memref<80xi32, #tpu.memory_space<hbm>>) target(%arg10 : memref<80xi32, #tpu.memory_space<vmem>>) target_semaphore(%arg17 : memref<!tpu.dma_semaphore, #tpu.memory_space<semaphore_mem>>)
    %multiple_of3A_155 = arith.constant 9840 : i32
    %multiple_of3A_156 = tpu.assume_multiple %multiple_of3A_155, 80 : i32
    %add3A_157 = arith.addi %multiple_of3A, %multiple_of3A_156 : i32
    %dma_wait3A_158 = tpu.memref_slice %arg3[%add3A_157] : memref<640000xi32, #tpu.memory_space<hbm>> -> memref<80xi32, #tpu.memory_space<hbm>>
    %dma_wait3A_159 = tpu.memref_slice %arg3[%add3A_157] : memref<640000xi32, #tpu.memory_space<hbm>> -> memref<80xi32, #tpu.memory_space<hbm>>
    tpu.wait_dma2 semaphore(%arg13 : memref<!tpu.dma_semaphore, #tpu.memory_space<semaphore_mem>>) src(%dma_wait3A_159 : memref<80xi32, #tpu.memory_space<hbm>>) dst(%arg6 : memref<80xi32, #tpu.memory_space<vmem>>)
    %dma_start3A_160 = arith.constant 0 : i32
    %dma_start3A_161 = arith.constant 0 : i32
    %dma_start3A_162 = arith.constant 0 : i32
    %dma_start3A_163 = tpu.memref_slice %arg12[%dma_start3A_160, %dma_start3A_161, %dma_start3A_162] : memref<3x80x128xf32, #tpu.memory_space<vmem>> -> memref<1x80x128xf32, #tpu.memory_space<vmem>>
    %dma_start3A_164 = tpu.memref_squeeze %dma_start3A_163 : memref<1x80x128xf32, #tpu.memory_space<vmem>> -> memref<80x128xf32, #tpu.memory_space<vmem>>
    %dma_start3A_165 = arith.constant 0 : i32
    %dma_start3A_166 = arith.constant 0 : i32
    %dma_start3A_167 = tpu.memref_slice %arg2[%dma_start3A_165, %dma_start3A_166] : memref<10000x128xf32, #tpu.memory_space<hbm>> -> memref<10000x128xf32, #tpu.memory_space<hbm>>
    tpu.enqueue_indirect_dma source(%dma_start3A_167 : memref<10000x128xf32, #tpu.memory_space<hbm>>) target(%dma_start3A_164 : memref<80x128xf32, #tpu.memory_space<vmem>>) offsets(%arg6 : memref<80xi32, #tpu.memory_space<vmem>>) semaphore(%arg19 : memref<!tpu.dma_semaphore, #tpu.memory_space<semaphore_mem>>)
    %multiple_of3A_168 = arith.constant 9760 : i32
    %multiple_of3A_169 = tpu.assume_multiple %multiple_of3A_168, 80 : i32
    %add3A_170 = arith.addi %multiple_of3A, %multiple_of3A_169 : i32
    %dma_wait3A_171 = arith.constant 2 : i32
    %dma_wait3A_172 = arith.constant 0 : i32
    %dma_wait3A_173 = arith.constant 0 : i32
    %dma_wait3A_174 = tpu.memref_slice %arg12[%dma_wait3A_171, %dma_wait3A_172, %dma_wait3A_173] : memref<3x80x128xf32, #tpu.memory_space<vmem>> -> memref<1x80x128xf32, #tpu.memory_space<vmem>>
    %dma_wait3A_175 = tpu.memref_squeeze %dma_wait3A_174 : memref<1x80x128xf32, #tpu.memory_space<vmem>> -> memref<80x128xf32, #tpu.memory_space<vmem>>
    %dma_wait3A_176 = arith.constant 0 : i32
    %dma_wait3A_177 = arith.constant 0 : i32
    %dma_wait3A_178 = tpu.memref_slice %arg2[%dma_wait3A_176, %dma_wait3A_177] : memref<10000x128xf32, #tpu.memory_space<hbm>> -> memref<10000x128xf32, #tpu.memory_space<hbm>>
    tpu.wait_indirect_dma semaphore(%arg21 : memref<!tpu.dma_semaphore, #tpu.memory_space<semaphore_mem>>) src(%dma_wait3A_178 : memref<10000x128xf32, #tpu.memory_space<hbm>>) dst(%dma_wait3A_175 : memref<80x128xf32, #tpu.memory_space<vmem>>)
    %add3A_179 = arith.constant 320000 : i32
    %add3A_180 = arith.addi %add3A_179, %add3A_170 : i32
    %dma_wait3A_181 = tpu.memref_slice %arg3[%add3A_180] : memref<640000xi32, #tpu.memory_space<hbm>> -> memref<80xi32, #tpu.memory_space<hbm>>
    %dma_wait3A_182 = tpu.memref_slice %arg3[%add3A_180] : memref<640000xi32, #tpu.memory_space<hbm>> -> memref<80xi32, #tpu.memory_space<hbm>>
    tpu.wait_dma2 semaphore(%arg18 : memref<!tpu.dma_semaphore, #tpu.memory_space<semaphore_mem>>) src(%dma_wait3A_182 : memref<80xi32, #tpu.memory_space<hbm>>) dst(%arg11 : memref<80xi32, #tpu.memory_space<vmem>>)
    %dma_start3A_183 = arith.constant 2 : i32
    %dma_start3A_184 = arith.constant 0 : i32
    %dma_start3A_185 = arith.constant 0 : i32
    %dma_start3A_186 = tpu.memref_slice %arg12[%dma_start3A_183, %dma_start3A_184, %dma_start3A_185] : memref<3x80x128xf32, #tpu.memory_space<vmem>> -> memref<1x80x128xf32, #tpu.memory_space<vmem>>
    %dma_start3A_187 = tpu.memref_squeeze %dma_start3A_186 : memref<1x80x128xf32, #tpu.memory_space<vmem>> -> memref<80x128xf32, #tpu.memory_space<vmem>>
    %dma_start3A_188 = arith.constant 0 : i32
    %dma_start3A_189 = arith.constant 0 : i32
    %dma_start3A_190 = tpu.memref_slice %arg25[%dma_start3A_188, %dma_start3A_189] : memref<10000x128xf32, #tpu.memory_space<vmem_shared>> -> memref<10000x128xf32, #tpu.memory_space<vmem_shared>>
    tpu.enqueue_indirect_dma source(%dma_start3A_187 : memref<80x128xf32, #tpu.memory_space<vmem>>) target(%dma_start3A_190 : memref<10000x128xf32, #tpu.memory_space<vmem_shared>>) offsets(%arg11 : memref<80xi32, #tpu.memory_space<vmem>>) semaphore(%arg24 : memref<!tpu.dma_semaphore, #tpu.memory_space<semaphore_mem>>) {add = true}
    %dma_wait3A_191 = arith.constant 2 : i32
    %dma_wait3A_192 = arith.constant 0 : i32
    %dma_wait3A_193 = arith.constant 0 : i32
    %dma_wait3A_194 = tpu.memref_slice %arg12[%dma_wait3A_191, %dma_wait3A_192, %dma_wait3A_193] : memref<3x80x128xf32, #tpu.memory_space<vmem>> -> memref<1x80x128xf32, #tpu.memory_space<vmem>>
    %dma_wait3A_195 = tpu.memref_squeeze %dma_wait3A_194 : memref<1x80x128xf32, #tpu.memory_space<vmem>> -> memref<80x128xf32, #tpu.memory_space<vmem>>
    %dma_wait3A_196 = arith.constant 0 : i32
    %dma_wait3A_197 = arith.constant 0 : i32
    %dma_wait3A_198 = tpu.memref_slice %arg25[%dma_wait3A_196, %dma_wait3A_197] : memref<10000x128xf32, #tpu.memory_space<vmem_shared>> -> memref<10000x128xf32, #tpu.memory_space<vmem_shared>>
    tpu.wait_indirect_dma semaphore(%arg24 : memref<!tpu.dma_semaphore, #tpu.memory_space<semaphore_mem>>) src(%dma_wait3A_195 : memref<80x128xf32, #tpu.memory_space<vmem>>) dst(%dma_wait3A_198 : memref<10000x128xf32, #tpu.memory_space<vmem_shared>>)
    %multiple_of3A_199 = arith.constant 9920 : i32
    %multiple_of3A_200 = tpu.assume_multiple %multiple_of3A_199, 80 : i32
    %add3A_201 = arith.addi %multiple_of3A, %multiple_of3A_200 : i32
    %dma_wait3A_202 = tpu.memref_slice %arg3[%add3A_201] : memref<640000xi32, #tpu.memory_space<hbm>> -> memref<80xi32, #tpu.memory_space<hbm>>
    %dma_wait3A_203 = tpu.memref_slice %arg3[%add3A_201] : memref<640000xi32, #tpu.memory_space<hbm>> -> memref<80xi32, #tpu.memory_space<hbm>>
    tpu.wait_dma2 semaphore(%arg14 : memref<!tpu.dma_semaphore, #tpu.memory_space<semaphore_mem>>) src(%dma_wait3A_203 : memref<80xi32, #tpu.memory_space<hbm>>) dst(%arg7 : memref<80xi32, #tpu.memory_space<vmem>>)
    %dma_start3A_204 = arith.constant 1 : i32
    %dma_start3A_205 = arith.constant 0 : i32
    %dma_start3A_206 = arith.constant 0 : i32
    %dma_start3A_207 = tpu.memref_slice %arg12[%dma_start3A_204, %dma_start3A_205, %dma_start3A_206] : memref<3x80x128xf32, #tpu.memory_space<vmem>> -> memref<1x80x128xf32, #tpu.memory_space<vmem>>
    %dma_start3A_208 = tpu.memref_squeeze %dma_start3A_207 : memref<1x80x128xf32, #tpu.memory_space<vmem>> -> memref<80x128xf32, #tpu.memory_space<vmem>>
    %dma_start3A_209 = arith.constant 0 : i32
    %dma_start3A_210 = arith.constant 0 : i32
    %dma_start3A_211 = tpu.memref_slice %arg2[%dma_start3A_209, %dma_start3A_210] : memref<10000x128xf32, #tpu.memory_space<hbm>> -> memref<10000x128xf32, #tpu.memory_space<hbm>>
    tpu.enqueue_indirect_dma source(%dma_start3A_211 : memref<10000x128xf32, #tpu.memory_space<hbm>>) target(%dma_start3A_208 : memref<80x128xf32, #tpu.memory_space<vmem>>) offsets(%arg7 : memref<80xi32, #tpu.memory_space<vmem>>) semaphore(%arg20 : memref<!tpu.dma_semaphore, #tpu.memory_space<semaphore_mem>>)
    %multiple_of3A_212 = arith.constant 9840 : i32
    %multiple_of3A_213 = tpu.assume_multiple %multiple_of3A_212, 80 : i32
    %add3A_214 = arith.addi %multiple_of3A, %multiple_of3A_213 : i32
    %dma_wait3A_215 = arith.constant 0 : i32
    %dma_wait3A_216 = arith.constant 0 : i32
    %dma_wait3A_217 = arith.constant 0 : i32
    %dma_wait3A_218 = tpu.memref_slice %arg12[%dma_wait3A_215, %dma_wait3A_216, %dma_wait3A_217] : memref<3x80x128xf32, #tpu.memory_space<vmem>> -> memref<1x80x128xf32, #tpu.memory_space<vmem>>
    %dma_wait3A_219 = tpu.memref_squeeze %dma_wait3A_218 : memref<1x80x128xf32, #tpu.memory_space<vmem>> -> memref<80x128xf32, #tpu.memory_space<vmem>>
    %dma_wait3A_220 = arith.constant 0 : i32
    %dma_wait3A_221 = arith.constant 0 : i32
    %dma_wait3A_222 = tpu.memref_slice %arg2[%dma_wait3A_220, %dma_wait3A_221] : memref<10000x128xf32, #tpu.memory_space<hbm>> -> memref<10000x128xf32, #tpu.memory_space<hbm>>
    tpu.wait_indirect_dma semaphore(%arg19 : memref<!tpu.dma_semaphore, #tpu.memory_space<semaphore_mem>>) src(%dma_wait3A_222 : memref<10000x128xf32, #tpu.memory_space<hbm>>) dst(%dma_wait3A_219 : memref<80x128xf32, #tpu.memory_space<vmem>>)
    %add3A_223 = arith.constant 320000 : i32
    %add3A_224 = arith.addi %add3A_223, %add3A_214 : i32
    %dma_wait3A_225 = tpu.memref_slice %arg3[%add3A_224] : memref<640000xi32, #tpu.memory_space<hbm>> -> memref<80xi32, #tpu.memory_space<hbm>>
    %dma_wait3A_226 = tpu.memref_slice %arg3[%add3A_224] : memref<640000xi32, #tpu.memory_space<hbm>> -> memref<80xi32, #tpu.memory_space<hbm>>
    tpu.wait_dma2 semaphore(%arg16 : memref<!tpu.dma_semaphore, #tpu.memory_space<semaphore_mem>>) src(%dma_wait3A_226 : memref<80xi32, #tpu.memory_space<hbm>>) dst(%arg9 : memref<80xi32, #tpu.memory_space<vmem>>)
    %dma_start3A_227 = arith.constant 0 : i32
    %dma_start3A_228 = arith.constant 0 : i32
    %dma_start3A_229 = arith.constant 0 : i32
    %dma_start3A_230 = tpu.memref_slice %arg12[%dma_start3A_227, %dma_start3A_228, %dma_start3A_229] : memref<3x80x128xf32, #tpu.memory_space<vmem>> -> memref<1x80x128xf32, #tpu.memory_space<vmem>>
    %dma_start3A_231 = tpu.memref_squeeze %dma_start3A_230 : memref<1x80x128xf32, #tpu.memory_space<vmem>> -> memref<80x128xf32, #tpu.memory_space<vmem>>
    %dma_start3A_232 = arith.constant 0 : i32
    %dma_start3A_233 = arith.constant 0 : i32
    %dma_start3A_234 = tpu.memref_slice %arg25[%dma_start3A_232, %dma_start3A_233] : memref<10000x128xf32, #tpu.memory_space<vmem_shared>> -> memref<10000x128xf32, #tpu.memory_space<vmem_shared>>
    tpu.enqueue_indirect_dma source(%dma_start3A_231 : memref<80x128xf32, #tpu.memory_space<vmem>>) target(%dma_start3A_234 : memref<10000x128xf32, #tpu.memory_space<vmem_shared>>) offsets(%arg9 : memref<80xi32, #tpu.memory_space<vmem>>) semaphore(%arg22 : memref<!tpu.dma_semaphore, #tpu.memory_space<semaphore_mem>>) {add = true}
    %dma_wait3A_235 = arith.constant 0 : i32
    %dma_wait3A_236 = arith.constant 0 : i32
    %dma_wait3A_237 = arith.constant 0 : i32
    %dma_wait3A_238 = tpu.memref_slice %arg12[%dma_wait3A_235, %dma_wait3A_236, %dma_wait3A_237] : memref<3x80x128xf32, #tpu.memory_space<vmem>> -> memref<1x80x128xf32, #tpu.memory_space<vmem>>
    %dma_wait3A_239 = tpu.memref_squeeze %dma_wait3A_238 : memref<1x80x128xf32, #tpu.memory_space<vmem>> -> memref<80x128xf32, #tpu.memory_space<vmem>>
    %dma_wait3A_240 = arith.constant 0 : i32
    %dma_wait3A_241 = arith.constant 0 : i32
    %dma_wait3A_242 = tpu.memref_slice %arg25[%dma_wait3A_240, %dma_wait3A_241] : memref<10000x128xf32, #tpu.memory_space<vmem_shared>> -> memref<10000x128xf32, #tpu.memory_space<vmem_shared>>
    tpu.wait_indirect_dma semaphore(%arg22 : memref<!tpu.dma_semaphore, #tpu.memory_space<semaphore_mem>>) src(%dma_wait3A_239 : memref<80x128xf32, #tpu.memory_space<vmem>>) dst(%dma_wait3A_242 : memref<10000x128xf32, #tpu.memory_space<vmem_shared>>)
    %multiple_of3A_243 = arith.constant 9920 : i32
    %multiple_of3A_244 = tpu.assume_multiple %multiple_of3A_243, 80 : i32
    %add3A_245 = arith.addi %multiple_of3A, %multiple_of3A_244 : i32
    %dma_wait3A_246 = arith.constant 1 : i32
    %dma_wait3A_247 = arith.constant 0 : i32
    %dma_wait3A_248 = arith.constant 0 : i32
    %dma_wait3A_249 = tpu.memref_slice %arg12[%dma_wait3A_246, %dma_wait3A_247, %dma_wait3A_248] : memref<3x80x128xf32, #tpu.memory_space<vmem>> -> memref<1x80x128xf32, #tpu.memory_space<vmem>>
    %dma_wait3A_250 = tpu.memref_squeeze %dma_wait3A_249 : memref<1x80x128xf32, #tpu.memory_space<vmem>> -> memref<80x128xf32, #tpu.memory_space<vmem>>
    %dma_wait3A_251 = arith.constant 0 : i32
    %dma_wait3A_252 = arith.constant 0 : i32
    %dma_wait3A_253 = tpu.memref_slice %arg2[%dma_wait3A_251, %dma_wait3A_252] : memref<10000x128xf32, #tpu.memory_space<hbm>> -> memref<10000x128xf32, #tpu.memory_space<hbm>>
    tpu.wait_indirect_dma semaphore(%arg20 : memref<!tpu.dma_semaphore, #tpu.memory_space<semaphore_mem>>) src(%dma_wait3A_253 : memref<10000x128xf32, #tpu.memory_space<hbm>>) dst(%dma_wait3A_250 : memref<80x128xf32, #tpu.memory_space<vmem>>)
    %add3A_254 = arith.constant 320000 : i32
    %add3A_255 = arith.addi %add3A_254, %add3A_245 : i32
    %dma_wait3A_256 = tpu.memref_slice %arg3[%add3A_255] : memref<640000xi32, #tpu.memory_space<hbm>> -> memref<80xi32, #tpu.memory_space<hbm>>
    %dma_wait3A_257 = tpu.memref_slice %arg3[%add3A_255] : memref<640000xi32, #tpu.memory_space<hbm>> -> memref<80xi32, #tpu.memory_space<hbm>>
    tpu.wait_dma2 semaphore(%arg17 : memref<!tpu.dma_semaphore, #tpu.memory_space<semaphore_mem>>) src(%dma_wait3A_257 : memref<80xi32, #tpu.memory_space<hbm>>) dst(%arg10 : memref<80xi32, #tpu.memory_space<vmem>>)
    %dma_start3A_258 = arith.constant 1 : i32
    %dma_start3A_259 = arith.constant 0 : i32
    %dma_start3A_260 = arith.constant 0 : i32
    %dma_start3A_261 = tpu.memref_slice %arg12[%dma_start3A_258, %dma_start3A_259, %dma_start3A_260] : memref<3x80x128xf32, #tpu.memory_space<vmem>> -> memref<1x80x128xf32, #tpu.memory_space<vmem>>
    %dma_start3A_262 = tpu.memref_squeeze %dma_start3A_261 : memref<1x80x128xf32, #tpu.memory_space<vmem>> -> memref<80x128xf32, #tpu.memory_space<vmem>>
    %dma_start3A_263 = arith.constant 0 : i32
    %dma_start3A_264 = arith.constant 0 : i32
    %dma_start3A_265 = tpu.memref_slice %arg25[%dma_start3A_263, %dma_start3A_264] : memref<10000x128xf32, #tpu.memory_space<vmem_shared>> -> memref<10000x128xf32, #tpu.memory_space<vmem_shared>>
    tpu.enqueue_indirect_dma source(%dma_start3A_262 : memref<80x128xf32, #tpu.memory_space<vmem>>) target(%dma_start3A_265 : memref<10000x128xf32, #tpu.memory_space<vmem_shared>>) offsets(%arg10 : memref<80xi32, #tpu.memory_space<vmem>>) semaphore(%arg23 : memref<!tpu.dma_semaphore, #tpu.memory_space<semaphore_mem>>) {add = true}
    %dma_wait3A_266 = arith.constant 1 : i32
    %dma_wait3A_267 = arith.constant 0 : i32
    %dma_wait3A_268 = arith.constant 0 : i32
    %dma_wait3A_269 = tpu.memref_slice %arg12[%dma_wait3A_266, %dma_wait3A_267, %dma_wait3A_268] : memref<3x80x128xf32, #tpu.memory_space<vmem>> -> memref<1x80x128xf32, #tpu.memory_space<vmem>>
    %dma_wait3A_270 = tpu.memref_squeeze %dma_wait3A_269 : memref<1x80x128xf32, #tpu.memory_space<vmem>> -> memref<80x128xf32, #tpu.memory_space<vmem>>
    %dma_wait3A_271 = arith.constant 0 : i32
    %dma_wait3A_272 = arith.constant 0 : i32
    %dma_wait3A_273 = tpu.memref_slice %arg25[%dma_wait3A_271, %dma_wait3A_272] : memref<10000x128xf32, #tpu.memory_space<vmem_shared>> -> memref<10000x128xf32, #tpu.memory_space<vmem_shared>>
    tpu.wait_indirect_dma semaphore(%arg23 : memref<!tpu.dma_semaphore, #tpu.memory_space<semaphore_mem>>) src(%dma_wait3A_270 : memref<80x128xf32, #tpu.memory_space<vmem>>) dst(%dma_wait3A_273 : memref<10000x128xf32, #tpu.memory_space<vmem_shared>>)
    %barrier3A_274 = arith.constant 0 : index
    tpu.barrier barrier_id(%barrier3A_274)
    %mul3A_275 = arith.constant 624 : i32
    %mul3A_276 = arith.muli %arg1, %mul3A_275 : i32
    %mul3A_277 = arith.constant 624 : i32
    %mul3A_278 = arith.muli %arg1, %mul3A_277 : i32
    "tpu.region"() ({
      %run_scoped3A = tpu.sem_alloc : memref<!tpu.dma_semaphore, #tpu.memory_space<semaphore_mem>>
      %dma_start3A_284 = arith.constant 0 : i32
      %dma_start3A_285 = tpu.memref_slice %arg5[%arg0, %mul3A_278, %dma_start3A_284] : memref<2x10000x128xf32, #tpu.memory_space<hbm>> -> memref<1x624x128xf32, #tpu.memory_space<hbm>>
      %dma_start3A_286 = tpu.memref_squeeze %dma_start3A_285 : memref<1x624x128xf32, #tpu.memory_space<hbm>> -> memref<624x128xf32, #tpu.memory_space<hbm>>
      %dma_start3A_287 = arith.constant 0 : i32
      %dma_start3A_288 = tpu.memref_slice %arg25[%mul3A_276, %dma_start3A_287] : memref<10000x128xf32, #tpu.memory_space<vmem_shared>> -> memref<624x128xf32, #tpu.memory_space<vmem_shared>>
      tpu.enqueue_dma source(%dma_start3A_288 : memref<624x128xf32, #tpu.memory_space<vmem_shared>>) target(%dma_start3A_286 : memref<624x128xf32, #tpu.memory_space<hbm>>) target_semaphore(%run_scoped3A : memref<!tpu.dma_semaphore, #tpu.memory_space<semaphore_mem>>)
      %dma_wait3A_289 = arith.constant 0 : i32
      %dma_wait3A_290 = tpu.memref_slice %arg5[%arg0, %mul3A_278, %dma_wait3A_289] : memref<2x10000x128xf32, #tpu.memory_space<hbm>> -> memref<1x624x128xf32, #tpu.memory_space<hbm>>
      %dma_wait3A_291 = tpu.memref_squeeze %dma_wait3A_290 : memref<1x624x128xf32, #tpu.memory_space<hbm>> -> memref<624x128xf32, #tpu.memory_space<hbm>>
      %dma_wait3A_292 = arith.constant 0 : i32
      %dma_wait3A_293 = tpu.memref_slice %arg25[%mul3A_276, %dma_wait3A_292] : memref<10000x128xf32, #tpu.memory_space<vmem_shared>> -> memref<624x128xf32, #tpu.memory_space<vmem_shared>>
      tpu.wait_dma2 semaphore(%run_scoped3A : memref<!tpu.dma_semaphore, #tpu.memory_space<semaphore_mem>>) src(%dma_wait3A_293 : memref<624x128xf32, #tpu.memory_space<vmem_shared>>) dst(%dma_wait3A_291 : memref<624x128xf32, #tpu.memory_space<hbm>>)
      tpu.yield
    }) : () -> ()
    %eq3A_279 = arith.constant 15 : i32
    %eq3A_280 = arith.cmpi eq, %arg1, %eq3A_279 : i32
    %convert_element_type3A_281 = arith.extui %eq3A_280 : i1 to i32
    %cond3A_282 = arith.constant 0 : i32
    %cond3A_283 = arith.cmpi ne, %convert_element_type3A_281, %cond3A_282 : i32
    scf.if %cond3A_283 {
      "tpu.region"() ({
        %run_scoped3A = tpu.sem_alloc : memref<!tpu.dma_semaphore, #tpu.memory_space<semaphore_mem>>
        %dma_start3A_284 = arith.constant 9984 : i32
        %dma_start3A_285 = arith.constant 0 : i32
        %dma_start3A_286 = tpu.memref_slice %arg5[%arg0, %dma_start3A_284, %dma_start3A_285] : memref<2x10000x128xf32, #tpu.memory_space<hbm>> -> memref<1x16x128xf32, #tpu.memory_space<hbm>>
        %dma_start3A_287 = tpu.memref_squeeze %dma_start3A_286 : memref<1x16x128xf32, #tpu.memory_space<hbm>> -> memref<16x128xf32, #tpu.memory_space<hbm>>
        %dma_start3A_288 = arith.constant 9984 : i32
        %dma_start3A_289 = arith.constant 0 : i32
        %dma_start3A_290 = tpu.memref_slice %arg25[%dma_start3A_288, %dma_start3A_289] : memref<10000x128xf32, #tpu.memory_space<vmem_shared>> -> memref<16x128xf32, #tpu.memory_space<vmem_shared>>
        tpu.enqueue_dma source(%dma_start3A_290 : memref<16x128xf32, #tpu.memory_space<vmem_shared>>) target(%dma_start3A_287 : memref<16x128xf32, #tpu.memory_space<hbm>>) target_semaphore(%run_scoped3A : memref<!tpu.dma_semaphore, #tpu.memory_space<semaphore_mem>>)
        %dma_wait3A_291 = arith.constant 9984 : i32
        %dma_wait3A_292 = arith.constant 0 : i32
        %dma_wait3A_293 = tpu.memref_slice %arg5[%arg0, %dma_wait3A_291, %dma_wait3A_292] : memref<2x10000x128xf32, #tpu.memory_space<hbm>> -> memref<1x16x128xf32, #tpu.memory_space<hbm>>
        %dma_wait3A_294 = tpu.memref_squeeze %dma_wait3A_293 : memref<1x16x128xf32, #tpu.memory_space<hbm>> -> memref<16x128xf32, #tpu.memory_space<hbm>>
        %dma_wait3A_295 = arith.constant 9984 : i32
        %dma_wait3A_296 = arith.constant 0 : i32
        %dma_wait3A_297 = tpu.memref_slice %arg25[%dma_wait3A_295, %dma_wait3A_296] : memref<10000x128xf32, #tpu.memory_space<vmem_shared>> -> memref<16x128xf32, #tpu.memory_space<vmem_shared>>
        tpu.wait_dma2 semaphore(%run_scoped3A : memref<!tpu.dma_semaphore, #tpu.memory_space<semaphore_mem>>) src(%dma_wait3A_297 : memref<16x128xf32, #tpu.memory_space<vmem_shared>>) dst(%dma_wait3A_294 : memref<16x128xf32, #tpu.memory_space<hbm>>)
        tpu.yield
      }) : () -> ()
    } else {
    }
    return
  }
}

module attributes {stable_mosaic.version = 14 : i64} {
  func.func @gcn_scale_tc(%arg0: i32, %arg1: memref<1000x4xf32, #tpu.memory_space<vmem>>, %arg2: memref<1000x128xf32, #tpu.memory_space<vmem>>, %arg3: memref<1000x128xf32, #tpu.memory_space<vmem>>, %arg4: memref<1000x1xf32, #tpu.memory_space<vmem>>, %arg5: memref<1000x1xf32, #tpu.memory_space<vmem>>) attributes {dimension_semantics = [#tpu.dimension_semantics<arbitrary>], iteration_bounds = array<i64: 10>, scalar_prefetch = 0 : i64, scratch_operands = 0 : i64, tpu.core_type = #tpu.core_type<tc>, window_params = [{transform_indices = @transform_0, window_bounds = array<i64: 1000, 4>}, {transform_indices = @transform_1, window_bounds = array<i64: 1000, 128>}, {transform_indices = @transform_2, window_bounds = array<i64: 1000, 128>}, {transform_indices = @transform_3, window_bounds = array<i64: 1000, 1>}, {transform_indices = @transform_4, window_bounds = array<i64: 1000, 1>}]} {
    %get3A = arith.constant 0 : index
    %get3A_0 = arith.constant 0 : index
    %get3A_1 = vector.load %arg1[%get3A, %get3A_0] : memref<1000x4xf32, #tpu.memory_space<vmem>>, vector<1000x4xf32>
    %slice3A = vector.extract_strided_slice %get3A_1 {offsets = [0, 0], sizes = [1000, 1], strides = [1, 1]} : vector<1000x4xf32> to vector<1000x1xf32>
    %slice3A_2 = vector.extract_strided_slice %get3A_1 {offsets = [0, 2], sizes = [1000, 1], strides = [1, 1]} : vector<1000x4xf32> to vector<1000x1xf32>
    %add3A = arith.addf %slice3A, %slice3A_2 : vector<1000x1xf32>
    %max3A = arith.constant 1.000000e+00 : f32
    %max3A_3 = vector.broadcast %max3A : f32 to vector<1000x1xf32>
    %max3A_4 = arith.maximumf %add3A, %max3A_3 : vector<1000x1xf32>
    %rsqrt3A = math.rsqrt %max3A_4 : vector<1000x1xf32>
    %slice3A_5 = vector.extract_strided_slice %get3A_1 {offsets = [0, 1], sizes = [1000, 1], strides = [1, 1]} : vector<1000x4xf32> to vector<1000x1xf32>
    %slice3A_6 = vector.extract_strided_slice %get3A_1 {offsets = [0, 3], sizes = [1000, 1], strides = [1, 1]} : vector<1000x4xf32> to vector<1000x1xf32>
    %add3A_7 = arith.addf %slice3A_5, %slice3A_6 : vector<1000x1xf32>
    %max3A_8 = arith.constant 1.000000e+00 : f32
    %max3A_9 = vector.broadcast %max3A_8 : f32 to vector<1000x1xf32>
    %max3A_10 = arith.maximumf %add3A_7, %max3A_9 : vector<1000x1xf32>
    %rsqrt3A_11 = math.rsqrt %max3A_10 : vector<1000x1xf32>
    %swap3A = arith.constant 0 : index
    %swap3A_12 = arith.constant 0 : index
    %swap3A_13 = vector.load %arg4[%swap3A, %swap3A_12] : memref<1000x1xf32, #tpu.memory_space<vmem>>, vector<1000x1xf32>
    tpu.vector_store %arg4[%swap3A, %swap3A_12], %rsqrt3A {strides = array<i32>} : memref<1000x1xf32, #tpu.memory_space<vmem>>, vector<1000x1xf32>,
    %swap3A_14 = arith.constant 0 : index
    %swap3A_15 = arith.constant 0 : index
    %swap3A_16 = vector.load %arg5[%swap3A_14, %swap3A_15] : memref<1000x1xf32, #tpu.memory_space<vmem>>, vector<1000x1xf32>
    tpu.vector_store %arg5[%swap3A_14, %swap3A_15], %rsqrt3A_11 {strides = array<i32>} : memref<1000x1xf32, #tpu.memory_space<vmem>>, vector<1000x1xf32>,
    %get3A_17 = arith.constant 0 : index
    %get3A_18 = arith.constant 0 : index
    %get3A_19 = vector.load %arg2[%get3A_17, %get3A_18] : memref<1000x128xf32, #tpu.memory_space<vmem>>, vector<1000x128xf32>
    %mul3A = vector.broadcast %rsqrt3A : vector<1000x1xf32> to vector<1000x128xf32>
    %mul3A_20 = arith.mulf %get3A_19, %mul3A : vector<1000x128xf32>
    %swap3A_21 = arith.constant 0 : index
    %swap3A_22 = arith.constant 0 : index
    %swap3A_23 = vector.load %arg3[%swap3A_21, %swap3A_22] : memref<1000x128xf32, #tpu.memory_space<vmem>>, vector<1000x128xf32>
    tpu.vector_store %arg3[%swap3A_21, %swap3A_22], %mul3A_20 {strides = array<i32>} : memref<1000x128xf32, #tpu.memory_space<vmem>>, vector<1000x128xf32>,
    return
  }
  func.func @transform_0(%arg0: i32) -> (i32, i32) {
    %c0_i32 = arith.constant 0 : i32
    %c0_i32_0 = arith.constant 0 : i32
    return %arg0, %c0_i32 : i32, i32
  }
  func.func @transform_1(%arg0: i32) -> (i32, i32) {
    %c0_i32 = arith.constant 0 : i32
    %c0_i32_0 = arith.constant 0 : i32
    return %arg0, %c0_i32 : i32, i32
  }
  func.func @transform_2(%arg0: i32) -> (i32, i32) {
    %c0_i32 = arith.constant 0 : i32
    %c0_i32_0 = arith.constant 0 : i32
    return %arg0, %c0_i32 : i32, i32
  }
  func.func @transform_3(%arg0: i32) -> (i32, i32) {
    %c0_i32 = arith.constant 0 : i32
    %c0_i32_0 = arith.constant 0 : i32
    return %arg0, %c0_i32 : i32, i32
  }
  func.func @transform_4(%arg0: i32) -> (i32, i32) {
    %c0_i32 = arith.constant 0 : i32
    %c0_i32_0 = arith.constant 0 : i32
    return %arg0, %c0_i32 : i32, i32
  }
}

module attributes {stable_mosaic.version = 14 : i64} {
  func.func @gcn_mid_tc(%arg0: i32, %arg1: memref<2x1000x128xf32, #tpu.memory_space<vmem>>, %arg2: memref<1000x1xf32, #tpu.memory_space<vmem>>, %arg3: memref<1000x1xf32, #tpu.memory_space<vmem>>, %arg4: memref<128x256xf32, #tpu.memory_space<vmem>>, %arg5: memref<1x256xf32, #tpu.memory_space<vmem>>, %arg6: memref<256x128xf32, #tpu.memory_space<vmem>>, %arg7: memref<1000x128xf32, #tpu.memory_space<vmem>>) attributes {dimension_semantics = [#tpu.dimension_semantics<arbitrary>], iteration_bounds = array<i64: 10>, scalar_prefetch = 0 : i64, scratch_operands = 0 : i64, tpu.core_type = #tpu.core_type<tc>, window_params = [{transform_indices = @transform_0, window_bounds = array<i64: 2, 1000, 128>}, {transform_indices = @transform_1, window_bounds = array<i64: 1000, 1>}, {transform_indices = @transform_2, window_bounds = array<i64: 1000, 1>}, {pipeline_mode = #tpu.pipeline_mode<synchronous>, transform_indices = @transform_3, window_bounds = array<i64: 128, 256>}, {pipeline_mode = #tpu.pipeline_mode<synchronous>, transform_indices = @transform_4, window_bounds = array<i64: 1, 256>}, {pipeline_mode = #tpu.pipeline_mode<synchronous>, transform_indices = @transform_5, window_bounds = array<i64: 256, 128>}, {transform_indices = @transform_6, window_bounds = array<i64: 1000, 128>}]} {
    %get3A = arith.constant 0 : index
    %get3A_0 = arith.constant 0 : index
    %get3A_1 = arith.constant 0 : index
    %get3A_2 = vector.load %arg1[%get3A, %get3A_0, %get3A_1] : memref<2x1000x128xf32, #tpu.memory_space<vmem>>, vector<1x1000x128xf32>
    %get3A_3 = vector.shape_cast %get3A_2 : vector<1x1000x128xf32> to vector<1000x128xf32>
    %get3A_4 = arith.constant 1 : index
    %get3A_5 = arith.constant 0 : index
    %get3A_6 = arith.constant 0 : index
    %get3A_7 = vector.load %arg1[%get3A_4, %get3A_5, %get3A_6] : memref<2x1000x128xf32, #tpu.memory_space<vmem>>, vector<1x1000x128xf32>
    %get3A_8 = vector.shape_cast %get3A_7 : vector<1x1000x128xf32> to vector<1000x128xf32>
    %add3A = arith.addf %get3A_3, %get3A_8 : vector<1000x128xf32>
    %get3A_9 = arith.constant 0 : index
    %get3A_10 = arith.constant 0 : index
    %get3A_11 = vector.load %arg2[%get3A_9, %get3A_10] : memref<1000x1xf32, #tpu.memory_space<vmem>>, vector<1000x1xf32>
    %mul3A = vector.broadcast %get3A_11 : vector<1000x1xf32> to vector<1000x128xf32>
    %mul3A_12 = arith.mulf %add3A, %mul3A : vector<1000x128xf32>
    %get3A_13 = arith.constant 0 : index
    %get3A_14 = arith.constant 0 : index
    %get3A_15 = vector.load %arg4[%get3A_13, %get3A_14] : memref<128x256xf32, #tpu.memory_space<vmem>>, vector<128x256xf32>
    %dot_general3A = arith.constant dense<0.000000e+00> : vector<1000x256xf32>
    %dot_general3A_16 = tpu.matmul %mul3A_12, %get3A_15, %dot_general3A {dimension_numbers = #tpu.dot_dimension_numbers<[1], [0], [0], [1], [0, 0, 1, 1], [], []>, transpose_lhs_hint = false} : vector<1000x128xf32>, vector<128x256xf32>, vector<1000x256xf32> -> vector<1000x256xf32>
    %get3A_17 = arith.constant 0 : index
    %get3A_18 = arith.constant 0 : index
    %get3A_19 = vector.load %arg5[%get3A_17, %get3A_18] : memref<1x256xf32, #tpu.memory_space<vmem>>, vector<1x256xf32>
    %add3A_20 = vector.broadcast %get3A_19 : vector<1x256xf32> to vector<1000x256xf32>
    %add3A_21 = arith.addf %dot_general3A_16, %add3A_20 : vector<1000x256xf32>
    %max3A = arith.constant 0.000000e+00 : f32
    %max3A_22 = vector.broadcast %max3A : f32 to vector<1000x256xf32>
    %max3A_23 = arith.maximumf %add3A_21, %max3A_22 : vector<1000x256xf32>
    %get3A_24 = arith.constant 0 : index
    %get3A_25 = arith.constant 0 : index
    %get3A_26 = vector.load %arg3[%get3A_24, %get3A_25] : memref<1000x1xf32, #tpu.memory_space<vmem>>, vector<1000x1xf32>
    %mul3A_27 = vector.broadcast %get3A_26 : vector<1000x1xf32> to vector<1000x256xf32>
    %mul3A_28 = arith.mulf %max3A_23, %mul3A_27 : vector<1000x256xf32>
    %get3A_29 = arith.constant 0 : index
    %get3A_30 = arith.constant 0 : index
    %get3A_31 = vector.load %arg6[%get3A_29, %get3A_30] : memref<256x128xf32, #tpu.memory_space<vmem>>, vector<256x128xf32>
    %dot_general3A_32 = arith.constant dense<0.000000e+00> : vector<1000x128xf32>
    %dot_general3A_33 = tpu.matmul %mul3A_28, %get3A_31, %dot_general3A_32 {dimension_numbers = #tpu.dot_dimension_numbers<[1], [0], [0], [1], [0, 0, 1, 1], [], []>, transpose_lhs_hint = false} : vector<1000x256xf32>, vector<256x128xf32>, vector<1000x128xf32> -> vector<1000x128xf32>
    %swap3A = arith.constant 0 : index
    %swap3A_34 = arith.constant 0 : index
    %swap3A_35 = vector.load %arg7[%swap3A, %swap3A_34] : memref<1000x128xf32, #tpu.memory_space<vmem>>, vector<1000x128xf32>
    tpu.vector_store %arg7[%swap3A, %swap3A_34], %dot_general3A_33 {strides = array<i32>} : memref<1000x128xf32, #tpu.memory_space<vmem>>, vector<1000x128xf32>,
    return
  }
  func.func @transform_0(%arg0: i32) -> (i32, i32, i32) {
    %c0_i32 = arith.constant 0 : i32
    %c0_i32_0 = arith.constant 0 : i32
    %c0_i32_1 = arith.constant 0 : i32
    return %c0_i32, %arg0, %c0_i32_0 : i32, i32, i32
  }
  func.func @transform_1(%arg0: i32) -> (i32, i32) {
    %c0_i32 = arith.constant 0 : i32
    %c0_i32_0 = arith.constant 0 : i32
    return %arg0, %c0_i32 : i32, i32
  }
  func.func @transform_2(%arg0: i32) -> (i32, i32) {
    %c0_i32 = arith.constant 0 : i32
    %c0_i32_0 = arith.constant 0 : i32
    return %arg0, %c0_i32 : i32, i32
  }
  func.func @transform_3(%arg0: i32) -> (i32, i32) {
    %c0_i32 = arith.constant 0 : i32
    %c0_i32_0 = arith.constant 0 : i32
    %c0_i32_1 = arith.constant 0 : i32
    return %c0_i32, %c0_i32_0 : i32, i32
  }
  func.func @transform_4(%arg0: i32) -> (i32, i32) {
    %c0_i32 = arith.constant 0 : i32
    %c0_i32_0 = arith.constant 0 : i32
    %c0_i32_1 = arith.constant 0 : i32
    return %c0_i32, %c0_i32_0 : i32, i32
  }
  func.func @transform_5(%arg0: i32) -> (i32, i32) {
    %c0_i32 = arith.constant 0 : i32
    %c0_i32_0 = arith.constant 0 : i32
    %c0_i32_1 = arith.constant 0 : i32
    return %c0_i32, %c0_i32_0 : i32, i32
  }
  func.func @transform_6(%arg0: i32) -> (i32, i32) {
    %c0_i32 = arith.constant 0 : i32
    %c0_i32_0 = arith.constant 0 : i32
    return %arg0, %c0_i32 : i32, i32
  }
}

module attributes {stable_mosaic.version = 14 : i64} {
  func.func @gcn_final_tc(%arg0: i32, %arg1: memref<2x1000x128xf32, #tpu.memory_space<vmem>>, %arg2: memref<1000x1xf32, #tpu.memory_space<vmem>>, %arg3: memref<1x128xf32, #tpu.memory_space<vmem>>, %arg4: memref<1000x128xf32, #tpu.memory_space<vmem>>) attributes {dimension_semantics = [#tpu.dimension_semantics<arbitrary>], iteration_bounds = array<i64: 10>, scalar_prefetch = 0 : i64, scratch_operands = 0 : i64, tpu.core_type = #tpu.core_type<tc>, window_params = [{transform_indices = @transform_0, window_bounds = array<i64: 2, 1000, 128>}, {transform_indices = @transform_1, window_bounds = array<i64: 1000, 1>}, {pipeline_mode = #tpu.pipeline_mode<synchronous>, transform_indices = @transform_2, window_bounds = array<i64: 1, 128>}, {transform_indices = @transform_3, window_bounds = array<i64: 1000, 128>}]} {
    %get3A = arith.constant 0 : index
    %get3A_0 = arith.constant 0 : index
    %get3A_1 = arith.constant 0 : index
    %get3A_2 = vector.load %arg1[%get3A, %get3A_0, %get3A_1] : memref<2x1000x128xf32, #tpu.memory_space<vmem>>, vector<1x1000x128xf32>
    %get3A_3 = vector.shape_cast %get3A_2 : vector<1x1000x128xf32> to vector<1000x128xf32>
    %get3A_4 = arith.constant 1 : index
    %get3A_5 = arith.constant 0 : index
    %get3A_6 = arith.constant 0 : index
    %get3A_7 = vector.load %arg1[%get3A_4, %get3A_5, %get3A_6] : memref<2x1000x128xf32, #tpu.memory_space<vmem>>, vector<1x1000x128xf32>
    %get3A_8 = vector.shape_cast %get3A_7 : vector<1x1000x128xf32> to vector<1000x128xf32>
    %add3A = arith.addf %get3A_3, %get3A_8 : vector<1000x128xf32>
    %get3A_9 = arith.constant 0 : index
    %get3A_10 = arith.constant 0 : index
    %get3A_11 = vector.load %arg2[%get3A_9, %get3A_10] : memref<1000x1xf32, #tpu.memory_space<vmem>>, vector<1000x1xf32>
    %mul3A = vector.broadcast %get3A_11 : vector<1000x1xf32> to vector<1000x128xf32>
    %mul3A_12 = arith.mulf %add3A, %mul3A : vector<1000x128xf32>
    %get3A_13 = arith.constant 0 : index
    %get3A_14 = arith.constant 0 : index
    %get3A_15 = vector.load %arg3[%get3A_13, %get3A_14] : memref<1x128xf32, #tpu.memory_space<vmem>>, vector<1x128xf32>
    %add3A_16 = vector.broadcast %get3A_15 : vector<1x128xf32> to vector<1000x128xf32>
    %add3A_17 = arith.addf %mul3A_12, %add3A_16 : vector<1000x128xf32>
    %max3A = arith.constant 0.000000e+00 : f32
    %max3A_18 = vector.broadcast %max3A : f32 to vector<1000x128xf32>
    %max3A_19 = arith.maximumf %add3A_17, %max3A_18 : vector<1000x128xf32>
    %swap3A = arith.constant 0 : index
    %swap3A_20 = arith.constant 0 : index
    %swap3A_21 = vector.load %arg4[%swap3A, %swap3A_20] : memref<1000x128xf32, #tpu.memory_space<vmem>>, vector<1000x128xf32>
    tpu.vector_store %arg4[%swap3A, %swap3A_20], %max3A_19 {strides = array<i32>} : memref<1000x128xf32, #tpu.memory_space<vmem>>, vector<1000x128xf32>,
    return
  }
  func.func @transform_0(%arg0: i32) -> (i32, i32, i32) {
    %c0_i32 = arith.constant 0 : i32
    %c0_i32_0 = arith.constant 0 : i32
    %c0_i32_1 = arith.constant 0 : i32
    return %c0_i32, %arg0, %c0_i32_0 : i32, i32, i32
  }
  func.func @transform_1(%arg0: i32) -> (i32, i32) {
    %c0_i32 = arith.constant 0 : i32
    %c0_i32_0 = arith.constant 0 : i32
    return %arg0, %c0_i32 : i32, i32
  }
  func.func @transform_2(%arg0: i32) -> (i32, i32) {
    %c0_i32 = arith.constant 0 : i32
    %c0_i32_0 = arith.constant 0 : i32
    %c0_i32_1 = arith.constant 0 : i32
    return %c0_i32, %c0_i32_0 : i32, i32
  }
  func.func @transform_3(%arg0: i32) -> (i32, i32) {
    %c0_i32 = arith.constant 0 : i32
    %c0_i32_0 = arith.constant 0 : i32
    return %arg0, %c0_i32 : i32, i32
  }
}

</mosaic_0001>

<sc_bundles>
// kernel: gcn_degrees_sc.3.cloned.1.call-start
scs
__scs_entry_jumppad:
0x0: {  	(pc) =	sbr.rel $0x88, $3  }
0x1: {  	(tag) =	ssettag $0x0;
	lr =	simm.s32 $0x1  }
0x2: {  	[smem:$0x3F9B] =	sst lr;
	_ =	strace $0xD0000000  }
0x3: {  	_ = 	snop  }
0x4: {  	_ = 	snop  }
0x5: {  	_ = 	snop  }
0x6: {  	_ = 	snop  }
0x7: {  	_ = 	snop  }
__scs_overlays_trampoline_lowered:
0x8: {  	[smem:$0x3FAA] =	sst s0  }
0x9: {  	[smem:$0x3FAB] =	sst s1  }
0xa: {  	[smem:$0x3FAC] =	sst s2  }
0xb: {  	[smem:$0x3FAD] =	sst s3  }
0xc: {  	[smem:$0x3FAE] =	sst s4  }
0xd: {  	[smem:$0x3FAF] =	sst s5  }
0xe: {  	[smem:$0x3FB0] =	sst s6  }
0xf: {  	[smem:$0x3FB1] =	sst s7  }
0x10: {  	[smem:$0x3FB2] =	sst s8  }
0x11: {  	[smem:$0x3FB3] =	sst s9;
	s0 =	simm.s32 @!p0 $0x0  }
0x12: {  	s1 =	sld [smem:$0x3F99];
	s0 =	simm.s32 @p0 $0x1  }
0x13: {  	[smem:$0x3FB4] =	sst s0;
	s0 =	simm.s32 @!p1 $0x0  }
0x14: {  	s2 =	sld [smem:$0x3F98];
	s0 =	simm.s32 @p1 $0x1  }
0x15: {  	[smem:$0x3FB5] =	sst s0;
	s0 =	simm.s32 @!p2 $0x0  }
0x16: {  	s3 =	sld [smem:$0x3FDB];
	s0 =	simm.s32 @p2 $0x1  }
0x17: {  	s4 =	simm.s32 $0x1BF5;
	[smem:$0x3FB7] =	sst s0  }
0x18: {  	s0 =	sld [smem:$0x3F9A];
	_ =	swait.ge [sflag:s4], $0x0  }
0x19: {  	s7 =	sld [smem:$0x3F9B]  }
0x1a: {  	s8 =	sadd.s32 $0xFFFFE003, lr  }
0x1b: {  	s9 =	sadd.s32 $0xFFFFFEF7, lr;
	s5 =	simm.s32 $0xFFFFFFFF;
	p2 =	slt.u32 s8, $0xFFFFF086  }
0x1c: {  	p1 =	slt.u32 s9, $0xF7A;
	s5 =	simm.s32 @!p2 $0x0  }
0x1d: {  	s5 =	simm.s32 @p1 $0x1;
	p0 =	seq.s32 s7, s2  }
0x1e: {  	s7 =	smul.u32 @!p0 $0xF7A, s2;
	p2 =	seq.s32 @!p0 s5, $0x0  }
0x1f: {  	s9 =	smul.u32 $0xF7A, s1;
	s8 =	simm.s32 @!p0 $0x1BF5;
	p2 =	por !p2, p0  }
0x20: {  	[sflag:s8] =	ssyncset.s32 @!p0 $0xFFFFF086;
	s6 =	sadd.s32 @!p0 s3, s7;
	s7 =	simm.s32 @!p0 $0x108  }
0x21: {  	s3 =	sadd.s32 s3, s9;
	s6 =	sadd.s32 @!p0 $0x88, s6;
	s7 =	simm.s32 @p2 $0x1082  }
0x22: {  	[simem:s7], [sflag:s8] =	dma.local @!p0 [hbm:s6], $0xF7A  }
0x23: {  	s9 =	sor.u32 $0xD0000000, s2;
	s6 =	simm.s32 $0x108;
	_ =	swait.ge @!p0 [sflag:s8], $0x0  }
0x24: {  	s3 =	sadd.s32 $0x88, s3;
	s6 =	simm.s32 @!p1 $0x1082;
	[sflag:s4] =	ssyncset.s32 $0xFFFFF086  }
0x25: {  	[simem:s6], [sflag:s4] =	dma.local [hbm:s3], $0xF7A  }
0x26: {  	[smem:$0x3F9B] =	sst s1;
	(tag) =	ssettag s2;
	_ =	strace s9  }
0x27: {  	s1 =	sld [smem:$0x3FAB]  }
0x28: {  	s2 =	sld [smem:$0x3FAC]  }
0x29: {  	s4 =	sld [smem:$0x3FAE]  }
0x2a: {  	p0 =	seq.s32 s5, $0x0;
	s5 =	sld [smem:$0x3FAF]  }
0x2b: {  	s6 =	sld [smem:$0x3FB0]  }
0x2c: {  	s7 =	sld [smem:$0x3FB1]  }
0x2d: {  	s3 =	simm.s32 $0x108;
	s8 =	sld [smem:$0x3FB2]  }
0x2e: {  	s3 =	simm.s32 @!p0 $0x1082;
	s9 =	sld [smem:$0x3FB3]  }
0x2f: {  	lr =	sadd.s32 s0, s3;
	s0 =	sld [smem:$0x3FAA]  }
0x30: {  	s3 =	sld [smem:$0x3FAD]  }
0x31: {  	[smem:$0x3FB6] =	sst s10  }
0x32: {  	s10 =	sld [smem:$0x3FB4];
	_ =	sdelay $0x3  }
0x33: {  	p0 =	seq.s32 s10, $0x1;
	s10 =	sld [smem:$0x3FB6];
	_ =	sdelay $0x3  }
0x34: {  	[smem:$0x3FB6] =	sst s10  }
0x35: {  	s10 =	sld [smem:$0x3FB5];
	_ =	sdelay $0x3  }
0x36: {  	p1 =	seq.s32 s10, $0x1;
	s10 =	sld [smem:$0x3FB6];
	_ =	sdelay $0x3  }
0x37: {  	[smem:$0x3FB6] =	sst s10  }
0x38: {  	s10 =	sld [smem:$0x3FB7]  }
0x39: {  	_ = 	snop;
	(pc) =	sbr.ind lr, $3  }
0x3a: {  	_ = 	snop  }
0x3b: {  	_ = 	snop  }
0x3c: {  	p2 =	seq.s32 s10, $0x1;
	s10 =	sld [smem:$0x3FB6]  }
0x3d: {  	_ =	shalt  }
0x3e: {  	_ =	shalt  }
0x3f: {  	_ =	shalt  }
0x40: {  	_ =	shalt  }
0x41: {  	_ =	shalt  }
0x42: {  	_ =	shalt  }
0x43: {  	_ =	shalt  }
0x44: {  	_ =	shalt  }
0x45: {  	_ =	shalt  }
0x46: {  	_ =	shalt  }
0x47: {  	_ =	shalt  }
0x48: {  	_ =	shalt  }
0x49: {  	_ =	shalt  }
0x4a: {  	_ =	shalt  }
0x4b: {  	_ =	shalt  }
0x4c: {  	_ =	shalt  }
0x4d: {  	_ =	shalt  }
0x4e: {  	_ =	shalt  }
0x4f: {  	_ =	shalt  }
0x50: {  	_ =	shalt  }
0x51: {  	_ =	shalt  }
0x52: {  	_ =	shalt  }
0x53: {  	_ =	shalt  }
0x54: {  	_ =	shalt  }
0x55: {  	_ =	shalt  }
0x56: {  	_ =	shalt  }
0x57: {  	_ =	shalt  }
0x58: {  	_ =	shalt  }
0x59: {  	_ =	shalt  }
0x5a: {  	_ =	shalt  }
0x5b: {  	_ =	shalt  }
0x5c: {  	_ =	shalt  }
0x5d: {  	_ =	shalt  }
0x5e: {  	_ =	shalt  }
0x5f: {  	_ =	shalt  }
0x60: {  	_ =	shalt  }
0x61: {  	_ =	shalt  }
0x62: {  	_ =	shalt  }
0x63: {  	_ =	shalt  }
0x64: {  	_ =	shalt  }
0x65: {  	_ =	shalt  }
0x66: {  	_ =	shalt  }
0x67: {  	_ =	shalt  }
0x68: {  	_ =	shalt  }
0x69: {  	_ =	shalt  }
0x6a: {  	_ =	shalt  }
0x6b: {  	_ =	shalt  }
0x6c: {  	_ =	shalt  }
0x6d: {  	_ =	shalt  }
0x6e: {  	_ =	shalt  }
0x6f: {  	_ =	shalt  }
0x70: {  	_ =	shalt  }
0x71: {  	_ =	shalt  }
0x72: {  	_ =	shalt  }
0x73: {  	_ =	shalt  }
0x74: {  	_ =	shalt  }
0x75: {  	_ =	shalt  }
0x76: {  	_ =	shalt  }
0x77: {  	_ =	shalt  }
0x78: {  	_ =	shalt  }
0x79: {  	_ =	shalt  }
0x7a: {  	_ =	shalt  }
0x7b: {  	_ =	shalt  }
0x7c: {  	_ =	shalt  }
0x7d: {  	_ =	shalt  }
0x7e: {  	_ =	shalt  }
0x7f: {  	_ =	shalt  }
0x80: {  	_ =	shalt  }
0x81: {  	_ =	shalt  }
0x82: {  	_ =	shalt  }
0x83: {  	_ =	shalt  }
0x84: {  	_ =	shalt  }
0x85: {  	_ =	shalt  }
0x86: {  	_ =	shalt  }
0x87: {  	_ =	shalt  }
.Lfunc_end0:
.L_simem_size_0:
called_computation_lowered:
.L_overlay_start_0:
0x88: {  	s2 =	sld [smem:$0x3FD9]  }
0x89: {  	s3 =	sld [smem:$0x3FFE];
	_ =	sdelay $0x1  }
0x8a: {  	s1 =	srdreg.scid  }
0x8b: {  	s0 =	sand.u32 $0x1, s1  }
0x8c: {  	s17 =	sshll.u32 s0, $0xA;
	s2 =	sadd.s32 s3, s2  }
0x8d: {  	s2 =	sadd.s32 s2, s17  }
0x8e: {  	[smem:$0x3FC2] =	sst s2  }
0x8f: {  	_ = 	snop  }
0x90: {  	s2 =	sld [smem:$0x3FD0];
	(tm) =	ssettm $0x1  }
0x91: {  	s18 =	sld [smem:$0x3FFB];
	_ =	sdelay $0x3  }
0x92: {  	_ =	strace s18  }
0x93: {  	s3 =	sld [smem:$0x3FFC];
	_ =	sdelay $0x3  }
0x94: {  	_ =	strace s3  }
0x95: {  	s3 =	sld [smem:$0x3FFD];
	_ =	sdelay $0x3  }
0x96: {  	_ =	strace s3  }
0x97: {  	_ =	strace $0x8FFFFFFF  }
0x98: {  	s19 =	sld [smem:$0x3FDB];
	_ =	sdelay $0x1  }
0x99: {  	s4 =	simm.s32 $_scs_section_size  }
0x9a: {  	s5 =	simm.s32 $_size__tile_overlayer_lowered;
	s6 =	simm.s32 $_tile_overlayer_lowered  }
0x9b: {  	s22 =	simm.s32 $0x1BFF;
	s21 =	sshll.u32 s6, $0x1;
	s3 =	sadd.s32 s4, s19  }
0x9c: {  	s7 =	simm.s32 $0x0;
	s20 =	sshll.u32 s5, $0x1;
	s5 =	sadd.s32 s21, s3  }
0x9d: {  	[timem:s7], [sflag:s22] =	dma.local [hbm:s5], s20  }
0x9e: {  	_ =	swait.ge [sflag:s22], s20  }
0x9f: {  	s4 =	ssub.s32 $0x0, s20;
	[sflag:s22] =	ssyncset.done $0x0  }
0xa0: {  	[sflag:s22] =	ssyncadd.s32 s4;
	_ =	sdelay $0x1  }
0xa1: {  	s23 =	simm.s32 $0x1B8B  }
0xa2: {  	_ =	swait.ge [sflag:s23], $0x1  }
0xa3: {  	[sflag:s23] =	ssyncset.done $0x0  }
0xa4: {  	s25 =	simm.s32 $0x1B8E;
	s24 =	sld [smem:$0x3FFE];
	[sflag:s23] =	ssyncadd.s32 $0xFFFFFFFF  }
0xa5: {  	s26 =	simm.s32 $execute0_lowered;
	[smem:$0x3FD2] =	sst s25  }
0xa6: {  	s5 =	sshll.u32 s26, $0x1;
	_ =	strace $0x80000046;
	[dreg:$0x1] =	wrdreg $0xFFFFFFFF  }
0xa7: {  	s28 =	simm.s32 $_size_execute0_lowered;
	s3 =	sadd.s32 s3, s5;
	[dreg:$0x0] =	wrdreg $0x0  }
0xa8: {  	s5 =	sshll.u32 s28, $0x1;
	[dreg:$0x2] =	wrdreg s3  }
0xa9: {  	[dreg:$0x3] =	wrdreg s5  }
0xaa: {  	[dreg:$0x4] =	wrdreg $0xC0  }
0xab: {  	_ =	task [dreg:s7], $0x5FFFF  }
0xac: {  	[dreg:$0x1] =	wrdreg $0xFFFFFFFF  }
0xad: {  	[dreg:$0x0] =	wrdreg $0x60  }
0xae: {  	[dreg:$0x2] =	wrdreg s24  }
0xaf: {  	[dreg:$0x3] =	wrdreg s2  }
0xb0: {  	[dreg:$0x4] =	wrdreg $0x6800  }
0xb1: {  	[dreg:$0x5] =	wrdreg $0x8F80  }
0xb2: {  	[dreg:$0x6] =	wrdreg $0x9  }
0xb3: {  	_ =	task.clear_ibuf [dreg:s7], $0x7FFFF;
	_ =	strace $0x90000046  }
0xb4: {  	s29 =	simm.s32 $0x9;
	_ =	strace $0x80000048  }
0xb5: {  	_ =	swait.ge [sflag:s29], $0x1  }
0xb6: {  	[sflag:s29] =	ssyncadd.s32 $0xFFFFFFFF  }
0xb7: {  	_ =	strace $0x90000048  }
0xb8: {  	_ =	sfence  }
0xb9: {  	s30 =	sld [smem:$0x0];
	_ =	sdelay $0x2  }
0xba: {  	s31 =	sshll.u32 s1, $0xD;
	s1 =	sshrl.u32 s1, $0x2  }
0xbb: {  	s3 =	sand.u32 $0x4000, s31;
	s1 =	sadd.s32 s1, s30  }
0xbc: {  	s0 =	sor.u32 s3, s0;
	s1 =	sshll.u32 s1, $0x11  }
0xbd: {  	s0 =	sor.u32 s1, s0  }
0xbe: {  	s0 =	sadd.s32 $0x8F2B, s0  }
0xbf: {  	[sflag:s0] =	ssyncadd.remote.s32 $0x1  }
0xc0: {  	_ =	sfence.sel $0xFFFF  }
0xc1: {  	[dreg:$0x0] =	wrdreg $0xFFFFFFFF;
	(pc) =	sbr.abs _section_cstart, $3  }
0xc2: {  	[dreg:$0x1] =	wrdreg $0xFFFFFFFF  }
0xc3: {  	_ =	task.clear_ibuf [dreg:s7], $0x2FFFF;
	_ =	strace $0x9FFFFFFF  }
0xc4: {  	(tm) =	ssettm $0x7FFFFFFF  }
0xc5: {  	_ =	shalt  }
tec
execute0_lowered:
.L_overlay_start_1:
0x0: {  	(tag) =	ssettag $0x1  }
0x1: {  	s0 =	rddreg [dreg:$0x0]  }
0x2: {  	s1 =	rddreg [dreg:$0x1]  }
0x3: {  	s3 =	srdreg.scid;
	s2 =	rddreg [dreg:$0x2]  }
0x4: {  	s6 =	stileid.u32;
	s4 =	simm.s32 $0x0;
	s28 =	simm.s32 $0x300  }
0x5: {  	s29 =	simm.s32 $0x9;
	s7 =	sand.u32 $0x1, s3;
	s3 =	rddreg [dreg:$0x3]  }
0x6: {  	s30 =	simm.s32 $0x100;
	s31 =	simm.s32 $0x400;
	[smem:$0x7FF] =	sst s4  }
0x7: {  	s26 =	sadd.s32 $0x15600, s0;
	s17 =	smul.u32 $0x270, s6;
	s13 =	sadd.s32 $0x2700, s2  }
0x8: {  	s23 =	smul.u32 $0x2710, s6;
	p0 =	sne.s32 s6, $0xF;
	s5 =	sshll.u32 s7, $0x4  }
0x9: {  	_ =	strace $0x80000047;
	s9 =	ssub.s32 $0x2, s7;
	s21 =	smul.u32 $0x4E20, s7  }
0xa: {  	s7 =	smul.u32 $0x27100, s7;
	s5 =	sor.u32 s6, s5;
	s10 =	sshrl.u32 s9, $0x1  }
0xb: {  	s11 =	sadd.s32 s17, s2;
	s12 =	sadd.s32 s17, s3;
	s8 =	smul.u32 $0x2710, s5  }
0xc: {  	s5 =	sadd.s32 $0x1C00, s0;
	s0 =	sadd.s32 $0x15800, s0;
	s18 =	ssub.s32 s9, s10  }
0xd: {  	s10 =	sadd.s32 $0x2700, s3;
	s9 =	sshrl.u32 s21, $0x3;
	[dreg:$0x9] =	wrdreg s12  }
0xe: {  	s25 =	sadd.s32 s23, s7;
	[dreg:$0x6] =	wrdreg s0;
	s9 =	sadd.s32 s1, s9  }
0xf: {  	s0 =	smax.u32 s18, $0x1;
	s16 =	sadd.s32 $0x180, s25;
	[dreg:$0x8] =	wrdreg s10  }
0x10: {  	s8 =	sshrl.u32 s8, $0x3;
	s24 =	sadd.s32 $0x4E0, s9;
	[dreg:$0x11] =	wrdreg s0  }
0x11: {  	s18 =	sadd.s32 $0x4E300, s25;
	s15 =	sadd.s32 s5, s8;
	[dreg:$0xf] =	wrdreg s24  }
0x12: {  	s8 =	sadd.s32 s17, s21;
	s21 =	sadd.s32 $0x100, s25;
	[dreg:$0x5] =	wrdreg s15  }
0x13: {  	s0 =	sshrl.u32 s16, $0x3;
	s19 =	sadd.s32 $0x9C40, s15;
	[dreg:$0x12] =	wrdreg s21  }
0x14: {  	s16 =	simm.s32 $0x5;
	s20 =	sadd.s32 $0x10, s15;
	[dreg:$0x7] =	wrdreg s19  }
0x15: {  	s17 =	sadd.s32 $0x4E380, s25;
	s14 =	sadd.s32 $0x9C50, s15;
	[dreg:$0xa] =	wrdreg s20  }
0x16: {  	s22 =	sadd.s32 $0x4E0, s15;
	s15 =	sadd.s32 $0xA120, s15;
	[dreg:$0xb] =	wrdreg s14  }
0x17: {  	s8 =	sshrl.u32 s8, $0x3;
	s21 =	simm.s32 $0x0;
	[dreg:$0xc] =	wrdreg s22  }
0x18: {  	[dreg:$0xd] =	wrdreg s15;
	s15 =	sadd.s32 s1, s8;
	s14 =	sadd.s32 $0x9C2, s9  }
0x19: {  	s22 =	sadd.s32 s0, s5;
	s19 =	sshrl.u32 s17, $0x3;
	s20 =	sshrl.u32 s18, $0x3  }
0x1a: {  	s0 =	simm.s32 $0x1;
	s1 =	simm.s32 $0x3;
	s8 =	simm.s32 $0x80  }
0x1b: {  	s9 =	simm.s32 $0x180;
	s17 =	simm.s32 $0x7;
	[dreg:$0x10] =	wrdreg s14  }
0x1c: {  	s23 =	sadd.s32 s19, s5;
	s25 =	sadd.s32 s20, s5;
	[dreg:$0xe] =	wrdreg s15  }
0x1d: {  	s24 =	sadd.s32 $0x4E2, s15;
	s14 =	simm.s32 $0x2;
	s15 =	simm.s32 $0x4  }
0x1e: {  	s19 =	simm.s32 $0x6;
	s20 =	simm.s32 $0x8;
	[dreg:$0x13] =	wrdreg s24  }
.LBB2_1:
0x1f: {  	[tilespmem:s28], [sflag:$0x9] =	stream.linear.gather [hbm4b:s26+s4], $0x80, $0x38;
	[tilespmem:$0xB70] =	vst v63  }
0x20: {  	_ =	swait.ge [sflag:s29], $0x80  }
0x21: {  	[sflag:s29] =	ssyncset.done $0x0  }
0x22: {  	s6 =	rddreg [dreg:$0x5];
	[sflag:s29] =	ssyncadd.s32 $0xFFFFFF80  }
0x23: {  	[tilespmem:s4], [sflag:$0x1] =	stream.linear.gather [hbm4b:s6+s4], $0x80, $0x38;
	[tilespmem:$0xB70] =	vst v63  }
0x24: {  	s7 =	rddreg [dreg:$0x7]  }
0x25: {  	[tilespmem:s30], [sflag:$0x3] =	stream.linear.gather [hbm4b:s7+s4], $0x80, $0x38;
	[tilespmem:$0xB70] =	vst v63  }
0x26: {  	s18 =	rddreg [dreg:$0x6]  }
0x27: {  	[tilespmem:s31], [sflag:$0x9] =	stream.linear.gather [hbm4b:s18+s4], $0x280, $0x38;
	[tilespmem:$0xB70] =	vst v63  }
0x28: {  	_ =	swait.ge [sflag:s29], $0x280  }
0x29: {  	[sflag:s29] =	ssyncset.done $0x0  }
0x2a: {  	[sflag:s29] =	ssyncadd.s32 $0xFFFFFD80  }
0x2b: {  	[spmem:s11] =	stream.linear.scatter [tilespmem:s31], [sflag:$0x9], $0x270, $0x38;
	[tilespmem:$0xB70] =	vst v63  }
0x2c: {  	_ =	swait.ge [sflag:s29], $0x270  }
0x2d: {  	[sflag:s29] =	ssyncset.done $0x0  }
0x2e: {  	[sflag:s29] =	ssyncadd.s32 $0xFFFFFD90  }
0x2f: {  	[spmem:s12] =	stream.linear.scatter [tilespmem:s31], [sflag:$0x9], $0x270, $0x38;
	[tilespmem:$0xB70] =	vst v63  }
0x30: {  	_ =	swait.ge [sflag:s29], $0x270  }
0x31: {  	[sflag:s29] =	ssyncset.done $0x0  }
0x32: {  	s7 =	simm.s32 @!p0 $0x400;
	s18 =	simm.s32 @!p0 $0x9;
	[sflag:s29] =	ssyncadd.s32 $0xFFFFFD90  }
0x33: {  	[spmem:s13] =	stream.linear.scatter @!p0 [tilespmem:s7], [sflag:$0x9], $0x10, $0x38;
	[tilespmem:$0xB70] =	vst v63  }
0x34: {  	_ =	swait.ge @!p0 [sflag:s18], $0x10  }
0x35: {  	[sflag:s18] =	ssyncset.done @!p0 $0x0  }
0x36: {  	[sflag:s18] =	ssyncadd.s32 @!p0 $0xFFFFFFF0  }
0x37: {  	[spmem:s10] =	stream.linear.scatter @!p0 [tilespmem:s7], [sflag:$0x9], $0x10, $0x38;
	[tilespmem:$0xB70] =	vst v63  }
0x38: {  	_ =	swait.ge @!p0 [sflag:s18], $0x10  }
0x39: {  	[sflag:s18] =	ssyncset.done @!p0 $0x0  }
0x3a: {  	[sflag:s18] =	ssyncadd.s32 @!p0 $0xFFFFFFF0  }
0x3b: {  	[bflag:$0x0] =	sbarrier.arrive $0xFFFF  }
0x3c: {  	_ =	swait.ge [sflag:s0], $0x80  }
0x3d: {  	[sflag:s0] =	ssyncset.done $0x0  }
0x3e: {  	[sflag:s0] =	ssyncadd.s32 $0xFFFFFF80  }
0x3f: {  	_ =	swait.ge [sflag:s1], $0x80  }
0x40: {  	[sflag:s1] =	ssyncset.done $0x0  }
0x41: {  	[sflag:s1] =	ssyncadd.s32 $0xFFFFFF80  }
0x42: {  	[spmem:s2] =	stream.indirect.scatter.add.f32 [tilespmem:s28], [sflag:$0x5], $0x1, s4, s8, $0xb8;
	[tilespmem:$0xB70] =	vst v63  }
0x43: {  	_ = 	snop  }
0x44: {  	[spmem:s3] =	stream.indirect.scatter.add.f32 [tilespmem:s28], [sflag:$0x7], $0x1, s30, s8, $0xb8;
	[tilespmem:$0xB70] =	vst v63  }
0x45: {  	s24 =	smov.u32 s26;
	s26 =	rddreg [dreg:$0xa]  }
0x46: {  	[tilespmem:s8], [sflag:$0x2] =	stream.linear.gather [hbm4b:s26+s4], $0x80, $0x38;
	[tilespmem:$0xB70] =	vst v63  }
0x47: {  	s7 =	rddreg [dreg:$0xb]  }
0x48: {  	[tilespmem:s9], [sflag:$0x4] =	stream.linear.gather [hbm4b:s7+s4], $0x80, $0x38;
	[tilespmem:$0xB70] =	vst v63  }
0x49: {  	_ =	swait.ge [sflag:s14], $0x80  }
0x4a: {  	[sflag:s14] =	ssyncset.done $0x0  }
0x4b: {  	[sflag:s14] =	ssyncadd.s32 $0xFFFFFF80  }
0x4c: {  	_ =	swait.ge [sflag:s15], $0x80  }
0x4d: {  	[sflag:s15] =	ssyncset.done $0x0  }
0x4e: {  	[sflag:s15] =	ssyncadd.s32 $0xFFFFFF80  }
0x4f: {  	[spmem:s2] =	stream.indirect.scatter.add.f32 [tilespmem:s28], [sflag:$0x6], $0x1, s8, s8, $0xb8;
	[tilespmem:$0xB70] =	vst v63  }
0x50: {  	_ = 	snop  }
0x51: {  	[spmem:s3] =	stream.indirect.scatter.add.f32 [tilespmem:s28], [sflag:$0x8], $0x1, s9, s8, $0xb8;
	[tilespmem:$0xB70] =	vst v63  }
0x52: {  	_ =	swait.ge [sflag:s16], $0x80  }
0x53: {  	[sflag:s16] =	ssyncset.done $0x0  }
0x54: {  	[sflag:s16] =	ssyncadd.s32 $0xFFFFFF80  }
0x55: {  	_ =	swait.ge [sflag:s17], $0x80  }
0x56: {  	s10 =	rddreg [dreg:$0x12]  }
0x57: {  	s12 =	smov.u32 s13;
	[sflag:s17] =	ssyncset.done $0x0;
	s13 =	sshrl.u32 s10, $0x3  }
0x58: {  	[sflag:s17] =	ssyncadd.s32 $0xFFFFFF80;
	s7 =	sadd.s32 s5, s13  }
0x59: {  	[tilespmem:s4], [sflag:$0x1] =	stream.linear.gather [hbm4b:s7+s4], $0x80, $0x38;
	[tilespmem:$0xB70] =	vst v63  }
0x5a: {  	s18 =	sadd.s32 $0x0, s25  }
0x5b: {  	[tilespmem:s30], [sflag:$0x3] =	stream.linear.gather [hbm4b:s18+s4], $0x80, $0x38;
	[tilespmem:$0xB70] =	vst v63  }
0x5c: {  	_ =	swait.ge [sflag:s0], $0x80  }
0x5d: {  	[sflag:s0] =	ssyncset.done $0x0  }
0x5e: {  	[sflag:s0] =	ssyncadd.s32 $0xFFFFFF80  }
0x5f: {  	_ =	swait.ge [sflag:s1], $0x80  }
0x60: {  	[sflag:s1] =	ssyncset.done $0x0  }
0x61: {  	[sflag:s1] =	ssyncadd.s32 $0xFFFFFF80  }
0x62: {  	[spmem:s2] =	stream.indirect.scatter.add.f32 [tilespmem:s28], [sflag:$0x5], $0x1, s4, s8, $0xb8;
	[tilespmem:$0xB70] =	vst v63  }
0x63: {  	_ = 	snop  }
0x64: {  	[spmem:s3] =	stream.indirect.scatter.add.f32 [tilespmem:s28], [sflag:$0x7], $0x1, s30, s8, $0xb8;
	[tilespmem:$0xB70] =	vst v63  }
0x65: {  	_ =	swait.ge [sflag:s19], $0x80  }
0x66: {  	[sflag:s19] =	ssyncset.done $0x0  }
0x67: {  	[sflag:s19] =	ssyncadd.s32 $0xFFFFFF80  }
0x68: {  	_ =	swait.ge [sflag:s20], $0x80  }
0x69: {  	[sflag:s20] =	ssyncset.done $0x0  }
0x6a: {  	s26 =	sadd.s32 $0x0, s22;
	[sflag:s20] =	ssyncadd.s32 $0xFFFFFF80  }
0x6b: {  	[tilespmem:s8], [sflag:$0x2] =	stream.linear.gather [hbm4b:s26+s4], $0x80, $0x38;
	[tilespmem:$0xB70] =	vst v63  }
0x6c: {  	s7 =	sadd.s32 $0x100, s10;
	s18 =	simm.s32 $0x20;
	s26 =	sadd.s32 $0x0, s23  }
.LBB2_2:
0x6d: {  	[tilespmem:s9], [sflag:$0x4] =	stream.linear.gather [hbm4b:s26+s4], $0x80, $0x38;
	[tilespmem:$0xB70] =	vst v63  }
0x6e: {  	s26 =	smov.u32 s18  }
0x6f: {  	p1 =	sne.s32 s18, $0x4A0;
	s18 =	sadd.s32 $0x20, s18;
	_ =	swait.ge [sflag:s14], $0x80  }
0x70: {  	[sflag:s14] =	ssyncset.done $0x0  }
0x71: {  	[sflag:s14] =	ssyncadd.s32 $0xFFFFFF80  }
0x72: {  	_ =	swait.ge [sflag:s15], $0x80  }
0x73: {  	[sflag:s15] =	ssyncset.done $0x0  }
0x74: {  	[sflag:s15] =	ssyncadd.s32 $0xFFFFFF80  }
0x75: {  	[spmem:s2] =	stream.indirect.scatter.add.f32 [tilespmem:s28], [sflag:$0x6], $0x1, s8, s8, $0xb8;
	[tilespmem:$0xB70] =	vst v63  }
0x76: {  	_ = 	snop  }
0x77: {  	[spmem:s3] =	stream.indirect.scatter.add.f32 [tilespmem:s28], [sflag:$0x8], $0x1, s9, s8, $0xb8;
	[tilespmem:$0xB70] =	vst v63  }
0x78: {  	_ =	swait.ge [sflag:s16], $0x80  }
0x79: {  	[sflag:s16] =	ssyncset.done $0x0  }
0x7a: {  	[sflag:s16] =	ssyncadd.s32 $0xFFFFFF80  }
0x7b: {  	_ =	swait.ge [sflag:s17], $0x80  }
0x7c: {  	s6 =	sshrl.u32 s7, $0x3;
	[sflag:s17] =	ssyncset.done $0x0  }
0x7d: {  	s6 =	sadd.s32 s5, s6;
	[sflag:s17] =	ssyncadd.s32 $0xFFFFFF80  }
0x7e: {  	[tilespmem:s4], [sflag:$0x1] =	stream.linear.gather [hbm4b:s6+s4], $0x80, $0x38;
	[tilespmem:$0xB70] =	vst v63  }
0x7f: {  	s6 =	sadd.s32 s26, s25  }
0x80: {  	[tilespmem:s30], [sflag:$0x3] =	stream.linear.gather [hbm4b:s6+s4], $0x80, $0x38;
	[tilespmem:$0xB70] =	vst v63  }
0x81: {  	_ =	swait.ge [sflag:s0], $0x80  }
0x82: {  	[sflag:s0] =	ssyncset.done $0x0  }
0x83: {  	[sflag:s0] =	ssyncadd.s32 $0xFFFFFF80  }
0x84: {  	_ =	swait.ge [sflag:s1], $0x80  }
0x85: {  	[sflag:s1] =	ssyncset.done $0x0  }
0x86: {  	[sflag:s1] =	ssyncadd.s32 $0xFFFFFF80  }
0x87: {  	[spmem:s2] =	stream.indirect.scatter.add.f32 [tilespmem:s28], [sflag:$0x5], $0x1, s4, s8, $0xb8;
	[tilespmem:$0xB70] =	vst v63  }
0x88: {  	_ = 	snop  }
0x89: {  	[spmem:s3] =	stream.indirect.scatter.add.f32 [tilespmem:s28], [sflag:$0x7], $0x1, s30, s8, $0xb8;
	[tilespmem:$0xB70] =	vst v63  }
0x8a: {  	_ =	swait.ge [sflag:s19], $0x80  }
0x8b: {  	[sflag:s19] =	ssyncset.done $0x0  }
0x8c: {  	[sflag:s19] =	ssyncadd.s32 $0xFFFFFF80  }
.Ltmp0:
0x8d: {  	_ =	swait.ge [sflag:s20], $0x80;
	(pc) =	sbr.rel @p1 .LBB2_2-.Ltmp0, $4  }
0x8e: {  	[sflag:s20] =	ssyncset.done $0x0  }
0x8f: {  	s6 =	sadd.s32 s26, s22;
	[sflag:s20] =	ssyncadd.s32 $0xFFFFFF80  }
0x90: {  	[tilespmem:s8], [sflag:$0x2] =	stream.linear.gather [hbm4b:s6+s4], $0x80, $0x38;
	[tilespmem:$0xB70] =	vst v63  }
0x91: {  	s7 =	sadd.s32 $0x100, s7;
	s26 =	sadd.s32 s26, s23  }
0x92: {  	[tilespmem:s9], [sflag:$0x4] =	stream.linear.gather [hbm4b:s26+s4], $0x80, $0x38;
	[tilespmem:$0xB70] =	vst v63  }
0x93: {  	_ =	swait.ge [sflag:s14], $0x80  }
0x94: {  	[sflag:s14] =	ssyncset.done $0x0  }
0x95: {  	[sflag:s14] =	ssyncadd.s32 $0xFFFFFF80  }
0x96: {  	_ =	swait.ge [sflag:s15], $0x80  }
0x97: {  	[sflag:s15] =	ssyncset.done $0x0  }
0x98: {  	[sflag:s15] =	ssyncadd.s32 $0xFFFFFF80  }
0x99: {  	[spmem:s2] =	stream.indirect.scatter.add.f32 [tilespmem:s28], [sflag:$0x6], $0x1, s8, s8, $0xb8;
	[tilespmem:$0xB70] =	vst v63  }
0x9a: {  	_ = 	snop  }
0x9b: {  	[spmem:s3] =	stream.indirect.scatter.add.f32 [tilespmem:s28], [sflag:$0x8], $0x1, s9, s8, $0xb8;
	[tilespmem:$0xB70] =	vst v63  }
0x9c: {  	_ =	swait.ge [sflag:s16], $0x80  }
0x9d: {  	[sflag:s16] =	ssyncset.done $0x0  }
0x9e: {  	[sflag:s16] =	ssyncadd.s32 $0xFFFFFF80  }
0x9f: {  	_ =	swait.ge [sflag:s17], $0x80  }
0xa0: {  	[sflag:s17] =	ssyncset.done $0x0  }
0xa1: {  	[sflag:s17] =	ssyncadd.s32 $0xFFFFFF80  }
0xa2: {  	_ =	swait.ge [sflag:s19], $0x80  }
0xa3: {  	[sflag:s19] =	ssyncset.done $0x0  }
0xa4: {  	[sflag:s19] =	ssyncadd.s32 $0xFFFFFF80  }
0xa5: {  	_ =	swait.ge [sflag:s20], $0x80  }
0xa6: {  	[sflag:s20] =	ssyncset.done $0x0  }
0xa7: {  	s7 =	simm.s32 $0x200;
	s6 =	rddreg [dreg:$0xc];
	[sflag:s20] =	ssyncadd.s32 $0xFFFFFF80  }
0xa8: {  	[tilespmem:s7], [sflag:$0x9] =	stream.linear.gather [hbm4b:s6+s4], $0x10, $0x38;
	[tilespmem:$0xB70] =	vst v63  }
0xa9: {  	_ =	swait.ge [sflag:s29], $0x10  }
0xaa: {  	[sflag:s29] =	ssyncset.done $0x0  }
0xab: {  	s10 =	simm.s32 $0x280;
	s13 =	rddreg [dreg:$0xd];
	[sflag:s29] =	ssyncadd.s32 $0xFFFFFFF0  }
0xac: {  	[tilespmem:s10], [sflag:$0x9] =	stream.linear.gather [hbm4b:s13+s4], $0x10, $0x38;
	[tilespmem:$0xB70] =	vst v63  }
0xad: {  	_ =	swait.ge [sflag:s29], $0x10  }
0xae: {  	[sflag:s29] =	ssyncset.done $0x0  }
0xaf: {  	s18 =	simm.s32 $0x380;
	[sflag:s29] =	ssyncadd.s32 $0xFFFFFFF0  }
0xb0: {  	[tilespmem:s18], [sflag:$0x9] =	stream.linear.gather [hbm4b:s24+s4], $0x10, $0x38;
	[tilespmem:$0xB70] =	vst v63  }
0xb1: {  	_ =	swait.ge [sflag:s29], $0x10  }
0xb2: {  	[sflag:s29] =	ssyncset.done $0x0  }
0xb3: {  	s13 =	simm.s32 $0x10;
	[sflag:s29] =	ssyncadd.s32 $0xFFFFFFF0  }
0xb4: {  	[spmem:s2] =	stream.indirect.scatter.add.f32 [tilespmem:s18], [sflag:$0x9], $0x1, s7, s13, $0xb8;
	[tilespmem:$0xB70] =	vst v63  }
0xb5: {  	_ =	swait.ge [sflag:s29], $0x10  }
0xb6: {  	[sflag:s29] =	ssyncset.done $0x0  }
0xb7: {  	[sflag:s29] =	ssyncadd.s32 $0xFFFFFFF0  }
0xb8: {  	[spmem:s3] =	stream.indirect.scatter.add.f32 [tilespmem:s18], [sflag:$0x9], $0x1, s10, s13, $0xb8;
	[tilespmem:$0xB70] =	vst v63  }
0xb9: {  	_ =	swait.ge [sflag:s29], $0x10  }
0xba: {  	[sflag:s29] =	ssyncset.done $0x0  }
0xbb: {  	[sflag:s29] =	ssyncadd.s32 $0xFFFFFFF0  }
0xbc: {  	[bflag:$0x0] =	sbarrier.arrive $0xFFFF  }
0xbd: {  	[tilespmem:s31], [sflag:$0x9] =	stream.linear.gather [spmem:s11], $0x270, $0x38;
	[tilespmem:$0xB70] =	vst v63  }
0xbe: {  	_ =	swait.ge [sflag:s29], $0x270  }
0xbf: {  	[sflag:s29] =	ssyncset.done $0x0  }
0xc0: {  	s18 =	rddreg [dreg:$0xe];
	[sflag:s29] =	ssyncadd.s32 $0xFFFFFD90  }
0xc1: {  	[hbm4b:s18+s4] =	stream.linear.scatter [tilespmem:s31], [sflag:$0x9], $0x270, $0x38;
	[tilespmem:$0xB70] =	vst v63  }
0xc2: {  	_ =	swait.ge [sflag:s29], $0x270  }
0xc3: {  	[sflag:s29] =	ssyncset.done $0x0  }
0xc4: {  	s6 =	simm.s32 @!p0 $0x670;
	s7 =	simm.s32 @!p0 $0x9;
	[sflag:s29] =	ssyncadd.s32 $0xFFFFFD90  }
0xc5: {  	[tilespmem:s6], [sflag:$0x9] =	stream.linear.gather @!p0 [spmem:s12], $0x10, $0x38;
	[tilespmem:$0xB70] =	vst v63  }
0xc6: {  	_ =	swait.ge @!p0 [sflag:s7], $0x10  }
0xc7: {  	[sflag:s7] =	ssyncset.done @!p0 $0x0  }
0xc8: {  	s18 =	simm.s32 @!p0 $0x0;
	s10 =	rddreg [dreg:$0xf];
	[sflag:s7] =	ssyncadd.s32 @!p0 $0xFFFFFFF0  }
0xc9: {  	[hbm4b:s10+s18] =	stream.linear.scatter @!p0 [tilespmem:s6], [sflag:$0x9], $0x10, $0x38;
	[tilespmem:$0xB70] =	vst v63  }
0xca: {  	_ =	swait.ge @!p0 [sflag:s7], $0x10  }
0xcb: {  	[sflag:s7] =	ssyncset.done @!p0 $0x0  }
0xcc: {  	s13 =	smov.u32 s12;
	s12 =	rddreg [dreg:$0x9];
	[sflag:s7] =	ssyncadd.s32 @!p0 $0xFFFFFFF0  }
0xcd: {  	[tilespmem:s31], [sflag:$0x9] =	stream.linear.gather [spmem:s12], $0x270, $0x38;
	[tilespmem:$0xB70] =	vst v63  }
0xce: {  	_ =	swait.ge [sflag:s29], $0x270  }
0xcf: {  	[sflag:s29] =	ssyncset.done $0x0  }
0xd0: {  	s26 =	smov.u32 s24;
	s24 =	rddreg [dreg:$0x13];
	[sflag:s29] =	ssyncadd.s32 $0xFFFFFD90  }
0xd1: {  	[hbm4b:s24+s4] =	stream.linear.scatter [tilespmem:s31], [sflag:$0x9], $0x270, $0x38;
	[tilespmem:$0xB70] =	vst v63  }
0xd2: {  	_ =	swait.ge [sflag:s29], $0x270  }
0xd3: {  	[sflag:s29] =	ssyncset.done $0x0  }
0xd4: {  	s10 =	rddreg [dreg:$0x8];
	[sflag:s29] =	ssyncadd.s32 $0xFFFFFD90  }
0xd5: {  	[tilespmem:s6], [sflag:$0x9] =	stream.linear.gather @!p0 [spmem:s10], $0x10, $0x38;
	[tilespmem:$0xB70] =	vst v63  }
0xd6: {  	_ =	swait.ge @!p0 [sflag:s7], $0x10  }
0xd7: {  	[sflag:s7] =	ssyncset.done @!p0 $0x0  }
0xd8: {  	s24 =	rddreg [dreg:$0x10];
	[sflag:s7] =	ssyncadd.s32 @!p0 $0xFFFFFFF0  }
0xd9: {  	[hbm4b:s24+s18] =	stream.linear.scatter @!p0 [tilespmem:s6], [sflag:$0x9], $0x10, $0x38;
	[tilespmem:$0xB70] =	vst v63  }
0xda: {  	_ =	swait.ge @!p0 [sflag:s7], $0x10  }
0xdb: {  	s21 =	sadd.s32 $0x1, s21;
	s24 =	rddreg [dreg:$0x11]  }
0xdc: {  	p1 =	sne.s32 s21, s24  }
.Ltmp1:
0xdd: {  	_ = 	snop;
	(pc) =	sbr.rel @p1 .LBB2_1-.Ltmp1, $3  }
0xde: {  	_ =	sdelay $0x1  }
0xdf: {  	[sflag:s7] =	ssyncset.done @!p0 $0x0  }
0xe0: {  	[sflag:s7] =	ssyncadd.s32 @!p0 $0xFFFFFFF0  }
0xe1: {  	_ =	sfence.sel $0x180000  }
0xe2: {  	[bflag:$0x0] =	sbarrier.arrive $0xFFFF  }
0xe3: {  	_ =	strace $0x90000047  }
0xe4: {  	s0 =	stileid.u32;
	[bflag:$0x2] =	sbarrier.arrive $0xFFFF  }
0xe5: {  	p0 =	sne.s32 s0, $0x0;
	s0 =	rddreg [dreg:$0x4]  }
0xe6: {  	s0 =	sadd.s32 @!p0 $0x100000, s0  }
0xe7: {  	[sflag:s0] =	ssyncadd.tile.s32 @!p0 $0x1;
	_ =	shalt  }
.Lfunc_end2:
_tile_overlayer_lowered:
.L_overlay_start_2:
0xe8: {  	(tag) =	ssettag $0x2  }
0xe9: {  	s0 =	rddreg [dreg:$0x0];
	s2 =	stileid.u32  }
0xea: {  	s1 =	rddreg [dreg:$0x1];
	p0 =	sne.s32 s2, $0x0  }
0xeb: {  	s3 =	rddreg [dreg:$0x2];
	[bflag:$0x3] =	sbarrier.arrive $0xFFFF;
	s2 =	simm.s32 @!p0 $0x1C09  }
0xec: {  	[timem:s3], [sflag:s2] =	dma.local @!p0 [hbm:s0], s1  }
0xed: {  	s0 =	simm.s32 @!p0 $0x9  }
0xee: {  	_ =	swait.ge @!p0 [sflag:s0], s1  }
0xef: {  	s1 =	ssub.s32 @!p0 $0x0, s1;
	[sflag:s0] =	ssyncset.done @!p0 $0x0  }
0xf0: {  	[sflag:s0] =	ssyncadd.s32 @!p0 s1  }
0xf1: {  	[bflag:$0x3] =	sbarrier.arrive $0xFFFF  }
0xf2: {  	_ =	shalt  }

// kernel: gcn_edge_agg_sc.4.cloned.1.call-start
scs
__scs_entry_jumppad:
0x0: {  	(pc) =	sbr.rel $0x88, $3  }
0x1: {  	(tag) =	ssettag $0x0;
	lr =	simm.s32 $0x1  }
0x2: {  	[smem:$0x3F9B] =	sst lr;
	_ =	strace $0xD0000000  }
0x3: {  	_ = 	snop  }
0x4: {  	_ = 	snop  }
0x5: {  	_ = 	snop  }
0x6: {  	_ = 	snop  }
0x7: {  	_ = 	snop  }
__scs_overlays_trampoline_lowered:
0x8: {  	[smem:$0x3FAA] =	sst s0  }
0x9: {  	[smem:$0x3FAB] =	sst s1  }
0xa: {  	[smem:$0x3FAC] =	sst s2  }
0xb: {  	[smem:$0x3FAD] =	sst s3  }
0xc: {  	[smem:$0x3FAE] =	sst s4  }
0xd: {  	[smem:$0x3FAF] =	sst s5  }
0xe: {  	[smem:$0x3FB0] =	sst s6  }
0xf: {  	[smem:$0x3FB1] =	sst s7  }
0x10: {  	[smem:$0x3FB2] =	sst s8  }
0x11: {  	[smem:$0x3FB3] =	sst s9;
	s0 =	simm.s32 @!p0 $0x0  }
0x12: {  	s1 =	sld [smem:$0x3F99];
	s0 =	simm.s32 @p0 $0x1  }
0x13: {  	[smem:$0x3FB4] =	sst s0;
	s0 =	simm.s32 @!p1 $0x0  }
0x14: {  	s2 =	sld [smem:$0x3F98];
	s0 =	simm.s32 @p1 $0x1  }
0x15: {  	[smem:$0x3FB5] =	sst s0;
	s0 =	simm.s32 @!p2 $0x0  }
0x16: {  	s3 =	sld [smem:$0x3FDB];
	s0 =	simm.s32 @p2 $0x1  }
0x17: {  	s4 =	simm.s32 $0x1BF5;
	[smem:$0x3FB7] =	sst s0  }
0x18: {  	s0 =	sld [smem:$0x3F9A];
	_ =	swait.ge [sflag:s4], $0x0  }
0x19: {  	s7 =	sld [smem:$0x3F9B]  }
0x1a: {  	s8 =	sadd.s32 $0xFFFFE003, lr  }
0x1b: {  	s9 =	sadd.s32 $0xFFFFFEF7, lr;
	s5 =	simm.s32 $0xFFFFFFFF;
	p2 =	slt.u32 s8, $0xFFFFF086  }
0x1c: {  	p1 =	slt.u32 s9, $0xF7A;
	s5 =	simm.s32 @!p2 $0x0  }
0x1d: {  	s5 =	simm.s32 @p1 $0x1;
	p0 =	seq.s32 s7, s2  }
0x1e: {  	s7 =	smul.u32 @!p0 $0xF7A, s2;
	p2 =	seq.s32 @!p0 s5, $0x0  }
0x1f: {  	s9 =	smul.u32 $0xF7A, s1;
	s8 =	simm.s32 @!p0 $0x1BF5;
	p2 =	por !p2, p0  }
0x20: {  	[sflag:s8] =	ssyncset.s32 @!p0 $0xFFFFF086;
	s6 =	sadd.s32 @!p0 s3, s7;
	s7 =	simm.s32 @!p0 $0x108  }
0x21: {  	s3 =	sadd.s32 s3, s9;
	s6 =	sadd.s32 @!p0 $0x88, s6;
	s7 =	simm.s32 @p2 $0x1082  }
0x22: {  	[simem:s7], [sflag:s8] =	dma.local @!p0 [hbm:s6], $0xF7A  }
0x23: {  	s9 =	sor.u32 $0xD0000000, s2;
	s6 =	simm.s32 $0x108;
	_ =	swait.ge @!p0 [sflag:s8], $0x0  }
0x24: {  	s3 =	sadd.s32 $0x88, s3;
	s6 =	simm.s32 @!p1 $0x1082;
	[sflag:s4] =	ssyncset.s32 $0xFFFFF086  }
0x25: {  	[simem:s6], [sflag:s4] =	dma.local [hbm:s3], $0xF7A  }
0x26: {  	[smem:$0x3F9B] =	sst s1;
	(tag) =	ssettag s2;
	_ =	strace s9  }
0x27: {  	s1 =	sld [smem:$0x3FAB]  }
0x28: {  	s2 =	sld [smem:$0x3FAC]  }
0x29: {  	s4 =	sld [smem:$0x3FAE]  }
0x2a: {  	p0 =	seq.s32 s5, $0x0;
	s5 =	sld [smem:$0x3FAF]  }
0x2b: {  	s6 =	sld [smem:$0x3FB0]  }
0x2c: {  	s7 =	sld [smem:$0x3FB1]  }
0x2d: {  	s3 =	simm.s32 $0x108;
	s8 =	sld [smem:$0x3FB2]  }
0x2e: {  	s3 =	simm.s32 @!p0 $0x1082;
	s9 =	sld [smem:$0x3FB3]  }
0x2f: {  	lr =	sadd.s32 s0, s3;
	s0 =	sld [smem:$0x3FAA]  }
0x30: {  	s3 =	sld [smem:$0x3FAD]  }
0x31: {  	[smem:$0x3FB6] =	sst s10  }
0x32: {  	s10 =	sld [smem:$0x3FB4];
	_ =	sdelay $0x3  }
0x33: {  	p0 =	seq.s32 s10, $0x1;
	s10 =	sld [smem:$0x3FB6];
	_ =	sdelay $0x3  }
0x34: {  	[smem:$0x3FB6] =	sst s10  }
0x35: {  	s10 =	sld [smem:$0x3FB5];
	_ =	sdelay $0x3  }
0x36: {  	p1 =	seq.s32 s10, $0x1;
	s10 =	sld [smem:$0x3FB6];
	_ =	sdelay $0x3  }
0x37: {  	[smem:$0x3FB6] =	sst s10  }
0x38: {  	s10 =	sld [smem:$0x3FB7]  }
0x39: {  	_ = 	snop;
	(pc) =	sbr.ind lr, $3  }
0x3a: {  	_ = 	snop  }
0x3b: {  	_ = 	snop  }
0x3c: {  	p2 =	seq.s32 s10, $0x1;
	s10 =	sld [smem:$0x3FB6]  }
0x3d: {  	_ =	shalt  }
0x3e: {  	_ =	shalt  }
0x3f: {  	_ =	shalt  }
0x40: {  	_ =	shalt  }
0x41: {  	_ =	shalt  }
0x42: {  	_ =	shalt  }
0x43: {  	_ =	shalt  }
0x44: {  	_ =	shalt  }
0x45: {  	_ =	shalt  }
0x46: {  	_ =	shalt  }
0x47: {  	_ =	shalt  }
0x48: {  	_ =	shalt  }
0x49: {  	_ =	shalt  }
0x4a: {  	_ =	shalt  }
0x4b: {  	_ =	shalt  }
0x4c: {  	_ =	shalt  }
0x4d: {  	_ =	shalt  }
0x4e: {  	_ =	shalt  }
0x4f: {  	_ =	shalt  }
0x50: {  	_ =	shalt  }
0x51: {  	_ =	shalt  }
0x52: {  	_ =	shalt  }
0x53: {  	_ =	shalt  }
0x54: {  	_ =	shalt  }
0x55: {  	_ =	shalt  }
0x56: {  	_ =	shalt  }
0x57: {  	_ =	shalt  }
0x58: {  	_ =	shalt  }
0x59: {  	_ =	shalt  }
0x5a: {  	_ =	shalt  }
0x5b: {  	_ =	shalt  }
0x5c: {  	_ =	shalt  }
0x5d: {  	_ =	shalt  }
0x5e: {  	_ =	shalt  }
0x5f: {  	_ =	shalt  }
0x60: {  	_ =	shalt  }
0x61: {  	_ =	shalt  }
0x62: {  	_ =	shalt  }
0x63: {  	_ =	shalt  }
0x64: {  	_ =	shalt  }
0x65: {  	_ =	shalt  }
0x66: {  	_ =	shalt  }
0x67: {  	_ =	shalt  }
0x68: {  	_ =	shalt  }
0x69: {  	_ =	shalt  }
0x6a: {  	_ =	shalt  }
0x6b: {  	_ =	shalt  }
0x6c: {  	_ =	shalt  }
0x6d: {  	_ =	shalt  }
0x6e: {  	_ =	shalt  }
0x6f: {  	_ =	shalt  }
0x70: {  	_ =	shalt  }
0x71: {  	_ =	shalt  }
0x72: {  	_ =	shalt  }
0x73: {  	_ =	shalt  }
0x74: {  	_ =	shalt  }
0x75: {  	_ =	shalt  }
0x76: {  	_ =	shalt  }
0x77: {  	_ =	shalt  }
0x78: {  	_ =	shalt  }
0x79: {  	_ =	shalt  }
0x7a: {  	_ =	shalt  }
0x7b: {  	_ =	shalt  }
0x7c: {  	_ =	shalt  }
0x7d: {  	_ =	shalt  }
0x7e: {  	_ =	shalt  }
0x7f: {  	_ =	shalt  }
0x80: {  	_ =	shalt  }
0x81: {  	_ =	shalt  }
0x82: {  	_ =	shalt  }
0x83: {  	_ =	shalt  }
0x84: {  	_ =	shalt  }
0x85: {  	_ =	shalt  }
0x86: {  	_ =	shalt  }
0x87: {  	_ =	shalt  }
.Lfunc_end0:
.L_simem_size_0:
called_computation.1_lowered:
.L_overlay_start_0:
0x88: {  	s2 =	sld [smem:$0x3FD9]  }
0x89: {  	s3 =	sld [smem:$0x3FFE];
	_ =	sdelay $0x1  }
0x8a: {  	s1 =	srdreg.scid  }
0x8b: {  	s0 =	sand.u32 $0x1, s1  }
0x8c: {  	s17 =	sshll.u32 s0, $0xA;
	s2 =	sadd.s32 s3, s2  }
0x8d: {  	s2 =	sadd.s32 s2, s17  }
0x8e: {  	[smem:$0x3FC2] =	sst s2  }
0x8f: {  	_ = 	snop  }
0x90: {  	s2 =	sld [smem:$0x3FD0];
	(tm) =	ssettm $0x1  }
0x91: {  	s18 =	sld [smem:$0x3FFB];
	_ =	sdelay $0x3  }
0x92: {  	_ =	strace s18  }
0x93: {  	s3 =	sld [smem:$0x3FFC];
	_ =	sdelay $0x3  }
0x94: {  	_ =	strace s3  }
0x95: {  	s3 =	sld [smem:$0x3FFD];
	_ =	sdelay $0x3  }
0x96: {  	_ =	strace s3  }
0x97: {  	_ =	strace $0x8FFFFFFF  }
0x98: {  	s19 =	sld [smem:$0x3FDB];
	_ =	sdelay $0x1  }
0x99: {  	s4 =	simm.s32 $_scs_section_size  }
0x9a: {  	s5 =	simm.s32 $_size__tile_overlayer_lowered;
	s6 =	simm.s32 $_tile_overlayer_lowered  }
0x9b: {  	s22 =	simm.s32 $0x1BFF;
	s21 =	sshll.u32 s6, $0x1;
	s3 =	sadd.s32 s4, s19  }
0x9c: {  	s7 =	simm.s32 $0x0;
	s20 =	sshll.u32 s5, $0x1;
	s5 =	sadd.s32 s21, s3  }
0x9d: {  	[timem:s7], [sflag:s22] =	dma.local [hbm:s5], s20  }
0x9e: {  	_ =	swait.ge [sflag:s22], s20  }
0x9f: {  	s4 =	ssub.s32 $0x0, s20;
	[sflag:s22] =	ssyncset.done $0x0  }
0xa0: {  	[sflag:s22] =	ssyncadd.s32 s4;
	_ =	sdelay $0x1  }
0xa1: {  	s23 =	simm.s32 $0x1B8B  }
0xa2: {  	_ =	swait.ge [sflag:s23], $0x1  }
0xa3: {  	[sflag:s23] =	ssyncset.done $0x0  }
0xa4: {  	s25 =	simm.s32 $0x1B8E;
	s24 =	sld [smem:$0x3FFE];
	[sflag:s23] =	ssyncadd.s32 $0xFFFFFFFF  }
0xa5: {  	s26 =	simm.s32 $execute0_lowered;
	[smem:$0x3FD2] =	sst s25  }
0xa6: {  	s5 =	sshll.u32 s26, $0x1;
	_ =	strace $0x80000049;
	[dreg:$0x1] =	wrdreg $0xFFFFFFFF  }
0xa7: {  	s28 =	simm.s32 $_size_execute0_lowered;
	s3 =	sadd.s32 s3, s5;
	[dreg:$0x0] =	wrdreg $0x0  }
0xa8: {  	s5 =	sshll.u32 s28, $0x1;
	[dreg:$0x2] =	wrdreg s3  }
0xa9: {  	[dreg:$0x3] =	wrdreg s5  }
0xaa: {  	[dreg:$0x4] =	wrdreg $0xC0  }
0xab: {  	_ =	task [dreg:s7], $0x5FFFF  }
0xac: {  	[dreg:$0x1] =	wrdreg $0xFFFFFFFF  }
0xad: {  	[dreg:$0x0] =	wrdreg $0x60  }
0xae: {  	[dreg:$0x2] =	wrdreg s2  }
0xaf: {  	[dreg:$0x3] =	wrdreg s24  }
0xb0: {  	[dreg:$0x4] =	wrdreg $0x7B000  }
0xb1: {  	[dreg:$0x5] =	wrdreg $0x9  }
0xb2: {  	_ =	task.clear_ibuf [dreg:s7], $0x6FFFF;
	_ =	strace $0x90000049  }
0xb3: {  	s29 =	simm.s32 $0x9;
	_ =	strace $0x8000004B  }
0xb4: {  	_ =	swait.ge [sflag:s29], $0x1  }
0xb5: {  	[sflag:s29] =	ssyncadd.s32 $0xFFFFFFFF  }
0xb6: {  	_ =	strace $0x9000004B  }
0xb7: {  	_ =	sfence  }
0xb8: {  	s30 =	sld [smem:$0x0];
	_ =	sdelay $0x2  }
0xb9: {  	s31 =	sshll.u32 s1, $0xD;
	s1 =	sshrl.u32 s1, $0x2  }
0xba: {  	s3 =	sand.u32 $0x4000, s31;
	s1 =	sadd.s32 s1, s30  }
0xbb: {  	s0 =	sor.u32 s3, s0;
	s1 =	sshll.u32 s1, $0x11  }
0xbc: {  	s0 =	sor.u32 s1, s0  }
0xbd: {  	s0 =	sadd.s32 $0x8F2B, s0  }
0xbe: {  	[sflag:s0] =	ssyncadd.remote.s32 $0x1  }
0xbf: {  	_ =	sfence.sel $0xFFFF  }
0xc0: {  	[dreg:$0x0] =	wrdreg $0xFFFFFFFF;
	(pc) =	sbr.abs _section_cstart, $3  }
0xc1: {  	[dreg:$0x1] =	wrdreg $0xFFFFFFFF  }
0xc2: {  	_ =	task.clear_ibuf [dreg:s7], $0x2FFFF;
	_ =	strace $0x9FFFFFFF  }
0xc3: {  	(tm) =	ssettm $0x7FFFFFFF  }
tec
execute0_lowered:
.L_overlay_start_1:
0x0: {  	(tag) =	ssettag $0x1  }
0x1: {  	s1 =	rddreg [dreg:$0x0]  }
0x2: {  	s0 =	rddreg [dreg:$0x1]  }
0x3: {  	s2 =	rddreg [dreg:$0x2];
	s3 =	srdreg.scid;
	s4 =	simm.s32 $0x0  }
0x4: {  	s10 =	stileid.u32;
	s28 =	simm.s32 $0x50;
	s29 =	simm.s32 $0x300  }
0x5: {  	s31 =	simm.s32 $0x100;
	s3 =	sand.u32 $0x1, s3;
	s17 =	smul.u32 $0x4E000, s10  }
0x6: {  	[smem:$0x7FF] =	sst s4;
	s7 =	sadd.s32 $0x15600, s0;
	s21 =	smul.u32 $0x13800, s10  }
0x7: {  	s22 =	sadd.s32 $0x138000, s2;
	s25 =	smul.u32 $0x2710, s10;
	s5 =	sshll.u32 s3, $0x4  }
0x8: {  	p0 =	sne.s32 s10, $0xF;
	s20 =	smul.u32 $0x138800, s3;
	s5 =	sor.u32 s10, s5  }
0x9: {  	_ =	strace $0x8000004A;
	[dreg:$0x9] =	wrdreg s7;
	s6 =	smul.u32 $0x2710, s5  }
0xa: {  	s16 =	ssub.s32 $0x2, s3;
	[dreg:$0xf] =	wrdreg s22;
	s3 =	smul.u32 $0x27100, s3  }
0xb: {  	s8 =	sshrl.u32 s16, $0x1;
	s5 =	sadd.s32 $0x1C00, s0;
	s6 =	sshrl.u32 s6, $0x3  }
0xc: {  	s10 =	simm.s32 $0x4;
	s0 =	sadd.s32 $0x17E00, s0;
	s11 =	sadd.s32 s5, s6  }
0xd: {  	s7 =	ssub.s32 s16, s8;
	s18 =	sadd.s32 $0x9C40, s11;
	[dreg:$0xa] =	wrdreg s11  }
0xe: {  	s3 =	sadd.s32 s25, s3;
	s19 =	sadd.s32 $0xA, s11;
	[dreg:$0xb] =	wrdreg s18  }
0xf: {  	s6 =	sshrl.u32 s17, $0x2;
	s9 =	sadd.s32 $0x9C4A, s11;
	[dreg:$0xc] =	wrdreg s19  }
0x10: {  	s8 =	sshrl.u32 s20, $0x3;
	s6 =	sadd.s32 s6, s2;
	[dreg:$0xd] =	wrdreg s9  }
0x11: {  	s15 =	sadd.s32 $0x4E390, s3;
	s23 =	sadd.s32 $0x14, s11;
	[dreg:$0xe] =	wrdreg s6  }
0x12: {  	s16 =	sadd.s32 $0x190, s3;
	s24 =	sadd.s32 $0x9C54, s11;
	[dreg:$0x10] =	wrdreg s23  }
0x13: {  	s22 =	sadd.s32 $0x4E2F0, s3;
	s12 =	sadd.s32 $0x4CE, s11;
	[dreg:$0x11] =	wrdreg s24  }
0x14: {  	s17 =	sshrl.u32 s16, $0x3;
	s26 =	sadd.s32 $0xA10E, s11;
	[dreg:$0x12] =	wrdreg s12  }
0x15: {  	s16 =	simm.s32 $0xB;
	s30 =	sadd.s32 $0x4D8, s11;
	[dreg:$0x13] =	wrdreg s26  }
0x16: {  	s13 =	sadd.s32 $0xA118, s11;
	s11 =	simm.s32 $0xA;
	[dreg:$0x14] =	wrdreg s30  }
0x17: {  	s9 =	sadd.s32 s21, s20;
	[dreg:$0x15] =	wrdreg s13;
	s6 =	sshrl.u32 s15, $0x3  }
0x18: {  	s18 =	sadd.s32 s17, s5;
	s19 =	sadd.s32 $0x4E340, s3;
	s21 =	sadd.s32 $0x140, s3  }
0x19: {  	s24 =	sshrl.u32 s22, $0x3;
	s26 =	smax.u32 s7, $0x1;
	s30 =	sadd.s32 $0xF0, s3  }
0x1a: {  	s3 =	simm.s32 $0x2;
	s12 =	simm.s32 $0x3;
	s13 =	simm.s32 $0x5300  }
0x1b: {  	s15 =	simm.s32 $0x5;
	s17 =	simm.s32 $0x9;
	[dreg:$0x5] =	wrdreg s18  }
0x1c: {  	s9 =	sshrl.u32 s9, $0x3;
	s6 =	sadd.s32 s6, s5;
	[dreg:$0x18] =	wrdreg s26  }
0x1d: {  	s20 =	sshrl.u32 s19, $0x3;
	s25 =	sadd.s32 s24, s5;
	[dreg:$0x19] =	wrdreg s30  }
0x1e: {  	s24 =	simm.s32 $0x80;
	s26 =	simm.s32 $0x1;
	s18 =	simm.s32 $0x6  }
0x1f: {  	s19 =	simm.s32 $0xC;
	s14 =	sadd.s32 s0, s9;
	s0 =	sadd.s32 s0, s8  }
0x20: {  	[dreg:$0x4] =	wrdreg s6;
	s6 =	sadd.s32 s20, s5;
	s8 =	sshrl.u32 s21, $0x3  }
0x21: {  	[dreg:$0x8] =	wrdreg s25;
	s25 =	simm.s32 $0x200;
	s21 =	simm.s32 $0xD  }
0x22: {  	s9 =	simm.s32 $0x7;
	s20 =	simm.s32 $0x0;
	[dreg:$0x16] =	wrdreg s14  }
0x23: {  	[dreg:$0x6] =	wrdreg s6;
	s23 =	sadd.s32 s8, s5;
	s0 =	sadd.s32 $0x27000, s0  }
0x24: {  	s8 =	simm.s32 $0x2B00;
	s14 =	simm.s32 $0x8;
	[dreg:$0x17] =	wrdreg s0  }
0x25: {  	[dreg:$0x7] =	wrdreg s23;
	s23 =	simm.s32 $0x180;
	s0 =	simm.s32 $0x280  }
.LBB2_1:
0x26: {  	s6 =	rddreg [dreg:$0xa]  }
0x27: {  	[tilespmem:s4], [sflag:$0x1] =	stream.linear.gather [hbm4b:s6+s4], $0x50, $0x38;
	[tilespmem:$0x1B380] =	vst v63  }
0x28: {  	s7 =	rddreg [dreg:$0xb]  }
0x29: {  	[tilespmem:s23], [sflag:$0x4] =	stream.linear.gather [hbm4b:s7+s4], $0x50, $0x38;
	[tilespmem:$0x1B380] =	vst v63  }
0x2a: {  	s22 =	rddreg [dreg:$0xc]  }
0x2b: {  	[tilespmem:s24], [sflag:$0x2] =	stream.linear.gather [hbm4b:s22+s4], $0x50, $0x38;
	[tilespmem:$0x1B380] =	vst v63  }
0x2c: {  	s7 =	rddreg [dreg:$0xd];
	s22 =	stileid.u32  }
0x2d: {  	[tilespmem:s25], [sflag:$0x5] =	stream.linear.gather [hbm4b:s7+s4], $0x50, $0x38;
	[tilespmem:$0x1B380] =	vst v63  }
0x2e: {  	s6 =	sshll.u32 s22, $0x6;
	_ =	swait.ge [sflag:s26], $0x50  }
0x2f: {  	s22 =	sor.u32 $0x1C0D, s6;
	[sflag:s26] =	ssyncset.done $0x0;
	s7 =	rddreg [dreg:$0xe]  }
0x30: {  	s6 =	rddreg [dreg:$0x9];
	[sflag:s26] =	ssyncadd.s32 $0xFFFFFFB0;
	s7 =	sshrl.u32 s7, $0x3  }
0x31: {  	[tilespmem:s29], [sflag:$0x7] =	stream.indirect.gather [hbm4b:s1+s28], $0x80, s4, s28, $0xb8;
	[tilespmem:$0x1B380] =	vst v63  }
0x32: {  	[dreg:$0x1b] =	wrdreg s7  }
0x33: {  	[spmem:s7], [sflag:s22] =	dma.local [hbm:s6], $0x2700  }
0x34: {  	_ =	swait.ge [sflag:s21], $0x2700  }
0x35: {  	s7 =	rddreg [dreg:$0xf]  }
0x36: {  	[dreg:$0x1a] =	wrdreg s22;
	[sflag:s21] =	ssyncset.done $0x0;
	s7 =	sshrl.u32 @!p0 s7, $0x3  }
0x37: {  	[sflag:s21] =	ssyncadd.s32 $0xFFFFD900;
	[dreg:$0x1c] =	wrdreg s7  }
0x38: {  	[spmem:s7], [sflag:s22] =	dma.local @!p0 [hbm:s6], $0x100  }
0x39: {  	s7 =	simm.s32 @!p0 $0xD  }
0x3a: {  	_ =	swait.ge @!p0 [sflag:s7], $0x100  }
0x3b: {  	[sflag:s7] =	ssyncset.done @!p0 $0x0  }
0x3c: {  	[sflag:s7] =	ssyncadd.s32 @!p0 $0xFFFFFF00  }
0x3d: {  	[bflag:$0x0] =	sbarrier.arrive $0xFFFF  }
0x3e: {  	s7 =	rddreg [dreg:$0x10]  }
0x3f: {  	[tilespmem:s31], [sflag:$0x3] =	stream.linear.gather [hbm4b:s7+s4], $0x50, $0x38;
	[tilespmem:$0x1B380] =	vst v63  }
0x40: {  	s21 =	rddreg [dreg:$0x11]  }
0x41: {  	[tilespmem:s0], [sflag:$0x6] =	stream.linear.gather [hbm4b:s21+s4], $0x50, $0x38;
	[tilespmem:$0x1B380] =	vst v63  }
0x42: {  	_ =	swait.ge [sflag:s3], $0x50  }
0x43: {  	[sflag:s3] =	ssyncset.done $0x0  }
0x44: {  	[sflag:s3] =	ssyncadd.s32 $0xFFFFFFB0  }
0x45: {  	[tilespmem:s8], [sflag:$0x8] =	stream.indirect.gather [hbm4b:s1+s28], $0x80, s24, s28, $0xb8;
	[tilespmem:$0x1B380] =	vst v63  }
0x46: {  	_ =	swait.ge [sflag:s9], $0x2800  }
0x47: {  	[sflag:s9] =	ssyncset.done $0x0  }
0x48: {  	[sflag:s9] =	ssyncadd.s32 $0xFFFFD800  }
0x49: {  	_ =	swait.ge [sflag:s10], $0x50  }
0x4a: {  	[sflag:s10] =	ssyncset.done $0x0  }
0x4b: {  	[sflag:s10] =	ssyncadd.s32 $0xFFFFFFB0  }
0x4c: {  	[spmem:s2] =	stream.indirect.scatter.add.f32 [tilespmem:s29], [sflag:$0xA], $0x80, s23, s28, $0xb8;
	[tilespmem:$0x1B380] =	vst v63  }
0x4d: {  	_ =	swait.ge [sflag:s11], $0x2800  }
0x4e: {  	s6 =	rddreg [dreg:$0x19]  }
0x4f: {  	[sflag:s11] =	ssyncset.done $0x0;
	s22 =	sshrl.u32 s6, $0x3  }
0x50: {  	s21 =	rddreg [dreg:$0x8];
	[sflag:s11] =	ssyncadd.s32 $0xFFFFD800;
	s7 =	sadd.s32 s5, s22  }
0x51: {  	[tilespmem:s4], [sflag:$0x1] =	stream.linear.gather [hbm4b:s7+s4], $0x50, $0x38;
	[tilespmem:$0x1B380] =	vst v63  }
0x52: {  	s21 =	sadd.s32 $0x0, s21  }
0x53: {  	[tilespmem:s23], [sflag:$0x4] =	stream.linear.gather [hbm4b:s21+s4], $0x50, $0x38;
	[tilespmem:$0x1B380] =	vst v63  }
0x54: {  	_ =	swait.ge [sflag:s12], $0x50  }
0x55: {  	[sflag:s12] =	ssyncset.done $0x0  }
0x56: {  	[sflag:s12] =	ssyncadd.s32 $0xFFFFFFB0  }
0x57: {  	[tilespmem:s13], [sflag:$0x9] =	stream.indirect.gather [hbm4b:s1+s28], $0x80, s31, s28, $0xb8;
	[tilespmem:$0x1B380] =	vst v63  }
0x58: {  	_ =	swait.ge [sflag:s14], $0x2800  }
0x59: {  	[sflag:s14] =	ssyncset.done $0x0  }
0x5a: {  	[sflag:s14] =	ssyncadd.s32 $0xFFFFD800  }
0x5b: {  	_ =	swait.ge [sflag:s15], $0x50  }
0x5c: {  	[sflag:s15] =	ssyncset.done $0x0  }
0x5d: {  	[sflag:s15] =	ssyncadd.s32 $0xFFFFFFB0  }
0x5e: {  	[spmem:s2] =	stream.indirect.scatter.add.f32 [tilespmem:s8], [sflag:$0xB], $0x80, s25, s28, $0xb8;
	[tilespmem:$0x1B380] =	vst v63  }
0x5f: {  	_ =	swait.ge [sflag:s16], $0x2800  }
0x60: {  	s22 =	rddreg [dreg:$0x7];
	[sflag:s16] =	ssyncset.done $0x0  }
0x61: {  	s21 =	rddreg [dreg:$0x6];
	[sflag:s16] =	ssyncadd.s32 $0xFFFFD800;
	s7 =	sadd.s32 $0x0, s22  }
0x62: {  	[tilespmem:s24], [sflag:$0x2] =	stream.linear.gather [hbm4b:s7+s4], $0x50, $0x38;
	[tilespmem:$0x1B380] =	vst v63  }
0x63: {  	s21 =	sadd.s32 $0x0, s21  }
0x64: {  	[tilespmem:s25], [sflag:$0x5] =	stream.linear.gather [hbm4b:s21+s4], $0x50, $0x38;
	[tilespmem:$0x1B380] =	vst v63  }
0x65: {  	_ =	swait.ge [sflag:s26], $0x50  }
0x66: {  	[sflag:s26] =	ssyncset.done $0x0  }
0x67: {  	[sflag:s26] =	ssyncadd.s32 $0xFFFFFFB0  }
0x68: {  	[tilespmem:s29], [sflag:$0x7] =	stream.indirect.gather [hbm4b:s1+s28], $0x80, s4, s28, $0xb8;
	[tilespmem:$0x1B380] =	vst v63  }
0x69: {  	_ =	swait.ge [sflag:s17], $0x2800  }
0x6a: {  	[sflag:s17] =	ssyncset.done $0x0  }
0x6b: {  	[sflag:s17] =	ssyncadd.s32 $0xFFFFD800  }
0x6c: {  	_ =	swait.ge [sflag:s18], $0x50  }
0x6d: {  	[sflag:s18] =	ssyncset.done $0x0  }
0x6e: {  	[sflag:s18] =	ssyncadd.s32 $0xFFFFFFB0  }
0x6f: {  	[spmem:s2] =	stream.indirect.scatter.add.f32 [tilespmem:s13], [sflag:$0xC], $0x80, s0, s28, $0xb8;
	[tilespmem:$0x1B380] =	vst v63  }
0x70: {  	_ =	swait.ge [sflag:s19], $0x2800  }
0x71: {  	s22 =	rddreg [dreg:$0x5];
	[sflag:s19] =	ssyncset.done $0x0  }
0x72: {  	s21 =	rddreg [dreg:$0x4];
	[sflag:s19] =	ssyncadd.s32 $0xFFFFD800;
	s7 =	sadd.s32 $0x0, s22  }
0x73: {  	[tilespmem:s31], [sflag:$0x3] =	stream.linear.gather [hbm4b:s7+s4], $0x50, $0x38;
	[tilespmem:$0x1B380] =	vst v63  }
0x74: {  	s22 =	sadd.s32 $0x0, s21  }
0x75: {  	[tilespmem:s0], [sflag:$0x6] =	stream.linear.gather [hbm4b:s22+s4], $0x50, $0x38;
	[tilespmem:$0x1B380] =	vst v63  }
0x76: {  	_ =	swait.ge [sflag:s3], $0x50  }
0x77: {  	[sflag:s3] =	ssyncset.done $0x0  }
0x78: {  	[sflag:s3] =	ssyncadd.s32 $0xFFFFFFB0  }
0x79: {  	[tilespmem:s8], [sflag:$0x8] =	stream.indirect.gather [hbm4b:s1+s28], $0x80, s24, s28, $0xb8;
	[tilespmem:$0x1B380] =	vst v63  }
0x7a: {  	_ =	swait.ge [sflag:s9], $0x2800  }
0x7b: {  	[sflag:s9] =	ssyncset.done $0x0  }
0x7c: {  	[sflag:s9] =	ssyncadd.s32 $0xFFFFD800  }
0x7d: {  	_ =	swait.ge [sflag:s10], $0x50  }
0x7e: {  	[sflag:s10] =	ssyncset.done $0x0  }
0x7f: {  	s30 =	sadd.s32 $0xF0, s6;
	s22 =	simm.s32 $0x1E;
	[sflag:s10] =	ssyncadd.s32 $0xFFFFFFB0  }
.LBB2_2:
0x80: {  	[spmem:s2] =	stream.indirect.scatter.add.f32 [tilespmem:s29], [sflag:$0xA], $0x80, s23, s28, $0xb8;
	[tilespmem:$0x1B380] =	vst v63  }
0x81: {  	_ =	swait.ge [sflag:s11], $0x2800  }
0x82: {  	s7 =	smov.u32 s22;
	s6 =	sshrl.u32 s30, $0x3;
	[sflag:s11] =	ssyncset.done $0x0  }
0x83: {  	s6 =	sadd.s32 s5, s6;
	s21 =	rddreg [dreg:$0x8];
	[sflag:s11] =	ssyncadd.s32 $0xFFFFD800  }
0x84: {  	[tilespmem:s4], [sflag:$0x1] =	stream.linear.gather [hbm4b:s6+s4], $0x50, $0x38;
	[tilespmem:$0x1B380] =	vst v63  }
0x85: {  	s21 =	sadd.s32 s7, s21  }
0x86: {  	[tilespmem:s23], [sflag:$0x4] =	stream.linear.gather [hbm4b:s21+s4], $0x50, $0x38;
	[tilespmem:$0x1B380] =	vst v63  }
0x87: {  	_ =	swait.ge [sflag:s12], $0x50  }
0x88: {  	[sflag:s12] =	ssyncset.done $0x0  }
0x89: {  	[sflag:s12] =	ssyncadd.s32 $0xFFFFFFB0  }
0x8a: {  	[tilespmem:s13], [sflag:$0x9] =	stream.indirect.gather [hbm4b:s1+s28], $0x80, s31, s28, $0xb8;
	[tilespmem:$0x1B380] =	vst v63  }
0x8b: {  	_ =	swait.ge [sflag:s14], $0x2800  }
0x8c: {  	[sflag:s14] =	ssyncset.done $0x0  }
0x8d: {  	[sflag:s14] =	ssyncadd.s32 $0xFFFFD800  }
0x8e: {  	_ =	swait.ge [sflag:s15], $0x50  }
0x8f: {  	[sflag:s15] =	ssyncset.done $0x0  }
0x90: {  	[sflag:s15] =	ssyncadd.s32 $0xFFFFFFB0  }
0x91: {  	[spmem:s2] =	stream.indirect.scatter.add.f32 [tilespmem:s8], [sflag:$0xB], $0x80, s25, s28, $0xb8;
	[tilespmem:$0x1B380] =	vst v63  }
0x92: {  	_ =	swait.ge [sflag:s16], $0x2800  }
0x93: {  	s6 =	rddreg [dreg:$0x7];
	[sflag:s16] =	ssyncset.done $0x0  }
0x94: {  	s21 =	rddreg [dreg:$0x6];
	[sflag:s16] =	ssyncadd.s32 $0xFFFFD800;
	s6 =	sadd.s32 s7, s6  }
0x95: {  	[tilespmem:s24], [sflag:$0x2] =	stream.linear.gather [hbm4b:s6+s4], $0x50, $0x38;
	[tilespmem:$0x1B380] =	vst v63  }
0x96: {  	s21 =	sadd.s32 s7, s21  }
0x97: {  	[tilespmem:s25], [sflag:$0x5] =	stream.linear.gather [hbm4b:s21+s4], $0x50, $0x38;
	[tilespmem:$0x1B380] =	vst v63  }
0x98: {  	_ =	swait.ge [sflag:s26], $0x50  }
0x99: {  	[sflag:s26] =	ssyncset.done $0x0  }
0x9a: {  	[sflag:s26] =	ssyncadd.s32 $0xFFFFFFB0  }
0x9b: {  	[tilespmem:s29], [sflag:$0x7] =	stream.indirect.gather [hbm4b:s1+s28], $0x80, s4, s28, $0xb8;
	[tilespmem:$0x1B380] =	vst v63  }
0x9c: {  	_ =	swait.ge [sflag:s17], $0x2800  }
0x9d: {  	[sflag:s17] =	ssyncset.done $0x0  }
0x9e: {  	[sflag:s17] =	ssyncadd.s32 $0xFFFFD800  }
0x9f: {  	_ =	swait.ge [sflag:s18], $0x50  }
0xa0: {  	[sflag:s18] =	ssyncset.done $0x0  }
0xa1: {  	[sflag:s18] =	ssyncadd.s32 $0xFFFFFFB0  }
0xa2: {  	[spmem:s2] =	stream.indirect.scatter.add.f32 [tilespmem:s13], [sflag:$0xC], $0x80, s0, s28, $0xb8;
	[tilespmem:$0x1B380] =	vst v63  }
0xa3: {  	_ =	swait.ge [sflag:s19], $0x2800  }
0xa4: {  	s6 =	rddreg [dreg:$0x5];
	[sflag:s19] =	ssyncset.done $0x0  }
0xa5: {  	s21 =	rddreg [dreg:$0x4];
	[sflag:s19] =	ssyncadd.s32 $0xFFFFD800;
	s6 =	sadd.s32 s7, s6  }
0xa6: {  	[tilespmem:s31], [sflag:$0x3] =	stream.linear.gather [hbm4b:s6+s4], $0x50, $0x38;
	[tilespmem:$0x1B380] =	vst v63  }
0xa7: {  	s21 =	sadd.s32 s7, s21  }
0xa8: {  	[tilespmem:s0], [sflag:$0x6] =	stream.linear.gather [hbm4b:s21+s4], $0x50, $0x38;
	[tilespmem:$0x1B380] =	vst v63  }
0xa9: {  	_ =	swait.ge [sflag:s3], $0x50  }
0xaa: {  	[sflag:s3] =	ssyncset.done $0x0  }
0xab: {  	[sflag:s3] =	ssyncadd.s32 $0xFFFFFFB0  }
0xac: {  	[tilespmem:s8], [sflag:$0x8] =	stream.indirect.gather [hbm4b:s1+s28], $0x80, s24, s28, $0xb8;
	[tilespmem:$0x1B380] =	vst v63  }
0xad: {  	p1 =	sne.s32 s22, $0x492;
	_ =	swait.ge [sflag:s9], $0x2800  }
.Ltmp0:
0xae: {  	[sflag:s9] =	ssyncset.done $0x0;
	(pc) =	sbr.rel @p1 .LBB2_2-.Ltmp0, $4  }
0xaf: {  	[sflag:s9] =	ssyncadd.s32 $0xFFFFD800  }
0xb0: {  	_ =	swait.ge [sflag:s10], $0x50  }
0xb1: {  	[sflag:s10] =	ssyncset.done $0x0  }
0xb2: {  	s22 =	sadd.s32 $0x1E, s22;
	s30 =	sadd.s32 $0xF0, s30;
	[sflag:s10] =	ssyncadd.s32 $0xFFFFFFB0  }
0xb3: {  	[spmem:s2] =	stream.indirect.scatter.add.f32 [tilespmem:s29], [sflag:$0xA], $0x80, s23, s28, $0xb8;
	[tilespmem:$0x1B380] =	vst v63  }
0xb4: {  	_ =	swait.ge [sflag:s11], $0x2800  }
0xb5: {  	[sflag:s11] =	ssyncset.done $0x0  }
0xb6: {  	s6 =	rddreg [dreg:$0x12];
	[sflag:s11] =	ssyncadd.s32 $0xFFFFD800  }
0xb7: {  	[tilespmem:s4], [sflag:$0x1] =	stream.linear.gather [hbm4b:s6+s4], $0x50, $0x38;
	[tilespmem:$0x1B380] =	vst v63  }
0xb8: {  	s30 =	rddreg [dreg:$0x13]  }
0xb9: {  	[tilespmem:s23], [sflag:$0x4] =	stream.linear.gather [hbm4b:s30+s4], $0x50, $0x38;
	[tilespmem:$0x1B380] =	vst v63  }
0xba: {  	_ =	swait.ge [sflag:s12], $0x50  }
0xbb: {  	[sflag:s12] =	ssyncset.done $0x0  }
0xbc: {  	[sflag:s12] =	ssyncadd.s32 $0xFFFFFFB0  }
0xbd: {  	[tilespmem:s13], [sflag:$0x9] =	stream.indirect.gather [hbm4b:s1+s28], $0x80, s31, s28, $0xb8;
	[tilespmem:$0x1B380] =	vst v63  }
0xbe: {  	_ =	swait.ge [sflag:s14], $0x2800  }
0xbf: {  	[sflag:s14] =	ssyncset.done $0x0  }
0xc0: {  	[sflag:s14] =	ssyncadd.s32 $0xFFFFD800  }
0xc1: {  	_ =	swait.ge [sflag:s15], $0x50  }
0xc2: {  	[sflag:s15] =	ssyncset.done $0x0  }
0xc3: {  	[sflag:s15] =	ssyncadd.s32 $0xFFFFFFB0  }
0xc4: {  	[spmem:s2] =	stream.indirect.scatter.add.f32 [tilespmem:s8], [sflag:$0xB], $0x80, s25, s28, $0xb8;
	[tilespmem:$0x1B380] =	vst v63  }
0xc5: {  	_ =	swait.ge [sflag:s16], $0x2800  }
0xc6: {  	[sflag:s16] =	ssyncset.done $0x0  }
0xc7: {  	s7 =	rddreg [dreg:$0x14];
	[sflag:s16] =	ssyncadd.s32 $0xFFFFD800  }
0xc8: {  	[tilespmem:s24], [sflag:$0x2] =	stream.linear.gather [hbm4b:s7+s4], $0x50, $0x38;
	[tilespmem:$0x1B380] =	vst v63  }
0xc9: {  	s21 =	rddreg [dreg:$0x15]  }
0xca: {  	[tilespmem:s25], [sflag:$0x5] =	stream.linear.gather [hbm4b:s21+s4], $0x50, $0x38;
	[tilespmem:$0x1B380] =	vst v63  }
0xcb: {  	_ =	swait.ge [sflag:s26], $0x50  }
0xcc: {  	[sflag:s26] =	ssyncset.done $0x0  }
0xcd: {  	[sflag:s26] =	ssyncadd.s32 $0xFFFFFFB0  }
0xce: {  	[tilespmem:s29], [sflag:$0x7] =	stream.indirect.gather [hbm4b:s1+s28], $0x80, s4, s28, $0xb8;
	[tilespmem:$0x1B380] =	vst v63  }
0xcf: {  	_ =	swait.ge [sflag:s17], $0x2800  }
0xd0: {  	[sflag:s17] =	ssyncset.done $0x0  }
0xd1: {  	[sflag:s17] =	ssyncadd.s32 $0xFFFFD800  }
0xd2: {  	_ =	swait.ge [sflag:s18], $0x50  }
0xd3: {  	[sflag:s18] =	ssyncset.done $0x0  }
0xd4: {  	[sflag:s18] =	ssyncadd.s32 $0xFFFFFFB0  }
0xd5: {  	[spmem:s2] =	stream.indirect.scatter.add.f32 [tilespmem:s13], [sflag:$0xC], $0x80, s0, s28, $0xb8;
	[tilespmem:$0x1B380] =	vst v63  }
0xd6: {  	_ =	swait.ge [sflag:s19], $0x2800  }
0xd7: {  	[sflag:s19] =	ssyncset.done $0x0  }
0xd8: {  	[sflag:s19] =	ssyncadd.s32 $0xFFFFD800  }
0xd9: {  	_ =	swait.ge [sflag:s3], $0x50  }
0xda: {  	[sflag:s3] =	ssyncset.done $0x0  }
0xdb: {  	[sflag:s3] =	ssyncadd.s32 $0xFFFFFFB0  }
0xdc: {  	[tilespmem:s8], [sflag:$0x8] =	stream.indirect.gather [hbm4b:s1+s28], $0x80, s24, s28, $0xb8;
	[tilespmem:$0x1B380] =	vst v63  }
0xdd: {  	_ =	swait.ge [sflag:s9], $0x2800  }
0xde: {  	[sflag:s9] =	ssyncset.done $0x0  }
0xdf: {  	[sflag:s9] =	ssyncadd.s32 $0xFFFFD800  }
0xe0: {  	_ =	swait.ge [sflag:s10], $0x50  }
0xe1: {  	[sflag:s10] =	ssyncset.done $0x0  }
0xe2: {  	[sflag:s10] =	ssyncadd.s32 $0xFFFFFFB0  }
0xe3: {  	[spmem:s2] =	stream.indirect.scatter.add.f32 [tilespmem:s29], [sflag:$0xA], $0x80, s23, s28, $0xb8;
	[tilespmem:$0x1B380] =	vst v63  }
0xe4: {  	_ =	swait.ge [sflag:s11], $0x2800  }
0xe5: {  	[sflag:s11] =	ssyncset.done $0x0  }
0xe6: {  	[sflag:s11] =	ssyncadd.s32 $0xFFFFD800  }
0xe7: {  	_ =	swait.ge [sflag:s14], $0x2800  }
0xe8: {  	[sflag:s14] =	ssyncset.done $0x0  }
0xe9: {  	[sflag:s14] =	ssyncadd.s32 $0xFFFFD800  }
0xea: {  	_ =	swait.ge [sflag:s15], $0x50  }
0xeb: {  	[sflag:s15] =	ssyncset.done $0x0  }
0xec: {  	[sflag:s15] =	ssyncadd.s32 $0xFFFFFFB0  }
0xed: {  	[spmem:s2] =	stream.indirect.scatter.add.f32 [tilespmem:s8], [sflag:$0xB], $0x80, s25, s28, $0xb8;
	[tilespmem:$0x1B380] =	vst v63  }
0xee: {  	_ =	swait.ge [sflag:s16], $0x2800  }
0xef: {  	[sflag:s16] =	ssyncset.done $0x0  }
0xf0: {  	[sflag:s16] =	ssyncadd.s32 $0xFFFFD800  }
0xf1: {  	[bflag:$0x0] =	sbarrier.arrive $0xFFFF  }
0xf2: {  	s22 =	rddreg [dreg:$0x16]  }
0xf3: {  	s7 =	rddreg [dreg:$0x1a]  }
0xf4: {  	s21 =	rddreg [dreg:$0x1b]  }
0xf5: {  	[hbm:s22], [sflag:s7] =	dma.local [spmem:s21], $0x2700  }
0xf6: {  	s21 =	simm.s32 $0xD  }
0xf7: {  	_ =	swait.ge [sflag:s21], $0x2700  }
0xf8: {  	[sflag:s21] =	ssyncset.done $0x0;
	s6 =	rddreg [dreg:$0x17]  }
0xf9: {  	s22 =	rddreg [dreg:$0x1c];
	[sflag:s21] =	ssyncadd.s32 $0xFFFFD900  }
0xfa: {  	[hbm:s6], [sflag:s7] =	dma.local @!p0 [spmem:s22], $0x100  }
0xfb: {  	s6 =	simm.s32 @!p0 $0xD  }
0xfc: {  	_ =	swait.ge @!p0 [sflag:s6], $0x100  }
0xfd: {  	s20 =	sadd.s32 $0x1, s20;
	s30 =	rddreg [dreg:$0x18]  }
0xfe: {  	p1 =	sne.s32 s20, s30  }
.Ltmp1:
0xff: {  	_ = 	snop;
	(pc) =	sbr.rel @p1 .LBB2_1-.Ltmp1, $3  }
0x100: {  	_ =	sdelay $0x1  }
0x101: {  	[sflag:s6] =	ssyncset.done @!p0 $0x0  }
0x102: {  	[sflag:s6] =	ssyncadd.s32 @!p0 $0xFFFFFF00  }
0x103: {  	_ =	sfence.sel $0x180000  }
0x104: {  	[bflag:$0x0] =	sbarrier.arrive $0xFFFF  }
0x105: {  	_ =	strace $0x9000004A  }
0x106: {  	s0 =	stileid.u32;
	[bflag:$0x2] =	sbarrier.arrive $0xFFFF  }
0x107: {  	p0 =	sne.s32 s0, $0x0;
	s0 =	rddreg [dreg:$0x3]  }
0x108: {  	s0 =	sadd.s32 @!p0 $0x100000, s0  }
0x109: {  	[sflag:s0] =	ssyncadd.tile.s32 @!p0 $0x1;
	_ =	shalt  }
.Lfunc_end2:
_tile_overlayer_lowered:
.L_overlay_start_2:
0x10a: {  	(tag) =	ssettag $0x2  }
0x10b: {  	s0 =	rddreg [dreg:$0x0];
	s2 =	stileid.u32  }
0x10c: {  	s1 =	rddreg [dreg:$0x1];
	p0 =	sne.s32 s2, $0x0  }
0x10d: {  	s3 =	rddreg [dreg:$0x2];
	[bflag:$0x3] =	sbarrier.arrive $0xFFFF;
	s2 =	simm.s32 @!p0 $0x1C0D  }
0x10e: {  	[timem:s3], [sflag:s2] =	dma.local @!p0 [hbm:s0], s1  }
0x10f: {  	s0 =	simm.s32 @!p0 $0xD  }
0x110: {  	_ =	swait.ge @!p0 [sflag:s0], s1  }
0x111: {  	s1 =	ssub.s32 @!p0 $0x0, s1;
	[sflag:s0] =	ssyncset.done @!p0 $0x0  }
0x112: {  	[sflag:s0] =	ssyncadd.s32 @!p0 s1  }
0x113: {  	[bflag:$0x3] =	sbarrier.arrive $0xFFFF  }
0x114: {  	_ =	shalt  }

// kernel: gcn_edge_agg_sc.7.cloned.1.call-start
scs
__scs_entry_jumppad:
0x0: {  	(pc) =	sbr.rel $0x88, $3  }
0x1: {  	(tag) =	ssettag $0x0;
	lr =	simm.s32 $0x1  }
0x2: {  	[smem:$0x3F9B] =	sst lr;
	_ =	strace $0xD0000000  }
0x3: {  	_ = 	snop  }
0x4: {  	_ = 	snop  }
0x5: {  	_ = 	snop  }
0x6: {  	_ = 	snop  }
0x7: {  	_ = 	snop  }
__scs_overlays_trampoline_lowered:
0x8: {  	[smem:$0x3FAA] =	sst s0  }
0x9: {  	[smem:$0x3FAB] =	sst s1  }
0xa: {  	[smem:$0x3FAC] =	sst s2  }
0xb: {  	[smem:$0x3FAD] =	sst s3  }
0xc: {  	[smem:$0x3FAE] =	sst s4  }
0xd: {  	[smem:$0x3FAF] =	sst s5  }
0xe: {  	[smem:$0x3FB0] =	sst s6  }
0xf: {  	[smem:$0x3FB1] =	sst s7  }
0x10: {  	[smem:$0x3FB2] =	sst s8  }
0x11: {  	[smem:$0x3FB3] =	sst s9;
	s0 =	simm.s32 @!p0 $0x0  }
0x12: {  	s1 =	sld [smem:$0x3F99];
	s0 =	simm.s32 @p0 $0x1  }
0x13: {  	[smem:$0x3FB4] =	sst s0;
	s0 =	simm.s32 @!p1 $0x0  }
0x14: {  	s2 =	sld [smem:$0x3F98];
	s0 =	simm.s32 @p1 $0x1  }
0x15: {  	[smem:$0x3FB5] =	sst s0;
	s0 =	simm.s32 @!p2 $0x0  }
0x16: {  	s3 =	sld [smem:$0x3FDB];
	s0 =	simm.s32 @p2 $0x1  }
0x17: {  	s4 =	simm.s32 $0x1BF5;
	[smem:$0x3FB7] =	sst s0  }
0x18: {  	s0 =	sld [smem:$0x3F9A];
	_ =	swait.ge [sflag:s4], $0x0  }
0x19: {  	s7 =	sld [smem:$0x3F9B]  }
0x1a: {  	s8 =	sadd.s32 $0xFFFFE003, lr  }
0x1b: {  	s9 =	sadd.s32 $0xFFFFFEF7, lr;
	s5 =	simm.s32 $0xFFFFFFFF;
	p2 =	slt.u32 s8, $0xFFFFF086  }
0x1c: {  	p1 =	slt.u32 s9, $0xF7A;
	s5 =	simm.s32 @!p2 $0x0  }
0x1d: {  	s5 =	simm.s32 @p1 $0x1;
	p0 =	seq.s32 s7, s2  }
0x1e: {  	s7 =	smul.u32 @!p0 $0xF7A, s2;
	p2 =	seq.s32 @!p0 s5, $0x0  }
0x1f: {  	s9 =	smul.u32 $0xF7A, s1;
	s8 =	simm.s32 @!p0 $0x1BF5;
	p2 =	por !p2, p0  }
0x20: {  	[sflag:s8] =	ssyncset.s32 @!p0 $0xFFFFF086;
	s6 =	sadd.s32 @!p0 s3, s7;
	s7 =	simm.s32 @!p0 $0x108  }
0x21: {  	s3 =	sadd.s32 s3, s9;
	s6 =	sadd.s32 @!p0 $0x88, s6;
	s7 =	simm.s32 @p2 $0x1082  }
0x22: {  	[simem:s7], [sflag:s8] =	dma.local @!p0 [hbm:s6], $0xF7A  }
0x23: {  	s9 =	sor.u32 $0xD0000000, s2;
	s6 =	simm.s32 $0x108;
	_ =	swait.ge @!p0 [sflag:s8], $0x0  }
0x24: {  	s3 =	sadd.s32 $0x88, s3;
	s6 =	simm.s32 @!p1 $0x1082;
	[sflag:s4] =	ssyncset.s32 $0xFFFFF086  }
0x25: {  	[simem:s6], [sflag:s4] =	dma.local [hbm:s3], $0xF7A  }
0x26: {  	[smem:$0x3F9B] =	sst s1;
	(tag) =	ssettag s2;
	_ =	strace s9  }
0x27: {  	s1 =	sld [smem:$0x3FAB]  }
0x28: {  	s2 =	sld [smem:$0x3FAC]  }
0x29: {  	s4 =	sld [smem:$0x3FAE]  }
0x2a: {  	p0 =	seq.s32 s5, $0x0;
	s5 =	sld [smem:$0x3FAF]  }
0x2b: {  	s6 =	sld [smem:$0x3FB0]  }
0x2c: {  	s7 =	sld [smem:$0x3FB1]  }
0x2d: {  	s3 =	simm.s32 $0x108;
	s8 =	sld [smem:$0x3FB2]  }
0x2e: {  	s3 =	simm.s32 @!p0 $0x1082;
	s9 =	sld [smem:$0x3FB3]  }
0x2f: {  	lr =	sadd.s32 s0, s3;
	s0 =	sld [smem:$0x3FAA]  }
0x30: {  	s3 =	sld [smem:$0x3FAD]  }
0x31: {  	[smem:$0x3FB6] =	sst s10  }
0x32: {  	s10 =	sld [smem:$0x3FB4];
	_ =	sdelay $0x3  }
0x33: {  	p0 =	seq.s32 s10, $0x1;
	s10 =	sld [smem:$0x3FB6];
	_ =	sdelay $0x3  }
0x34: {  	[smem:$0x3FB6] =	sst s10  }
0x35: {  	s10 =	sld [smem:$0x3FB5];
	_ =	sdelay $0x3  }
0x36: {  	p1 =	seq.s32 s10, $0x1;
	s10 =	sld [smem:$0x3FB6];
	_ =	sdelay $0x3  }
0x37: {  	[smem:$0x3FB6] =	sst s10  }
0x38: {  	s10 =	sld [smem:$0x3FB7]  }
0x39: {  	_ = 	snop;
	(pc) =	sbr.ind lr, $3  }
0x3a: {  	_ = 	snop  }
0x3b: {  	_ = 	snop  }
0x3c: {  	p2 =	seq.s32 s10, $0x1;
	s10 =	sld [smem:$0x3FB6]  }
0x3d: {  	_ =	shalt  }
0x3e: {  	_ =	shalt  }
0x3f: {  	_ =	shalt  }
0x40: {  	_ =	shalt  }
0x41: {  	_ =	shalt  }
0x42: {  	_ =	shalt  }
0x43: {  	_ =	shalt  }
0x44: {  	_ =	shalt  }
0x45: {  	_ =	shalt  }
0x46: {  	_ =	shalt  }
0x47: {  	_ =	shalt  }
0x48: {  	_ =	shalt  }
0x49: {  	_ =	shalt  }
0x4a: {  	_ =	shalt  }
0x4b: {  	_ =	shalt  }
0x4c: {  	_ =	shalt  }
0x4d: {  	_ =	shalt  }
0x4e: {  	_ =	shalt  }
0x4f: {  	_ =	shalt  }
0x50: {  	_ =	shalt  }
0x51: {  	_ =	shalt  }
0x52: {  	_ =	shalt  }
0x53: {  	_ =	shalt  }
0x54: {  	_ =	shalt  }
0x55: {  	_ =	shalt  }
0x56: {  	_ =	shalt  }
0x57: {  	_ =	shalt  }
0x58: {  	_ =	shalt  }
0x59: {  	_ =	shalt  }
0x5a: {  	_ =	shalt  }
0x5b: {  	_ =	shalt  }
0x5c: {  	_ =	shalt  }
0x5d: {  	_ =	shalt  }
0x5e: {  	_ =	shalt  }
0x5f: {  	_ =	shalt  }
0x60: {  	_ =	shalt  }
0x61: {  	_ =	shalt  }
0x62: {  	_ =	shalt  }
0x63: {  	_ =	shalt  }
0x64: {  	_ =	shalt  }
0x65: {  	_ =	shalt  }
0x66: {  	_ =	shalt  }
0x67: {  	_ =	shalt  }
0x68: {  	_ =	shalt  }
0x69: {  	_ =	shalt  }
0x6a: {  	_ =	shalt  }
0x6b: {  	_ =	shalt  }
0x6c: {  	_ =	shalt  }
0x6d: {  	_ =	shalt  }
0x6e: {  	_ =	shalt  }
0x6f: {  	_ =	shalt  }
0x70: {  	_ =	shalt  }
0x71: {  	_ =	shalt  }
0x72: {  	_ =	shalt  }
0x73: {  	_ =	shalt  }
0x74: {  	_ =	shalt  }
0x75: {  	_ =	shalt  }
0x76: {  	_ =	shalt  }
0x77: {  	_ =	shalt  }
0x78: {  	_ =	shalt  }
0x79: {  	_ =	shalt  }
0x7a: {  	_ =	shalt  }
0x7b: {  	_ =	shalt  }
0x7c: {  	_ =	shalt  }
0x7d: {  	_ =	shalt  }
0x7e: {  	_ =	shalt  }
0x7f: {  	_ =	shalt  }
0x80: {  	_ =	shalt  }
0x81: {  	_ =	shalt  }
0x82: {  	_ =	shalt  }
0x83: {  	_ =	shalt  }
0x84: {  	_ =	shalt  }
0x85: {  	_ =	shalt  }
0x86: {  	_ =	shalt  }
0x87: {  	_ =	shalt  }
.Lfunc_end0:
.L_simem_size_0:
called_computation.2_lowered:
.L_overlay_start_0:
0x88: {  	s2 =	sld [smem:$0x3FD9]  }
0x89: {  	s3 =	sld [smem:$0x3FFE];
	_ =	sdelay $0x1  }
0x8a: {  	s1 =	srdreg.scid  }
0x8b: {  	s0 =	sand.u32 $0x1, s1  }
0x8c: {  	s17 =	sshll.u32 s0, $0xA;
	s2 =	sadd.s32 s3, s2  }
0x8d: {  	s2 =	sadd.s32 s2, s17  }
0x8e: {  	[smem:$0x3FC2] =	sst s2  }
0x8f: {  	_ = 	snop  }
0x90: {  	s2 =	sld [smem:$0x3FD0];
	(tm) =	ssettm $0x1  }
0x91: {  	s18 =	sld [smem:$0x3FFB];
	_ =	sdelay $0x3  }
0x92: {  	_ =	strace s18  }
0x93: {  	s3 =	sld [smem:$0x3FFC];
	_ =	sdelay $0x3  }
0x94: {  	_ =	strace s3  }
0x95: {  	s3 =	sld [smem:$0x3FFD];
	_ =	sdelay $0x3  }
0x96: {  	_ =	strace s3  }
0x97: {  	_ =	strace $0x8FFFFFFF  }
0x98: {  	s19 =	sld [smem:$0x3FDB];
	_ =	sdelay $0x1  }
0x99: {  	s4 =	simm.s32 $_scs_section_size  }
0x9a: {  	s5 =	simm.s32 $_size__tile_overlayer_lowered;
	s6 =	simm.s32 $_tile_overlayer_lowered  }
0x9b: {  	s22 =	simm.s32 $0x1BFF;
	s21 =	sshll.u32 s6, $0x1;
	s3 =	sadd.s32 s4, s19  }
0x9c: {  	s7 =	simm.s32 $0x0;
	s20 =	sshll.u32 s5, $0x1;
	s5 =	sadd.s32 s21, s3  }
0x9d: {  	[timem:s7], [sflag:s22] =	dma.local [hbm:s5], s20  }
0x9e: {  	_ =	swait.ge [sflag:s22], s20  }
0x9f: {  	s4 =	ssub.s32 $0x0, s20;
	[sflag:s22] =	ssyncset.done $0x0  }
0xa0: {  	[sflag:s22] =	ssyncadd.s32 s4;
	_ =	sdelay $0x1  }
0xa1: {  	s23 =	simm.s32 $0x1B8B  }
0xa2: {  	_ =	swait.ge [sflag:s23], $0x1  }
0xa3: {  	[sflag:s23] =	ssyncset.done $0x0  }
0xa4: {  	s25 =	simm.s32 $0x1B8E;
	s24 =	sld [smem:$0x3FFE];
	[sflag:s23] =	ssyncadd.s32 $0xFFFFFFFF  }
0xa5: {  	s26 =	simm.s32 $execute0_lowered;
	[smem:$0x3FD2] =	sst s25  }
0xa6: {  	s5 =	sshll.u32 s26, $0x1;
	_ =	strace $0x8000004C;
	[dreg:$0x1] =	wrdreg $0xFFFFFFFF  }
0xa7: {  	s28 =	simm.s32 $_size_execute0_lowered;
	s3 =	sadd.s32 s3, s5;
	[dreg:$0x0] =	wrdreg $0x0  }
0xa8: {  	s5 =	sshll.u32 s28, $0x1;
	[dreg:$0x2] =	wrdreg s3  }
0xa9: {  	[dreg:$0x3] =	wrdreg s5  }
0xaa: {  	[dreg:$0x4] =	wrdreg $0xC0  }
0xab: {  	_ =	task [dreg:s7], $0x5FFFF  }
0xac: {  	[dreg:$0x1] =	wrdreg $0xFFFFFFFF  }
0xad: {  	[dreg:$0x0] =	wrdreg $0x60  }
0xae: {  	[dreg:$0x2] =	wrdreg s2  }
0xaf: {  	[dreg:$0x3] =	wrdreg s24  }
0xb0: {  	[dreg:$0x4] =	wrdreg $0x7B000  }
0xb1: {  	[dreg:$0x5] =	wrdreg $0x9  }
0xb2: {  	_ =	task.clear_ibuf [dreg:s7], $0x6FFFF;
	_ =	strace $0x9000004C  }
0xb3: {  	s29 =	simm.s32 $0x9;
	_ =	strace $0x8000004E  }
0xb4: {  	_ =	swait.ge [sflag:s29], $0x1  }
0xb5: {  	[sflag:s29] =	ssyncadd.s32 $0xFFFFFFFF  }
0xb6: {  	_ =	strace $0x9000004E  }
0xb7: {  	_ =	sfence  }
0xb8: {  	s30 =	sld [smem:$0x0];
	_ =	sdelay $0x2  }
0xb9: {  	s31 =	sshll.u32 s1, $0xD;
	s1 =	sshrl.u32 s1, $0x2  }
0xba: {  	s3 =	sand.u32 $0x4000, s31;
	s1 =	sadd.s32 s1, s30  }
0xbb: {  	s0 =	sor.u32 s3, s0;
	s1 =	sshll.u32 s1, $0x11  }
0xbc: {  	s0 =	sor.u32 s1, s0  }
0xbd: {  	s0 =	sadd.s32 $0x8F2B, s0  }
0xbe: {  	[sflag:s0] =	ssyncadd.remote.s32 $0x1  }
0xbf: {  	_ =	sfence.sel $0xFFFF  }
0xc0: {  	[dreg:$0x0] =	wrdreg $0xFFFFFFFF;
	(pc) =	sbr.abs _section_cstart, $3  }
0xc1: {  	[dreg:$0x1] =	wrdreg $0xFFFFFFFF  }
0xc2: {  	_ =	task.clear_ibuf [dreg:s7], $0x2FFFF;
	_ =	strace $0x9FFFFFFF  }
0xc3: {  	(tm) =	ssettm $0x7FFFFFFF  }
tec
execute0_lowered:
.L_overlay_start_1:
0x0: {  	(tag) =	ssettag $0x1  }
0x1: {  	s1 =	rddreg [dreg:$0x0]  }
0x2: {  	s0 =	rddreg [dreg:$0x1]  }
0x3: {  	s2 =	rddreg [dreg:$0x2];
	s3 =	srdreg.scid;
	s4 =	simm.s32 $0x0  }
0x4: {  	s10 =	stileid.u32;
	s28 =	simm.s32 $0x50;
	s29 =	simm.s32 $0x300  }
0x5: {  	s31 =	simm.s32 $0x100;
	s3 =	sand.u32 $0x1, s3;
	s17 =	smul.u32 $0x4E000, s10  }
0x6: {  	[smem:$0x7FF] =	sst s4;
	s7 =	sadd.s32 $0x15600, s0;
	s21 =	smul.u32 $0x13800, s10  }
0x7: {  	s22 =	sadd.s32 $0x138000, s2;
	s25 =	smul.u32 $0x2710, s10;
	s5 =	sshll.u32 s3, $0x4  }
0x8: {  	p0 =	sne.s32 s10, $0xF;
	s20 =	smul.u32 $0x138800, s3;
	s5 =	sor.u32 s10, s5  }
0x9: {  	_ =	strace $0x8000004D;
	[dreg:$0x9] =	wrdreg s7;
	s6 =	smul.u32 $0x2710, s5  }
0xa: {  	s16 =	ssub.s32 $0x2, s3;
	[dreg:$0xf] =	wrdreg s22;
	s3 =	smul.u32 $0x27100, s3  }
0xb: {  	s8 =	sshrl.u32 s16, $0x1;
	s5 =	sadd.s32 $0x1C00, s0;
	s6 =	sshrl.u32 s6, $0x3  }
0xc: {  	s10 =	simm.s32 $0x4;
	s0 =	sadd.s32 $0x17E00, s0;
	s11 =	sadd.s32 s5, s6  }
0xd: {  	s7 =	ssub.s32 s16, s8;
	s18 =	sadd.s32 $0x9C40, s11;
	[dreg:$0xa] =	wrdreg s11  }
0xe: {  	s3 =	sadd.s32 s25, s3;
	s19 =	sadd.s32 $0xA, s11;
	[dreg:$0xb] =	wrdreg s18  }
0xf: {  	s6 =	sshrl.u32 s17, $0x2;
	s9 =	sadd.s32 $0x9C4A, s11;
	[dreg:$0xc] =	wrdreg s19  }
0x10: {  	s8 =	sshrl.u32 s20, $0x3;
	s6 =	sadd.s32 s6, s2;
	[dreg:$0xd] =	wrdreg s9  }
0x11: {  	s15 =	sadd.s32 $0x4E390, s3;
	s23 =	sadd.s32 $0x14, s11;
	[dreg:$0xe] =	wrdreg s6  }
0x12: {  	s16 =	sadd.s32 $0x190, s3;
	s24 =	sadd.s32 $0x9C54, s11;
	[dreg:$0x10] =	wrdreg s23  }
0x13: {  	s22 =	sadd.s32 $0x4E2F0, s3;
	s12 =	sadd.s32 $0x4CE, s11;
	[dreg:$0x11] =	wrdreg s24  }
0x14: {  	s17 =	sshrl.u32 s16, $0x3;
	s26 =	sadd.s32 $0xA10E, s11;
	[dreg:$0x12] =	wrdreg s12  }
0x15: {  	s16 =	simm.s32 $0xB;
	s30 =	sadd.s32 $0x4D8, s11;
	[dreg:$0x13] =	wrdreg s26  }
0x16: {  	s13 =	sadd.s32 $0xA118, s11;
	s11 =	simm.s32 $0xA;
	[dreg:$0x14] =	wrdreg s30  }
0x17: {  	s9 =	sadd.s32 s21, s20;
	[dreg:$0x15] =	wrdreg s13;
	s6 =	sshrl.u32 s15, $0x3  }
0x18: {  	s18 =	sadd.s32 s17, s5;
	s19 =	sadd.s32 $0x4E340, s3;
	s21 =	sadd.s32 $0x140, s3  }
0x19: {  	s24 =	sshrl.u32 s22, $0x3;
	s26 =	smax.u32 s7, $0x1;
	s30 =	sadd.s32 $0xF0, s3  }
0x1a: {  	s3 =	simm.s32 $0x2;
	s12 =	simm.s32 $0x3;
	s13 =	simm.s32 $0x5300  }
0x1b: {  	s15 =	simm.s32 $0x5;
	s17 =	simm.s32 $0x9;
	[dreg:$0x5] =	wrdreg s18  }
0x1c: {  	s9 =	sshrl.u32 s9, $0x3;
	s6 =	sadd.s32 s6, s5;
	[dreg:$0x18] =	wrdreg s26  }
0x1d: {  	s20 =	sshrl.u32 s19, $0x3;
	s25 =	sadd.s32 s24, s5;
	[dreg:$0x19] =	wrdreg s30  }
0x1e: {  	s24 =	simm.s32 $0x80;
	s26 =	simm.s32 $0x1;
	s18 =	simm.s32 $0x6  }
0x1f: {  	s19 =	simm.s32 $0xC;
	s14 =	sadd.s32 s0, s9;
	s0 =	sadd.s32 s0, s8  }
0x20: {  	[dreg:$0x4] =	wrdreg s6;
	s6 =	sadd.s32 s20, s5;
	s8 =	sshrl.u32 s21, $0x3  }
0x21: {  	[dreg:$0x8] =	wrdreg s25;
	s25 =	simm.s32 $0x200;
	s21 =	simm.s32 $0xD  }
0x22: {  	s9 =	simm.s32 $0x7;
	s20 =	simm.s32 $0x0;
	[dreg:$0x16] =	wrdreg s14  }
0x23: {  	[dreg:$0x6] =	wrdreg s6;
	s23 =	sadd.s32 s8, s5;
	s0 =	sadd.s32 $0x27000, s0  }
0x24: {  	s8 =	simm.s32 $0x2B00;
	s14 =	simm.s32 $0x8;
	[dreg:$0x17] =	wrdreg s0  }
0x25: {  	[dreg:$0x7] =	wrdreg s23;
	s23 =	simm.s32 $0x180;
	s0 =	simm.s32 $0x280  }
.LBB2_1:
0x26: {  	s6 =	rddreg [dreg:$0xa]  }
0x27: {  	[tilespmem:s4], [sflag:$0x1] =	stream.linear.gather [hbm4b:s6+s4], $0x50, $0x38;
	[tilespmem:$0x1B380] =	vst v63  }
0x28: {  	s7 =	rddreg [dreg:$0xb]  }
0x29: {  	[tilespmem:s23], [sflag:$0x4] =	stream.linear.gather [hbm4b:s7+s4], $0x50, $0x38;
	[tilespmem:$0x1B380] =	vst v63  }
0x2a: {  	s22 =	rddreg [dreg:$0xc]  }
0x2b: {  	[tilespmem:s24], [sflag:$0x2] =	stream.linear.gather [hbm4b:s22+s4], $0x50, $0x38;
	[tilespmem:$0x1B380] =	vst v63  }
0x2c: {  	s7 =	rddreg [dreg:$0xd];
	s22 =	stileid.u32  }
0x2d: {  	[tilespmem:s25], [sflag:$0x5] =	stream.linear.gather [hbm4b:s7+s4], $0x50, $0x38;
	[tilespmem:$0x1B380] =	vst v63  }
0x2e: {  	s6 =	sshll.u32 s22, $0x6;
	_ =	swait.ge [sflag:s26], $0x50  }
0x2f: {  	s22 =	sor.u32 $0x1C0D, s6;
	[sflag:s26] =	ssyncset.done $0x0;
	s7 =	rddreg [dreg:$0xe]  }
0x30: {  	s6 =	rddreg [dreg:$0x9];
	[sflag:s26] =	ssyncadd.s32 $0xFFFFFFB0;
	s7 =	sshrl.u32 s7, $0x3  }
0x31: {  	[tilespmem:s29], [sflag:$0x7] =	stream.indirect.gather [hbm4b:s1+s28], $0x80, s4, s28, $0xb8;
	[tilespmem:$0x1B380] =	vst v63  }
0x32: {  	[dreg:$0x1b] =	wrdreg s7  }
0x33: {  	[spmem:s7], [sflag:s22] =	dma.local [hbm:s6], $0x2700  }
0x34: {  	_ =	swait.ge [sflag:s21], $0x2700  }
0x35: {  	s7 =	rddreg [dreg:$0xf]  }
0x36: {  	[dreg:$0x1a] =	wrdreg s22;
	[sflag:s21] =	ssyncset.done $0x0;
	s7 =	sshrl.u32 @!p0 s7, $0x3  }
0x37: {  	[sflag:s21] =	ssyncadd.s32 $0xFFFFD900;
	[dreg:$0x1c] =	wrdreg s7  }
0x38: {  	[spmem:s7], [sflag:s22] =	dma.local @!p0 [hbm:s6], $0x100  }
0x39: {  	s7 =	simm.s32 @!p0 $0xD  }
0x3a: {  	_ =	swait.ge @!p0 [sflag:s7], $0x100  }
0x3b: {  	[sflag:s7] =	ssyncset.done @!p0 $0x0  }
0x3c: {  	[sflag:s7] =	ssyncadd.s32 @!p0 $0xFFFFFF00  }
0x3d: {  	[bflag:$0x0] =	sbarrier.arrive $0xFFFF  }
0x3e: {  	s7 =	rddreg [dreg:$0x10]  }
0x3f: {  	[tilespmem:s31], [sflag:$0x3] =	stream.linear.gather [hbm4b:s7+s4], $0x50, $0x38;
	[tilespmem:$0x1B380] =	vst v63  }
0x40: {  	s21 =	rddreg [dreg:$0x11]  }
0x41: {  	[tilespmem:s0], [sflag:$0x6] =	stream.linear.gather [hbm4b:s21+s4], $0x50, $0x38;
	[tilespmem:$0x1B380] =	vst v63  }
0x42: {  	_ =	swait.ge [sflag:s3], $0x50  }
0x43: {  	[sflag:s3] =	ssyncset.done $0x0  }
0x44: {  	[sflag:s3] =	ssyncadd.s32 $0xFFFFFFB0  }
0x45: {  	[tilespmem:s8], [sflag:$0x8] =	stream.indirect.gather [hbm4b:s1+s28], $0x80, s24, s28, $0xb8;
	[tilespmem:$0x1B380] =	vst v63  }
0x46: {  	_ =	swait.ge [sflag:s9], $0x2800  }
0x47: {  	[sflag:s9] =	ssyncset.done $0x0  }
0x48: {  	[sflag:s9] =	ssyncadd.s32 $0xFFFFD800  }
0x49: {  	_ =	swait.ge [sflag:s10], $0x50  }
0x4a: {  	[sflag:s10] =	ssyncset.done $0x0  }
0x4b: {  	[sflag:s10] =	ssyncadd.s32 $0xFFFFFFB0  }
0x4c: {  	[spmem:s2] =	stream.indirect.scatter.add.f32 [tilespmem:s29], [sflag:$0xA], $0x80, s23, s28, $0xb8;
	[tilespmem:$0x1B380] =	vst v63  }
0x4d: {  	_ =	swait.ge [sflag:s11], $0x2800  }
0x4e: {  	s6 =	rddreg [dreg:$0x19]  }
0x4f: {  	[sflag:s11] =	ssyncset.done $0x0;
	s22 =	sshrl.u32 s6, $0x3  }
0x50: {  	s21 =	rddreg [dreg:$0x8];
	[sflag:s11] =	ssyncadd.s32 $0xFFFFD800;
	s7 =	sadd.s32 s5, s22  }
0x51: {  	[tilespmem:s4], [sflag:$0x1] =	stream.linear.gather [hbm4b:s7+s4], $0x50, $0x38;
	[tilespmem:$0x1B380] =	vst v63  }
0x52: {  	s21 =	sadd.s32 $0x0, s21  }
0x53: {  	[tilespmem:s23], [sflag:$0x4] =	stream.linear.gather [hbm4b:s21+s4], $0x50, $0x38;
	[tilespmem:$0x1B380] =	vst v63  }
0x54: {  	_ =	swait.ge [sflag:s12], $0x50  }
0x55: {  	[sflag:s12] =	ssyncset.done $0x0  }
0x56: {  	[sflag:s12] =	ssyncadd.s32 $0xFFFFFFB0  }
0x57: {  	[tilespmem:s13], [sflag:$0x9] =	stream.indirect.gather [hbm4b:s1+s28], $0x80, s31, s28, $0xb8;
	[tilespmem:$0x1B380] =	vst v63  }
0x58: {  	_ =	swait.ge [sflag:s14], $0x2800  }
0x59: {  	[sflag:s14] =	ssyncset.done $0x0  }
0x5a: {  	[sflag:s14] =	ssyncadd.s32 $0xFFFFD800  }
0x5b: {  	_ =	swait.ge [sflag:s15], $0x50  }
0x5c: {  	[sflag:s15] =	ssyncset.done $0x0  }
0x5d: {  	[sflag:s15] =	ssyncadd.s32 $0xFFFFFFB0  }
0x5e: {  	[spmem:s2] =	stream.indirect.scatter.add.f32 [tilespmem:s8], [sflag:$0xB], $0x80, s25, s28, $0xb8;
	[tilespmem:$0x1B380] =	vst v63  }
0x5f: {  	_ =	swait.ge [sflag:s16], $0x2800  }
0x60: {  	s22 =	rddreg [dreg:$0x7];
	[sflag:s16] =	ssyncset.done $0x0  }
0x61: {  	s21 =	rddreg [dreg:$0x6];
	[sflag:s16] =	ssyncadd.s32 $0xFFFFD800;
	s7 =	sadd.s32 $0x0, s22  }
0x62: {  	[tilespmem:s24], [sflag:$0x2] =	stream.linear.gather [hbm4b:s7+s4], $0x50, $0x38;
	[tilespmem:$0x1B380] =	vst v63  }
0x63: {  	s21 =	sadd.s32 $0x0, s21  }
0x64: {  	[tilespmem:s25], [sflag:$0x5] =	stream.linear.gather [hbm4b:s21+s4], $0x50, $0x38;
	[tilespmem:$0x1B380] =	vst v63  }
0x65: {  	_ =	swait.ge [sflag:s26], $0x50  }
0x66: {  	[sflag:s26] =	ssyncset.done $0x0  }
0x67: {  	[sflag:s26] =	ssyncadd.s32 $0xFFFFFFB0  }
0x68: {  	[tilespmem:s29], [sflag:$0x7] =	stream.indirect.gather [hbm4b:s1+s28], $0x80, s4, s28, $0xb8;
	[tilespmem:$0x1B380] =	vst v63  }
0x69: {  	_ =	swait.ge [sflag:s17], $0x2800  }
0x6a: {  	[sflag:s17] =	ssyncset.done $0x0  }
0x6b: {  	[sflag:s17] =	ssyncadd.s32 $0xFFFFD800  }
0x6c: {  	_ =	swait.ge [sflag:s18], $0x50  }
0x6d: {  	[sflag:s18] =	ssyncset.done $0x0  }
0x6e: {  	[sflag:s18] =	ssyncadd.s32 $0xFFFFFFB0  }
0x6f: {  	[spmem:s2] =	stream.indirect.scatter.add.f32 [tilespmem:s13], [sflag:$0xC], $0x80, s0, s28, $0xb8;
	[tilespmem:$0x1B380] =	vst v63  }
0x70: {  	_ =	swait.ge [sflag:s19], $0x2800  }
0x71: {  	s22 =	rddreg [dreg:$0x5];
	[sflag:s19] =	ssyncset.done $0x0  }
0x72: {  	s21 =	rddreg [dreg:$0x4];
	[sflag:s19] =	ssyncadd.s32 $0xFFFFD800;
	s7 =	sadd.s32 $0x0, s22  }
0x73: {  	[tilespmem:s31], [sflag:$0x3] =	stream.linear.gather [hbm4b:s7+s4], $0x50, $0x38;
	[tilespmem:$0x1B380] =	vst v63  }
0x74: {  	s22 =	sadd.s32 $0x0, s21  }
0x75: {  	[tilespmem:s0], [sflag:$0x6] =	stream.linear.gather [hbm4b:s22+s4], $0x50, $0x38;
	[tilespmem:$0x1B380] =	vst v63  }
0x76: {  	_ =	swait.ge [sflag:s3], $0x50  }
0x77: {  	[sflag:s3] =	ssyncset.done $0x0  }
0x78: {  	[sflag:s3] =	ssyncadd.s32 $0xFFFFFFB0  }
0x79: {  	[tilespmem:s8], [sflag:$0x8] =	stream.indirect.gather [hbm4b:s1+s28], $0x80, s24, s28, $0xb8;
	[tilespmem:$0x1B380] =	vst v63  }
0x7a: {  	_ =	swait.ge [sflag:s9], $0x2800  }
0x7b: {  	[sflag:s9] =	ssyncset.done $0x0  }
0x7c: {  	[sflag:s9] =	ssyncadd.s32 $0xFFFFD800  }
0x7d: {  	_ =	swait.ge [sflag:s10], $0x50  }
0x7e: {  	[sflag:s10] =	ssyncset.done $0x0  }
0x7f: {  	s30 =	sadd.s32 $0xF0, s6;
	s22 =	simm.s32 $0x1E;
	[sflag:s10] =	ssyncadd.s32 $0xFFFFFFB0  }
.LBB2_2:
0x80: {  	[spmem:s2] =	stream.indirect.scatter.add.f32 [tilespmem:s29], [sflag:$0xA], $0x80, s23, s28, $0xb8;
	[tilespmem:$0x1B380] =	vst v63  }
0x81: {  	_ =	swait.ge [sflag:s11], $0x2800  }
0x82: {  	s7 =	smov.u32 s22;
	s6 =	sshrl.u32 s30, $0x3;
	[sflag:s11] =	ssyncset.done $0x0  }
0x83: {  	s6 =	sadd.s32 s5, s6;
	s21 =	rddreg [dreg:$0x8];
	[sflag:s11] =	ssyncadd.s32 $0xFFFFD800  }
0x84: {  	[tilespmem:s4], [sflag:$0x1] =	stream.linear.gather [hbm4b:s6+s4], $0x50, $0x38;
	[tilespmem:$0x1B380] =	vst v63  }
0x85: {  	s21 =	sadd.s32 s7, s21  }
0x86: {  	[tilespmem:s23], [sflag:$0x4] =	stream.linear.gather [hbm4b:s21+s4], $0x50, $0x38;
	[tilespmem:$0x1B380] =	vst v63  }
0x87: {  	_ =	swait.ge [sflag:s12], $0x50  }
0x88: {  	[sflag:s12] =	ssyncset.done $0x0  }
0x89: {  	[sflag:s12] =	ssyncadd.s32 $0xFFFFFFB0  }
0x8a: {  	[tilespmem:s13], [sflag:$0x9] =	stream.indirect.gather [hbm4b:s1+s28], $0x80, s31, s28, $0xb8;
	[tilespmem:$0x1B380] =	vst v63  }
0x8b: {  	_ =	swait.ge [sflag:s14], $0x2800  }
0x8c: {  	[sflag:s14] =	ssyncset.done $0x0  }
0x8d: {  	[sflag:s14] =	ssyncadd.s32 $0xFFFFD800  }
0x8e: {  	_ =	swait.ge [sflag:s15], $0x50  }
0x8f: {  	[sflag:s15] =	ssyncset.done $0x0  }
0x90: {  	[sflag:s15] =	ssyncadd.s32 $0xFFFFFFB0  }
0x91: {  	[spmem:s2] =	stream.indirect.scatter.add.f32 [tilespmem:s8], [sflag:$0xB], $0x80, s25, s28, $0xb8;
	[tilespmem:$0x1B380] =	vst v63  }
0x92: {  	_ =	swait.ge [sflag:s16], $0x2800  }
0x93: {  	s6 =	rddreg [dreg:$0x7];
	[sflag:s16] =	ssyncset.done $0x0  }
0x94: {  	s21 =	rddreg [dreg:$0x6];
	[sflag:s16] =	ssyncadd.s32 $0xFFFFD800;
	s6 =	sadd.s32 s7, s6  }
0x95: {  	[tilespmem:s24], [sflag:$0x2] =	stream.linear.gather [hbm4b:s6+s4], $0x50, $0x38;
	[tilespmem:$0x1B380] =	vst v63  }
0x96: {  	s21 =	sadd.s32 s7, s21  }
0x97: {  	[tilespmem:s25], [sflag:$0x5] =	stream.linear.gather [hbm4b:s21+s4], $0x50, $0x38;
	[tilespmem:$0x1B380] =	vst v63  }
0x98: {  	_ =	swait.ge [sflag:s26], $0x50  }
0x99: {  	[sflag:s26] =	ssyncset.done $0x0  }
0x9a: {  	[sflag:s26] =	ssyncadd.s32 $0xFFFFFFB0  }
0x9b: {  	[tilespmem:s29], [sflag:$0x7] =	stream.indirect.gather [hbm4b:s1+s28], $0x80, s4, s28, $0xb8;
	[tilespmem:$0x1B380] =	vst v63  }
0x9c: {  	_ =	swait.ge [sflag:s17], $0x2800  }
0x9d: {  	[sflag:s17] =	ssyncset.done $0x0  }
0x9e: {  	[sflag:s17] =	ssyncadd.s32 $0xFFFFD800  }
0x9f: {  	_ =	swait.ge [sflag:s18], $0x50  }
0xa0: {  	[sflag:s18] =	ssyncset.done $0x0  }
0xa1: {  	[sflag:s18] =	ssyncadd.s32 $0xFFFFFFB0  }
0xa2: {  	[spmem:s2] =	stream.indirect.scatter.add.f32 [tilespmem:s13], [sflag:$0xC], $0x80, s0, s28, $0xb8;
	[tilespmem:$0x1B380] =	vst v63  }
0xa3: {  	_ =	swait.ge [sflag:s19], $0x2800  }
0xa4: {  	s6 =	rddreg [dreg:$0x5];
	[sflag:s19] =	ssyncset.done $0x0  }
0xa5: {  	s21 =	rddreg [dreg:$0x4];
	[sflag:s19] =	ssyncadd.s32 $0xFFFFD800;
	s6 =	sadd.s32 s7, s6  }
0xa6: {  	[tilespmem:s31], [sflag:$0x3] =	stream.linear.gather [hbm4b:s6+s4], $0x50, $0x38;
	[tilespmem:$0x1B380] =	vst v63  }
0xa7: {  	s21 =	sadd.s32 s7, s21  }
0xa8: {  	[tilespmem:s0], [sflag:$0x6] =	stream.linear.gather [hbm4b:s21+s4], $0x50, $0x38;
	[tilespmem:$0x1B380] =	vst v63  }
0xa9: {  	_ =	swait.ge [sflag:s3], $0x50  }
0xaa: {  	[sflag:s3] =	ssyncset.done $0x0  }
0xab: {  	[sflag:s3] =	ssyncadd.s32 $0xFFFFFFB0  }
0xac: {  	[tilespmem:s8], [sflag:$0x8] =	stream.indirect.gather [hbm4b:s1+s28], $0x80, s24, s28, $0xb8;
	[tilespmem:$0x1B380] =	vst v63  }
0xad: {  	p1 =	sne.s32 s22, $0x492;
	_ =	swait.ge [sflag:s9], $0x2800  }
.Ltmp0:
0xae: {  	[sflag:s9] =	ssyncset.done $0x0;
	(pc) =	sbr.rel @p1 .LBB2_2-.Ltmp0, $4  }
0xaf: {  	[sflag:s9] =	ssyncadd.s32 $0xFFFFD800  }
0xb0: {  	_ =	swait.ge [sflag:s10], $0x50  }
0xb1: {  	[sflag:s10] =	ssyncset.done $0x0  }
0xb2: {  	s22 =	sadd.s32 $0x1E, s22;
	s30 =	sadd.s32 $0xF0, s30;
	[sflag:s10] =	ssyncadd.s32 $0xFFFFFFB0  }
0xb3: {  	[spmem:s2] =	stream.indirect.scatter.add.f32 [tilespmem:s29], [sflag:$0xA], $0x80, s23, s28, $0xb8;
	[tilespmem:$0x1B380] =	vst v63  }
0xb4: {  	_ =	swait.ge [sflag:s11], $0x2800  }
0xb5: {  	[sflag:s11] =	ssyncset.done $0x0  }
0xb6: {  	s6 =	rddreg [dreg:$0x12];
	[sflag:s11] =	ssyncadd.s32 $0xFFFFD800  }
0xb7: {  	[tilespmem:s4], [sflag:$0x1] =	stream.linear.gather [hbm4b:s6+s4], $0x50, $0x38;
	[tilespmem:$0x1B380] =	vst v63  }
0xb8: {  	s30 =	rddreg [dreg:$0x13]  }
0xb9: {  	[tilespmem:s23], [sflag:$0x4] =	stream.linear.gather [hbm4b:s30+s4], $0x50, $0x38;
	[tilespmem:$0x1B380] =	vst v63  }
0xba: {  	_ =	swait.ge [sflag:s12], $0x50  }
0xbb: {  	[sflag:s12] =	ssyncset.done $0x0  }
0xbc: {  	[sflag:s12] =	ssyncadd.s32 $0xFFFFFFB0  }
0xbd: {  	[tilespmem:s13], [sflag:$0x9] =	stream.indirect.gather [hbm4b:s1+s28], $0x80, s31, s28, $0xb8;
	[tilespmem:$0x1B380] =	vst v63  }
0xbe: {  	_ =	swait.ge [sflag:s14], $0x2800  }
0xbf: {  	[sflag:s14] =	ssyncset.done $0x0  }
0xc0: {  	[sflag:s14] =	ssyncadd.s32 $0xFFFFD800  }
0xc1: {  	_ =	swait.ge [sflag:s15], $0x50  }
0xc2: {  	[sflag:s15] =	ssyncset.done $0x0  }
0xc3: {  	[sflag:s15] =	ssyncadd.s32 $0xFFFFFFB0  }
0xc4: {  	[spmem:s2] =	stream.indirect.scatter.add.f32 [tilespmem:s8], [sflag:$0xB], $0x80, s25, s28, $0xb8;
	[tilespmem:$0x1B380] =	vst v63  }
0xc5: {  	_ =	swait.ge [sflag:s16], $0x2800  }
0xc6: {  	[sflag:s16] =	ssyncset.done $0x0  }
0xc7: {  	s7 =	rddreg [dreg:$0x14];
	[sflag:s16] =	ssyncadd.s32 $0xFFFFD800  }
0xc8: {  	[tilespmem:s24], [sflag:$0x2] =	stream.linear.gather [hbm4b:s7+s4], $0x50, $0x38;
	[tilespmem:$0x1B380] =	vst v63  }
0xc9: {  	s21 =	rddreg [dreg:$0x15]  }
0xca: {  	[tilespmem:s25], [sflag:$0x5] =	stream.linear.gather [hbm4b:s21+s4], $0x50, $0x38;
	[tilespmem:$0x1B380] =	vst v63  }
0xcb: {  	_ =	swait.ge [sflag:s26], $0x50  }
0xcc: {  	[sflag:s26] =	ssyncset.done $0x0  }
0xcd: {  	[sflag:s26] =	ssyncadd.s32 $0xFFFFFFB0  }
0xce: {  	[tilespmem:s29], [sflag:$0x7] =	stream.indirect.gather [hbm4b:s1+s28], $0x80, s4, s28, $0xb8;
	[tilespmem:$0x1B380] =	vst v63  }
0xcf: {  	_ =	swait.ge [sflag:s17], $0x2800  }
0xd0: {  	[sflag:s17] =	ssyncset.done $0x0  }
0xd1: {  	[sflag:s17] =	ssyncadd.s32 $0xFFFFD800  }
0xd2: {  	_ =	swait.ge [sflag:s18], $0x50  }
0xd3: {  	[sflag:s18] =	ssyncset.done $0x0  }
0xd4: {  	[sflag:s18] =	ssyncadd.s32 $0xFFFFFFB0  }
0xd5: {  	[spmem:s2] =	stream.indirect.scatter.add.f32 [tilespmem:s13], [sflag:$0xC], $0x80, s0, s28, $0xb8;
	[tilespmem:$0x1B380] =	vst v63  }
0xd6: {  	_ =	swait.ge [sflag:s19], $0x2800  }
0xd7: {  	[sflag:s19] =	ssyncset.done $0x0  }
0xd8: {  	[sflag:s19] =	ssyncadd.s32 $0xFFFFD800  }
0xd9: {  	_ =	swait.ge [sflag:s3], $0x50  }
0xda: {  	[sflag:s3] =	ssyncset.done $0x0  }
0xdb: {  	[sflag:s3] =	ssyncadd.s32 $0xFFFFFFB0  }
0xdc: {  	[tilespmem:s8], [sflag:$0x8] =	stream.indirect.gather [hbm4b:s1+s28], $0x80, s24, s28, $0xb8;
	[tilespmem:$0x1B380] =	vst v63  }
0xdd: {  	_ =	swait.ge [sflag:s9], $0x2800  }
0xde: {  	[sflag:s9] =	ssyncset.done $0x0  }
0xdf: {  	[sflag:s9] =	ssyncadd.s32 $0xFFFFD800  }
0xe0: {  	_ =	swait.ge [sflag:s10], $0x50  }
0xe1: {  	[sflag:s10] =	ssyncset.done $0x0  }
0xe2: {  	[sflag:s10] =	ssyncadd.s32 $0xFFFFFFB0  }
0xe3: {  	[spmem:s2] =	stream.indirect.scatter.add.f32 [tilespmem:s29], [sflag:$0xA], $0x80, s23, s28, $0xb8;
	[tilespmem:$0x1B380] =	vst v63  }
0xe4: {  	_ =	swait.ge [sflag:s11], $0x2800  }
0xe5: {  	[sflag:s11] =	ssyncset.done $0x0  }
0xe6: {  	[sflag:s11] =	ssyncadd.s32 $0xFFFFD800  }
0xe7: {  	_ =	swait.ge [sflag:s14], $0x2800  }
0xe8: {  	[sflag:s14] =	ssyncset.done $0x0  }
0xe9: {  	[sflag:s14] =	ssyncadd.s32 $0xFFFFD800  }
0xea: {  	_ =	swait.ge [sflag:s15], $0x50  }
0xeb: {  	[sflag:s15] =	ssyncset.done $0x0  }
0xec: {  	[sflag:s15] =	ssyncadd.s32 $0xFFFFFFB0  }
0xed: {  	[spmem:s2] =	stream.indirect.scatter.add.f32 [tilespmem:s8], [sflag:$0xB], $0x80, s25, s28, $0xb8;
	[tilespmem:$0x1B380] =	vst v63  }
0xee: {  	_ =	swait.ge [sflag:s16], $0x2800  }
0xef: {  	[sflag:s16] =	ssyncset.done $0x0  }
0xf0: {  	[sflag:s16] =	ssyncadd.s32 $0xFFFFD800  }
0xf1: {  	[bflag:$0x0] =	sbarrier.arrive $0xFFFF  }
0xf2: {  	s22 =	rddreg [dreg:$0x16]  }
0xf3: {  	s7 =	rddreg [dreg:$0x1a]  }
0xf4: {  	s21 =	rddreg [dreg:$0x1b]  }
0xf5: {  	[hbm:s22], [sflag:s7] =	dma.local [spmem:s21], $0x2700  }
0xf6: {  	s21 =	simm.s32 $0xD  }
0xf7: {  	_ =	swait.ge [sflag:s21], $0x2700  }
0xf8: {  	[sflag:s21] =	ssyncset.done $0x0;
	s6 =	rddreg [dreg:$0x17]  }
0xf9: {  	s22 =	rddreg [dreg:$0x1c];
	[sflag:s21] =	ssyncadd.s32 $0xFFFFD900  }
0xfa: {  	[hbm:s6], [sflag:s7] =	dma.local @!p0 [spmem:s22], $0x100  }
0xfb: {  	s6 =	simm.s32 @!p0 $0xD  }
0xfc: {  	_ =	swait.ge @!p0 [sflag:s6], $0x100  }
0xfd: {  	s20 =	sadd.s32 $0x1, s20;
	s30 =	rddreg [dreg:$0x18]  }
0xfe: {  	p1 =	sne.s32 s20, s30  }
.Ltmp1:
0xff: {  	_ = 	snop;
	(pc) =	sbr.rel @p1 .LBB2_1-.Ltmp1, $3  }
0x100: {  	_ =	sdelay $0x1  }
0x101: {  	[sflag:s6] =	ssyncset.done @!p0 $0x0  }
0x102: {  	[sflag:s6] =	ssyncadd.s32 @!p0 $0xFFFFFF00  }
0x103: {  	_ =	sfence.sel $0x180000  }
0x104: {  	[bflag:$0x0] =	sbarrier.arrive $0xFFFF  }
0x105: {  	_ =	strace $0x9000004D  }
0x106: {  	s0 =	stileid.u32;
	[bflag:$0x2] =	sbarrier.arrive $0xFFFF  }
0x107: {  	p0 =	sne.s32 s0, $0x0;
	s0 =	rddreg [dreg:$0x3]  }
0x108: {  	s0 =	sadd.s32 @!p0 $0x100000, s0  }
0x109: {  	[sflag:s0] =	ssyncadd.tile.s32 @!p0 $0x1;
	_ =	shalt  }
.Lfunc_end2:
_tile_overlayer_lowered:
.L_overlay_start_2:
0x10a: {  	(tag) =	ssettag $0x2  }
0x10b: {  	s0 =	rddreg [dreg:$0x0];
	s2 =	stileid.u32  }
0x10c: {  	s1 =	rddreg [dreg:$0x1];
	p0 =	sne.s32 s2, $0x0  }
0x10d: {  	s3 =	rddreg [dreg:$0x2];
	[bflag:$0x3] =	sbarrier.arrive $0xFFFF;
	s2 =	simm.s32 @!p0 $0x1C0D  }
0x10e: {  	[timem:s3], [sflag:s2] =	dma.local @!p0 [hbm:s0], s1  }
0x10f: {  	s0 =	simm.s32 @!p0 $0xD  }
0x110: {  	_ =	swait.ge @!p0 [sflag:s0], s1  }
0x111: {  	s1 =	ssub.s32 @!p0 $0x0, s1;
	[sflag:s0] =	ssyncset.done @!p0 $0x0  }
0x112: {  	[sflag:s0] =	ssyncadd.s32 @!p0 s1  }
0x113: {  	[bflag:$0x3] =	sbarrier.arrive $0xFFFF  }
0x114: {  	_ =	shalt  }

</sc_bundles>
